<compile_context>
chip_gen: v7x
topology: tpu7x:2x2x1
jax: 0.10.2.dev20260603
libtpu: 0.0.44.dev20260713+nightly
codegen_flags: <defaults>
</compile_context>

<pallas_src>
import jax
import jax.numpy as jnp
from jax import lax
from jax.experimental import pallas as pl
from jax.experimental.pallas import tpu as pltpu
from jax.experimental.pallas import tpu_sc as plsc

N = 10000
E = 320000
D = 128
DH = D // 2
NC = 2
NS = 16
CHUNK = 80
NCHUNK = 250
EPT = E // NS
NSLOT = 5
OFF = 2
NHALF = 2
HCHUNK = NCHUNK // NHALF
NWAVE = HCHUNK // NSLOT
BLK = 2000


def _sc_agg(h, cols, rows):
    mesh = plsc.VectorSubcoreMesh(core_axis_name="c", subcore_axis_name="s")

    def body(h_hbm, cols_hbm, rows_hbm, out_hbm,
             cols_v, rows_v, bufs, h_sh, agg_sh, *sems):
        gsems = sems[:NSLOT]
        ssems = sems[NSLOT:]
        c = lax.axis_index("c")
        s = lax.axis_index("s")
        off = s * 624

        def zrow(i, carry):
            for k in range(DH // 16):
                bufs[0, i, pl.ds(k * 16, 16)] = jnp.zeros((16,), jnp.float32)
            return carry
        lax.fori_loop(0, CHUNK, zrow, 0)

        def prologue_copies(launch):
            yes = (pltpu.async_copy if launch
                   else lambda s_, d_, m: pltpu.make_async_copy(s_, d_, m).wait())
            yes(h_hbm.at[pl.ds(off, 640), pl.ds(c * DH, DH)],
                h_sh.at[pl.ds(off, 640)], gsems[0])
            for k in range(8):
                yes(bufs.at[0], agg_sh.at[pl.ds(off + k * CHUNK, CHUNK)],
                    ssems[0])
        prologue_copies(True)
        prologue_copies(False)
        plsc.subcore_barrier()

        def gstart(slot, j):
            pltpu.async_copy(h_sh.at[cols_v.at[pl.ds(j * CHUNK, CHUNK)]],
                             bufs.at[slot], gsems[slot])

        def gwait(slot):
            pltpu.make_async_copy(h_sh.at[cols_v.at[pl.ds(0, CHUNK)]],
                                  bufs.at[slot], gsems[slot]).wait()

        def sstart(slot, j):
            pltpu.async_copy(bufs.at[slot],
                             agg_sh.at[rows_v.at[pl.ds(j * CHUNK, CHUNK)]],
                             ssems[slot], add=True)

        def swait(slot):
            pltpu.make_async_copy(bufs.at[slot],
                                  agg_sh.at[rows_v.at[pl.ds(0, CHUNK)]],
                                  ssems[slot]).wait()

        for half in range(NHALF):
            gbase = s * EPT + half * (HCHUNK * CHUNK)
            pltpu.sync_copy(cols_hbm.at[pl.ds(gbase, HCHUNK * CHUNK)], cols_v)
            pltpu.sync_copy(rows_hbm.at[pl.ds(gbase, HCHUNK * CHUNK)], rows_v)

            for k in range(NSLOT):
                gstart(k, k)

            def wave(w, carry):
                base = w * NSLOT

                def regather(kk):
                    swait(kk)

                    @pl.when(w + 1 < NWAVE)
                    def _():
                        gstart(kk, base + NSLOT + kk)

                for k in range(NSLOT):
                    gwait(k)
                    sstart(k, base + k)
                    if k >= OFF:
                        regather(k - OFF)
                for kk in range(NSLOT - OFF, NSLOT):
                    regather(kk)
                return carry
            lax.fori_loop(0, NWAVE, wave, 0)

        plsc.subcore_barrier()
        pltpu.sync_copy(agg_sh.at[pl.ds(off, 640)],
                        out_hbm.at[c].at[pl.ds(off, 640)])

    f = pl.kernel(
        body,
        out_type=jax.ShapeDtypeStruct((NC, N, DH), jnp.float32),
        mesh=mesh,
        scratch_types=[
            pltpu.VMEM((HCHUNK * CHUNK,), jnp.int32),
            pltpu.VMEM((HCHUNK * CHUNK,), jnp.int32),
            pltpu.VMEM((NSLOT, CHUNK, DH), jnp.float32),
            pltpu.VMEM_SHARED((N, DH), jnp.float32),
            pltpu.VMEM_SHARED((N, DH), jnp.float32),
        ] + [pltpu.SemaphoreType.DMA] * (2 * NSLOT),
        compiler_params=pltpu.CompilerParams(use_tc_tiling_on_sc=False),
    )
    return f(h, cols, rows)


def _tc_layer(p, h, W, S, b):
    def body(p_ref, h_ref, w_ref, s_ref, b_ref, o_ref):
        agg = jnp.concatenate([p_ref[0], p_ref[1]], axis=1)
        acc = jnp.dot(agg, w_ref[...], preferred_element_type=jnp.float32)
        acc += jnp.dot(h_ref[...], s_ref[...], preferred_element_type=jnp.float32)
        acc += b_ref[...]
        o_ref[...] = jnp.maximum(acc, 0.0)

    nb = N // BLK
    return pl.pallas_call(
        body,
        grid=(nb,),
        in_specs=[
            pl.BlockSpec((NC, BLK, DH), lambda i: (0, i, 0)),
            pl.BlockSpec((BLK, D), lambda i: (i, 0)),
            pl.BlockSpec((D, D), lambda i: (0, 0)),
            pl.BlockSpec((D, D), lambda i: (0, 0)),
            pl.BlockSpec((1, D), lambda i: (0, 0)),
        ],
        out_specs=pl.BlockSpec((BLK, D), lambda i: (i, 0)),
        out_shape=jax.ShapeDtypeStruct((N, D), jnp.float32),
    )(p, h, W, S, b.reshape(1, D))


def _tc_layer_final(p, h, W, S, b, Wf, bf):
    def body(p_ref, h_ref, w_ref, s_ref, b_ref, wf_ref, bf_ref, o_ref):
        agg = jnp.concatenate([p_ref[0], p_ref[1]], axis=1)
        acc = jnp.dot(agg, w_ref[...], preferred_element_type=jnp.float32)
        acc += jnp.dot(h_ref[...], s_ref[...], preferred_element_type=jnp.float32)
        acc += b_ref[...]
        t = jnp.maximum(acc, 0.0)
        out = lax.dot_general(t, wf_ref[...], (((1,), (1,)), ((), ())),
                              preferred_element_type=jnp.float32)
        o_ref[...] = out + bf_ref[...]

    nb = N // BLK
    return pl.pallas_call(
        body,
        grid=(nb,),
        in_specs=[
            pl.BlockSpec((NC, BLK, DH), lambda i: (0, i, 0)),
            pl.BlockSpec((BLK, D), lambda i: (i, 0)),
            pl.BlockSpec((D, D), lambda i: (0, 0)),
            pl.BlockSpec((D, D), lambda i: (0, 0)),
            pl.BlockSpec((1, D), lambda i: (0, 0)),
            pl.BlockSpec((D, D), lambda i: (0, 0)),
            pl.BlockSpec((1, D), lambda i: (0, 0)),
        ],
        out_specs=pl.BlockSpec((BLK, D), lambda i: (i, 0)),
        out_shape=jax.ShapeDtypeStruct((N, D), jnp.float32),
    )(p, h, W, S, b.reshape(1, D), Wf, bf.reshape(1, D))


def _tc_split_edges(edge_index):
    def body(e_ref, r_ref, c_ref):
        r_ref[...] = e_ref[0].reshape(r_ref.shape)
        c_ref[...] = e_ref[1].reshape(c_ref.shape)

    return pl.pallas_call(
        body,
        out_shape=(jax.ShapeDtypeStruct((E // 128, 128), jnp.int32),
                   jax.ShapeDtypeStruct((E // 128, 128), jnp.int32)),
    )(edge_index)


def kernel(x, edge_index, W1, S1, b1, W2, S2, b2, Wf, bf):
    rows_2d, cols_2d = _tc_split_edges(edge_index)
    rows_p = rows_2d.reshape(E)
    cols_p = cols_2d.reshape(E)

    p1 = _sc_agg(x, cols_p, rows_p)
    h1 = _tc_layer(p1, x, W1, S1, b1)
    p2 = _sc_agg(h1, cols_p, rows_p)
    return _tc_layer_final(p2, h1, W2, S2, b2, Wf, bf)

# --- scband reference (transcript-rebuilt; emitter-appended) ---
"""Pipeline reference for scband-gnn-51582557224974 (READ-ONLY COPY).

The authoritative reference and input builder live on the scoring server;
editing this copy changes nothing except your own understanding.
"""

import jax, jax.numpy as jnp
import numpy as np

N = 10000
E = 320000
D = 128


def _xavier(key, shape):
    fan_in, fan_out = shape[0], shape[1]
    std = float(np.sqrt(2.0 / (fan_in + fan_out)))
    return jax.random.normal(key, shape, dtype=jnp.float32) * std


def setup_inputs(seed: int = 0) -> dict:
    key = jax.random.key(seed)
    ks = jax.random.split(key, 12)
    x = jax.random.normal(ks[0], (N, D), dtype=jnp.float32)
    # edgelist used to build sparse COO adjacency A[row, col] = 1.0 (constructor constant)
    edge_index = jax.random.randint(ks[1], (2, E), 0, N, dtype=jnp.int32)
    # GCN layer 1 params: weight (xavier), self_loops (normal), bias (zeros)
    W1 = _xavier(ks[2], (D, D))
    S1 = jax.random.normal(ks[3], (D, D), dtype=jnp.float32)
    b1 = jnp.zeros((D,), dtype=jnp.float32)
    # GCN layer 2 params
    W2 = _xavier(ks[4], (D, D))
    S2 = jax.random.normal(ks[5], (D, D), dtype=jnp.float32)
    b2 = jnp.zeros((D,), dtype=jnp.float32)
    # Final torch.nn.Linear(D, D): weight [out, in], bias [out]
    bound = float(1.0 / np.sqrt(D))
    Wf = jax.random.uniform(ks[6], (D, D), dtype=jnp.float32, minval=-bound, maxval=bound)
    bf = jax.random.uniform(ks[7], (D,), dtype=jnp.float32, minval=-bound, maxval=bound)
    return {"x": x, "edge_index": edge_index, "W1": W1, "S1": S1, "b1": b1,
            "W2": W2, "S2": S2, "b2": b2, "Wf": Wf, "bf": bf}


def reference(x, edge_index, W1, S1, b1, W2, S2, b2, Wf, bf):
    rows = edge_index[0]
    cols = edge_index[1]

    def gcn(h, W, S, b):
        # torch.sparse.mm(A, h): (A @ h)[r] = sum over edges (r, c) of h[c]
        agg = jax.ops.segment_sum(jnp.take(h, cols, axis=0), rows, num_segments=N)
        return agg @ W + h @ S + b

    h = jax.nn.relu(gcn(x, W1, S1, b1))
    h = jax.nn.relu(gcn(h, W2, S2, b2))
    out = h @ Wf.T + bf
    return out

if __name__ == "__main__":
    import jax
    _d = setup_inputs()
    print(jax.jit(kernel)(*tuple(_d.values())))

</pallas_src>

<mosaic_0001>
#map = affine_map<(d0, d1) -> (0, 0)>
#map1 = affine_map<(d0, d1) -> (0)>
#map2 = affine_map<(d0, d1) -> (0, 0, 0)>
module attributes {stable_mosaic.version = 14 : i64} {
  func.func @body(%arg0: i32, %arg1: i32, %arg2: memref<10000x128xf32, #tpu.memory_space<hbm>>, %arg3: memref<320000xi32, #tpu.memory_space<hbm>>, %arg4: memref<320000xi32, #tpu.memory_space<hbm>>, %arg5: memref<2x10000x64xf32, #tpu.memory_space<hbm>>, %arg6: memref<10000xi32, #tpu.memory_space<vmem>>, %arg7: memref<10000xi32, #tpu.memory_space<vmem>>, %arg8: memref<5x80x64xf32, #tpu.memory_space<vmem>>, %arg9: memref<10000x64xf32, #tpu.memory_space<vmem_shared>>, %arg10: memref<10000x64xf32, #tpu.memory_space<vmem_shared>>, %arg11: memref<!tpu.dma_semaphore, #tpu.memory_space<semaphore_mem>>, %arg12: memref<!tpu.dma_semaphore, #tpu.memory_space<semaphore_mem>>, %arg13: memref<!tpu.dma_semaphore, #tpu.memory_space<semaphore_mem>>, %arg14: memref<!tpu.dma_semaphore, #tpu.memory_space<semaphore_mem>>, %arg15: memref<!tpu.dma_semaphore, #tpu.memory_space<semaphore_mem>>, %arg16: memref<!tpu.dma_semaphore, #tpu.memory_space<semaphore_mem>>, %arg17: memref<!tpu.dma_semaphore, #tpu.memory_space<semaphore_mem>>, %arg18: memref<!tpu.dma_semaphore, #tpu.memory_space<semaphore_mem>>, %arg19: memref<!tpu.dma_semaphore, #tpu.memory_space<semaphore_mem>>, %arg20: memref<!tpu.dma_semaphore, #tpu.memory_space<semaphore_mem>>) attributes {dimension_semantics = [#tpu.dimension_semantics<core_parallel>, #tpu.dimension_semantics<subcore_parallel>], iteration_bounds = array<i64: 2, 16>, scalar_prefetch = 0 : i64, scratch_operands = 15 : i64, tpu.core_type = #tpu.core_type<sc_vector_subcore>, window_params = [{transform_indices = #map}, {transform_indices = #map1}, {transform_indices = #map1}, {transform_indices = #map2}]} {
    %mul3A = arith.constant 624 : i32
    %mul3A_0 = arith.muli %arg1, %mul3A : i32
    %scan3A = arith.constant 0 : i32
    %scan3A_1 = arith.constant 0 : i32
    %scan3A_2 = arith.constant 80 : i32
    %scan3A_3 = arith.addi %scan3A_1, %scan3A_2 : i32
    %scan3A_4 = arith.constant 1 : i32
    scf.for %scan3A_374 = %scan3A_1 to %scan3A_3 step %scan3A_4  : i32 {
      %broadcast_in_dim3A = arith.constant 0.000000e+00 : f32
      %broadcast_in_dim3A_375 = vector.broadcast %broadcast_in_dim3A : f32 to vector<16xf32>
      %swap3A = arith.constant 0 : i32
      %swap3A_376 = arith.index_cast %swap3A : i32 to index
      %swap3A_377 = arith.index_cast %scan3A_374 : i32 to index
      %swap3A_378 = arith.constant 0 : index
      %swap3A_379 = tpu.vector_load %arg8[%swap3A_376, %swap3A_377, %swap3A_378] {strides = array<i32>} : memref<5x80x64xf32, #tpu.memory_space<vmem>>, vector<1x1x16xf32>,
      %swap3A_380 = vector.shape_cast %swap3A_379 : vector<1x1x16xf32> to vector<16xf32>
      %swap3A_381 = vector.shape_cast %broadcast_in_dim3A_375 : vector<16xf32> to vector<1x1x16xf32>
      tpu.vector_store %arg8[%swap3A_376, %swap3A_377, %swap3A_378], %swap3A_381 {strides = array<i32>} : memref<5x80x64xf32, #tpu.memory_space<vmem>>, vector<1x1x16xf32>,
      %broadcast_in_dim3A_382 = arith.constant 0.000000e+00 : f32
      %broadcast_in_dim3A_383 = vector.broadcast %broadcast_in_dim3A_382 : f32 to vector<16xf32>
      %swap3A_384 = arith.constant 0 : i32
      %swap3A_385 = arith.index_cast %swap3A_384 : i32 to index
      %swap3A_386 = arith.index_cast %scan3A_374 : i32 to index
      %swap3A_387 = arith.constant 16 : index
      %swap3A_388 = tpu.vector_load %arg8[%swap3A_385, %swap3A_386, %swap3A_387] {strides = array<i32>} : memref<5x80x64xf32, #tpu.memory_space<vmem>>, vector<1x1x16xf32>,
      %swap3A_389 = vector.shape_cast %swap3A_388 : vector<1x1x16xf32> to vector<16xf32>
      %swap3A_390 = vector.shape_cast %broadcast_in_dim3A_383 : vector<16xf32> to vector<1x1x16xf32>
      tpu.vector_store %arg8[%swap3A_385, %swap3A_386, %swap3A_387], %swap3A_390 {strides = array<i32>} : memref<5x80x64xf32, #tpu.memory_space<vmem>>, vector<1x1x16xf32>,
      %broadcast_in_dim3A_391 = arith.constant 0.000000e+00 : f32
      %broadcast_in_dim3A_392 = vector.broadcast %broadcast_in_dim3A_391 : f32 to vector<16xf32>
      %swap3A_393 = arith.constant 0 : i32
      %swap3A_394 = arith.index_cast %swap3A_393 : i32 to index
      %swap3A_395 = arith.index_cast %scan3A_374 : i32 to index
      %swap3A_396 = arith.constant 32 : index
      %swap3A_397 = tpu.vector_load %arg8[%swap3A_394, %swap3A_395, %swap3A_396] {strides = array<i32>} : memref<5x80x64xf32, #tpu.memory_space<vmem>>, vector<1x1x16xf32>,
      %swap3A_398 = vector.shape_cast %swap3A_397 : vector<1x1x16xf32> to vector<16xf32>
      %swap3A_399 = vector.shape_cast %broadcast_in_dim3A_392 : vector<16xf32> to vector<1x1x16xf32>
      tpu.vector_store %arg8[%swap3A_394, %swap3A_395, %swap3A_396], %swap3A_399 {strides = array<i32>} : memref<5x80x64xf32, #tpu.memory_space<vmem>>, vector<1x1x16xf32>,
      %broadcast_in_dim3A_400 = arith.constant 0.000000e+00 : f32
      %broadcast_in_dim3A_401 = vector.broadcast %broadcast_in_dim3A_400 : f32 to vector<16xf32>
      %swap3A_402 = arith.constant 0 : i32
      %swap3A_403 = arith.index_cast %swap3A_402 : i32 to index
      %swap3A_404 = arith.index_cast %scan3A_374 : i32 to index
      %swap3A_405 = arith.constant 48 : index
      %swap3A_406 = tpu.vector_load %arg8[%swap3A_403, %swap3A_404, %swap3A_405] {strides = array<i32>} : memref<5x80x64xf32, #tpu.memory_space<vmem>>, vector<1x1x16xf32>,
      %swap3A_407 = vector.shape_cast %swap3A_406 : vector<1x1x16xf32> to vector<16xf32>
      %swap3A_408 = vector.shape_cast %broadcast_in_dim3A_401 : vector<16xf32> to vector<1x1x16xf32>
      tpu.vector_store %arg8[%swap3A_403, %swap3A_404, %swap3A_405], %swap3A_408 {strides = array<i32>} : memref<5x80x64xf32, #tpu.memory_space<vmem>>, vector<1x1x16xf32>,
    }
    %scan3A_5 = arith.constant 80 : i32
    %mul3A_6 = arith.constant 64 : i32
    %mul3A_7 = arith.muli %arg0, %mul3A_6 : i32
    %dma_start3A = arith.constant 0 : i32
    %dma_start3A_8 = tpu.memref_slice %arg9[%mul3A_0, %dma_start3A] : memref<10000x64xf32, #tpu.memory_space<vmem_shared>> -> memref<640x64xf32, #tpu.memory_space<vmem_shared>>
    %dma_start3A_9 = tpu.memref_slice %arg2[%mul3A_0, %mul3A_7] : memref<10000x128xf32, #tpu.memory_space<hbm>> -> memref<640x64xf32, #tpu.memory_space<hbm>>
    tpu.enqueue_dma source(%dma_start3A_9 : memref<640x64xf32, #tpu.memory_space<hbm>>) target(%dma_start3A_8 : memref<640x64xf32, #tpu.memory_space<vmem_shared>>) target_semaphore(%arg11 : memref<!tpu.dma_semaphore, #tpu.memory_space<semaphore_mem>>)
    %add3A = arith.constant 0 : i32
    %add3A_10 = arith.addi %mul3A_0, %add3A : i32
    %dma_start3A_11 = arith.constant 0 : i32
    %dma_start3A_12 = arith.constant 0 : i32
    %dma_start3A_13 = arith.constant 0 : i32
    %dma_start3A_14 = tpu.memref_slice %arg8[%dma_start3A_11, %dma_start3A_12, %dma_start3A_13] : memref<5x80x64xf32, #tpu.memory_space<vmem>> -> memref<1x80x64xf32, #tpu.memory_space<vmem>>
    %dma_start3A_15 = tpu.memref_squeeze %dma_start3A_14 : memref<1x80x64xf32, #tpu.memory_space<vmem>> -> memref<80x64xf32, #tpu.memory_space<vmem>>
    %dma_start3A_16 = arith.constant 0 : i32
    %dma_start3A_17 = tpu.memref_slice %arg10[%add3A_10, %dma_start3A_16] : memref<10000x64xf32, #tpu.memory_space<vmem_shared>> -> memref<80x64xf32, #tpu.memory_space<vmem_shared>>
    %dma_start3A_18 = arith.constant 0 : i32
    %dma_start3A_19 = tpu.memref_slice %arg10[%add3A_10, %dma_start3A_18] : memref<10000x64xf32, #tpu.memory_space<vmem_shared>> -> memref<80x64xf32, #tpu.memory_space<vmem_shared>>
    %dma_start3A_20 = arith.constant 0 : i32
    %dma_start3A_21 = arith.constant 0 : i32
    %dma_start3A_22 = tpu.memref_slice %arg8[%dma_start3A_11, %dma_start3A_20, %dma_start3A_21] : memref<5x80x64xf32, #tpu.memory_space<vmem>> -> memref<1x80x64xf32, #tpu.memory_space<vmem>>
    %dma_start3A_23 = tpu.memref_squeeze %dma_start3A_22 : memref<1x80x64xf32, #tpu.memory_space<vmem>> -> memref<80x64xf32, #tpu.memory_space<vmem>>
    tpu.enqueue_dma source(%dma_start3A_23 : memref<80x64xf32, #tpu.memory_space<vmem>>) target(%dma_start3A_19 : memref<80x64xf32, #tpu.memory_space<vmem_shared>>) target_semaphore(%arg16 : memref<!tpu.dma_semaphore, #tpu.memory_space<semaphore_mem>>)
    %add3A_24 = arith.constant 80 : i32
    %add3A_25 = arith.addi %mul3A_0, %add3A_24 : i32
    %dma_start3A_26 = arith.constant 0 : i32
    %dma_start3A_27 = arith.constant 0 : i32
    %dma_start3A_28 = arith.constant 0 : i32
    %dma_start3A_29 = tpu.memref_slice %arg8[%dma_start3A_26, %dma_start3A_27, %dma_start3A_28] : memref<5x80x64xf32, #tpu.memory_space<vmem>> -> memref<1x80x64xf32, #tpu.memory_space<vmem>>
    %dma_start3A_30 = tpu.memref_squeeze %dma_start3A_29 : memref<1x80x64xf32, #tpu.memory_space<vmem>> -> memref<80x64xf32, #tpu.memory_space<vmem>>
    %dma_start3A_31 = arith.constant 0 : i32
    %dma_start3A_32 = tpu.memref_slice %arg10[%add3A_25, %dma_start3A_31] : memref<10000x64xf32, #tpu.memory_space<vmem_shared>> -> memref<80x64xf32, #tpu.memory_space<vmem_shared>>
    %dma_start3A_33 = arith.constant 0 : i32
    %dma_start3A_34 = tpu.memref_slice %arg10[%add3A_25, %dma_start3A_33] : memref<10000x64xf32, #tpu.memory_space<vmem_shared>> -> memref<80x64xf32, #tpu.memory_space<vmem_shared>>
    %dma_start3A_35 = arith.constant 0 : i32
    %dma_start3A_36 = arith.constant 0 : i32
    %dma_start3A_37 = tpu.memref_slice %arg8[%dma_start3A_26, %dma_start3A_35, %dma_start3A_36] : memref<5x80x64xf32, #tpu.memory_space<vmem>> -> memref<1x80x64xf32, #tpu.memory_space<vmem>>
    %dma_start3A_38 = tpu.memref_squeeze %dma_start3A_37 : memref<1x80x64xf32, #tpu.memory_space<vmem>> -> memref<80x64xf32, #tpu.memory_space<vmem>>
    tpu.enqueue_dma source(%dma_start3A_38 : memref<80x64xf32, #tpu.memory_space<vmem>>) target(%dma_start3A_34 : memref<80x64xf32, #tpu.memory_space<vmem_shared>>) target_semaphore(%arg16 : memref<!tpu.dma_semaphore, #tpu.memory_space<semaphore_mem>>)
    %add3A_39 = arith.constant 160 : i32
    %add3A_40 = arith.addi %mul3A_0, %add3A_39 : i32
    %dma_start3A_41 = arith.constant 0 : i32
    %dma_start3A_42 = arith.constant 0 : i32
    %dma_start3A_43 = arith.constant 0 : i32
    %dma_start3A_44 = tpu.memref_slice %arg8[%dma_start3A_41, %dma_start3A_42, %dma_start3A_43] : memref<5x80x64xf32, #tpu.memory_space<vmem>> -> memref<1x80x64xf32, #tpu.memory_space<vmem>>
    %dma_start3A_45 = tpu.memref_squeeze %dma_start3A_44 : memref<1x80x64xf32, #tpu.memory_space<vmem>> -> memref<80x64xf32, #tpu.memory_space<vmem>>
    %dma_start3A_46 = arith.constant 0 : i32
    %dma_start3A_47 = tpu.memref_slice %arg10[%add3A_40, %dma_start3A_46] : memref<10000x64xf32, #tpu.memory_space<vmem_shared>> -> memref<80x64xf32, #tpu.memory_space<vmem_shared>>
    %dma_start3A_48 = arith.constant 0 : i32
    %dma_start3A_49 = tpu.memref_slice %arg10[%add3A_40, %dma_start3A_48] : memref<10000x64xf32, #tpu.memory_space<vmem_shared>> -> memref<80x64xf32, #tpu.memory_space<vmem_shared>>
    %dma_start3A_50 = arith.constant 0 : i32
    %dma_start3A_51 = arith.constant 0 : i32
    %dma_start3A_52 = tpu.memref_slice %arg8[%dma_start3A_41, %dma_start3A_50, %dma_start3A_51] : memref<5x80x64xf32, #tpu.memory_space<vmem>> -> memref<1x80x64xf32, #tpu.memory_space<vmem>>
    %dma_start3A_53 = tpu.memref_squeeze %dma_start3A_52 : memref<1x80x64xf32, #tpu.memory_space<vmem>> -> memref<80x64xf32, #tpu.memory_space<vmem>>
    tpu.enqueue_dma source(%dma_start3A_53 : memref<80x64xf32, #tpu.memory_space<vmem>>) target(%dma_start3A_49 : memref<80x64xf32, #tpu.memory_space<vmem_shared>>) target_semaphore(%arg16 : memref<!tpu.dma_semaphore, #tpu.memory_space<semaphore_mem>>)
    %add3A_54 = arith.constant 240 : i32
    %add3A_55 = arith.addi %mul3A_0, %add3A_54 : i32
    %dma_start3A_56 = arith.constant 0 : i32
    %dma_start3A_57 = arith.constant 0 : i32
    %dma_start3A_58 = arith.constant 0 : i32
    %dma_start3A_59 = tpu.memref_slice %arg8[%dma_start3A_56, %dma_start3A_57, %dma_start3A_58] : memref<5x80x64xf32, #tpu.memory_space<vmem>> -> memref<1x80x64xf32, #tpu.memory_space<vmem>>
    %dma_start3A_60 = tpu.memref_squeeze %dma_start3A_59 : memref<1x80x64xf32, #tpu.memory_space<vmem>> -> memref<80x64xf32, #tpu.memory_space<vmem>>
    %dma_start3A_61 = arith.constant 0 : i32
    %dma_start3A_62 = tpu.memref_slice %arg10[%add3A_55, %dma_start3A_61] : memref<10000x64xf32, #tpu.memory_space<vmem_shared>> -> memref<80x64xf32, #tpu.memory_space<vmem_shared>>
    %dma_start3A_63 = arith.constant 0 : i32
    %dma_start3A_64 = tpu.memref_slice %arg10[%add3A_55, %dma_start3A_63] : memref<10000x64xf32, #tpu.memory_space<vmem_shared>> -> memref<80x64xf32, #tpu.memory_space<vmem_shared>>
    %dma_start3A_65 = arith.constant 0 : i32
    %dma_start3A_66 = arith.constant 0 : i32
    %dma_start3A_67 = tpu.memref_slice %arg8[%dma_start3A_56, %dma_start3A_65, %dma_start3A_66] : memref<5x80x64xf32, #tpu.memory_space<vmem>> -> memref<1x80x64xf32, #tpu.memory_space<vmem>>
    %dma_start3A_68 = tpu.memref_squeeze %dma_start3A_67 : memref<1x80x64xf32, #tpu.memory_space<vmem>> -> memref<80x64xf32, #tpu.memory_space<vmem>>
    tpu.enqueue_dma source(%dma_start3A_68 : memref<80x64xf32, #tpu.memory_space<vmem>>) target(%dma_start3A_64 : memref<80x64xf32, #tpu.memory_space<vmem_shared>>) target_semaphore(%arg16 : memref<!tpu.dma_semaphore, #tpu.memory_space<semaphore_mem>>)
    %add3A_69 = arith.constant 320 : i32
    %add3A_70 = arith.addi %mul3A_0, %add3A_69 : i32
    %dma_start3A_71 = arith.constant 0 : i32
    %dma_start3A_72 = arith.constant 0 : i32
    %dma_start3A_73 = arith.constant 0 : i32
    %dma_start3A_74 = tpu.memref_slice %arg8[%dma_start3A_71, %dma_start3A_72, %dma_start3A_73] : memref<5x80x64xf32, #tpu.memory_space<vmem>> -> memref<1x80x64xf32, #tpu.memory_space<vmem>>
    %dma_start3A_75 = tpu.memref_squeeze %dma_start3A_74 : memref<1x80x64xf32, #tpu.memory_space<vmem>> -> memref<80x64xf32, #tpu.memory_space<vmem>>
    %dma_start3A_76 = arith.constant 0 : i32
    %dma_start3A_77 = tpu.memref_slice %arg10[%add3A_70, %dma_start3A_76] : memref<10000x64xf32, #tpu.memory_space<vmem_shared>> -> memref<80x64xf32, #tpu.memory_space<vmem_shared>>
    %dma_start3A_78 = arith.constant 0 : i32
    %dma_start3A_79 = tpu.memref_slice %arg10[%add3A_70, %dma_start3A_78] : memref<10000x64xf32, #tpu.memory_space<vmem_shared>> -> memref<80x64xf32, #tpu.memory_space<vmem_shared>>
    %dma_start3A_80 = arith.constant 0 : i32
    %dma_start3A_81 = arith.constant 0 : i32
    %dma_start3A_82 = tpu.memref_slice %arg8[%dma_start3A_71, %dma_start3A_80, %dma_start3A_81] : memref<5x80x64xf32, #tpu.memory_space<vmem>> -> memref<1x80x64xf32, #tpu.memory_space<vmem>>
    %dma_start3A_83 = tpu.memref_squeeze %dma_start3A_82 : memref<1x80x64xf32, #tpu.memory_space<vmem>> -> memref<80x64xf32, #tpu.memory_space<vmem>>
    tpu.enqueue_dma source(%dma_start3A_83 : memref<80x64xf32, #tpu.memory_space<vmem>>) target(%dma_start3A_79 : memref<80x64xf32, #tpu.memory_space<vmem_shared>>) target_semaphore(%arg16 : memref<!tpu.dma_semaphore, #tpu.memory_space<semaphore_mem>>)
    %add3A_84 = arith.constant 400 : i32
    %add3A_85 = arith.addi %mul3A_0, %add3A_84 : i32
    %dma_start3A_86 = arith.constant 0 : i32
    %dma_start3A_87 = arith.constant 0 : i32
    %dma_start3A_88 = arith.constant 0 : i32
    %dma_start3A_89 = tpu.memref_slice %arg8[%dma_start3A_86, %dma_start3A_87, %dma_start3A_88] : memref<5x80x64xf32, #tpu.memory_space<vmem>> -> memref<1x80x64xf32, #tpu.memory_space<vmem>>
    %dma_start3A_90 = tpu.memref_squeeze %dma_start3A_89 : memref<1x80x64xf32, #tpu.memory_space<vmem>> -> memref<80x64xf32, #tpu.memory_space<vmem>>
    %dma_start3A_91 = arith.constant 0 : i32
    %dma_start3A_92 = tpu.memref_slice %arg10[%add3A_85, %dma_start3A_91] : memref<10000x64xf32, #tpu.memory_space<vmem_shared>> -> memref<80x64xf32, #tpu.memory_space<vmem_shared>>
    %dma_start3A_93 = arith.constant 0 : i32
    %dma_start3A_94 = tpu.memref_slice %arg10[%add3A_85, %dma_start3A_93] : memref<10000x64xf32, #tpu.memory_space<vmem_shared>> -> memref<80x64xf32, #tpu.memory_space<vmem_shared>>
    %dma_start3A_95 = arith.constant 0 : i32
    %dma_start3A_96 = arith.constant 0 : i32
    %dma_start3A_97 = tpu.memref_slice %arg8[%dma_start3A_86, %dma_start3A_95, %dma_start3A_96] : memref<5x80x64xf32, #tpu.memory_space<vmem>> -> memref<1x80x64xf32, #tpu.memory_space<vmem>>
    %dma_start3A_98 = tpu.memref_squeeze %dma_start3A_97 : memref<1x80x64xf32, #tpu.memory_space<vmem>> -> memref<80x64xf32, #tpu.memory_space<vmem>>
    tpu.enqueue_dma source(%dma_start3A_98 : memref<80x64xf32, #tpu.memory_space<vmem>>) target(%dma_start3A_94 : memref<80x64xf32, #tpu.memory_space<vmem_shared>>) target_semaphore(%arg16 : memref<!tpu.dma_semaphore, #tpu.memory_space<semaphore_mem>>)
    %add3A_99 = arith.constant 480 : i32
    %add3A_100 = arith.addi %mul3A_0, %add3A_99 : i32
    %dma_start3A_101 = arith.constant 0 : i32
    %dma_start3A_102 = arith.constant 0 : i32
    %dma_start3A_103 = arith.constant 0 : i32
    %dma_start3A_104 = tpu.memref_slice %arg8[%dma_start3A_101, %dma_start3A_102, %dma_start3A_103] : memref<5x80x64xf32, #tpu.memory_space<vmem>> -> memref<1x80x64xf32, #tpu.memory_space<vmem>>
    %dma_start3A_105 = tpu.memref_squeeze %dma_start3A_104 : memref<1x80x64xf32, #tpu.memory_space<vmem>> -> memref<80x64xf32, #tpu.memory_space<vmem>>
    %dma_start3A_106 = arith.constant 0 : i32
    %dma_start3A_107 = tpu.memref_slice %arg10[%add3A_100, %dma_start3A_106] : memref<10000x64xf32, #tpu.memory_space<vmem_shared>> -> memref<80x64xf32, #tpu.memory_space<vmem_shared>>
    %dma_start3A_108 = arith.constant 0 : i32
    %dma_start3A_109 = tpu.memref_slice %arg10[%add3A_100, %dma_start3A_108] : memref<10000x64xf32, #tpu.memory_space<vmem_shared>> -> memref<80x64xf32, #tpu.memory_space<vmem_shared>>
    %dma_start3A_110 = arith.constant 0 : i32
    %dma_start3A_111 = arith.constant 0 : i32
    %dma_start3A_112 = tpu.memref_slice %arg8[%dma_start3A_101, %dma_start3A_110, %dma_start3A_111] : memref<5x80x64xf32, #tpu.memory_space<vmem>> -> memref<1x80x64xf32, #tpu.memory_space<vmem>>
    %dma_start3A_113 = tpu.memref_squeeze %dma_start3A_112 : memref<1x80x64xf32, #tpu.memory_space<vmem>> -> memref<80x64xf32, #tpu.memory_space<vmem>>
    tpu.enqueue_dma source(%dma_start3A_113 : memref<80x64xf32, #tpu.memory_space<vmem>>) target(%dma_start3A_109 : memref<80x64xf32, #tpu.memory_space<vmem_shared>>) target_semaphore(%arg16 : memref<!tpu.dma_semaphore, #tpu.memory_space<semaphore_mem>>)
    %add3A_114 = arith.constant 560 : i32
    %add3A_115 = arith.addi %mul3A_0, %add3A_114 : i32
    %dma_start3A_116 = arith.constant 0 : i32
    %dma_start3A_117 = arith.constant 0 : i32
    %dma_start3A_118 = arith.constant 0 : i32
    %dma_start3A_119 = tpu.memref_slice %arg8[%dma_start3A_116, %dma_start3A_117, %dma_start3A_118] : memref<5x80x64xf32, #tpu.memory_space<vmem>> -> memref<1x80x64xf32, #tpu.memory_space<vmem>>
    %dma_start3A_120 = tpu.memref_squeeze %dma_start3A_119 : memref<1x80x64xf32, #tpu.memory_space<vmem>> -> memref<80x64xf32, #tpu.memory_space<vmem>>
    %dma_start3A_121 = arith.constant 0 : i32
    %dma_start3A_122 = tpu.memref_slice %arg10[%add3A_115, %dma_start3A_121] : memref<10000x64xf32, #tpu.memory_space<vmem_shared>> -> memref<80x64xf32, #tpu.memory_space<vmem_shared>>
    %dma_start3A_123 = arith.constant 0 : i32
    %dma_start3A_124 = tpu.memref_slice %arg10[%add3A_115, %dma_start3A_123] : memref<10000x64xf32, #tpu.memory_space<vmem_shared>> -> memref<80x64xf32, #tpu.memory_space<vmem_shared>>
    %dma_start3A_125 = arith.constant 0 : i32
    %dma_start3A_126 = arith.constant 0 : i32
    %dma_start3A_127 = tpu.memref_slice %arg8[%dma_start3A_116, %dma_start3A_125, %dma_start3A_126] : memref<5x80x64xf32, #tpu.memory_space<vmem>> -> memref<1x80x64xf32, #tpu.memory_space<vmem>>
    %dma_start3A_128 = tpu.memref_squeeze %dma_start3A_127 : memref<1x80x64xf32, #tpu.memory_space<vmem>> -> memref<80x64xf32, #tpu.memory_space<vmem>>
    tpu.enqueue_dma source(%dma_start3A_128 : memref<80x64xf32, #tpu.memory_space<vmem>>) target(%dma_start3A_124 : memref<80x64xf32, #tpu.memory_space<vmem_shared>>) target_semaphore(%arg16 : memref<!tpu.dma_semaphore, #tpu.memory_space<semaphore_mem>>)
    %mul3A_129 = arith.constant 64 : i32
    %mul3A_130 = arith.muli %arg0, %mul3A_129 : i32
    %dma_wait3A = arith.constant 0 : i32
    %dma_wait3A_131 = tpu.memref_slice %arg9[%mul3A_0, %dma_wait3A] : memref<10000x64xf32, #tpu.memory_space<vmem_shared>> -> memref<640x64xf32, #tpu.memory_space<vmem_shared>>
    %dma_wait3A_132 = tpu.memref_slice %arg2[%mul3A_0, %mul3A_130] : memref<10000x128xf32, #tpu.memory_space<hbm>> -> memref<640x64xf32, #tpu.memory_space<hbm>>
    tpu.wait_dma2 semaphore(%arg11 : memref<!tpu.dma_semaphore, #tpu.memory_space<semaphore_mem>>) src(%dma_wait3A_132 : memref<640x64xf32, #tpu.memory_space<hbm>>) dst(%dma_wait3A_131 : memref<640x64xf32, #tpu.memory_space<vmem_shared>>)
    %add3A_133 = arith.constant 0 : i32
    %add3A_134 = arith.addi %mul3A_0, %add3A_133 : i32
    %dma_wait3A_135 = arith.constant 0 : i32
    %dma_wait3A_136 = arith.constant 0 : i32
    %dma_wait3A_137 = arith.constant 0 : i32
    %dma_wait3A_138 = tpu.memref_slice %arg8[%dma_wait3A_135, %dma_wait3A_136, %dma_wait3A_137] : memref<5x80x64xf32, #tpu.memory_space<vmem>> -> memref<1x80x64xf32, #tpu.memory_space<vmem>>
    %dma_wait3A_139 = tpu.memref_squeeze %dma_wait3A_138 : memref<1x80x64xf32, #tpu.memory_space<vmem>> -> memref<80x64xf32, #tpu.memory_space<vmem>>
    %dma_wait3A_140 = arith.constant 0 : i32
    %dma_wait3A_141 = tpu.memref_slice %arg10[%add3A_134, %dma_wait3A_140] : memref<10000x64xf32, #tpu.memory_space<vmem_shared>> -> memref<80x64xf32, #tpu.memory_space<vmem_shared>>
    %dma_wait3A_142 = arith.constant 0 : i32
    %dma_wait3A_143 = tpu.memref_slice %arg10[%add3A_134, %dma_wait3A_142] : memref<10000x64xf32, #tpu.memory_space<vmem_shared>> -> memref<80x64xf32, #tpu.memory_space<vmem_shared>>
    %dma_wait3A_144 = arith.constant 0 : i32
    %dma_wait3A_145 = arith.constant 0 : i32
    %dma_wait3A_146 = tpu.memref_slice %arg8[%dma_wait3A_135, %dma_wait3A_144, %dma_wait3A_145] : memref<5x80x64xf32, #tpu.memory_space<vmem>> -> memref<1x80x64xf32, #tpu.memory_space<vmem>>
    %dma_wait3A_147 = tpu.memref_squeeze %dma_wait3A_146 : memref<1x80x64xf32, #tpu.memory_space<vmem>> -> memref<80x64xf32, #tpu.memory_space<vmem>>
    tpu.wait_dma2 semaphore(%arg16 : memref<!tpu.dma_semaphore, #tpu.memory_space<semaphore_mem>>) src(%dma_wait3A_147 : memref<80x64xf32, #tpu.memory_space<vmem>>) dst(%dma_wait3A_143 : memref<80x64xf32, #tpu.memory_space<vmem_shared>>)
    %add3A_148 = arith.constant 80 : i32
    %add3A_149 = arith.addi %mul3A_0, %add3A_148 : i32
    %dma_wait3A_150 = arith.constant 0 : i32
    %dma_wait3A_151 = arith.constant 0 : i32
    %dma_wait3A_152 = arith.constant 0 : i32
    %dma_wait3A_153 = tpu.memref_slice %arg8[%dma_wait3A_150, %dma_wait3A_151, %dma_wait3A_152] : memref<5x80x64xf32, #tpu.memory_space<vmem>> -> memref<1x80x64xf32, #tpu.memory_space<vmem>>
    %dma_wait3A_154 = tpu.memref_squeeze %dma_wait3A_153 : memref<1x80x64xf32, #tpu.memory_space<vmem>> -> memref<80x64xf32, #tpu.memory_space<vmem>>
    %dma_wait3A_155 = arith.constant 0 : i32
    %dma_wait3A_156 = tpu.memref_slice %arg10[%add3A_149, %dma_wait3A_155] : memref<10000x64xf32, #tpu.memory_space<vmem_shared>> -> memref<80x64xf32, #tpu.memory_space<vmem_shared>>
    %dma_wait3A_157 = arith.constant 0 : i32
    %dma_wait3A_158 = tpu.memref_slice %arg10[%add3A_149, %dma_wait3A_157] : memref<10000x64xf32, #tpu.memory_space<vmem_shared>> -> memref<80x64xf32, #tpu.memory_space<vmem_shared>>
    %dma_wait3A_159 = arith.constant 0 : i32
    %dma_wait3A_160 = arith.constant 0 : i32
    %dma_wait3A_161 = tpu.memref_slice %arg8[%dma_wait3A_150, %dma_wait3A_159, %dma_wait3A_160] : memref<5x80x64xf32, #tpu.memory_space<vmem>> -> memref<1x80x64xf32, #tpu.memory_space<vmem>>
    %dma_wait3A_162 = tpu.memref_squeeze %dma_wait3A_161 : memref<1x80x64xf32, #tpu.memory_space<vmem>> -> memref<80x64xf32, #tpu.memory_space<vmem>>
    tpu.wait_dma2 semaphore(%arg16 : memref<!tpu.dma_semaphore, #tpu.memory_space<semaphore_mem>>) src(%dma_wait3A_162 : memref<80x64xf32, #tpu.memory_space<vmem>>) dst(%dma_wait3A_158 : memref<80x64xf32, #tpu.memory_space<vmem_shared>>)
    %add3A_163 = arith.constant 160 : i32
    %add3A_164 = arith.addi %mul3A_0, %add3A_163 : i32
    %dma_wait3A_165 = arith.constant 0 : i32
    %dma_wait3A_166 = arith.constant 0 : i32
    %dma_wait3A_167 = arith.constant 0 : i32
    %dma_wait3A_168 = tpu.memref_slice %arg8[%dma_wait3A_165, %dma_wait3A_166, %dma_wait3A_167] : memref<5x80x64xf32, #tpu.memory_space<vmem>> -> memref<1x80x64xf32, #tpu.memory_space<vmem>>
    %dma_wait3A_169 = tpu.memref_squeeze %dma_wait3A_168 : memref<1x80x64xf32, #tpu.memory_space<vmem>> -> memref<80x64xf32, #tpu.memory_space<vmem>>
    %dma_wait3A_170 = arith.constant 0 : i32
    %dma_wait3A_171 = tpu.memref_slice %arg10[%add3A_164, %dma_wait3A_170] : memref<10000x64xf32, #tpu.memory_space<vmem_shared>> -> memref<80x64xf32, #tpu.memory_space<vmem_shared>>
    %dma_wait3A_172 = arith.constant 0 : i32
    %dma_wait3A_173 = tpu.memref_slice %arg10[%add3A_164, %dma_wait3A_172] : memref<10000x64xf32, #tpu.memory_space<vmem_shared>> -> memref<80x64xf32, #tpu.memory_space<vmem_shared>>
    %dma_wait3A_174 = arith.constant 0 : i32
    %dma_wait3A_175 = arith.constant 0 : i32
    %dma_wait3A_176 = tpu.memref_slice %arg8[%dma_wait3A_165, %dma_wait3A_174, %dma_wait3A_175] : memref<5x80x64xf32, #tpu.memory_space<vmem>> -> memref<1x80x64xf32, #tpu.memory_space<vmem>>
    %dma_wait3A_177 = tpu.memref_squeeze %dma_wait3A_176 : memref<1x80x64xf32, #tpu.memory_space<vmem>> -> memref<80x64xf32, #tpu.memory_space<vmem>>
    tpu.wait_dma2 semaphore(%arg16 : memref<!tpu.dma_semaphore, #tpu.memory_space<semaphore_mem>>) src(%dma_wait3A_177 : memref<80x64xf32, #tpu.memory_space<vmem>>) dst(%dma_wait3A_173 : memref<80x64xf32, #tpu.memory_space<vmem_shared>>)
    %add3A_178 = arith.constant 240 : i32
    %add3A_179 = arith.addi %mul3A_0, %add3A_178 : i32
    %dma_wait3A_180 = arith.constant 0 : i32
    %dma_wait3A_181 = arith.constant 0 : i32
    %dma_wait3A_182 = arith.constant 0 : i32
    %dma_wait3A_183 = tpu.memref_slice %arg8[%dma_wait3A_180, %dma_wait3A_181, %dma_wait3A_182] : memref<5x80x64xf32, #tpu.memory_space<vmem>> -> memref<1x80x64xf32, #tpu.memory_space<vmem>>
    %dma_wait3A_184 = tpu.memref_squeeze %dma_wait3A_183 : memref<1x80x64xf32, #tpu.memory_space<vmem>> -> memref<80x64xf32, #tpu.memory_space<vmem>>
    %dma_wait3A_185 = arith.constant 0 : i32
    %dma_wait3A_186 = tpu.memref_slice %arg10[%add3A_179, %dma_wait3A_185] : memref<10000x64xf32, #tpu.memory_space<vmem_shared>> -> memref<80x64xf32, #tpu.memory_space<vmem_shared>>
    %dma_wait3A_187 = arith.constant 0 : i32
    %dma_wait3A_188 = tpu.memref_slice %arg10[%add3A_179, %dma_wait3A_187] : memref<10000x64xf32, #tpu.memory_space<vmem_shared>> -> memref<80x64xf32, #tpu.memory_space<vmem_shared>>
    %dma_wait3A_189 = arith.constant 0 : i32
    %dma_wait3A_190 = arith.constant 0 : i32
    %dma_wait3A_191 = tpu.memref_slice %arg8[%dma_wait3A_180, %dma_wait3A_189, %dma_wait3A_190] : memref<5x80x64xf32, #tpu.memory_space<vmem>> -> memref<1x80x64xf32, #tpu.memory_space<vmem>>
    %dma_wait3A_192 = tpu.memref_squeeze %dma_wait3A_191 : memref<1x80x64xf32, #tpu.memory_space<vmem>> -> memref<80x64xf32, #tpu.memory_space<vmem>>
    tpu.wait_dma2 semaphore(%arg16 : memref<!tpu.dma_semaphore, #tpu.memory_space<semaphore_mem>>) src(%dma_wait3A_192 : memref<80x64xf32, #tpu.memory_space<vmem>>) dst(%dma_wait3A_188 : memref<80x64xf32, #tpu.memory_space<vmem_shared>>)
    %add3A_193 = arith.constant 320 : i32
    %add3A_194 = arith.addi %mul3A_0, %add3A_193 : i32
    %dma_wait3A_195 = arith.constant 0 : i32
    %dma_wait3A_196 = arith.constant 0 : i32
    %dma_wait3A_197 = arith.constant 0 : i32
    %dma_wait3A_198 = tpu.memref_slice %arg8[%dma_wait3A_195, %dma_wait3A_196, %dma_wait3A_197] : memref<5x80x64xf32, #tpu.memory_space<vmem>> -> memref<1x80x64xf32, #tpu.memory_space<vmem>>
    %dma_wait3A_199 = tpu.memref_squeeze %dma_wait3A_198 : memref<1x80x64xf32, #tpu.memory_space<vmem>> -> memref<80x64xf32, #tpu.memory_space<vmem>>
    %dma_wait3A_200 = arith.constant 0 : i32
    %dma_wait3A_201 = tpu.memref_slice %arg10[%add3A_194, %dma_wait3A_200] : memref<10000x64xf32, #tpu.memory_space<vmem_shared>> -> memref<80x64xf32, #tpu.memory_space<vmem_shared>>
    %dma_wait3A_202 = arith.constant 0 : i32
    %dma_wait3A_203 = tpu.memref_slice %arg10[%add3A_194, %dma_wait3A_202] : memref<10000x64xf32, #tpu.memory_space<vmem_shared>> -> memref<80x64xf32, #tpu.memory_space<vmem_shared>>
    %dma_wait3A_204 = arith.constant 0 : i32
    %dma_wait3A_205 = arith.constant 0 : i32
    %dma_wait3A_206 = tpu.memref_slice %arg8[%dma_wait3A_195, %dma_wait3A_204, %dma_wait3A_205] : memref<5x80x64xf32, #tpu.memory_space<vmem>> -> memref<1x80x64xf32, #tpu.memory_space<vmem>>
    %dma_wait3A_207 = tpu.memref_squeeze %dma_wait3A_206 : memref<1x80x64xf32, #tpu.memory_space<vmem>> -> memref<80x64xf32, #tpu.memory_space<vmem>>
    tpu.wait_dma2 semaphore(%arg16 : memref<!tpu.dma_semaphore, #tpu.memory_space<semaphore_mem>>) src(%dma_wait3A_207 : memref<80x64xf32, #tpu.memory_space<vmem>>) dst(%dma_wait3A_203 : memref<80x64xf32, #tpu.memory_space<vmem_shared>>)
    %add3A_208 = arith.constant 400 : i32
    %add3A_209 = arith.addi %mul3A_0, %add3A_208 : i32
    %dma_wait3A_210 = arith.constant 0 : i32
    %dma_wait3A_211 = arith.constant 0 : i32
    %dma_wait3A_212 = arith.constant 0 : i32
    %dma_wait3A_213 = tpu.memref_slice %arg8[%dma_wait3A_210, %dma_wait3A_211, %dma_wait3A_212] : memref<5x80x64xf32, #tpu.memory_space<vmem>> -> memref<1x80x64xf32, #tpu.memory_space<vmem>>
    %dma_wait3A_214 = tpu.memref_squeeze %dma_wait3A_213 : memref<1x80x64xf32, #tpu.memory_space<vmem>> -> memref<80x64xf32, #tpu.memory_space<vmem>>
    %dma_wait3A_215 = arith.constant 0 : i32
    %dma_wait3A_216 = tpu.memref_slice %arg10[%add3A_209, %dma_wait3A_215] : memref<10000x64xf32, #tpu.memory_space<vmem_shared>> -> memref<80x64xf32, #tpu.memory_space<vmem_shared>>
    %dma_wait3A_217 = arith.constant 0 : i32
    %dma_wait3A_218 = tpu.memref_slice %arg10[%add3A_209, %dma_wait3A_217] : memref<10000x64xf32, #tpu.memory_space<vmem_shared>> -> memref<80x64xf32, #tpu.memory_space<vmem_shared>>
    %dma_wait3A_219 = arith.constant 0 : i32
    %dma_wait3A_220 = arith.constant 0 : i32
    %dma_wait3A_221 = tpu.memref_slice %arg8[%dma_wait3A_210, %dma_wait3A_219, %dma_wait3A_220] : memref<5x80x64xf32, #tpu.memory_space<vmem>> -> memref<1x80x64xf32, #tpu.memory_space<vmem>>
    %dma_wait3A_222 = tpu.memref_squeeze %dma_wait3A_221 : memref<1x80x64xf32, #tpu.memory_space<vmem>> -> memref<80x64xf32, #tpu.memory_space<vmem>>
    tpu.wait_dma2 semaphore(%arg16 : memref<!tpu.dma_semaphore, #tpu.memory_space<semaphore_mem>>) src(%dma_wait3A_222 : memref<80x64xf32, #tpu.memory_space<vmem>>) dst(%dma_wait3A_218 : memref<80x64xf32, #tpu.memory_space<vmem_shared>>)
    %add3A_223 = arith.constant 480 : i32
    %add3A_224 = arith.addi %mul3A_0, %add3A_223 : i32
    %dma_wait3A_225 = arith.constant 0 : i32
    %dma_wait3A_226 = arith.constant 0 : i32
    %dma_wait3A_227 = arith.constant 0 : i32
    %dma_wait3A_228 = tpu.memref_slice %arg8[%dma_wait3A_225, %dma_wait3A_226, %dma_wait3A_227] : memref<5x80x64xf32, #tpu.memory_space<vmem>> -> memref<1x80x64xf32, #tpu.memory_space<vmem>>
    %dma_wait3A_229 = tpu.memref_squeeze %dma_wait3A_228 : memref<1x80x64xf32, #tpu.memory_space<vmem>> -> memref<80x64xf32, #tpu.memory_space<vmem>>
    %dma_wait3A_230 = arith.constant 0 : i32
    %dma_wait3A_231 = tpu.memref_slice %arg10[%add3A_224, %dma_wait3A_230] : memref<10000x64xf32, #tpu.memory_space<vmem_shared>> -> memref<80x64xf32, #tpu.memory_space<vmem_shared>>
    %dma_wait3A_232 = arith.constant 0 : i32
    %dma_wait3A_233 = tpu.memref_slice %arg10[%add3A_224, %dma_wait3A_232] : memref<10000x64xf32, #tpu.memory_space<vmem_shared>> -> memref<80x64xf32, #tpu.memory_space<vmem_shared>>
    %dma_wait3A_234 = arith.constant 0 : i32
    %dma_wait3A_235 = arith.constant 0 : i32
    %dma_wait3A_236 = tpu.memref_slice %arg8[%dma_wait3A_225, %dma_wait3A_234, %dma_wait3A_235] : memref<5x80x64xf32, #tpu.memory_space<vmem>> -> memref<1x80x64xf32, #tpu.memory_space<vmem>>
    %dma_wait3A_237 = tpu.memref_squeeze %dma_wait3A_236 : memref<1x80x64xf32, #tpu.memory_space<vmem>> -> memref<80x64xf32, #tpu.memory_space<vmem>>
    tpu.wait_dma2 semaphore(%arg16 : memref<!tpu.dma_semaphore, #tpu.memory_space<semaphore_mem>>) src(%dma_wait3A_237 : memref<80x64xf32, #tpu.memory_space<vmem>>) dst(%dma_wait3A_233 : memref<80x64xf32, #tpu.memory_space<vmem_shared>>)
    %add3A_238 = arith.constant 560 : i32
    %add3A_239 = arith.addi %mul3A_0, %add3A_238 : i32
    %dma_wait3A_240 = arith.constant 0 : i32
    %dma_wait3A_241 = arith.constant 0 : i32
    %dma_wait3A_242 = arith.constant 0 : i32
    %dma_wait3A_243 = tpu.memref_slice %arg8[%dma_wait3A_240, %dma_wait3A_241, %dma_wait3A_242] : memref<5x80x64xf32, #tpu.memory_space<vmem>> -> memref<1x80x64xf32, #tpu.memory_space<vmem>>
    %dma_wait3A_244 = tpu.memref_squeeze %dma_wait3A_243 : memref<1x80x64xf32, #tpu.memory_space<vmem>> -> memref<80x64xf32, #tpu.memory_space<vmem>>
    %dma_wait3A_245 = arith.constant 0 : i32
    %dma_wait3A_246 = tpu.memref_slice %arg10[%add3A_239, %dma_wait3A_245] : memref<10000x64xf32, #tpu.memory_space<vmem_shared>> -> memref<80x64xf32, #tpu.memory_space<vmem_shared>>
    %dma_wait3A_247 = arith.constant 0 : i32
    %dma_wait3A_248 = tpu.memref_slice %arg10[%add3A_239, %dma_wait3A_247] : memref<10000x64xf32, #tpu.memory_space<vmem_shared>> -> memref<80x64xf32, #tpu.memory_space<vmem_shared>>
    %dma_wait3A_249 = arith.constant 0 : i32
    %dma_wait3A_250 = arith.constant 0 : i32
    %dma_wait3A_251 = tpu.memref_slice %arg8[%dma_wait3A_240, %dma_wait3A_249, %dma_wait3A_250] : memref<5x80x64xf32, #tpu.memory_space<vmem>> -> memref<1x80x64xf32, #tpu.memory_space<vmem>>
    %dma_wait3A_252 = tpu.memref_squeeze %dma_wait3A_251 : memref<1x80x64xf32, #tpu.memory_space<vmem>> -> memref<80x64xf32, #tpu.memory_space<vmem>>
    tpu.wait_dma2 semaphore(%arg16 : memref<!tpu.dma_semaphore, #tpu.memory_space<semaphore_mem>>) src(%dma_wait3A_252 : memref<80x64xf32, #tpu.memory_space<vmem>>) dst(%dma_wait3A_248 : memref<80x64xf32, #tpu.memory_space<vmem_shared>>)
    %barrier3A = arith.constant 0 : index
    tpu.barrier barrier_id(%barrier3A)
    %mul3A_253 = arith.constant 20000 : i32
    %mul3A_254 = arith.muli %arg1, %mul3A_253 : i32
    %add3A_255 = arith.constant 0 : i32
    %add3A_256 = arith.addi %mul3A_254, %add3A_255 : i32
    "tpu.region"() ({
      %run_scoped3A = tpu.sem_alloc : memref<!tpu.dma_semaphore, #tpu.memory_space<semaphore_mem>>
      %dma_start3A_374 = tpu.memref_slice %arg3[%add3A_256] : memref<320000xi32, #tpu.memory_space<hbm>> -> memref<10000xi32, #tpu.memory_space<hbm>>
      %dma_start3A_375 = tpu.memref_slice %arg3[%add3A_256] : memref<320000xi32, #tpu.memory_space<hbm>> -> memref<10000xi32, #tpu.memory_space<hbm>>
      tpu.enqueue_dma source(%dma_start3A_375 : memref<10000xi32, #tpu.memory_space<hbm>>) target(%arg6 : memref<10000xi32, #tpu.memory_space<vmem>>) target_semaphore(%run_scoped3A : memref<!tpu.dma_semaphore, #tpu.memory_space<semaphore_mem>>)
      %dma_wait3A_376 = tpu.memref_slice %arg3[%add3A_256] : memref<320000xi32, #tpu.memory_space<hbm>> -> memref<10000xi32, #tpu.memory_space<hbm>>
      %dma_wait3A_377 = tpu.memref_slice %arg3[%add3A_256] : memref<320000xi32, #tpu.memory_space<hbm>> -> memref<10000xi32, #tpu.memory_space<hbm>>
      tpu.wait_dma2 semaphore(%run_scoped3A : memref<!tpu.dma_semaphore, #tpu.memory_space<semaphore_mem>>) src(%dma_wait3A_377 : memref<10000xi32, #tpu.memory_space<hbm>>) dst(%arg6 : memref<10000xi32, #tpu.memory_space<vmem>>)
      tpu.yield
    }) : () -> ()
    "tpu.region"() ({
      %run_scoped3A = tpu.sem_alloc : memref<!tpu.dma_semaphore, #tpu.memory_space<semaphore_mem>>
      %dma_start3A_374 = tpu.memref_slice %arg4[%add3A_256] : memref<320000xi32, #tpu.memory_space<hbm>> -> memref<10000xi32, #tpu.memory_space<hbm>>
      %dma_start3A_375 = tpu.memref_slice %arg4[%add3A_256] : memref<320000xi32, #tpu.memory_space<hbm>> -> memref<10000xi32, #tpu.memory_space<hbm>>
      tpu.enqueue_dma source(%dma_start3A_375 : memref<10000xi32, #tpu.memory_space<hbm>>) target(%arg7 : memref<10000xi32, #tpu.memory_space<vmem>>) target_semaphore(%run_scoped3A : memref<!tpu.dma_semaphore, #tpu.memory_space<semaphore_mem>>)
      %dma_wait3A_376 = tpu.memref_slice %arg4[%add3A_256] : memref<320000xi32, #tpu.memory_space<hbm>> -> memref<10000xi32, #tpu.memory_space<hbm>>
      %dma_wait3A_377 = tpu.memref_slice %arg4[%add3A_256] : memref<320000xi32, #tpu.memory_space<hbm>> -> memref<10000xi32, #tpu.memory_space<hbm>>
      tpu.wait_dma2 semaphore(%run_scoped3A : memref<!tpu.dma_semaphore, #tpu.memory_space<semaphore_mem>>) src(%dma_wait3A_377 : memref<10000xi32, #tpu.memory_space<hbm>>) dst(%arg7 : memref<10000xi32, #tpu.memory_space<vmem>>)
      tpu.yield
    }) : () -> ()
    %dma_start3A_257 = arith.constant 0 : i32
    %dma_start3A_258 = arith.constant 0 : i32
    %dma_start3A_259 = arith.constant 0 : i32
    %dma_start3A_260 = tpu.memref_slice %arg8[%dma_start3A_257, %dma_start3A_258, %dma_start3A_259] : memref<5x80x64xf32, #tpu.memory_space<vmem>> -> memref<1x80x64xf32, #tpu.memory_space<vmem>>
    %dma_start3A_261 = tpu.memref_squeeze %dma_start3A_260 : memref<1x80x64xf32, #tpu.memory_space<vmem>> -> memref<80x64xf32, #tpu.memory_space<vmem>>
    %dma_start3A_262 = arith.constant 0 : i32
    %dma_start3A_263 = tpu.memref_slice %arg6[%dma_start3A_262] : memref<10000xi32, #tpu.memory_space<vmem>> -> memref<80xi32, #tpu.memory_space<vmem>>
    %dma_start3A_264 = arith.constant 0 : i32
    %dma_start3A_265 = arith.constant 0 : i32
    %dma_start3A_266 = tpu.memref_slice %arg9[%dma_start3A_264, %dma_start3A_265] : memref<10000x64xf32, #tpu.memory_space<vmem_shared>> -> memref<10000x64xf32, #tpu.memory_space<vmem_shared>>
    tpu.enqueue_indirect_dma source(%dma_start3A_266 : memref<10000x64xf32, #tpu.memory_space<vmem_shared>>) target(%dma_start3A_261 : memref<80x64xf32, #tpu.memory_space<vmem>>) offsets(%dma_start3A_263 : memref<80xi32, #tpu.memory_space<vmem>>) semaphore(%arg11 : memref<!tpu.dma_semaphore, #tpu.memory_space<semaphore_mem>>)
    %dma_start3A_267 = arith.constant 1 : i32
    %dma_start3A_268 = arith.constant 0 : i32
    %dma_start3A_269 = arith.constant 0 : i32
    %dma_start3A_270 = tpu.memref_slice %arg8[%dma_start3A_267, %dma_start3A_268, %dma_start3A_269] : memref<5x80x64xf32, #tpu.memory_space<vmem>> -> memref<1x80x64xf32, #tpu.memory_space<vmem>>
    %dma_start3A_271 = tpu.memref_squeeze %dma_start3A_270 : memref<1x80x64xf32, #tpu.memory_space<vmem>> -> memref<80x64xf32, #tpu.memory_space<vmem>>
    %dma_start3A_272 = arith.constant 80 : i32
    %dma_start3A_273 = tpu.memref_slice %arg6[%dma_start3A_272] : memref<10000xi32, #tpu.memory_space<vmem>> -> memref<80xi32, #tpu.memory_space<vmem>>
    %dma_start3A_274 = arith.constant 0 : i32
    %dma_start3A_275 = arith.constant 0 : i32
    %dma_start3A_276 = tpu.memref_slice %arg9[%dma_start3A_274, %dma_start3A_275] : memref<10000x64xf32, #tpu.memory_space<vmem_shared>> -> memref<10000x64xf32, #tpu.memory_space<vmem_shared>>
    tpu.enqueue_indirect_dma source(%dma_start3A_276 : memref<10000x64xf32, #tpu.memory_space<vmem_shared>>) target(%dma_start3A_271 : memref<80x64xf32, #tpu.memory_space<vmem>>) offsets(%dma_start3A_273 : memref<80xi32, #tpu.memory_space<vmem>>) semaphore(%arg12 : memref<!tpu.dma_semaphore, #tpu.memory_space<semaphore_mem>>)
    %dma_start3A_277 = arith.constant 2 : i32
    %dma_start3A_278 = arith.constant 0 : i32
    %dma_start3A_279 = arith.constant 0 : i32
    %dma_start3A_280 = tpu.memref_slice %arg8[%dma_start3A_277, %dma_start3A_278, %dma_start3A_279] : memref<5x80x64xf32, #tpu.memory_space<vmem>> -> memref<1x80x64xf32, #tpu.memory_space<vmem>>
    %dma_start3A_281 = tpu.memref_squeeze %dma_start3A_280 : memref<1x80x64xf32, #tpu.memory_space<vmem>> -> memref<80x64xf32, #tpu.memory_space<vmem>>
    %dma_start3A_282 = arith.constant 160 : i32
    %dma_start3A_283 = tpu.memref_slice %arg6[%dma_start3A_282] : memref<10000xi32, #tpu.memory_space<vmem>> -> memref<80xi32, #tpu.memory_space<vmem>>
    %dma_start3A_284 = arith.constant 0 : i32
    %dma_start3A_285 = arith.constant 0 : i32
    %dma_start3A_286 = tpu.memref_slice %arg9[%dma_start3A_284, %dma_start3A_285] : memref<10000x64xf32, #tpu.memory_space<vmem_shared>> -> memref<10000x64xf32, #tpu.memory_space<vmem_shared>>
    tpu.enqueue_indirect_dma source(%dma_start3A_286 : memref<10000x64xf32, #tpu.memory_space<vmem_shared>>) target(%dma_start3A_281 : memref<80x64xf32, #tpu.memory_space<vmem>>) offsets(%dma_start3A_283 : memref<80xi32, #tpu.memory_space<vmem>>) semaphore(%arg13 : memref<!tpu.dma_semaphore, #tpu.memory_space<semaphore_mem>>)
    %dma_start3A_287 = arith.constant 3 : i32
    %dma_start3A_288 = arith.constant 0 : i32
    %dma_start3A_289 = arith.constant 0 : i32
    %dma_start3A_290 = tpu.memref_slice %arg8[%dma_start3A_287, %dma_start3A_288, %dma_start3A_289] : memref<5x80x64xf32, #tpu.memory_space<vmem>> -> memref<1x80x64xf32, #tpu.memory_space<vmem>>
    %dma_start3A_291 = tpu.memref_squeeze %dma_start3A_290 : memref<1x80x64xf32, #tpu.memory_space<vmem>> -> memref<80x64xf32, #tpu.memory_space<vmem>>
    %dma_start3A_292 = arith.constant 240 : i32
    %dma_start3A_293 = tpu.memref_slice %arg6[%dma_start3A_292] : memref<10000xi32, #tpu.memory_space<vmem>> -> memref<80xi32, #tpu.memory_space<vmem>>
    %dma_start3A_294 = arith.constant 0 : i32
    %dma_start3A_295 = arith.constant 0 : i32
    %dma_start3A_296 = tpu.memref_slice %arg9[%dma_start3A_294, %dma_start3A_295] : memref<10000x64xf32, #tpu.memory_space<vmem_shared>> -> memref<10000x64xf32, #tpu.memory_space<vmem_shared>>
    tpu.enqueue_indirect_dma source(%dma_start3A_296 : memref<10000x64xf32, #tpu.memory_space<vmem_shared>>) target(%dma_start3A_291 : memref<80x64xf32, #tpu.memory_space<vmem>>) offsets(%dma_start3A_293 : memref<80xi32, #tpu.memory_space<vmem>>) semaphore(%arg14 : memref<!tpu.dma_semaphore, #tpu.memory_space<semaphore_mem>>)
    %dma_start3A_297 = arith.constant 4 : i32
    %dma_start3A_298 = arith.constant 0 : i32
    %dma_start3A_299 = arith.constant 0 : i32
    %dma_start3A_300 = tpu.memref_slice %arg8[%dma_start3A_297, %dma_start3A_298, %dma_start3A_299] : memref<5x80x64xf32, #tpu.memory_space<vmem>> -> memref<1x80x64xf32, #tpu.memory_space<vmem>>
    %dma_start3A_301 = tpu.memref_squeeze %dma_start3A_300 : memref<1x80x64xf32, #tpu.memory_space<vmem>> -> memref<80x64xf32, #tpu.memory_space<vmem>>
    %dma_start3A_302 = arith.constant 320 : i32
    %dma_start3A_303 = tpu.memref_slice %arg6[%dma_start3A_302] : memref<10000xi32, #tpu.memory_space<vmem>> -> memref<80xi32, #tpu.memory_space<vmem>>
    %dma_start3A_304 = arith.constant 0 : i32
    %dma_start3A_305 = arith.constant 0 : i32
    %dma_start3A_306 = tpu.memref_slice %arg9[%dma_start3A_304, %dma_start3A_305] : memref<10000x64xf32, #tpu.memory_space<vmem_shared>> -> memref<10000x64xf32, #tpu.memory_space<vmem_shared>>
    tpu.enqueue_indirect_dma source(%dma_start3A_306 : memref<10000x64xf32, #tpu.memory_space<vmem_shared>>) target(%dma_start3A_301 : memref<80x64xf32, #tpu.memory_space<vmem>>) offsets(%dma_start3A_303 : memref<80xi32, #tpu.memory_space<vmem>>) semaphore(%arg15 : memref<!tpu.dma_semaphore, #tpu.memory_space<semaphore_mem>>)
    %scan3A_307 = arith.constant 0 : i32
    %scan3A_308 = arith.constant 0 : i32
    %scan3A_309 = arith.constant 25 : i32
    %scan3A_310 = arith.addi %scan3A_308, %scan3A_309 : i32
    %scan3A_311 = arith.constant 1 : i32
    scf.for %scan3A_374 = %scan3A_308 to %scan3A_310 step %scan3A_311  : i32 {
      %mul3A_375 = arith.constant 5 : i32
      %mul3A_376 = arith.muli %scan3A_374, %mul3A_375 : i32
      %dma_wait3A_377 = arith.constant 0 : i32
      %dma_wait3A_378 = arith.constant 0 : i32
      %dma_wait3A_379 = arith.constant 0 : i32
      %dma_wait3A_380 = tpu.memref_slice %arg8[%dma_wait3A_377, %dma_wait3A_378, %dma_wait3A_379] : memref<5x80x64xf32, #tpu.memory_space<vmem>> -> memref<1x80x64xf32, #tpu.memory_space<vmem>>
      %dma_wait3A_381 = tpu.memref_squeeze %dma_wait3A_380 : memref<1x80x64xf32, #tpu.memory_space<vmem>> -> memref<80x64xf32, #tpu.memory_space<vmem>>
      %dma_wait3A_382 = arith.constant 0 : i32
      %dma_wait3A_383 = tpu.memref_slice %arg6[%dma_wait3A_382] : memref<10000xi32, #tpu.memory_space<vmem>> -> memref<80xi32, #tpu.memory_space<vmem>>
      %dma_wait3A_384 = arith.constant 0 : i32
      %dma_wait3A_385 = arith.constant 0 : i32
      %dma_wait3A_386 = tpu.memref_slice %arg9[%dma_wait3A_384, %dma_wait3A_385] : memref<10000x64xf32, #tpu.memory_space<vmem_shared>> -> memref<10000x64xf32, #tpu.memory_space<vmem_shared>>
      tpu.wait_indirect_dma semaphore(%arg11 : memref<!tpu.dma_semaphore, #tpu.memory_space<semaphore_mem>>) src(%dma_wait3A_386 : memref<10000x64xf32, #tpu.memory_space<vmem_shared>>) dst(%dma_wait3A_381 : memref<80x64xf32, #tpu.memory_space<vmem>>)
      %add3A_387 = arith.constant 0 : i32
      %add3A_388 = arith.addi %mul3A_376, %add3A_387 : i32
      %mul3A_389 = arith.constant 80 : i32
      %mul3A_390 = arith.muli %add3A_388, %mul3A_389 : i32
      %dma_start3A_391 = arith.constant 0 : i32
      %dma_start3A_392 = arith.constant 0 : i32
      %dma_start3A_393 = arith.constant 0 : i32
      %dma_start3A_394 = tpu.memref_slice %arg8[%dma_start3A_391, %dma_start3A_392, %dma_start3A_393] : memref<5x80x64xf32, #tpu.memory_space<vmem>> -> memref<1x80x64xf32, #tpu.memory_space<vmem>>
      %dma_start3A_395 = tpu.memref_squeeze %dma_start3A_394 : memref<1x80x64xf32, #tpu.memory_space<vmem>> -> memref<80x64xf32, #tpu.memory_space<vmem>>
      %dma_start3A_396 = tpu.memref_slice %arg7[%mul3A_390] : memref<10000xi32, #tpu.memory_space<vmem>> -> memref<80xi32, #tpu.memory_space<vmem>>
      %dma_start3A_397 = arith.constant 0 : i32
      %dma_start3A_398 = arith.constant 0 : i32
      %dma_start3A_399 = tpu.memref_slice %arg10[%dma_start3A_397, %dma_start3A_398] : memref<10000x64xf32, #tpu.memory_space<vmem_shared>> -> memref<10000x64xf32, #tpu.memory_space<vmem_shared>>
      tpu.enqueue_indirect_dma source(%dma_start3A_395 : memref<80x64xf32, #tpu.memory_space<vmem>>) target(%dma_start3A_399 : memref<10000x64xf32, #tpu.memory_space<vmem_shared>>) offsets(%dma_start3A_396 : memref<80xi32, #tpu.memory_space<vmem>>) semaphore(%arg16 : memref<!tpu.dma_semaphore, #tpu.memory_space<semaphore_mem>>) {add = true}
      %dma_wait3A_400 = arith.constant 1 : i32
      %dma_wait3A_401 = arith.constant 0 : i32
      %dma_wait3A_402 = arith.constant 0 : i32
      %dma_wait3A_403 = tpu.memref_slice %arg8[%dma_wait3A_400, %dma_wait3A_401, %dma_wait3A_402] : memref<5x80x64xf32, #tpu.memory_space<vmem>> -> memref<1x80x64xf32, #tpu.memory_space<vmem>>
      %dma_wait3A_404 = tpu.memref_squeeze %dma_wait3A_403 : memref<1x80x64xf32, #tpu.memory_space<vmem>> -> memref<80x64xf32, #tpu.memory_space<vmem>>
      %dma_wait3A_405 = arith.constant 0 : i32
      %dma_wait3A_406 = tpu.memref_slice %arg6[%dma_wait3A_405] : memref<10000xi32, #tpu.memory_space<vmem>> -> memref<80xi32, #tpu.memory_space<vmem>>
      %dma_wait3A_407 = arith.constant 0 : i32
      %dma_wait3A_408 = arith.constant 0 : i32
      %dma_wait3A_409 = tpu.memref_slice %arg9[%dma_wait3A_407, %dma_wait3A_408] : memref<10000x64xf32, #tpu.memory_space<vmem_shared>> -> memref<10000x64xf32, #tpu.memory_space<vmem_shared>>
      tpu.wait_indirect_dma semaphore(%arg12 : memref<!tpu.dma_semaphore, #tpu.memory_space<semaphore_mem>>) src(%dma_wait3A_409 : memref<10000x64xf32, #tpu.memory_space<vmem_shared>>) dst(%dma_wait3A_404 : memref<80x64xf32, #tpu.memory_space<vmem>>)
      %add3A_410 = arith.constant 1 : i32
      %add3A_411 = arith.addi %mul3A_376, %add3A_410 : i32
      %mul3A_412 = arith.constant 80 : i32
      %mul3A_413 = arith.muli %add3A_411, %mul3A_412 : i32
      %dma_start3A_414 = arith.constant 1 : i32
      %dma_start3A_415 = arith.constant 0 : i32
      %dma_start3A_416 = arith.constant 0 : i32
      %dma_start3A_417 = tpu.memref_slice %arg8[%dma_start3A_414, %dma_start3A_415, %dma_start3A_416] : memref<5x80x64xf32, #tpu.memory_space<vmem>> -> memref<1x80x64xf32, #tpu.memory_space<vmem>>
      %dma_start3A_418 = tpu.memref_squeeze %dma_start3A_417 : memref<1x80x64xf32, #tpu.memory_space<vmem>> -> memref<80x64xf32, #tpu.memory_space<vmem>>
      %dma_start3A_419 = tpu.memref_slice %arg7[%mul3A_413] : memref<10000xi32, #tpu.memory_space<vmem>> -> memref<80xi32, #tpu.memory_space<vmem>>
      %dma_start3A_420 = arith.constant 0 : i32
      %dma_start3A_421 = arith.constant 0 : i32
      %dma_start3A_422 = tpu.memref_slice %arg10[%dma_start3A_420, %dma_start3A_421] : memref<10000x64xf32, #tpu.memory_space<vmem_shared>> -> memref<10000x64xf32, #tpu.memory_space<vmem_shared>>
      tpu.enqueue_indirect_dma source(%dma_start3A_418 : memref<80x64xf32, #tpu.memory_space<vmem>>) target(%dma_start3A_422 : memref<10000x64xf32, #tpu.memory_space<vmem_shared>>) offsets(%dma_start3A_419 : memref<80xi32, #tpu.memory_space<vmem>>) semaphore(%arg17 : memref<!tpu.dma_semaphore, #tpu.memory_space<semaphore_mem>>) {add = true}
      %dma_wait3A_423 = arith.constant 2 : i32
      %dma_wait3A_424 = arith.constant 0 : i32
      %dma_wait3A_425 = arith.constant 0 : i32
      %dma_wait3A_426 = tpu.memref_slice %arg8[%dma_wait3A_423, %dma_wait3A_424, %dma_wait3A_425] : memref<5x80x64xf32, #tpu.memory_space<vmem>> -> memref<1x80x64xf32, #tpu.memory_space<vmem>>
      %dma_wait3A_427 = tpu.memref_squeeze %dma_wait3A_426 : memref<1x80x64xf32, #tpu.memory_space<vmem>> -> memref<80x64xf32, #tpu.memory_space<vmem>>
      %dma_wait3A_428 = arith.constant 0 : i32
      %dma_wait3A_429 = tpu.memref_slice %arg6[%dma_wait3A_428] : memref<10000xi32, #tpu.memory_space<vmem>> -> memref<80xi32, #tpu.memory_space<vmem>>
      %dma_wait3A_430 = arith.constant 0 : i32
      %dma_wait3A_431 = arith.constant 0 : i32
      %dma_wait3A_432 = tpu.memref_slice %arg9[%dma_wait3A_430, %dma_wait3A_431] : memref<10000x64xf32, #tpu.memory_space<vmem_shared>> -> memref<10000x64xf32, #tpu.memory_space<vmem_shared>>
      tpu.wait_indirect_dma semaphore(%arg13 : memref<!tpu.dma_semaphore, #tpu.memory_space<semaphore_mem>>) src(%dma_wait3A_432 : memref<10000x64xf32, #tpu.memory_space<vmem_shared>>) dst(%dma_wait3A_427 : memref<80x64xf32, #tpu.memory_space<vmem>>)
      %add3A_433 = arith.constant 2 : i32
      %add3A_434 = arith.addi %mul3A_376, %add3A_433 : i32
      %mul3A_435 = arith.constant 80 : i32
      %mul3A_436 = arith.muli %add3A_434, %mul3A_435 : i32
      %dma_start3A_437 = arith.constant 2 : i32
      %dma_start3A_438 = arith.constant 0 : i32
      %dma_start3A_439 = arith.constant 0 : i32
      %dma_start3A_440 = tpu.memref_slice %arg8[%dma_start3A_437, %dma_start3A_438, %dma_start3A_439] : memref<5x80x64xf32, #tpu.memory_space<vmem>> -> memref<1x80x64xf32, #tpu.memory_space<vmem>>
      %dma_start3A_441 = tpu.memref_squeeze %dma_start3A_440 : memref<1x80x64xf32, #tpu.memory_space<vmem>> -> memref<80x64xf32, #tpu.memory_space<vmem>>
      %dma_start3A_442 = tpu.memref_slice %arg7[%mul3A_436] : memref<10000xi32, #tpu.memory_space<vmem>> -> memref<80xi32, #tpu.memory_space<vmem>>
      %dma_start3A_443 = arith.constant 0 : i32
      %dma_start3A_444 = arith.constant 0 : i32
      %dma_start3A_445 = tpu.memref_slice %arg10[%dma_start3A_443, %dma_start3A_444] : memref<10000x64xf32, #tpu.memory_space<vmem_shared>> -> memref<10000x64xf32, #tpu.memory_space<vmem_shared>>
      tpu.enqueue_indirect_dma source(%dma_start3A_441 : memref<80x64xf32, #tpu.memory_space<vmem>>) target(%dma_start3A_445 : memref<10000x64xf32, #tpu.memory_space<vmem_shared>>) offsets(%dma_start3A_442 : memref<80xi32, #tpu.memory_space<vmem>>) semaphore(%arg18 : memref<!tpu.dma_semaphore, #tpu.memory_space<semaphore_mem>>) {add = true}
      %dma_wait3A_446 = arith.constant 0 : i32
      %dma_wait3A_447 = arith.constant 0 : i32
      %dma_wait3A_448 = arith.constant 0 : i32
      %dma_wait3A_449 = tpu.memref_slice %arg8[%dma_wait3A_446, %dma_wait3A_447, %dma_wait3A_448] : memref<5x80x64xf32, #tpu.memory_space<vmem>> -> memref<1x80x64xf32, #tpu.memory_space<vmem>>
      %dma_wait3A_450 = tpu.memref_squeeze %dma_wait3A_449 : memref<1x80x64xf32, #tpu.memory_space<vmem>> -> memref<80x64xf32, #tpu.memory_space<vmem>>
      %dma_wait3A_451 = arith.constant 0 : i32
      %dma_wait3A_452 = tpu.memref_slice %arg7[%dma_wait3A_451] : memref<10000xi32, #tpu.memory_space<vmem>> -> memref<80xi32, #tpu.memory_space<vmem>>
      %dma_wait3A_453 = arith.constant 0 : i32
      %dma_wait3A_454 = arith.constant 0 : i32
      %dma_wait3A_455 = tpu.memref_slice %arg10[%dma_wait3A_453, %dma_wait3A_454] : memref<10000x64xf32, #tpu.memory_space<vmem_shared>> -> memref<10000x64xf32, #tpu.memory_space<vmem_shared>>
      tpu.wait_indirect_dma semaphore(%arg16 : memref<!tpu.dma_semaphore, #tpu.memory_space<semaphore_mem>>) src(%dma_wait3A_450 : memref<80x64xf32, #tpu.memory_space<vmem>>) dst(%dma_wait3A_455 : memref<10000x64xf32, #tpu.memory_space<vmem_shared>>)
      %add3A_456 = arith.constant 1 : i32
      %add3A_457 = arith.addi %scan3A_374, %add3A_456 : i32
      %lt3A = arith.constant 25 : i32
      %lt3A_458 = arith.cmpi slt, %add3A_457, %lt3A : i32
      %convert_element_type3A = arith.extui %lt3A_458 : i1 to i32
      %cond3A = arith.constant 0 : i32
      %cond3A_459 = arith.cmpi ne, %convert_element_type3A, %cond3A : i32
      scf.if %cond3A_459 {
        %add3A_574 = arith.constant 5 : i32
        %add3A_575 = arith.addi %mul3A_376, %add3A_574 : i32
        %add3A_576 = arith.constant 0 : i32
        %add3A_577 = arith.addi %add3A_575, %add3A_576 : i32
        %mul3A_578 = arith.constant 80 : i32
        %mul3A_579 = arith.muli %add3A_577, %mul3A_578 : i32
        %dma_start3A_580 = arith.constant 0 : i32
        %dma_start3A_581 = arith.constant 0 : i32
        %dma_start3A_582 = arith.constant 0 : i32
        %dma_start3A_583 = tpu.memref_slice %arg8[%dma_start3A_580, %dma_start3A_581, %dma_start3A_582] : memref<5x80x64xf32, #tpu.memory_space<vmem>> -> memref<1x80x64xf32, #tpu.memory_space<vmem>>
        %dma_start3A_584 = tpu.memref_squeeze %dma_start3A_583 : memref<1x80x64xf32, #tpu.memory_space<vmem>> -> memref<80x64xf32, #tpu.memory_space<vmem>>
        %dma_start3A_585 = tpu.memref_slice %arg6[%mul3A_579] : memref<10000xi32, #tpu.memory_space<vmem>> -> memref<80xi32, #tpu.memory_space<vmem>>
        %dma_start3A_586 = arith.constant 0 : i32
        %dma_start3A_587 = arith.constant 0 : i32
        %dma_start3A_588 = tpu.memref_slice %arg9[%dma_start3A_586, %dma_start3A_587] : memref<10000x64xf32, #tpu.memory_space<vmem_shared>> -> memref<10000x64xf32, #tpu.memory_space<vmem_shared>>
        tpu.enqueue_indirect_dma source(%dma_start3A_588 : memref<10000x64xf32, #tpu.memory_space<vmem_shared>>) target(%dma_start3A_584 : memref<80x64xf32, #tpu.memory_space<vmem>>) offsets(%dma_start3A_585 : memref<80xi32, #tpu.memory_space<vmem>>) semaphore(%arg11 : memref<!tpu.dma_semaphore, #tpu.memory_space<semaphore_mem>>)
      } else {
      }
      %dma_wait3A_460 = arith.constant 3 : i32
      %dma_wait3A_461 = arith.constant 0 : i32
      %dma_wait3A_462 = arith.constant 0 : i32
      %dma_wait3A_463 = tpu.memref_slice %arg8[%dma_wait3A_460, %dma_wait3A_461, %dma_wait3A_462] : memref<5x80x64xf32, #tpu.memory_space<vmem>> -> memref<1x80x64xf32, #tpu.memory_space<vmem>>
      %dma_wait3A_464 = tpu.memref_squeeze %dma_wait3A_463 : memref<1x80x64xf32, #tpu.memory_space<vmem>> -> memref<80x64xf32, #tpu.memory_space<vmem>>
      %dma_wait3A_465 = arith.constant 0 : i32
      %dma_wait3A_466 = tpu.memref_slice %arg6[%dma_wait3A_465] : memref<10000xi32, #tpu.memory_space<vmem>> -> memref<80xi32, #tpu.memory_space<vmem>>
      %dma_wait3A_467 = arith.constant 0 : i32
      %dma_wait3A_468 = arith.constant 0 : i32
      %dma_wait3A_469 = tpu.memref_slice %arg9[%dma_wait3A_467, %dma_wait3A_468] : memref<10000x64xf32, #tpu.memory_space<vmem_shared>> -> memref<10000x64xf32, #tpu.memory_space<vmem_shared>>
      tpu.wait_indirect_dma semaphore(%arg14 : memref<!tpu.dma_semaphore, #tpu.memory_space<semaphore_mem>>) src(%dma_wait3A_469 : memref<10000x64xf32, #tpu.memory_space<vmem_shared>>) dst(%dma_wait3A_464 : memref<80x64xf32, #tpu.memory_space<vmem>>)
      %add3A_470 = arith.constant 3 : i32
      %add3A_471 = arith.addi %mul3A_376, %add3A_470 : i32
      %mul3A_472 = arith.constant 80 : i32
      %mul3A_473 = arith.muli %add3A_471, %mul3A_472 : i32
      %dma_start3A_474 = arith.constant 3 : i32
      %dma_start3A_475 = arith.constant 0 : i32
      %dma_start3A_476 = arith.constant 0 : i32
      %dma_start3A_477 = tpu.memref_slice %arg8[%dma_start3A_474, %dma_start3A_475, %dma_start3A_476] : memref<5x80x64xf32, #tpu.memory_space<vmem>> -> memref<1x80x64xf32, #tpu.memory_space<vmem>>
      %dma_start3A_478 = tpu.memref_squeeze %dma_start3A_477 : memref<1x80x64xf32, #tpu.memory_space<vmem>> -> memref<80x64xf32, #tpu.memory_space<vmem>>
      %dma_start3A_479 = tpu.memref_slice %arg7[%mul3A_473] : memref<10000xi32, #tpu.memory_space<vmem>> -> memref<80xi32, #tpu.memory_space<vmem>>
      %dma_start3A_480 = arith.constant 0 : i32
      %dma_start3A_481 = arith.constant 0 : i32
      %dma_start3A_482 = tpu.memref_slice %arg10[%dma_start3A_480, %dma_start3A_481] : memref<10000x64xf32, #tpu.memory_space<vmem_shared>> -> memref<10000x64xf32, #tpu.memory_space<vmem_shared>>
      tpu.enqueue_indirect_dma source(%dma_start3A_478 : memref<80x64xf32, #tpu.memory_space<vmem>>) target(%dma_start3A_482 : memref<10000x64xf32, #tpu.memory_space<vmem_shared>>) offsets(%dma_start3A_479 : memref<80xi32, #tpu.memory_space<vmem>>) semaphore(%arg19 : memref<!tpu.dma_semaphore, #tpu.memory_space<semaphore_mem>>) {add = true}
      %dma_wait3A_483 = arith.constant 1 : i32
      %dma_wait3A_484 = arith.constant 0 : i32
      %dma_wait3A_485 = arith.constant 0 : i32
      %dma_wait3A_486 = tpu.memref_slice %arg8[%dma_wait3A_483, %dma_wait3A_484, %dma_wait3A_485] : memref<5x80x64xf32, #tpu.memory_space<vmem>> -> memref<1x80x64xf32, #tpu.memory_space<vmem>>
      %dma_wait3A_487 = tpu.memref_squeeze %dma_wait3A_486 : memref<1x80x64xf32, #tpu.memory_space<vmem>> -> memref<80x64xf32, #tpu.memory_space<vmem>>
      %dma_wait3A_488 = arith.constant 0 : i32
      %dma_wait3A_489 = tpu.memref_slice %arg7[%dma_wait3A_488] : memref<10000xi32, #tpu.memory_space<vmem>> -> memref<80xi32, #tpu.memory_space<vmem>>
      %dma_wait3A_490 = arith.constant 0 : i32
      %dma_wait3A_491 = arith.constant 0 : i32
      %dma_wait3A_492 = tpu.memref_slice %arg10[%dma_wait3A_490, %dma_wait3A_491] : memref<10000x64xf32, #tpu.memory_space<vmem_shared>> -> memref<10000x64xf32, #tpu.memory_space<vmem_shared>>
      tpu.wait_indirect_dma semaphore(%arg17 : memref<!tpu.dma_semaphore, #tpu.memory_space<semaphore_mem>>) src(%dma_wait3A_487 : memref<80x64xf32, #tpu.memory_space<vmem>>) dst(%dma_wait3A_492 : memref<10000x64xf32, #tpu.memory_space<vmem_shared>>)
      %add3A_493 = arith.constant 1 : i32
      %add3A_494 = arith.addi %scan3A_374, %add3A_493 : i32
      %lt3A_495 = arith.constant 25 : i32
      %lt3A_496 = arith.cmpi slt, %add3A_494, %lt3A_495 : i32
      %convert_element_type3A_497 = arith.extui %lt3A_496 : i1 to i32
      %cond3A_498 = arith.constant 0 : i32
      %cond3A_499 = arith.cmpi ne, %convert_element_type3A_497, %cond3A_498 : i32
      scf.if %cond3A_499 {
        %add3A_574 = arith.constant 5 : i32
        %add3A_575 = arith.addi %mul3A_376, %add3A_574 : i32
        %add3A_576 = arith.constant 1 : i32
        %add3A_577 = arith.addi %add3A_575, %add3A_576 : i32
        %mul3A_578 = arith.constant 80 : i32
        %mul3A_579 = arith.muli %add3A_577, %mul3A_578 : i32
        %dma_start3A_580 = arith.constant 1 : i32
        %dma_start3A_581 = arith.constant 0 : i32
        %dma_start3A_582 = arith.constant 0 : i32
        %dma_start3A_583 = tpu.memref_slice %arg8[%dma_start3A_580, %dma_start3A_581, %dma_start3A_582] : memref<5x80x64xf32, #tpu.memory_space<vmem>> -> memref<1x80x64xf32, #tpu.memory_space<vmem>>
        %dma_start3A_584 = tpu.memref_squeeze %dma_start3A_583 : memref<1x80x64xf32, #tpu.memory_space<vmem>> -> memref<80x64xf32, #tpu.memory_space<vmem>>
        %dma_start3A_585 = tpu.memref_slice %arg6[%mul3A_579] : memref<10000xi32, #tpu.memory_space<vmem>> -> memref<80xi32, #tpu.memory_space<vmem>>
        %dma_start3A_586 = arith.constant 0 : i32
        %dma_start3A_587 = arith.constant 0 : i32
        %dma_start3A_588 = tpu.memref_slice %arg9[%dma_start3A_586, %dma_start3A_587] : memref<10000x64xf32, #tpu.memory_space<vmem_shared>> -> memref<10000x64xf32, #tpu.memory_space<vmem_shared>>
        tpu.enqueue_indirect_dma source(%dma_start3A_588 : memref<10000x64xf32, #tpu.memory_space<vmem_shared>>) target(%dma_start3A_584 : memref<80x64xf32, #tpu.memory_space<vmem>>) offsets(%dma_start3A_585 : memref<80xi32, #tpu.memory_space<vmem>>) semaphore(%arg12 : memref<!tpu.dma_semaphore, #tpu.memory_space<semaphore_mem>>)
      } else {
      }
      %dma_wait3A_500 = arith.constant 4 : i32
      %dma_wait3A_501 = arith.constant 0 : i32
      %dma_wait3A_502 = arith.constant 0 : i32
      %dma_wait3A_503 = tpu.memref_slice %arg8[%dma_wait3A_500, %dma_wait3A_501, %dma_wait3A_502] : memref<5x80x64xf32, #tpu.memory_space<vmem>> -> memref<1x80x64xf32, #tpu.memory_space<vmem>>
      %dma_wait3A_504 = tpu.memref_squeeze %dma_wait3A_503 : memref<1x80x64xf32, #tpu.memory_space<vmem>> -> memref<80x64xf32, #tpu.memory_space<vmem>>
      %dma_wait3A_505 = arith.constant 0 : i32
      %dma_wait3A_506 = tpu.memref_slice %arg6[%dma_wait3A_505] : memref<10000xi32, #tpu.memory_space<vmem>> -> memref<80xi32, #tpu.memory_space<vmem>>
      %dma_wait3A_507 = arith.constant 0 : i32
      %dma_wait3A_508 = arith.constant 0 : i32
      %dma_wait3A_509 = tpu.memref_slice %arg9[%dma_wait3A_507, %dma_wait3A_508] : memref<10000x64xf32, #tpu.memory_space<vmem_shared>> -> memref<10000x64xf32, #tpu.memory_space<vmem_shared>>
      tpu.wait_indirect_dma semaphore(%arg15 : memref<!tpu.dma_semaphore, #tpu.memory_space<semaphore_mem>>) src(%dma_wait3A_509 : memref<10000x64xf32, #tpu.memory_space<vmem_shared>>) dst(%dma_wait3A_504 : memref<80x64xf32, #tpu.memory_space<vmem>>)
      %add3A_510 = arith.constant 4 : i32
      %add3A_511 = arith.addi %mul3A_376, %add3A_510 : i32
      %mul3A_512 = arith.constant 80 : i32
      %mul3A_513 = arith.muli %add3A_511, %mul3A_512 : i32
      %dma_start3A_514 = arith.constant 4 : i32
      %dma_start3A_515 = arith.constant 0 : i32
      %dma_start3A_516 = arith.constant 0 : i32
      %dma_start3A_517 = tpu.memref_slice %arg8[%dma_start3A_514, %dma_start3A_515, %dma_start3A_516] : memref<5x80x64xf32, #tpu.memory_space<vmem>> -> memref<1x80x64xf32, #tpu.memory_space<vmem>>
      %dma_start3A_518 = tpu.memref_squeeze %dma_start3A_517 : memref<1x80x64xf32, #tpu.memory_space<vmem>> -> memref<80x64xf32, #tpu.memory_space<vmem>>
      %dma_start3A_519 = tpu.memref_slice %arg7[%mul3A_513] : memref<10000xi32, #tpu.memory_space<vmem>> -> memref<80xi32, #tpu.memory_space<vmem>>
      %dma_start3A_520 = arith.constant 0 : i32
      %dma_start3A_521 = arith.constant 0 : i32
      %dma_start3A_522 = tpu.memref_slice %arg10[%dma_start3A_520, %dma_start3A_521] : memref<10000x64xf32, #tpu.memory_space<vmem_shared>> -> memref<10000x64xf32, #tpu.memory_space<vmem_shared>>
      tpu.enqueue_indirect_dma source(%dma_start3A_518 : memref<80x64xf32, #tpu.memory_space<vmem>>) target(%dma_start3A_522 : memref<10000x64xf32, #tpu.memory_space<vmem_shared>>) offsets(%dma_start3A_519 : memref<80xi32, #tpu.memory_space<vmem>>) semaphore(%arg20 : memref<!tpu.dma_semaphore, #tpu.memory_space<semaphore_mem>>) {add = true}
      %dma_wait3A_523 = arith.constant 2 : i32
      %dma_wait3A_524 = arith.constant 0 : i32
      %dma_wait3A_525 = arith.constant 0 : i32
      %dma_wait3A_526 = tpu.memref_slice %arg8[%dma_wait3A_523, %dma_wait3A_524, %dma_wait3A_525] : memref<5x80x64xf32, #tpu.memory_space<vmem>> -> memref<1x80x64xf32, #tpu.memory_space<vmem>>
      %dma_wait3A_527 = tpu.memref_squeeze %dma_wait3A_526 : memref<1x80x64xf32, #tpu.memory_space<vmem>> -> memref<80x64xf32, #tpu.memory_space<vmem>>
      %dma_wait3A_528 = arith.constant 0 : i32
      %dma_wait3A_529 = tpu.memref_slice %arg7[%dma_wait3A_528] : memref<10000xi32, #tpu.memory_space<vmem>> -> memref<80xi32, #tpu.memory_space<vmem>>
      %dma_wait3A_530 = arith.constant 0 : i32
      %dma_wait3A_531 = arith.constant 0 : i32
      %dma_wait3A_532 = tpu.memref_slice %arg10[%dma_wait3A_530, %dma_wait3A_531] : memref<10000x64xf32, #tpu.memory_space<vmem_shared>> -> memref<10000x64xf32, #tpu.memory_space<vmem_shared>>
      tpu.wait_indirect_dma semaphore(%arg18 : memref<!tpu.dma_semaphore, #tpu.memory_space<semaphore_mem>>) src(%dma_wait3A_527 : memref<80x64xf32, #tpu.memory_space<vmem>>) dst(%dma_wait3A_532 : memref<10000x64xf32, #tpu.memory_space<vmem_shared>>)
      %add3A_533 = arith.constant 1 : i32
      %add3A_534 = arith.addi %scan3A_374, %add3A_533 : i32
      %lt3A_535 = arith.constant 25 : i32
      %lt3A_536 = arith.cmpi slt, %add3A_534, %lt3A_535 : i32
      %convert_element_type3A_537 = arith.extui %lt3A_536 : i1 to i32
      %cond3A_538 = arith.constant 0 : i32
      %cond3A_539 = arith.cmpi ne, %convert_element_type3A_537, %cond3A_538 : i32
      scf.if %cond3A_539 {
        %add3A_574 = arith.constant 5 : i32
        %add3A_575 = arith.addi %mul3A_376, %add3A_574 : i32
        %add3A_576 = arith.constant 2 : i32
        %add3A_577 = arith.addi %add3A_575, %add3A_576 : i32
        %mul3A_578 = arith.constant 80 : i32
        %mul3A_579 = arith.muli %add3A_577, %mul3A_578 : i32
        %dma_start3A_580 = arith.constant 2 : i32
        %dma_start3A_581 = arith.constant 0 : i32
        %dma_start3A_582 = arith.constant 0 : i32
        %dma_start3A_583 = tpu.memref_slice %arg8[%dma_start3A_580, %dma_start3A_581, %dma_start3A_582] : memref<5x80x64xf32, #tpu.memory_space<vmem>> -> memref<1x80x64xf32, #tpu.memory_space<vmem>>
        %dma_start3A_584 = tpu.memref_squeeze %dma_start3A_583 : memref<1x80x64xf32, #tpu.memory_space<vmem>> -> memref<80x64xf32, #tpu.memory_space<vmem>>
        %dma_start3A_585 = tpu.memref_slice %arg6[%mul3A_579] : memref<10000xi32, #tpu.memory_space<vmem>> -> memref<80xi32, #tpu.memory_space<vmem>>
        %dma_start3A_586 = arith.constant 0 : i32
        %dma_start3A_587 = arith.constant 0 : i32
        %dma_start3A_588 = tpu.memref_slice %arg9[%dma_start3A_586, %dma_start3A_587] : memref<10000x64xf32, #tpu.memory_space<vmem_shared>> -> memref<10000x64xf32, #tpu.memory_space<vmem_shared>>
        tpu.enqueue_indirect_dma source(%dma_start3A_588 : memref<10000x64xf32, #tpu.memory_space<vmem_shared>>) target(%dma_start3A_584 : memref<80x64xf32, #tpu.memory_space<vmem>>) offsets(%dma_start3A_585 : memref<80xi32, #tpu.memory_space<vmem>>) semaphore(%arg13 : memref<!tpu.dma_semaphore, #tpu.memory_space<semaphore_mem>>)
      } else {
      }
      %dma_wait3A_540 = arith.constant 3 : i32
      %dma_wait3A_541 = arith.constant 0 : i32
      %dma_wait3A_542 = arith.constant 0 : i32
      %dma_wait3A_543 = tpu.memref_slice %arg8[%dma_wait3A_540, %dma_wait3A_541, %dma_wait3A_542] : memref<5x80x64xf32, #tpu.memory_space<vmem>> -> memref<1x80x64xf32, #tpu.memory_space<vmem>>
      %dma_wait3A_544 = tpu.memref_squeeze %dma_wait3A_543 : memref<1x80x64xf32, #tpu.memory_space<vmem>> -> memref<80x64xf32, #tpu.memory_space<vmem>>
      %dma_wait3A_545 = arith.constant 0 : i32
      %dma_wait3A_546 = tpu.memref_slice %arg7[%dma_wait3A_545] : memref<10000xi32, #tpu.memory_space<vmem>> -> memref<80xi32, #tpu.memory_space<vmem>>
      %dma_wait3A_547 = arith.constant 0 : i32
      %dma_wait3A_548 = arith.constant 0 : i32
      %dma_wait3A_549 = tpu.memref_slice %arg10[%dma_wait3A_547, %dma_wait3A_548] : memref<10000x64xf32, #tpu.memory_space<vmem_shared>> -> memref<10000x64xf32, #tpu.memory_space<vmem_shared>>
      tpu.wait_indirect_dma semaphore(%arg19 : memref<!tpu.dma_semaphore, #tpu.memory_space<semaphore_mem>>) src(%dma_wait3A_544 : memref<80x64xf32, #tpu.memory_space<vmem>>) dst(%dma_wait3A_549 : memref<10000x64xf32, #tpu.memory_space<vmem_shared>>)
      %add3A_550 = arith.constant 1 : i32
      %add3A_551 = arith.addi %scan3A_374, %add3A_550 : i32
      %lt3A_552 = arith.constant 25 : i32
      %lt3A_553 = arith.cmpi slt, %add3A_551, %lt3A_552 : i32
      %convert_element_type3A_554 = arith.extui %lt3A_553 : i1 to i32
      %cond3A_555 = arith.constant 0 : i32
      %cond3A_556 = arith.cmpi ne, %convert_element_type3A_554, %cond3A_555 : i32
      scf.if %cond3A_556 {
        %add3A_574 = arith.constant 5 : i32
        %add3A_575 = arith.addi %mul3A_376, %add3A_574 : i32
        %add3A_576 = arith.constant 3 : i32
        %add3A_577 = arith.addi %add3A_575, %add3A_576 : i32
        %mul3A_578 = arith.constant 80 : i32
        %mul3A_579 = arith.muli %add3A_577, %mul3A_578 : i32
        %dma_start3A_580 = arith.constant 3 : i32
        %dma_start3A_581 = arith.constant 0 : i32
        %dma_start3A_582 = arith.constant 0 : i32
        %dma_start3A_583 = tpu.memref_slice %arg8[%dma_start3A_580, %dma_start3A_581, %dma_start3A_582] : memref<5x80x64xf32, #tpu.memory_space<vmem>> -> memref<1x80x64xf32, #tpu.memory_space<vmem>>
        %dma_start3A_584 = tpu.memref_squeeze %dma_start3A_583 : memref<1x80x64xf32, #tpu.memory_space<vmem>> -> memref<80x64xf32, #tpu.memory_space<vmem>>
        %dma_start3A_585 = tpu.memref_slice %arg6[%mul3A_579] : memref<10000xi32, #tpu.memory_space<vmem>> -> memref<80xi32, #tpu.memory_space<vmem>>
        %dma_start3A_586 = arith.constant 0 : i32
        %dma_start3A_587 = arith.constant 0 : i32
        %dma_start3A_588 = tpu.memref_slice %arg9[%dma_start3A_586, %dma_start3A_587] : memref<10000x64xf32, #tpu.memory_space<vmem_shared>> -> memref<10000x64xf32, #tpu.memory_space<vmem_shared>>
        tpu.enqueue_indirect_dma source(%dma_start3A_588 : memref<10000x64xf32, #tpu.memory_space<vmem_shared>>) target(%dma_start3A_584 : memref<80x64xf32, #tpu.memory_space<vmem>>) offsets(%dma_start3A_585 : memref<80xi32, #tpu.memory_space<vmem>>) semaphore(%arg14 : memref<!tpu.dma_semaphore, #tpu.memory_space<semaphore_mem>>)
      } else {
      }
      %dma_wait3A_557 = arith.constant 4 : i32
      %dma_wait3A_558 = arith.constant 0 : i32
      %dma_wait3A_559 = arith.constant 0 : i32
      %dma_wait3A_560 = tpu.memref_slice %arg8[%dma_wait3A_557, %dma_wait3A_558, %dma_wait3A_559] : memref<5x80x64xf32, #tpu.memory_space<vmem>> -> memref<1x80x64xf32, #tpu.memory_space<vmem>>
      %dma_wait3A_561 = tpu.memref_squeeze %dma_wait3A_560 : memref<1x80x64xf32, #tpu.memory_space<vmem>> -> memref<80x64xf32, #tpu.memory_space<vmem>>
      %dma_wait3A_562 = arith.constant 0 : i32
      %dma_wait3A_563 = tpu.memref_slice %arg7[%dma_wait3A_562] : memref<10000xi32, #tpu.memory_space<vmem>> -> memref<80xi32, #tpu.memory_space<vmem>>
      %dma_wait3A_564 = arith.constant 0 : i32
      %dma_wait3A_565 = arith.constant 0 : i32
      %dma_wait3A_566 = tpu.memref_slice %arg10[%dma_wait3A_564, %dma_wait3A_565] : memref<10000x64xf32, #tpu.memory_space<vmem_shared>> -> memref<10000x64xf32, #tpu.memory_space<vmem_shared>>
      tpu.wait_indirect_dma semaphore(%arg20 : memref<!tpu.dma_semaphore, #tpu.memory_space<semaphore_mem>>) src(%dma_wait3A_561 : memref<80x64xf32, #tpu.memory_space<vmem>>) dst(%dma_wait3A_566 : memref<10000x64xf32, #tpu.memory_space<vmem_shared>>)
      %add3A_567 = arith.constant 1 : i32
      %add3A_568 = arith.addi %scan3A_374, %add3A_567 : i32
      %lt3A_569 = arith.constant 25 : i32
      %lt3A_570 = arith.cmpi slt, %add3A_568, %lt3A_569 : i32
      %convert_element_type3A_571 = arith.extui %lt3A_570 : i1 to i32
      %cond3A_572 = arith.constant 0 : i32
      %cond3A_573 = arith.cmpi ne, %convert_element_type3A_571, %cond3A_572 : i32
      scf.if %cond3A_573 {
        %add3A_574 = arith.constant 5 : i32
        %add3A_575 = arith.addi %mul3A_376, %add3A_574 : i32
        %add3A_576 = arith.constant 4 : i32
        %add3A_577 = arith.addi %add3A_575, %add3A_576 : i32
        %mul3A_578 = arith.constant 80 : i32
        %mul3A_579 = arith.muli %add3A_577, %mul3A_578 : i32
        %dma_start3A_580 = arith.constant 4 : i32
        %dma_start3A_581 = arith.constant 0 : i32
        %dma_start3A_582 = arith.constant 0 : i32
        %dma_start3A_583 = tpu.memref_slice %arg8[%dma_start3A_580, %dma_start3A_581, %dma_start3A_582] : memref<5x80x64xf32, #tpu.memory_space<vmem>> -> memref<1x80x64xf32, #tpu.memory_space<vmem>>
        %dma_start3A_584 = tpu.memref_squeeze %dma_start3A_583 : memref<1x80x64xf32, #tpu.memory_space<vmem>> -> memref<80x64xf32, #tpu.memory_space<vmem>>
        %dma_start3A_585 = tpu.memref_slice %arg6[%mul3A_579] : memref<10000xi32, #tpu.memory_space<vmem>> -> memref<80xi32, #tpu.memory_space<vmem>>
        %dma_start3A_586 = arith.constant 0 : i32
        %dma_start3A_587 = arith.constant 0 : i32
        %dma_start3A_588 = tpu.memref_slice %arg9[%dma_start3A_586, %dma_start3A_587] : memref<10000x64xf32, #tpu.memory_space<vmem_shared>> -> memref<10000x64xf32, #tpu.memory_space<vmem_shared>>
        tpu.enqueue_indirect_dma source(%dma_start3A_588 : memref<10000x64xf32, #tpu.memory_space<vmem_shared>>) target(%dma_start3A_584 : memref<80x64xf32, #tpu.memory_space<vmem>>) offsets(%dma_start3A_585 : memref<80xi32, #tpu.memory_space<vmem>>) semaphore(%arg15 : memref<!tpu.dma_semaphore, #tpu.memory_space<semaphore_mem>>)
      } else {
      }
    }
    %scan3A_312 = arith.constant 25 : i32
    %mul3A_313 = arith.constant 20000 : i32
    %mul3A_314 = arith.muli %arg1, %mul3A_313 : i32
    %add3A_315 = arith.constant 10000 : i32
    %add3A_316 = arith.addi %mul3A_314, %add3A_315 : i32
    "tpu.region"() ({
      %run_scoped3A = tpu.sem_alloc : memref<!tpu.dma_semaphore, #tpu.memory_space<semaphore_mem>>
      %dma_start3A_374 = tpu.memref_slice %arg3[%add3A_316] : memref<320000xi32, #tpu.memory_space<hbm>> -> memref<10000xi32, #tpu.memory_space<hbm>>
      %dma_start3A_375 = tpu.memref_slice %arg3[%add3A_316] : memref<320000xi32, #tpu.memory_space<hbm>> -> memref<10000xi32, #tpu.memory_space<hbm>>
      tpu.enqueue_dma source(%dma_start3A_375 : memref<10000xi32, #tpu.memory_space<hbm>>) target(%arg6 : memref<10000xi32, #tpu.memory_space<vmem>>) target_semaphore(%run_scoped3A : memref<!tpu.dma_semaphore, #tpu.memory_space<semaphore_mem>>)
      %dma_wait3A_376 = tpu.memref_slice %arg3[%add3A_316] : memref<320000xi32, #tpu.memory_space<hbm>> -> memref<10000xi32, #tpu.memory_space<hbm>>
      %dma_wait3A_377 = tpu.memref_slice %arg3[%add3A_316] : memref<320000xi32, #tpu.memory_space<hbm>> -> memref<10000xi32, #tpu.memory_space<hbm>>
      tpu.wait_dma2 semaphore(%run_scoped3A : memref<!tpu.dma_semaphore, #tpu.memory_space<semaphore_mem>>) src(%dma_wait3A_377 : memref<10000xi32, #tpu.memory_space<hbm>>) dst(%arg6 : memref<10000xi32, #tpu.memory_space<vmem>>)
      tpu.yield
    }) : () -> ()
    "tpu.region"() ({
      %run_scoped3A = tpu.sem_alloc : memref<!tpu.dma_semaphore, #tpu.memory_space<semaphore_mem>>
      %dma_start3A_374 = tpu.memref_slice %arg4[%add3A_316] : memref<320000xi32, #tpu.memory_space<hbm>> -> memref<10000xi32, #tpu.memory_space<hbm>>
      %dma_start3A_375 = tpu.memref_slice %arg4[%add3A_316] : memref<320000xi32, #tpu.memory_space<hbm>> -> memref<10000xi32, #tpu.memory_space<hbm>>
      tpu.enqueue_dma source(%dma_start3A_375 : memref<10000xi32, #tpu.memory_space<hbm>>) target(%arg7 : memref<10000xi32, #tpu.memory_space<vmem>>) target_semaphore(%run_scoped3A : memref<!tpu.dma_semaphore, #tpu.memory_space<semaphore_mem>>)
      %dma_wait3A_376 = tpu.memref_slice %arg4[%add3A_316] : memref<320000xi32, #tpu.memory_space<hbm>> -> memref<10000xi32, #tpu.memory_space<hbm>>
      %dma_wait3A_377 = tpu.memref_slice %arg4[%add3A_316] : memref<320000xi32, #tpu.memory_space<hbm>> -> memref<10000xi32, #tpu.memory_space<hbm>>
      tpu.wait_dma2 semaphore(%run_scoped3A : memref<!tpu.dma_semaphore, #tpu.memory_space<semaphore_mem>>) src(%dma_wait3A_377 : memref<10000xi32, #tpu.memory_space<hbm>>) dst(%arg7 : memref<10000xi32, #tpu.memory_space<vmem>>)
      tpu.yield
    }) : () -> ()
    %dma_start3A_317 = arith.constant 0 : i32
    %dma_start3A_318 = arith.constant 0 : i32
    %dma_start3A_319 = arith.constant 0 : i32
    %dma_start3A_320 = tpu.memref_slice %arg8[%dma_start3A_317, %dma_start3A_318, %dma_start3A_319] : memref<5x80x64xf32, #tpu.memory_space<vmem>> -> memref<1x80x64xf32, #tpu.memory_space<vmem>>
    %dma_start3A_321 = tpu.memref_squeeze %dma_start3A_320 : memref<1x80x64xf32, #tpu.memory_space<vmem>> -> memref<80x64xf32, #tpu.memory_space<vmem>>
    %dma_start3A_322 = arith.constant 0 : i32
    %dma_start3A_323 = tpu.memref_slice %arg6[%dma_start3A_322] : memref<10000xi32, #tpu.memory_space<vmem>> -> memref<80xi32, #tpu.memory_space<vmem>>
    %dma_start3A_324 = arith.constant 0 : i32
    %dma_start3A_325 = arith.constant 0 : i32
    %dma_start3A_326 = tpu.memref_slice %arg9[%dma_start3A_324, %dma_start3A_325] : memref<10000x64xf32, #tpu.memory_space<vmem_shared>> -> memref<10000x64xf32, #tpu.memory_space<vmem_shared>>
    tpu.enqueue_indirect_dma source(%dma_start3A_326 : memref<10000x64xf32, #tpu.memory_space<vmem_shared>>) target(%dma_start3A_321 : memref<80x64xf32, #tpu.memory_space<vmem>>) offsets(%dma_start3A_323 : memref<80xi32, #tpu.memory_space<vmem>>) semaphore(%arg11 : memref<!tpu.dma_semaphore, #tpu.memory_space<semaphore_mem>>)
    %dma_start3A_327 = arith.constant 1 : i32
    %dma_start3A_328 = arith.constant 0 : i32
    %dma_start3A_329 = arith.constant 0 : i32
    %dma_start3A_330 = tpu.memref_slice %arg8[%dma_start3A_327, %dma_start3A_328, %dma_start3A_329] : memref<5x80x64xf32, #tpu.memory_space<vmem>> -> memref<1x80x64xf32, #tpu.memory_space<vmem>>
    %dma_start3A_331 = tpu.memref_squeeze %dma_start3A_330 : memref<1x80x64xf32, #tpu.memory_space<vmem>> -> memref<80x64xf32, #tpu.memory_space<vmem>>
    %dma_start3A_332 = arith.constant 80 : i32
    %dma_start3A_333 = tpu.memref_slice %arg6[%dma_start3A_332] : memref<10000xi32, #tpu.memory_space<vmem>> -> memref<80xi32, #tpu.memory_space<vmem>>
    %dma_start3A_334 = arith.constant 0 : i32
    %dma_start3A_335 = arith.constant 0 : i32
    %dma_start3A_336 = tpu.memref_slice %arg9[%dma_start3A_334, %dma_start3A_335] : memref<10000x64xf32, #tpu.memory_space<vmem_shared>> -> memref<10000x64xf32, #tpu.memory_space<vmem_shared>>
    tpu.enqueue_indirect_dma source(%dma_start3A_336 : memref<10000x64xf32, #tpu.memory_space<vmem_shared>>) target(%dma_start3A_331 : memref<80x64xf32, #tpu.memory_space<vmem>>) offsets(%dma_start3A_333 : memref<80xi32, #tpu.memory_space<vmem>>) semaphore(%arg12 : memref<!tpu.dma_semaphore, #tpu.memory_space<semaphore_mem>>)
    %dma_start3A_337 = arith.constant 2 : i32
    %dma_start3A_338 = arith.constant 0 : i32
    %dma_start3A_339 = arith.constant 0 : i32
    %dma_start3A_340 = tpu.memref_slice %arg8[%dma_start3A_337, %dma_start3A_338, %dma_start3A_339] : memref<5x80x64xf32, #tpu.memory_space<vmem>> -> memref<1x80x64xf32, #tpu.memory_space<vmem>>
    %dma_start3A_341 = tpu.memref_squeeze %dma_start3A_340 : memref<1x80x64xf32, #tpu.memory_space<vmem>> -> memref<80x64xf32, #tpu.memory_space<vmem>>
    %dma_start3A_342 = arith.constant 160 : i32
    %dma_start3A_343 = tpu.memref_slice %arg6[%dma_start3A_342] : memref<10000xi32, #tpu.memory_space<vmem>> -> memref<80xi32, #tpu.memory_space<vmem>>
    %dma_start3A_344 = arith.constant 0 : i32
    %dma_start3A_345 = arith.constant 0 : i32
    %dma_start3A_346 = tpu.memref_slice %arg9[%dma_start3A_344, %dma_start3A_345] : memref<10000x64xf32, #tpu.memory_space<vmem_shared>> -> memref<10000x64xf32, #tpu.memory_space<vmem_shared>>
    tpu.enqueue_indirect_dma source(%dma_start3A_346 : memref<10000x64xf32, #tpu.memory_space<vmem_shared>>) target(%dma_start3A_341 : memref<80x64xf32, #tpu.memory_space<vmem>>) offsets(%dma_start3A_343 : memref<80xi32, #tpu.memory_space<vmem>>) semaphore(%arg13 : memref<!tpu.dma_semaphore, #tpu.memory_space<semaphore_mem>>)
    %dma_start3A_347 = arith.constant 3 : i32
    %dma_start3A_348 = arith.constant 0 : i32
    %dma_start3A_349 = arith.constant 0 : i32
    %dma_start3A_350 = tpu.memref_slice %arg8[%dma_start3A_347, %dma_start3A_348, %dma_start3A_349] : memref<5x80x64xf32, #tpu.memory_space<vmem>> -> memref<1x80x64xf32, #tpu.memory_space<vmem>>
    %dma_start3A_351 = tpu.memref_squeeze %dma_start3A_350 : memref<1x80x64xf32, #tpu.memory_space<vmem>> -> memref<80x64xf32, #tpu.memory_space<vmem>>
    %dma_start3A_352 = arith.constant 240 : i32
    %dma_start3A_353 = tpu.memref_slice %arg6[%dma_start3A_352] : memref<10000xi32, #tpu.memory_space<vmem>> -> memref<80xi32, #tpu.memory_space<vmem>>
    %dma_start3A_354 = arith.constant 0 : i32
    %dma_start3A_355 = arith.constant 0 : i32
    %dma_start3A_356 = tpu.memref_slice %arg9[%dma_start3A_354, %dma_start3A_355] : memref<10000x64xf32, #tpu.memory_space<vmem_shared>> -> memref<10000x64xf32, #tpu.memory_space<vmem_shared>>
    tpu.enqueue_indirect_dma source(%dma_start3A_356 : memref<10000x64xf32, #tpu.memory_space<vmem_shared>>) target(%dma_start3A_351 : memref<80x64xf32, #tpu.memory_space<vmem>>) offsets(%dma_start3A_353 : memref<80xi32, #tpu.memory_space<vmem>>) semaphore(%arg14 : memref<!tpu.dma_semaphore, #tpu.memory_space<semaphore_mem>>)
    %dma_start3A_357 = arith.constant 4 : i32
    %dma_start3A_358 = arith.constant 0 : i32
    %dma_start3A_359 = arith.constant 0 : i32
    %dma_start3A_360 = tpu.memref_slice %arg8[%dma_start3A_357, %dma_start3A_358, %dma_start3A_359] : memref<5x80x64xf32, #tpu.memory_space<vmem>> -> memref<1x80x64xf32, #tpu.memory_space<vmem>>
    %dma_start3A_361 = tpu.memref_squeeze %dma_start3A_360 : memref<1x80x64xf32, #tpu.memory_space<vmem>> -> memref<80x64xf32, #tpu.memory_space<vmem>>
    %dma_start3A_362 = arith.constant 320 : i32
    %dma_start3A_363 = tpu.memref_slice %arg6[%dma_start3A_362] : memref<10000xi32, #tpu.memory_space<vmem>> -> memref<80xi32, #tpu.memory_space<vmem>>
    %dma_start3A_364 = arith.constant 0 : i32
    %dma_start3A_365 = arith.constant 0 : i32
    %dma_start3A_366 = tpu.memref_slice %arg9[%dma_start3A_364, %dma_start3A_365] : memref<10000x64xf32, #tpu.memory_space<vmem_shared>> -> memref<10000x64xf32, #tpu.memory_space<vmem_shared>>
    tpu.enqueue_indirect_dma source(%dma_start3A_366 : memref<10000x64xf32, #tpu.memory_space<vmem_shared>>) target(%dma_start3A_361 : memref<80x64xf32, #tpu.memory_space<vmem>>) offsets(%dma_start3A_363 : memref<80xi32, #tpu.memory_space<vmem>>) semaphore(%arg15 : memref<!tpu.dma_semaphore, #tpu.memory_space<semaphore_mem>>)
    %scan3A_367 = arith.constant 0 : i32
    %scan3A_368 = arith.constant 0 : i32
    %scan3A_369 = arith.constant 25 : i32
    %scan3A_370 = arith.addi %scan3A_368, %scan3A_369 : i32
    %scan3A_371 = arith.constant 1 : i32
    scf.for %scan3A_374 = %scan3A_368 to %scan3A_370 step %scan3A_371  : i32 {
      %mul3A_375 = arith.constant 5 : i32
      %mul3A_376 = arith.muli %scan3A_374, %mul3A_375 : i32
      %dma_wait3A_377 = arith.constant 0 : i32
      %dma_wait3A_378 = arith.constant 0 : i32
      %dma_wait3A_379 = arith.constant 0 : i32
      %dma_wait3A_380 = tpu.memref_slice %arg8[%dma_wait3A_377, %dma_wait3A_378, %dma_wait3A_379] : memref<5x80x64xf32, #tpu.memory_space<vmem>> -> memref<1x80x64xf32, #tpu.memory_space<vmem>>
      %dma_wait3A_381 = tpu.memref_squeeze %dma_wait3A_380 : memref<1x80x64xf32, #tpu.memory_space<vmem>> -> memref<80x64xf32, #tpu.memory_space<vmem>>
      %dma_wait3A_382 = arith.constant 0 : i32
      %dma_wait3A_383 = tpu.memref_slice %arg6[%dma_wait3A_382] : memref<10000xi32, #tpu.memory_space<vmem>> -> memref<80xi32, #tpu.memory_space<vmem>>
      %dma_wait3A_384 = arith.constant 0 : i32
      %dma_wait3A_385 = arith.constant 0 : i32
      %dma_wait3A_386 = tpu.memref_slice %arg9[%dma_wait3A_384, %dma_wait3A_385] : memref<10000x64xf32, #tpu.memory_space<vmem_shared>> -> memref<10000x64xf32, #tpu.memory_space<vmem_shared>>
      tpu.wait_indirect_dma semaphore(%arg11 : memref<!tpu.dma_semaphore, #tpu.memory_space<semaphore_mem>>) src(%dma_wait3A_386 : memref<10000x64xf32, #tpu.memory_space<vmem_shared>>) dst(%dma_wait3A_381 : memref<80x64xf32, #tpu.memory_space<vmem>>)
      %add3A_387 = arith.constant 0 : i32
      %add3A_388 = arith.addi %mul3A_376, %add3A_387 : i32
      %mul3A_389 = arith.constant 80 : i32
      %mul3A_390 = arith.muli %add3A_388, %mul3A_389 : i32
      %dma_start3A_391 = arith.constant 0 : i32
      %dma_start3A_392 = arith.constant 0 : i32
      %dma_start3A_393 = arith.constant 0 : i32
      %dma_start3A_394 = tpu.memref_slice %arg8[%dma_start3A_391, %dma_start3A_392, %dma_start3A_393] : memref<5x80x64xf32, #tpu.memory_space<vmem>> -> memref<1x80x64xf32, #tpu.memory_space<vmem>>
      %dma_start3A_395 = tpu.memref_squeeze %dma_start3A_394 : memref<1x80x64xf32, #tpu.memory_space<vmem>> -> memref<80x64xf32, #tpu.memory_space<vmem>>
      %dma_start3A_396 = tpu.memref_slice %arg7[%mul3A_390] : memref<10000xi32, #tpu.memory_space<vmem>> -> memref<80xi32, #tpu.memory_space<vmem>>
      %dma_start3A_397 = arith.constant 0 : i32
      %dma_start3A_398 = arith.constant 0 : i32
      %dma_start3A_399 = tpu.memref_slice %arg10[%dma_start3A_397, %dma_start3A_398] : memref<10000x64xf32, #tpu.memory_space<vmem_shared>> -> memref<10000x64xf32, #tpu.memory_space<vmem_shared>>
      tpu.enqueue_indirect_dma source(%dma_start3A_395 : memref<80x64xf32, #tpu.memory_space<vmem>>) target(%dma_start3A_399 : memref<10000x64xf32, #tpu.memory_space<vmem_shared>>) offsets(%dma_start3A_396 : memref<80xi32, #tpu.memory_space<vmem>>) semaphore(%arg16 : memref<!tpu.dma_semaphore, #tpu.memory_space<semaphore_mem>>) {add = true}
      %dma_wait3A_400 = arith.constant 1 : i32
      %dma_wait3A_401 = arith.constant 0 : i32
      %dma_wait3A_402 = arith.constant 0 : i32
      %dma_wait3A_403 = tpu.memref_slice %arg8[%dma_wait3A_400, %dma_wait3A_401, %dma_wait3A_402] : memref<5x80x64xf32, #tpu.memory_space<vmem>> -> memref<1x80x64xf32, #tpu.memory_space<vmem>>
      %dma_wait3A_404 = tpu.memref_squeeze %dma_wait3A_403 : memref<1x80x64xf32, #tpu.memory_space<vmem>> -> memref<80x64xf32, #tpu.memory_space<vmem>>
      %dma_wait3A_405 = arith.constant 0 : i32
      %dma_wait3A_406 = tpu.memref_slice %arg6[%dma_wait3A_405] : memref<10000xi32, #tpu.memory_space<vmem>> -> memref<80xi32, #tpu.memory_space<vmem>>
      %dma_wait3A_407 = arith.constant 0 : i32
      %dma_wait3A_408 = arith.constant 0 : i32
      %dma_wait3A_409 = tpu.memref_slice %arg9[%dma_wait3A_407, %dma_wait3A_408] : memref<10000x64xf32, #tpu.memory_space<vmem_shared>> -> memref<10000x64xf32, #tpu.memory_space<vmem_shared>>
      tpu.wait_indirect_dma semaphore(%arg12 : memref<!tpu.dma_semaphore, #tpu.memory_space<semaphore_mem>>) src(%dma_wait3A_409 : memref<10000x64xf32, #tpu.memory_space<vmem_shared>>) dst(%dma_wait3A_404 : memref<80x64xf32, #tpu.memory_space<vmem>>)
      %add3A_410 = arith.constant 1 : i32
      %add3A_411 = arith.addi %mul3A_376, %add3A_410 : i32
      %mul3A_412 = arith.constant 80 : i32
      %mul3A_413 = arith.muli %add3A_411, %mul3A_412 : i32
      %dma_start3A_414 = arith.constant 1 : i32
      %dma_start3A_415 = arith.constant 0 : i32
      %dma_start3A_416 = arith.constant 0 : i32
      %dma_start3A_417 = tpu.memref_slice %arg8[%dma_start3A_414, %dma_start3A_415, %dma_start3A_416] : memref<5x80x64xf32, #tpu.memory_space<vmem>> -> memref<1x80x64xf32, #tpu.memory_space<vmem>>
      %dma_start3A_418 = tpu.memref_squeeze %dma_start3A_417 : memref<1x80x64xf32, #tpu.memory_space<vmem>> -> memref<80x64xf32, #tpu.memory_space<vmem>>
      %dma_start3A_419 = tpu.memref_slice %arg7[%mul3A_413] : memref<10000xi32, #tpu.memory_space<vmem>> -> memref<80xi32, #tpu.memory_space<vmem>>
      %dma_start3A_420 = arith.constant 0 : i32
      %dma_start3A_421 = arith.constant 0 : i32
      %dma_start3A_422 = tpu.memref_slice %arg10[%dma_start3A_420, %dma_start3A_421] : memref<10000x64xf32, #tpu.memory_space<vmem_shared>> -> memref<10000x64xf32, #tpu.memory_space<vmem_shared>>
      tpu.enqueue_indirect_dma source(%dma_start3A_418 : memref<80x64xf32, #tpu.memory_space<vmem>>) target(%dma_start3A_422 : memref<10000x64xf32, #tpu.memory_space<vmem_shared>>) offsets(%dma_start3A_419 : memref<80xi32, #tpu.memory_space<vmem>>) semaphore(%arg17 : memref<!tpu.dma_semaphore, #tpu.memory_space<semaphore_mem>>) {add = true}
      %dma_wait3A_423 = arith.constant 2 : i32
      %dma_wait3A_424 = arith.constant 0 : i32
      %dma_wait3A_425 = arith.constant 0 : i32
      %dma_wait3A_426 = tpu.memref_slice %arg8[%dma_wait3A_423, %dma_wait3A_424, %dma_wait3A_425] : memref<5x80x64xf32, #tpu.memory_space<vmem>> -> memref<1x80x64xf32, #tpu.memory_space<vmem>>
      %dma_wait3A_427 = tpu.memref_squeeze %dma_wait3A_426 : memref<1x80x64xf32, #tpu.memory_space<vmem>> -> memref<80x64xf32, #tpu.memory_space<vmem>>
      %dma_wait3A_428 = arith.constant 0 : i32
      %dma_wait3A_429 = tpu.memref_slice %arg6[%dma_wait3A_428] : memref<10000xi32, #tpu.memory_space<vmem>> -> memref<80xi32, #tpu.memory_space<vmem>>
      %dma_wait3A_430 = arith.constant 0 : i32
      %dma_wait3A_431 = arith.constant 0 : i32
      %dma_wait3A_432 = tpu.memref_slice %arg9[%dma_wait3A_430, %dma_wait3A_431] : memref<10000x64xf32, #tpu.memory_space<vmem_shared>> -> memref<10000x64xf32, #tpu.memory_space<vmem_shared>>
      tpu.wait_indirect_dma semaphore(%arg13 : memref<!tpu.dma_semaphore, #tpu.memory_space<semaphore_mem>>) src(%dma_wait3A_432 : memref<10000x64xf32, #tpu.memory_space<vmem_shared>>) dst(%dma_wait3A_427 : memref<80x64xf32, #tpu.memory_space<vmem>>)
      %add3A_433 = arith.constant 2 : i32
      %add3A_434 = arith.addi %mul3A_376, %add3A_433 : i32
      %mul3A_435 = arith.constant 80 : i32
      %mul3A_436 = arith.muli %add3A_434, %mul3A_435 : i32
      %dma_start3A_437 = arith.constant 2 : i32
      %dma_start3A_438 = arith.constant 0 : i32
      %dma_start3A_439 = arith.constant 0 : i32
      %dma_start3A_440 = tpu.memref_slice %arg8[%dma_start3A_437, %dma_start3A_438, %dma_start3A_439] : memref<5x80x64xf32, #tpu.memory_space<vmem>> -> memref<1x80x64xf32, #tpu.memory_space<vmem>>
      %dma_start3A_441 = tpu.memref_squeeze %dma_start3A_440 : memref<1x80x64xf32, #tpu.memory_space<vmem>> -> memref<80x64xf32, #tpu.memory_space<vmem>>
      %dma_start3A_442 = tpu.memref_slice %arg7[%mul3A_436] : memref<10000xi32, #tpu.memory_space<vmem>> -> memref<80xi32, #tpu.memory_space<vmem>>
      %dma_start3A_443 = arith.constant 0 : i32
      %dma_start3A_444 = arith.constant 0 : i32
      %dma_start3A_445 = tpu.memref_slice %arg10[%dma_start3A_443, %dma_start3A_444] : memref<10000x64xf32, #tpu.memory_space<vmem_shared>> -> memref<10000x64xf32, #tpu.memory_space<vmem_shared>>
      tpu.enqueue_indirect_dma source(%dma_start3A_441 : memref<80x64xf32, #tpu.memory_space<vmem>>) target(%dma_start3A_445 : memref<10000x64xf32, #tpu.memory_space<vmem_shared>>) offsets(%dma_start3A_442 : memref<80xi32, #tpu.memory_space<vmem>>) semaphore(%arg18 : memref<!tpu.dma_semaphore, #tpu.memory_space<semaphore_mem>>) {add = true}
      %dma_wait3A_446 = arith.constant 0 : i32
      %dma_wait3A_447 = arith.constant 0 : i32
      %dma_wait3A_448 = arith.constant 0 : i32
      %dma_wait3A_449 = tpu.memref_slice %arg8[%dma_wait3A_446, %dma_wait3A_447, %dma_wait3A_448] : memref<5x80x64xf32, #tpu.memory_space<vmem>> -> memref<1x80x64xf32, #tpu.memory_space<vmem>>
      %dma_wait3A_450 = tpu.memref_squeeze %dma_wait3A_449 : memref<1x80x64xf32, #tpu.memory_space<vmem>> -> memref<80x64xf32, #tpu.memory_space<vmem>>
      %dma_wait3A_451 = arith.constant 0 : i32
      %dma_wait3A_452 = tpu.memref_slice %arg7[%dma_wait3A_451] : memref<10000xi32, #tpu.memory_space<vmem>> -> memref<80xi32, #tpu.memory_space<vmem>>
      %dma_wait3A_453 = arith.constant 0 : i32
      %dma_wait3A_454 = arith.constant 0 : i32
      %dma_wait3A_455 = tpu.memref_slice %arg10[%dma_wait3A_453, %dma_wait3A_454] : memref<10000x64xf32, #tpu.memory_space<vmem_shared>> -> memref<10000x64xf32, #tpu.memory_space<vmem_shared>>
      tpu.wait_indirect_dma semaphore(%arg16 : memref<!tpu.dma_semaphore, #tpu.memory_space<semaphore_mem>>) src(%dma_wait3A_450 : memref<80x64xf32, #tpu.memory_space<vmem>>) dst(%dma_wait3A_455 : memref<10000x64xf32, #tpu.memory_space<vmem_shared>>)
      %add3A_456 = arith.constant 1 : i32
      %add3A_457 = arith.addi %scan3A_374, %add3A_456 : i32
      %lt3A = arith.constant 25 : i32
      %lt3A_458 = arith.cmpi slt, %add3A_457, %lt3A : i32
      %convert_element_type3A = arith.extui %lt3A_458 : i1 to i32
      %cond3A = arith.constant 0 : i32
      %cond3A_459 = arith.cmpi ne, %convert_element_type3A, %cond3A : i32
      scf.if %cond3A_459 {
        %add3A_574 = arith.constant 5 : i32
        %add3A_575 = arith.addi %mul3A_376, %add3A_574 : i32
        %add3A_576 = arith.constant 0 : i32
        %add3A_577 = arith.addi %add3A_575, %add3A_576 : i32
        %mul3A_578 = arith.constant 80 : i32
        %mul3A_579 = arith.muli %add3A_577, %mul3A_578 : i32
        %dma_start3A_580 = arith.constant 0 : i32
        %dma_start3A_581 = arith.constant 0 : i32
        %dma_start3A_582 = arith.constant 0 : i32
        %dma_start3A_583 = tpu.memref_slice %arg8[%dma_start3A_580, %dma_start3A_581, %dma_start3A_582] : memref<5x80x64xf32, #tpu.memory_space<vmem>> -> memref<1x80x64xf32, #tpu.memory_space<vmem>>
        %dma_start3A_584 = tpu.memref_squeeze %dma_start3A_583 : memref<1x80x64xf32, #tpu.memory_space<vmem>> -> memref<80x64xf32, #tpu.memory_space<vmem>>
        %dma_start3A_585 = tpu.memref_slice %arg6[%mul3A_579] : memref<10000xi32, #tpu.memory_space<vmem>> -> memref<80xi32, #tpu.memory_space<vmem>>
        %dma_start3A_586 = arith.constant 0 : i32
        %dma_start3A_587 = arith.constant 0 : i32
        %dma_start3A_588 = tpu.memref_slice %arg9[%dma_start3A_586, %dma_start3A_587] : memref<10000x64xf32, #tpu.memory_space<vmem_shared>> -> memref<10000x64xf32, #tpu.memory_space<vmem_shared>>
        tpu.enqueue_indirect_dma source(%dma_start3A_588 : memref<10000x64xf32, #tpu.memory_space<vmem_shared>>) target(%dma_start3A_584 : memref<80x64xf32, #tpu.memory_space<vmem>>) offsets(%dma_start3A_585 : memref<80xi32, #tpu.memory_space<vmem>>) semaphore(%arg11 : memref<!tpu.dma_semaphore, #tpu.memory_space<semaphore_mem>>)
      } else {
      }
      %dma_wait3A_460 = arith.constant 3 : i32
      %dma_wait3A_461 = arith.constant 0 : i32
      %dma_wait3A_462 = arith.constant 0 : i32
      %dma_wait3A_463 = tpu.memref_slice %arg8[%dma_wait3A_460, %dma_wait3A_461, %dma_wait3A_462] : memref<5x80x64xf32, #tpu.memory_space<vmem>> -> memref<1x80x64xf32, #tpu.memory_space<vmem>>
      %dma_wait3A_464 = tpu.memref_squeeze %dma_wait3A_463 : memref<1x80x64xf32, #tpu.memory_space<vmem>> -> memref<80x64xf32, #tpu.memory_space<vmem>>
      %dma_wait3A_465 = arith.constant 0 : i32
      %dma_wait3A_466 = tpu.memref_slice %arg6[%dma_wait3A_465] : memref<10000xi32, #tpu.memory_space<vmem>> -> memref<80xi32, #tpu.memory_space<vmem>>
      %dma_wait3A_467 = arith.constant 0 : i32
      %dma_wait3A_468 = arith.constant 0 : i32
      %dma_wait3A_469 = tpu.memref_slice %arg9[%dma_wait3A_467, %dma_wait3A_468] : memref<10000x64xf32, #tpu.memory_space<vmem_shared>> -> memref<10000x64xf32, #tpu.memory_space<vmem_shared>>
      tpu.wait_indirect_dma semaphore(%arg14 : memref<!tpu.dma_semaphore, #tpu.memory_space<semaphore_mem>>) src(%dma_wait3A_469 : memref<10000x64xf32, #tpu.memory_space<vmem_shared>>) dst(%dma_wait3A_464 : memref<80x64xf32, #tpu.memory_space<vmem>>)
      %add3A_470 = arith.constant 3 : i32
      %add3A_471 = arith.addi %mul3A_376, %add3A_470 : i32
      %mul3A_472 = arith.constant 80 : i32
      %mul3A_473 = arith.muli %add3A_471, %mul3A_472 : i32
      %dma_start3A_474 = arith.constant 3 : i32
      %dma_start3A_475 = arith.constant 0 : i32
      %dma_start3A_476 = arith.constant 0 : i32
      %dma_start3A_477 = tpu.memref_slice %arg8[%dma_start3A_474, %dma_start3A_475, %dma_start3A_476] : memref<5x80x64xf32, #tpu.memory_space<vmem>> -> memref<1x80x64xf32, #tpu.memory_space<vmem>>
      %dma_start3A_478 = tpu.memref_squeeze %dma_start3A_477 : memref<1x80x64xf32, #tpu.memory_space<vmem>> -> memref<80x64xf32, #tpu.memory_space<vmem>>
      %dma_start3A_479 = tpu.memref_slice %arg7[%mul3A_473] : memref<10000xi32, #tpu.memory_space<vmem>> -> memref<80xi32, #tpu.memory_space<vmem>>
      %dma_start3A_480 = arith.constant 0 : i32
      %dma_start3A_481 = arith.constant 0 : i32
      %dma_start3A_482 = tpu.memref_slice %arg10[%dma_start3A_480, %dma_start3A_481] : memref<10000x64xf32, #tpu.memory_space<vmem_shared>> -> memref<10000x64xf32, #tpu.memory_space<vmem_shared>>
      tpu.enqueue_indirect_dma source(%dma_start3A_478 : memref<80x64xf32, #tpu.memory_space<vmem>>) target(%dma_start3A_482 : memref<10000x64xf32, #tpu.memory_space<vmem_shared>>) offsets(%dma_start3A_479 : memref<80xi32, #tpu.memory_space<vmem>>) semaphore(%arg19 : memref<!tpu.dma_semaphore, #tpu.memory_space<semaphore_mem>>) {add = true}
      %dma_wait3A_483 = arith.constant 1 : i32
      %dma_wait3A_484 = arith.constant 0 : i32
      %dma_wait3A_485 = arith.constant 0 : i32
      %dma_wait3A_486 = tpu.memref_slice %arg8[%dma_wait3A_483, %dma_wait3A_484, %dma_wait3A_485] : memref<5x80x64xf32, #tpu.memory_space<vmem>> -> memref<1x80x64xf32, #tpu.memory_space<vmem>>
      %dma_wait3A_487 = tpu.memref_squeeze %dma_wait3A_486 : memref<1x80x64xf32, #tpu.memory_space<vmem>> -> memref<80x64xf32, #tpu.memory_space<vmem>>
      %dma_wait3A_488 = arith.constant 0 : i32
      %dma_wait3A_489 = tpu.memref_slice %arg7[%dma_wait3A_488] : memref<10000xi32, #tpu.memory_space<vmem>> -> memref<80xi32, #tpu.memory_space<vmem>>
      %dma_wait3A_490 = arith.constant 0 : i32
      %dma_wait3A_491 = arith.constant 0 : i32
      %dma_wait3A_492 = tpu.memref_slice %arg10[%dma_wait3A_490, %dma_wait3A_491] : memref<10000x64xf32, #tpu.memory_space<vmem_shared>> -> memref<10000x64xf32, #tpu.memory_space<vmem_shared>>
      tpu.wait_indirect_dma semaphore(%arg17 : memref<!tpu.dma_semaphore, #tpu.memory_space<semaphore_mem>>) src(%dma_wait3A_487 : memref<80x64xf32, #tpu.memory_space<vmem>>) dst(%dma_wait3A_492 : memref<10000x64xf32, #tpu.memory_space<vmem_shared>>)
      %add3A_493 = arith.constant 1 : i32
      %add3A_494 = arith.addi %scan3A_374, %add3A_493 : i32
      %lt3A_495 = arith.constant 25 : i32
      %lt3A_496 = arith.cmpi slt, %add3A_494, %lt3A_495 : i32
      %convert_element_type3A_497 = arith.extui %lt3A_496 : i1 to i32
      %cond3A_498 = arith.constant 0 : i32
      %cond3A_499 = arith.cmpi ne, %convert_element_type3A_497, %cond3A_498 : i32
      scf.if %cond3A_499 {
        %add3A_574 = arith.constant 5 : i32
        %add3A_575 = arith.addi %mul3A_376, %add3A_574 : i32
        %add3A_576 = arith.constant 1 : i32
        %add3A_577 = arith.addi %add3A_575, %add3A_576 : i32
        %mul3A_578 = arith.constant 80 : i32
        %mul3A_579 = arith.muli %add3A_577, %mul3A_578 : i32
        %dma_start3A_580 = arith.constant 1 : i32
        %dma_start3A_581 = arith.constant 0 : i32
        %dma_start3A_582 = arith.constant 0 : i32
        %dma_start3A_583 = tpu.memref_slice %arg8[%dma_start3A_580, %dma_start3A_581, %dma_start3A_582] : memref<5x80x64xf32, #tpu.memory_space<vmem>> -> memref<1x80x64xf32, #tpu.memory_space<vmem>>
        %dma_start3A_584 = tpu.memref_squeeze %dma_start3A_583 : memref<1x80x64xf32, #tpu.memory_space<vmem>> -> memref<80x64xf32, #tpu.memory_space<vmem>>
        %dma_start3A_585 = tpu.memref_slice %arg6[%mul3A_579] : memref<10000xi32, #tpu.memory_space<vmem>> -> memref<80xi32, #tpu.memory_space<vmem>>
        %dma_start3A_586 = arith.constant 0 : i32
        %dma_start3A_587 = arith.constant 0 : i32
        %dma_start3A_588 = tpu.memref_slice %arg9[%dma_start3A_586, %dma_start3A_587] : memref<10000x64xf32, #tpu.memory_space<vmem_shared>> -> memref<10000x64xf32, #tpu.memory_space<vmem_shared>>
        tpu.enqueue_indirect_dma source(%dma_start3A_588 : memref<10000x64xf32, #tpu.memory_space<vmem_shared>>) target(%dma_start3A_584 : memref<80x64xf32, #tpu.memory_space<vmem>>) offsets(%dma_start3A_585 : memref<80xi32, #tpu.memory_space<vmem>>) semaphore(%arg12 : memref<!tpu.dma_semaphore, #tpu.memory_space<semaphore_mem>>)
      } else {
      }
      %dma_wait3A_500 = arith.constant 4 : i32
      %dma_wait3A_501 = arith.constant 0 : i32
      %dma_wait3A_502 = arith.constant 0 : i32
      %dma_wait3A_503 = tpu.memref_slice %arg8[%dma_wait3A_500, %dma_wait3A_501, %dma_wait3A_502] : memref<5x80x64xf32, #tpu.memory_space<vmem>> -> memref<1x80x64xf32, #tpu.memory_space<vmem>>
      %dma_wait3A_504 = tpu.memref_squeeze %dma_wait3A_503 : memref<1x80x64xf32, #tpu.memory_space<vmem>> -> memref<80x64xf32, #tpu.memory_space<vmem>>
      %dma_wait3A_505 = arith.constant 0 : i32
      %dma_wait3A_506 = tpu.memref_slice %arg6[%dma_wait3A_505] : memref<10000xi32, #tpu.memory_space<vmem>> -> memref<80xi32, #tpu.memory_space<vmem>>
      %dma_wait3A_507 = arith.constant 0 : i32
      %dma_wait3A_508 = arith.constant 0 : i32
      %dma_wait3A_509 = tpu.memref_slice %arg9[%dma_wait3A_507, %dma_wait3A_508] : memref<10000x64xf32, #tpu.memory_space<vmem_shared>> -> memref<10000x64xf32, #tpu.memory_space<vmem_shared>>
      tpu.wait_indirect_dma semaphore(%arg15 : memref<!tpu.dma_semaphore, #tpu.memory_space<semaphore_mem>>) src(%dma_wait3A_509 : memref<10000x64xf32, #tpu.memory_space<vmem_shared>>) dst(%dma_wait3A_504 : memref<80x64xf32, #tpu.memory_space<vmem>>)
      %add3A_510 = arith.constant 4 : i32
      %add3A_511 = arith.addi %mul3A_376, %add3A_510 : i32
      %mul3A_512 = arith.constant 80 : i32
      %mul3A_513 = arith.muli %add3A_511, %mul3A_512 : i32
      %dma_start3A_514 = arith.constant 4 : i32
      %dma_start3A_515 = arith.constant 0 : i32
      %dma_start3A_516 = arith.constant 0 : i32
      %dma_start3A_517 = tpu.memref_slice %arg8[%dma_start3A_514, %dma_start3A_515, %dma_start3A_516] : memref<5x80x64xf32, #tpu.memory_space<vmem>> -> memref<1x80x64xf32, #tpu.memory_space<vmem>>
      %dma_start3A_518 = tpu.memref_squeeze %dma_start3A_517 : memref<1x80x64xf32, #tpu.memory_space<vmem>> -> memref<80x64xf32, #tpu.memory_space<vmem>>
      %dma_start3A_519 = tpu.memref_slice %arg7[%mul3A_513] : memref<10000xi32, #tpu.memory_space<vmem>> -> memref<80xi32, #tpu.memory_space<vmem>>
      %dma_start3A_520 = arith.constant 0 : i32
      %dma_start3A_521 = arith.constant 0 : i32
      %dma_start3A_522 = tpu.memref_slice %arg10[%dma_start3A_520, %dma_start3A_521] : memref<10000x64xf32, #tpu.memory_space<vmem_shared>> -> memref<10000x64xf32, #tpu.memory_space<vmem_shared>>
      tpu.enqueue_indirect_dma source(%dma_start3A_518 : memref<80x64xf32, #tpu.memory_space<vmem>>) target(%dma_start3A_522 : memref<10000x64xf32, #tpu.memory_space<vmem_shared>>) offsets(%dma_start3A_519 : memref<80xi32, #tpu.memory_space<vmem>>) semaphore(%arg20 : memref<!tpu.dma_semaphore, #tpu.memory_space<semaphore_mem>>) {add = true}
      %dma_wait3A_523 = arith.constant 2 : i32
      %dma_wait3A_524 = arith.constant 0 : i32
      %dma_wait3A_525 = arith.constant 0 : i32
      %dma_wait3A_526 = tpu.memref_slice %arg8[%dma_wait3A_523, %dma_wait3A_524, %dma_wait3A_525] : memref<5x80x64xf32, #tpu.memory_space<vmem>> -> memref<1x80x64xf32, #tpu.memory_space<vmem>>
      %dma_wait3A_527 = tpu.memref_squeeze %dma_wait3A_526 : memref<1x80x64xf32, #tpu.memory_space<vmem>> -> memref<80x64xf32, #tpu.memory_space<vmem>>
      %dma_wait3A_528 = arith.constant 0 : i32
      %dma_wait3A_529 = tpu.memref_slice %arg7[%dma_wait3A_528] : memref<10000xi32, #tpu.memory_space<vmem>> -> memref<80xi32, #tpu.memory_space<vmem>>
      %dma_wait3A_530 = arith.constant 0 : i32
      %dma_wait3A_531 = arith.constant 0 : i32
      %dma_wait3A_532 = tpu.memref_slice %arg10[%dma_wait3A_530, %dma_wait3A_531] : memref<10000x64xf32, #tpu.memory_space<vmem_shared>> -> memref<10000x64xf32, #tpu.memory_space<vmem_shared>>
      tpu.wait_indirect_dma semaphore(%arg18 : memref<!tpu.dma_semaphore, #tpu.memory_space<semaphore_mem>>) src(%dma_wait3A_527 : memref<80x64xf32, #tpu.memory_space<vmem>>) dst(%dma_wait3A_532 : memref<10000x64xf32, #tpu.memory_space<vmem_shared>>)
      %add3A_533 = arith.constant 1 : i32
      %add3A_534 = arith.addi %scan3A_374, %add3A_533 : i32
      %lt3A_535 = arith.constant 25 : i32
      %lt3A_536 = arith.cmpi slt, %add3A_534, %lt3A_535 : i32
      %convert_element_type3A_537 = arith.extui %lt3A_536 : i1 to i32
      %cond3A_538 = arith.constant 0 : i32
      %cond3A_539 = arith.cmpi ne, %convert_element_type3A_537, %cond3A_538 : i32
      scf.if %cond3A_539 {
        %add3A_574 = arith.constant 5 : i32
        %add3A_575 = arith.addi %mul3A_376, %add3A_574 : i32
        %add3A_576 = arith.constant 2 : i32
        %add3A_577 = arith.addi %add3A_575, %add3A_576 : i32
        %mul3A_578 = arith.constant 80 : i32
        %mul3A_579 = arith.muli %add3A_577, %mul3A_578 : i32
        %dma_start3A_580 = arith.constant 2 : i32
        %dma_start3A_581 = arith.constant 0 : i32
        %dma_start3A_582 = arith.constant 0 : i32
        %dma_start3A_583 = tpu.memref_slice %arg8[%dma_start3A_580, %dma_start3A_581, %dma_start3A_582] : memref<5x80x64xf32, #tpu.memory_space<vmem>> -> memref<1x80x64xf32, #tpu.memory_space<vmem>>
        %dma_start3A_584 = tpu.memref_squeeze %dma_start3A_583 : memref<1x80x64xf32, #tpu.memory_space<vmem>> -> memref<80x64xf32, #tpu.memory_space<vmem>>
        %dma_start3A_585 = tpu.memref_slice %arg6[%mul3A_579] : memref<10000xi32, #tpu.memory_space<vmem>> -> memref<80xi32, #tpu.memory_space<vmem>>
        %dma_start3A_586 = arith.constant 0 : i32
        %dma_start3A_587 = arith.constant 0 : i32
        %dma_start3A_588 = tpu.memref_slice %arg9[%dma_start3A_586, %dma_start3A_587] : memref<10000x64xf32, #tpu.memory_space<vmem_shared>> -> memref<10000x64xf32, #tpu.memory_space<vmem_shared>>
        tpu.enqueue_indirect_dma source(%dma_start3A_588 : memref<10000x64xf32, #tpu.memory_space<vmem_shared>>) target(%dma_start3A_584 : memref<80x64xf32, #tpu.memory_space<vmem>>) offsets(%dma_start3A_585 : memref<80xi32, #tpu.memory_space<vmem>>) semaphore(%arg13 : memref<!tpu.dma_semaphore, #tpu.memory_space<semaphore_mem>>)
      } else {
      }
      %dma_wait3A_540 = arith.constant 3 : i32
      %dma_wait3A_541 = arith.constant 0 : i32
      %dma_wait3A_542 = arith.constant 0 : i32
      %dma_wait3A_543 = tpu.memref_slice %arg8[%dma_wait3A_540, %dma_wait3A_541, %dma_wait3A_542] : memref<5x80x64xf32, #tpu.memory_space<vmem>> -> memref<1x80x64xf32, #tpu.memory_space<vmem>>
      %dma_wait3A_544 = tpu.memref_squeeze %dma_wait3A_543 : memref<1x80x64xf32, #tpu.memory_space<vmem>> -> memref<80x64xf32, #tpu.memory_space<vmem>>
      %dma_wait3A_545 = arith.constant 0 : i32
      %dma_wait3A_546 = tpu.memref_slice %arg7[%dma_wait3A_545] : memref<10000xi32, #tpu.memory_space<vmem>> -> memref<80xi32, #tpu.memory_space<vmem>>
      %dma_wait3A_547 = arith.constant 0 : i32
      %dma_wait3A_548 = arith.constant 0 : i32
      %dma_wait3A_549 = tpu.memref_slice %arg10[%dma_wait3A_547, %dma_wait3A_548] : memref<10000x64xf32, #tpu.memory_space<vmem_shared>> -> memref<10000x64xf32, #tpu.memory_space<vmem_shared>>
      tpu.wait_indirect_dma semaphore(%arg19 : memref<!tpu.dma_semaphore, #tpu.memory_space<semaphore_mem>>) src(%dma_wait3A_544 : memref<80x64xf32, #tpu.memory_space<vmem>>) dst(%dma_wait3A_549 : memref<10000x64xf32, #tpu.memory_space<vmem_shared>>)
      %add3A_550 = arith.constant 1 : i32
      %add3A_551 = arith.addi %scan3A_374, %add3A_550 : i32
      %lt3A_552 = arith.constant 25 : i32
      %lt3A_553 = arith.cmpi slt, %add3A_551, %lt3A_552 : i32
      %convert_element_type3A_554 = arith.extui %lt3A_553 : i1 to i32
      %cond3A_555 = arith.constant 0 : i32
      %cond3A_556 = arith.cmpi ne, %convert_element_type3A_554, %cond3A_555 : i32
      scf.if %cond3A_556 {
        %add3A_574 = arith.constant 5 : i32
        %add3A_575 = arith.addi %mul3A_376, %add3A_574 : i32
        %add3A_576 = arith.constant 3 : i32
        %add3A_577 = arith.addi %add3A_575, %add3A_576 : i32
        %mul3A_578 = arith.constant 80 : i32
        %mul3A_579 = arith.muli %add3A_577, %mul3A_578 : i32
        %dma_start3A_580 = arith.constant 3 : i32
        %dma_start3A_581 = arith.constant 0 : i32
        %dma_start3A_582 = arith.constant 0 : i32
        %dma_start3A_583 = tpu.memref_slice %arg8[%dma_start3A_580, %dma_start3A_581, %dma_start3A_582] : memref<5x80x64xf32, #tpu.memory_space<vmem>> -> memref<1x80x64xf32, #tpu.memory_space<vmem>>
        %dma_start3A_584 = tpu.memref_squeeze %dma_start3A_583 : memref<1x80x64xf32, #tpu.memory_space<vmem>> -> memref<80x64xf32, #tpu.memory_space<vmem>>
        %dma_start3A_585 = tpu.memref_slice %arg6[%mul3A_579] : memref<10000xi32, #tpu.memory_space<vmem>> -> memref<80xi32, #tpu.memory_space<vmem>>
        %dma_start3A_586 = arith.constant 0 : i32
        %dma_start3A_587 = arith.constant 0 : i32
        %dma_start3A_588 = tpu.memref_slice %arg9[%dma_start3A_586, %dma_start3A_587] : memref<10000x64xf32, #tpu.memory_space<vmem_shared>> -> memref<10000x64xf32, #tpu.memory_space<vmem_shared>>
        tpu.enqueue_indirect_dma source(%dma_start3A_588 : memref<10000x64xf32, #tpu.memory_space<vmem_shared>>) target(%dma_start3A_584 : memref<80x64xf32, #tpu.memory_space<vmem>>) offsets(%dma_start3A_585 : memref<80xi32, #tpu.memory_space<vmem>>) semaphore(%arg14 : memref<!tpu.dma_semaphore, #tpu.memory_space<semaphore_mem>>)
      } else {
      }
      %dma_wait3A_557 = arith.constant 4 : i32
      %dma_wait3A_558 = arith.constant 0 : i32
      %dma_wait3A_559 = arith.constant 0 : i32
      %dma_wait3A_560 = tpu.memref_slice %arg8[%dma_wait3A_557, %dma_wait3A_558, %dma_wait3A_559] : memref<5x80x64xf32, #tpu.memory_space<vmem>> -> memref<1x80x64xf32, #tpu.memory_space<vmem>>
      %dma_wait3A_561 = tpu.memref_squeeze %dma_wait3A_560 : memref<1x80x64xf32, #tpu.memory_space<vmem>> -> memref<80x64xf32, #tpu.memory_space<vmem>>
      %dma_wait3A_562 = arith.constant 0 : i32
      %dma_wait3A_563 = tpu.memref_slice %arg7[%dma_wait3A_562] : memref<10000xi32, #tpu.memory_space<vmem>> -> memref<80xi32, #tpu.memory_space<vmem>>
      %dma_wait3A_564 = arith.constant 0 : i32
      %dma_wait3A_565 = arith.constant 0 : i32
      %dma_wait3A_566 = tpu.memref_slice %arg10[%dma_wait3A_564, %dma_wait3A_565] : memref<10000x64xf32, #tpu.memory_space<vmem_shared>> -> memref<10000x64xf32, #tpu.memory_space<vmem_shared>>
      tpu.wait_indirect_dma semaphore(%arg20 : memref<!tpu.dma_semaphore, #tpu.memory_space<semaphore_mem>>) src(%dma_wait3A_561 : memref<80x64xf32, #tpu.memory_space<vmem>>) dst(%dma_wait3A_566 : memref<10000x64xf32, #tpu.memory_space<vmem_shared>>)
      %add3A_567 = arith.constant 1 : i32
      %add3A_568 = arith.addi %scan3A_374, %add3A_567 : i32
      %lt3A_569 = arith.constant 25 : i32
      %lt3A_570 = arith.cmpi slt, %add3A_568, %lt3A_569 : i32
      %convert_element_type3A_571 = arith.extui %lt3A_570 : i1 to i32
      %cond3A_572 = arith.constant 0 : i32
      %cond3A_573 = arith.cmpi ne, %convert_element_type3A_571, %cond3A_572 : i32
      scf.if %cond3A_573 {
        %add3A_574 = arith.constant 5 : i32
        %add3A_575 = arith.addi %mul3A_376, %add3A_574 : i32
        %add3A_576 = arith.constant 4 : i32
        %add3A_577 = arith.addi %add3A_575, %add3A_576 : i32
        %mul3A_578 = arith.constant 80 : i32
        %mul3A_579 = arith.muli %add3A_577, %mul3A_578 : i32
        %dma_start3A_580 = arith.constant 4 : i32
        %dma_start3A_581 = arith.constant 0 : i32
        %dma_start3A_582 = arith.constant 0 : i32
        %dma_start3A_583 = tpu.memref_slice %arg8[%dma_start3A_580, %dma_start3A_581, %dma_start3A_582] : memref<5x80x64xf32, #tpu.memory_space<vmem>> -> memref<1x80x64xf32, #tpu.memory_space<vmem>>
        %dma_start3A_584 = tpu.memref_squeeze %dma_start3A_583 : memref<1x80x64xf32, #tpu.memory_space<vmem>> -> memref<80x64xf32, #tpu.memory_space<vmem>>
        %dma_start3A_585 = tpu.memref_slice %arg6[%mul3A_579] : memref<10000xi32, #tpu.memory_space<vmem>> -> memref<80xi32, #tpu.memory_space<vmem>>
        %dma_start3A_586 = arith.constant 0 : i32
        %dma_start3A_587 = arith.constant 0 : i32
        %dma_start3A_588 = tpu.memref_slice %arg9[%dma_start3A_586, %dma_start3A_587] : memref<10000x64xf32, #tpu.memory_space<vmem_shared>> -> memref<10000x64xf32, #tpu.memory_space<vmem_shared>>
        tpu.enqueue_indirect_dma source(%dma_start3A_588 : memref<10000x64xf32, #tpu.memory_space<vmem_shared>>) target(%dma_start3A_584 : memref<80x64xf32, #tpu.memory_space<vmem>>) offsets(%dma_start3A_585 : memref<80xi32, #tpu.memory_space<vmem>>) semaphore(%arg15 : memref<!tpu.dma_semaphore, #tpu.memory_space<semaphore_mem>>)
      } else {
      }
    }
    %scan3A_372 = arith.constant 25 : i32
    %barrier3A_373 = arith.constant 0 : index
    tpu.barrier barrier_id(%barrier3A_373)
    "tpu.region"() ({
      %run_scoped3A = tpu.sem_alloc : memref<!tpu.dma_semaphore, #tpu.memory_space<semaphore_mem>>
      %dma_start3A_374 = arith.constant 0 : i32
      %dma_start3A_375 = arith.constant 0 : i32
      %dma_start3A_376 = tpu.memref_slice %arg5[%arg0, %dma_start3A_374, %dma_start3A_375] : memref<2x10000x64xf32, #tpu.memory_space<hbm>> -> memref<1x10000x64xf32, #tpu.memory_space<hbm>>
      %dma_start3A_377 = tpu.memref_squeeze %dma_start3A_376 : memref<1x10000x64xf32, #tpu.memory_space<hbm>> -> memref<10000x64xf32, #tpu.memory_space<hbm>>
      %dma_start3A_378 = arith.constant 0 : i32
      %dma_start3A_379 = tpu.memref_slice %dma_start3A_377[%mul3A_0, %dma_start3A_378] : memref<10000x64xf32, #tpu.memory_space<hbm>> -> memref<640x64xf32, #tpu.memory_space<hbm>>
      %dma_start3A_380 = arith.constant 0 : i32
      %dma_start3A_381 = tpu.memref_slice %arg10[%mul3A_0, %dma_start3A_380] : memref<10000x64xf32, #tpu.memory_space<vmem_shared>> -> memref<640x64xf32, #tpu.memory_space<vmem_shared>>
      tpu.enqueue_dma source(%dma_start3A_381 : memref<640x64xf32, #tpu.memory_space<vmem_shared>>) target(%dma_start3A_379 : memref<640x64xf32, #tpu.memory_space<hbm>>) target_semaphore(%run_scoped3A : memref<!tpu.dma_semaphore, #tpu.memory_space<semaphore_mem>>)
      %dma_wait3A_382 = arith.constant 0 : i32
      %dma_wait3A_383 = arith.constant 0 : i32
      %dma_wait3A_384 = tpu.memref_slice %arg5[%arg0, %dma_wait3A_382, %dma_wait3A_383] : memref<2x10000x64xf32, #tpu.memory_space<hbm>> -> memref<1x10000x64xf32, #tpu.memory_space<hbm>>
      %dma_wait3A_385 = tpu.memref_squeeze %dma_wait3A_384 : memref<1x10000x64xf32, #tpu.memory_space<hbm>> -> memref<10000x64xf32, #tpu.memory_space<hbm>>
      %dma_wait3A_386 = arith.constant 0 : i32
      %dma_wait3A_387 = tpu.memref_slice %dma_wait3A_385[%mul3A_0, %dma_wait3A_386] : memref<10000x64xf32, #tpu.memory_space<hbm>> -> memref<640x64xf32, #tpu.memory_space<hbm>>
      %dma_wait3A_388 = arith.constant 0 : i32
      %dma_wait3A_389 = tpu.memref_slice %arg10[%mul3A_0, %dma_wait3A_388] : memref<10000x64xf32, #tpu.memory_space<vmem_shared>> -> memref<640x64xf32, #tpu.memory_space<vmem_shared>>
      tpu.wait_dma2 semaphore(%run_scoped3A : memref<!tpu.dma_semaphore, #tpu.memory_space<semaphore_mem>>) src(%dma_wait3A_389 : memref<640x64xf32, #tpu.memory_space<vmem_shared>>) dst(%dma_wait3A_387 : memref<640x64xf32, #tpu.memory_space<hbm>>)
      tpu.yield
    }) : () -> ()
    return
  }
}

#map = affine_map<(d0, d1) -> (0, 0)>
#map1 = affine_map<(d0, d1) -> (0)>
#map2 = affine_map<(d0, d1) -> (0, 0, 0)>
module attributes {stable_mosaic.version = 14 : i64} {
  func.func @body(%arg0: i32, %arg1: i32, %arg2: memref<10000x128xf32, #tpu.memory_space<hbm>>, %arg3: memref<320000xi32, #tpu.memory_space<hbm>>, %arg4: memref<320000xi32, #tpu.memory_space<hbm>>, %arg5: memref<2x10000x64xf32, #tpu.memory_space<hbm>>, %arg6: memref<10000xi32, #tpu.memory_space<vmem>>, %arg7: memref<10000xi32, #tpu.memory_space<vmem>>, %arg8: memref<5x80x64xf32, #tpu.memory_space<vmem>>, %arg9: memref<10000x64xf32, #tpu.memory_space<vmem_shared>>, %arg10: memref<10000x64xf32, #tpu.memory_space<vmem_shared>>, %arg11: memref<!tpu.dma_semaphore, #tpu.memory_space<semaphore_mem>>, %arg12: memref<!tpu.dma_semaphore, #tpu.memory_space<semaphore_mem>>, %arg13: memref<!tpu.dma_semaphore, #tpu.memory_space<semaphore_mem>>, %arg14: memref<!tpu.dma_semaphore, #tpu.memory_space<semaphore_mem>>, %arg15: memref<!tpu.dma_semaphore, #tpu.memory_space<semaphore_mem>>, %arg16: memref<!tpu.dma_semaphore, #tpu.memory_space<semaphore_mem>>, %arg17: memref<!tpu.dma_semaphore, #tpu.memory_space<semaphore_mem>>, %arg18: memref<!tpu.dma_semaphore, #tpu.memory_space<semaphore_mem>>, %arg19: memref<!tpu.dma_semaphore, #tpu.memory_space<semaphore_mem>>, %arg20: memref<!tpu.dma_semaphore, #tpu.memory_space<semaphore_mem>>) attributes {dimension_semantics = [#tpu.dimension_semantics<core_parallel>, #tpu.dimension_semantics<subcore_parallel>], iteration_bounds = array<i64: 2, 16>, scalar_prefetch = 0 : i64, scratch_operands = 15 : i64, tpu.core_type = #tpu.core_type<sc_vector_subcore>, window_params = [{transform_indices = #map}, {transform_indices = #map1}, {transform_indices = #map1}, {transform_indices = #map2}]} {
    %mul3A = arith.constant 624 : i32
    %mul3A_0 = arith.muli %arg1, %mul3A : i32
    %scan3A = arith.constant 0 : i32
    %scan3A_1 = arith.constant 0 : i32
    %scan3A_2 = arith.constant 80 : i32
    %scan3A_3 = arith.addi %scan3A_1, %scan3A_2 : i32
    %scan3A_4 = arith.constant 1 : i32
    scf.for %scan3A_374 = %scan3A_1 to %scan3A_3 step %scan3A_4  : i32 {
      %broadcast_in_dim3A = arith.constant 0.000000e+00 : f32
      %broadcast_in_dim3A_375 = vector.broadcast %broadcast_in_dim3A : f32 to vector<16xf32>
      %swap3A = arith.constant 0 : i32
      %swap3A_376 = arith.index_cast %swap3A : i32 to index
      %swap3A_377 = arith.index_cast %scan3A_374 : i32 to index
      %swap3A_378 = arith.constant 0 : index
      %swap3A_379 = tpu.vector_load %arg8[%swap3A_376, %swap3A_377, %swap3A_378] {strides = array<i32>} : memref<5x80x64xf32, #tpu.memory_space<vmem>>, vector<1x1x16xf32>,
      %swap3A_380 = vector.shape_cast %swap3A_379 : vector<1x1x16xf32> to vector<16xf32>
      %swap3A_381 = vector.shape_cast %broadcast_in_dim3A_375 : vector<16xf32> to vector<1x1x16xf32>
      tpu.vector_store %arg8[%swap3A_376, %swap3A_377, %swap3A_378], %swap3A_381 {strides = array<i32>} : memref<5x80x64xf32, #tpu.memory_space<vmem>>, vector<1x1x16xf32>,
      %broadcast_in_dim3A_382 = arith.constant 0.000000e+00 : f32
      %broadcast_in_dim3A_383 = vector.broadcast %broadcast_in_dim3A_382 : f32 to vector<16xf32>
      %swap3A_384 = arith.constant 0 : i32
      %swap3A_385 = arith.index_cast %swap3A_384 : i32 to index
      %swap3A_386 = arith.index_cast %scan3A_374 : i32 to index
      %swap3A_387 = arith.constant 16 : index
      %swap3A_388 = tpu.vector_load %arg8[%swap3A_385, %swap3A_386, %swap3A_387] {strides = array<i32>} : memref<5x80x64xf32, #tpu.memory_space<vmem>>, vector<1x1x16xf32>,
      %swap3A_389 = vector.shape_cast %swap3A_388 : vector<1x1x16xf32> to vector<16xf32>
      %swap3A_390 = vector.shape_cast %broadcast_in_dim3A_383 : vector<16xf32> to vector<1x1x16xf32>
      tpu.vector_store %arg8[%swap3A_385, %swap3A_386, %swap3A_387], %swap3A_390 {strides = array<i32>} : memref<5x80x64xf32, #tpu.memory_space<vmem>>, vector<1x1x16xf32>,
      %broadcast_in_dim3A_391 = arith.constant 0.000000e+00 : f32
      %broadcast_in_dim3A_392 = vector.broadcast %broadcast_in_dim3A_391 : f32 to vector<16xf32>
      %swap3A_393 = arith.constant 0 : i32
      %swap3A_394 = arith.index_cast %swap3A_393 : i32 to index
      %swap3A_395 = arith.index_cast %scan3A_374 : i32 to index
      %swap3A_396 = arith.constant 32 : index
      %swap3A_397 = tpu.vector_load %arg8[%swap3A_394, %swap3A_395, %swap3A_396] {strides = array<i32>} : memref<5x80x64xf32, #tpu.memory_space<vmem>>, vector<1x1x16xf32>,
      %swap3A_398 = vector.shape_cast %swap3A_397 : vector<1x1x16xf32> to vector<16xf32>
      %swap3A_399 = vector.shape_cast %broadcast_in_dim3A_392 : vector<16xf32> to vector<1x1x16xf32>
      tpu.vector_store %arg8[%swap3A_394, %swap3A_395, %swap3A_396], %swap3A_399 {strides = array<i32>} : memref<5x80x64xf32, #tpu.memory_space<vmem>>, vector<1x1x16xf32>,
      %broadcast_in_dim3A_400 = arith.constant 0.000000e+00 : f32
      %broadcast_in_dim3A_401 = vector.broadcast %broadcast_in_dim3A_400 : f32 to vector<16xf32>
      %swap3A_402 = arith.constant 0 : i32
      %swap3A_403 = arith.index_cast %swap3A_402 : i32 to index
      %swap3A_404 = arith.index_cast %scan3A_374 : i32 to index
      %swap3A_405 = arith.constant 48 : index
      %swap3A_406 = tpu.vector_load %arg8[%swap3A_403, %swap3A_404, %swap3A_405] {strides = array<i32>} : memref<5x80x64xf32, #tpu.memory_space<vmem>>, vector<1x1x16xf32>,
      %swap3A_407 = vector.shape_cast %swap3A_406 : vector<1x1x16xf32> to vector<16xf32>
      %swap3A_408 = vector.shape_cast %broadcast_in_dim3A_401 : vector<16xf32> to vector<1x1x16xf32>
      tpu.vector_store %arg8[%swap3A_403, %swap3A_404, %swap3A_405], %swap3A_408 {strides = array<i32>} : memref<5x80x64xf32, #tpu.memory_space<vmem>>, vector<1x1x16xf32>,
    }
    %scan3A_5 = arith.constant 80 : i32
    %mul3A_6 = arith.constant 64 : i32
    %mul3A_7 = arith.muli %arg0, %mul3A_6 : i32
    %dma_start3A = arith.constant 0 : i32
    %dma_start3A_8 = tpu.memref_slice %arg9[%mul3A_0, %dma_start3A] : memref<10000x64xf32, #tpu.memory_space<vmem_shared>> -> memref<640x64xf32, #tpu.memory_space<vmem_shared>>
    %dma_start3A_9 = tpu.memref_slice %arg2[%mul3A_0, %mul3A_7] : memref<10000x128xf32, #tpu.memory_space<hbm>> -> memref<640x64xf32, #tpu.memory_space<hbm>>
    tpu.enqueue_dma source(%dma_start3A_9 : memref<640x64xf32, #tpu.memory_space<hbm>>) target(%dma_start3A_8 : memref<640x64xf32, #tpu.memory_space<vmem_shared>>) target_semaphore(%arg11 : memref<!tpu.dma_semaphore, #tpu.memory_space<semaphore_mem>>)
    %add3A = arith.constant 0 : i32
    %add3A_10 = arith.addi %mul3A_0, %add3A : i32
    %dma_start3A_11 = arith.constant 0 : i32
    %dma_start3A_12 = arith.constant 0 : i32
    %dma_start3A_13 = arith.constant 0 : i32
    %dma_start3A_14 = tpu.memref_slice %arg8[%dma_start3A_11, %dma_start3A_12, %dma_start3A_13] : memref<5x80x64xf32, #tpu.memory_space<vmem>> -> memref<1x80x64xf32, #tpu.memory_space<vmem>>
    %dma_start3A_15 = tpu.memref_squeeze %dma_start3A_14 : memref<1x80x64xf32, #tpu.memory_space<vmem>> -> memref<80x64xf32, #tpu.memory_space<vmem>>
    %dma_start3A_16 = arith.constant 0 : i32
    %dma_start3A_17 = tpu.memref_slice %arg10[%add3A_10, %dma_start3A_16] : memref<10000x64xf32, #tpu.memory_space<vmem_shared>> -> memref<80x64xf32, #tpu.memory_space<vmem_shared>>
    %dma_start3A_18 = arith.constant 0 : i32
    %dma_start3A_19 = tpu.memref_slice %arg10[%add3A_10, %dma_start3A_18] : memref<10000x64xf32, #tpu.memory_space<vmem_shared>> -> memref<80x64xf32, #tpu.memory_space<vmem_shared>>
    %dma_start3A_20 = arith.constant 0 : i32
    %dma_start3A_21 = arith.constant 0 : i32
    %dma_start3A_22 = tpu.memref_slice %arg8[%dma_start3A_11, %dma_start3A_20, %dma_start3A_21] : memref<5x80x64xf32, #tpu.memory_space<vmem>> -> memref<1x80x64xf32, #tpu.memory_space<vmem>>
    %dma_start3A_23 = tpu.memref_squeeze %dma_start3A_22 : memref<1x80x64xf32, #tpu.memory_space<vmem>> -> memref<80x64xf32, #tpu.memory_space<vmem>>
    tpu.enqueue_dma source(%dma_start3A_23 : memref<80x64xf32, #tpu.memory_space<vmem>>) target(%dma_start3A_19 : memref<80x64xf32, #tpu.memory_space<vmem_shared>>) target_semaphore(%arg16 : memref<!tpu.dma_semaphore, #tpu.memory_space<semaphore_mem>>)
    %add3A_24 = arith.constant 80 : i32
    %add3A_25 = arith.addi %mul3A_0, %add3A_24 : i32
    %dma_start3A_26 = arith.constant 0 : i32
    %dma_start3A_27 = arith.constant 0 : i32
    %dma_start3A_28 = arith.constant 0 : i32
    %dma_start3A_29 = tpu.memref_slice %arg8[%dma_start3A_26, %dma_start3A_27, %dma_start3A_28] : memref<5x80x64xf32, #tpu.memory_space<vmem>> -> memref<1x80x64xf32, #tpu.memory_space<vmem>>
    %dma_start3A_30 = tpu.memref_squeeze %dma_start3A_29 : memref<1x80x64xf32, #tpu.memory_space<vmem>> -> memref<80x64xf32, #tpu.memory_space<vmem>>
    %dma_start3A_31 = arith.constant 0 : i32
    %dma_start3A_32 = tpu.memref_slice %arg10[%add3A_25, %dma_start3A_31] : memref<10000x64xf32, #tpu.memory_space<vmem_shared>> -> memref<80x64xf32, #tpu.memory_space<vmem_shared>>
    %dma_start3A_33 = arith.constant 0 : i32
    %dma_start3A_34 = tpu.memref_slice %arg10[%add3A_25, %dma_start3A_33] : memref<10000x64xf32, #tpu.memory_space<vmem_shared>> -> memref<80x64xf32, #tpu.memory_space<vmem_shared>>
    %dma_start3A_35 = arith.constant 0 : i32
    %dma_start3A_36 = arith.constant 0 : i32
    %dma_start3A_37 = tpu.memref_slice %arg8[%dma_start3A_26, %dma_start3A_35, %dma_start3A_36] : memref<5x80x64xf32, #tpu.memory_space<vmem>> -> memref<1x80x64xf32, #tpu.memory_space<vmem>>
    %dma_start3A_38 = tpu.memref_squeeze %dma_start3A_37 : memref<1x80x64xf32, #tpu.memory_space<vmem>> -> memref<80x64xf32, #tpu.memory_space<vmem>>
    tpu.enqueue_dma source(%dma_start3A_38 : memref<80x64xf32, #tpu.memory_space<vmem>>) target(%dma_start3A_34 : memref<80x64xf32, #tpu.memory_space<vmem_shared>>) target_semaphore(%arg16 : memref<!tpu.dma_semaphore, #tpu.memory_space<semaphore_mem>>)
    %add3A_39 = arith.constant 160 : i32
    %add3A_40 = arith.addi %mul3A_0, %add3A_39 : i32
    %dma_start3A_41 = arith.constant 0 : i32
    %dma_start3A_42 = arith.constant 0 : i32
    %dma_start3A_43 = arith.constant 0 : i32
    %dma_start3A_44 = tpu.memref_slice %arg8[%dma_start3A_41, %dma_start3A_42, %dma_start3A_43] : memref<5x80x64xf32, #tpu.memory_space<vmem>> -> memref<1x80x64xf32, #tpu.memory_space<vmem>>
    %dma_start3A_45 = tpu.memref_squeeze %dma_start3A_44 : memref<1x80x64xf32, #tpu.memory_space<vmem>> -> memref<80x64xf32, #tpu.memory_space<vmem>>
    %dma_start3A_46 = arith.constant 0 : i32
    %dma_start3A_47 = tpu.memref_slice %arg10[%add3A_40, %dma_start3A_46] : memref<10000x64xf32, #tpu.memory_space<vmem_shared>> -> memref<80x64xf32, #tpu.memory_space<vmem_shared>>
    %dma_start3A_48 = arith.constant 0 : i32
    %dma_start3A_49 = tpu.memref_slice %arg10[%add3A_40, %dma_start3A_48] : memref<10000x64xf32, #tpu.memory_space<vmem_shared>> -> memref<80x64xf32, #tpu.memory_space<vmem_shared>>
    %dma_start3A_50 = arith.constant 0 : i32
    %dma_start3A_51 = arith.constant 0 : i32
    %dma_start3A_52 = tpu.memref_slice %arg8[%dma_start3A_41, %dma_start3A_50, %dma_start3A_51] : memref<5x80x64xf32, #tpu.memory_space<vmem>> -> memref<1x80x64xf32, #tpu.memory_space<vmem>>
    %dma_start3A_53 = tpu.memref_squeeze %dma_start3A_52 : memref<1x80x64xf32, #tpu.memory_space<vmem>> -> memref<80x64xf32, #tpu.memory_space<vmem>>
    tpu.enqueue_dma source(%dma_start3A_53 : memref<80x64xf32, #tpu.memory_space<vmem>>) target(%dma_start3A_49 : memref<80x64xf32, #tpu.memory_space<vmem_shared>>) target_semaphore(%arg16 : memref<!tpu.dma_semaphore, #tpu.memory_space<semaphore_mem>>)
    %add3A_54 = arith.constant 240 : i32
    %add3A_55 = arith.addi %mul3A_0, %add3A_54 : i32
    %dma_start3A_56 = arith.constant 0 : i32
    %dma_start3A_57 = arith.constant 0 : i32
    %dma_start3A_58 = arith.constant 0 : i32
    %dma_start3A_59 = tpu.memref_slice %arg8[%dma_start3A_56, %dma_start3A_57, %dma_start3A_58] : memref<5x80x64xf32, #tpu.memory_space<vmem>> -> memref<1x80x64xf32, #tpu.memory_space<vmem>>
    %dma_start3A_60 = tpu.memref_squeeze %dma_start3A_59 : memref<1x80x64xf32, #tpu.memory_space<vmem>> -> memref<80x64xf32, #tpu.memory_space<vmem>>
    %dma_start3A_61 = arith.constant 0 : i32
    %dma_start3A_62 = tpu.memref_slice %arg10[%add3A_55, %dma_start3A_61] : memref<10000x64xf32, #tpu.memory_space<vmem_shared>> -> memref<80x64xf32, #tpu.memory_space<vmem_shared>>
    %dma_start3A_63 = arith.constant 0 : i32
    %dma_start3A_64 = tpu.memref_slice %arg10[%add3A_55, %dma_start3A_63] : memref<10000x64xf32, #tpu.memory_space<vmem_shared>> -> memref<80x64xf32, #tpu.memory_space<vmem_shared>>
    %dma_start3A_65 = arith.constant 0 : i32
    %dma_start3A_66 = arith.constant 0 : i32
    %dma_start3A_67 = tpu.memref_slice %arg8[%dma_start3A_56, %dma_start3A_65, %dma_start3A_66] : memref<5x80x64xf32, #tpu.memory_space<vmem>> -> memref<1x80x64xf32, #tpu.memory_space<vmem>>
    %dma_start3A_68 = tpu.memref_squeeze %dma_start3A_67 : memref<1x80x64xf32, #tpu.memory_space<vmem>> -> memref<80x64xf32, #tpu.memory_space<vmem>>
    tpu.enqueue_dma source(%dma_start3A_68 : memref<80x64xf32, #tpu.memory_space<vmem>>) target(%dma_start3A_64 : memref<80x64xf32, #tpu.memory_space<vmem_shared>>) target_semaphore(%arg16 : memref<!tpu.dma_semaphore, #tpu.memory_space<semaphore_mem>>)
    %add3A_69 = arith.constant 320 : i32
    %add3A_70 = arith.addi %mul3A_0, %add3A_69 : i32
    %dma_start3A_71 = arith.constant 0 : i32
    %dma_start3A_72 = arith.constant 0 : i32
    %dma_start3A_73 = arith.constant 0 : i32
    %dma_start3A_74 = tpu.memref_slice %arg8[%dma_start3A_71, %dma_start3A_72, %dma_start3A_73] : memref<5x80x64xf32, #tpu.memory_space<vmem>> -> memref<1x80x64xf32, #tpu.memory_space<vmem>>
    %dma_start3A_75 = tpu.memref_squeeze %dma_start3A_74 : memref<1x80x64xf32, #tpu.memory_space<vmem>> -> memref<80x64xf32, #tpu.memory_space<vmem>>
    %dma_start3A_76 = arith.constant 0 : i32
    %dma_start3A_77 = tpu.memref_slice %arg10[%add3A_70, %dma_start3A_76] : memref<10000x64xf32, #tpu.memory_space<vmem_shared>> -> memref<80x64xf32, #tpu.memory_space<vmem_shared>>
    %dma_start3A_78 = arith.constant 0 : i32
    %dma_start3A_79 = tpu.memref_slice %arg10[%add3A_70, %dma_start3A_78] : memref<10000x64xf32, #tpu.memory_space<vmem_shared>> -> memref<80x64xf32, #tpu.memory_space<vmem_shared>>
    %dma_start3A_80 = arith.constant 0 : i32
    %dma_start3A_81 = arith.constant 0 : i32
    %dma_start3A_82 = tpu.memref_slice %arg8[%dma_start3A_71, %dma_start3A_80, %dma_start3A_81] : memref<5x80x64xf32, #tpu.memory_space<vmem>> -> memref<1x80x64xf32, #tpu.memory_space<vmem>>
    %dma_start3A_83 = tpu.memref_squeeze %dma_start3A_82 : memref<1x80x64xf32, #tpu.memory_space<vmem>> -> memref<80x64xf32, #tpu.memory_space<vmem>>
    tpu.enqueue_dma source(%dma_start3A_83 : memref<80x64xf32, #tpu.memory_space<vmem>>) target(%dma_start3A_79 : memref<80x64xf32, #tpu.memory_space<vmem_shared>>) target_semaphore(%arg16 : memref<!tpu.dma_semaphore, #tpu.memory_space<semaphore_mem>>)
    %add3A_84 = arith.constant 400 : i32
    %add3A_85 = arith.addi %mul3A_0, %add3A_84 : i32
    %dma_start3A_86 = arith.constant 0 : i32
    %dma_start3A_87 = arith.constant 0 : i32
    %dma_start3A_88 = arith.constant 0 : i32
    %dma_start3A_89 = tpu.memref_slice %arg8[%dma_start3A_86, %dma_start3A_87, %dma_start3A_88] : memref<5x80x64xf32, #tpu.memory_space<vmem>> -> memref<1x80x64xf32, #tpu.memory_space<vmem>>
    %dma_start3A_90 = tpu.memref_squeeze %dma_start3A_89 : memref<1x80x64xf32, #tpu.memory_space<vmem>> -> memref<80x64xf32, #tpu.memory_space<vmem>>
    %dma_start3A_91 = arith.constant 0 : i32
    %dma_start3A_92 = tpu.memref_slice %arg10[%add3A_85, %dma_start3A_91] : memref<10000x64xf32, #tpu.memory_space<vmem_shared>> -> memref<80x64xf32, #tpu.memory_space<vmem_shared>>
    %dma_start3A_93 = arith.constant 0 : i32
    %dma_start3A_94 = tpu.memref_slice %arg10[%add3A_85, %dma_start3A_93] : memref<10000x64xf32, #tpu.memory_space<vmem_shared>> -> memref<80x64xf32, #tpu.memory_space<vmem_shared>>
    %dma_start3A_95 = arith.constant 0 : i32
    %dma_start3A_96 = arith.constant 0 : i32
    %dma_start3A_97 = tpu.memref_slice %arg8[%dma_start3A_86, %dma_start3A_95, %dma_start3A_96] : memref<5x80x64xf32, #tpu.memory_space<vmem>> -> memref<1x80x64xf32, #tpu.memory_space<vmem>>
    %dma_start3A_98 = tpu.memref_squeeze %dma_start3A_97 : memref<1x80x64xf32, #tpu.memory_space<vmem>> -> memref<80x64xf32, #tpu.memory_space<vmem>>
    tpu.enqueue_dma source(%dma_start3A_98 : memref<80x64xf32, #tpu.memory_space<vmem>>) target(%dma_start3A_94 : memref<80x64xf32, #tpu.memory_space<vmem_shared>>) target_semaphore(%arg16 : memref<!tpu.dma_semaphore, #tpu.memory_space<semaphore_mem>>)
    %add3A_99 = arith.constant 480 : i32
    %add3A_100 = arith.addi %mul3A_0, %add3A_99 : i32
    %dma_start3A_101 = arith.constant 0 : i32
    %dma_start3A_102 = arith.constant 0 : i32
    %dma_start3A_103 = arith.constant 0 : i32
    %dma_start3A_104 = tpu.memref_slice %arg8[%dma_start3A_101, %dma_start3A_102, %dma_start3A_103] : memref<5x80x64xf32, #tpu.memory_space<vmem>> -> memref<1x80x64xf32, #tpu.memory_space<vmem>>
    %dma_start3A_105 = tpu.memref_squeeze %dma_start3A_104 : memref<1x80x64xf32, #tpu.memory_space<vmem>> -> memref<80x64xf32, #tpu.memory_space<vmem>>
    %dma_start3A_106 = arith.constant 0 : i32
    %dma_start3A_107 = tpu.memref_slice %arg10[%add3A_100, %dma_start3A_106] : memref<10000x64xf32, #tpu.memory_space<vmem_shared>> -> memref<80x64xf32, #tpu.memory_space<vmem_shared>>
    %dma_start3A_108 = arith.constant 0 : i32
    %dma_start3A_109 = tpu.memref_slice %arg10[%add3A_100, %dma_start3A_108] : memref<10000x64xf32, #tpu.memory_space<vmem_shared>> -> memref<80x64xf32, #tpu.memory_space<vmem_shared>>
    %dma_start3A_110 = arith.constant 0 : i32
    %dma_start3A_111 = arith.constant 0 : i32
    %dma_start3A_112 = tpu.memref_slice %arg8[%dma_start3A_101, %dma_start3A_110, %dma_start3A_111] : memref<5x80x64xf32, #tpu.memory_space<vmem>> -> memref<1x80x64xf32, #tpu.memory_space<vmem>>
    %dma_start3A_113 = tpu.memref_squeeze %dma_start3A_112 : memref<1x80x64xf32, #tpu.memory_space<vmem>> -> memref<80x64xf32, #tpu.memory_space<vmem>>
    tpu.enqueue_dma source(%dma_start3A_113 : memref<80x64xf32, #tpu.memory_space<vmem>>) target(%dma_start3A_109 : memref<80x64xf32, #tpu.memory_space<vmem_shared>>) target_semaphore(%arg16 : memref<!tpu.dma_semaphore, #tpu.memory_space<semaphore_mem>>)
    %add3A_114 = arith.constant 560 : i32
    %add3A_115 = arith.addi %mul3A_0, %add3A_114 : i32
    %dma_start3A_116 = arith.constant 0 : i32
    %dma_start3A_117 = arith.constant 0 : i32
    %dma_start3A_118 = arith.constant 0 : i32
    %dma_start3A_119 = tpu.memref_slice %arg8[%dma_start3A_116, %dma_start3A_117, %dma_start3A_118] : memref<5x80x64xf32, #tpu.memory_space<vmem>> -> memref<1x80x64xf32, #tpu.memory_space<vmem>>
    %dma_start3A_120 = tpu.memref_squeeze %dma_start3A_119 : memref<1x80x64xf32, #tpu.memory_space<vmem>> -> memref<80x64xf32, #tpu.memory_space<vmem>>
    %dma_start3A_121 = arith.constant 0 : i32
    %dma_start3A_122 = tpu.memref_slice %arg10[%add3A_115, %dma_start3A_121] : memref<10000x64xf32, #tpu.memory_space<vmem_shared>> -> memref<80x64xf32, #tpu.memory_space<vmem_shared>>
    %dma_start3A_123 = arith.constant 0 : i32
    %dma_start3A_124 = tpu.memref_slice %arg10[%add3A_115, %dma_start3A_123] : memref<10000x64xf32, #tpu.memory_space<vmem_shared>> -> memref<80x64xf32, #tpu.memory_space<vmem_shared>>
    %dma_start3A_125 = arith.constant 0 : i32
    %dma_start3A_126 = arith.constant 0 : i32
    %dma_start3A_127 = tpu.memref_slice %arg8[%dma_start3A_116, %dma_start3A_125, %dma_start3A_126] : memref<5x80x64xf32, #tpu.memory_space<vmem>> -> memref<1x80x64xf32, #tpu.memory_space<vmem>>
    %dma_start3A_128 = tpu.memref_squeeze %dma_start3A_127 : memref<1x80x64xf32, #tpu.memory_space<vmem>> -> memref<80x64xf32, #tpu.memory_space<vmem>>
    tpu.enqueue_dma source(%dma_start3A_128 : memref<80x64xf32, #tpu.memory_space<vmem>>) target(%dma_start3A_124 : memref<80x64xf32, #tpu.memory_space<vmem_shared>>) target_semaphore(%arg16 : memref<!tpu.dma_semaphore, #tpu.memory_space<semaphore_mem>>)
    %mul3A_129 = arith.constant 64 : i32
    %mul3A_130 = arith.muli %arg0, %mul3A_129 : i32
    %dma_wait3A = arith.constant 0 : i32
    %dma_wait3A_131 = tpu.memref_slice %arg9[%mul3A_0, %dma_wait3A] : memref<10000x64xf32, #tpu.memory_space<vmem_shared>> -> memref<640x64xf32, #tpu.memory_space<vmem_shared>>
    %dma_wait3A_132 = tpu.memref_slice %arg2[%mul3A_0, %mul3A_130] : memref<10000x128xf32, #tpu.memory_space<hbm>> -> memref<640x64xf32, #tpu.memory_space<hbm>>
    tpu.wait_dma2 semaphore(%arg11 : memref<!tpu.dma_semaphore, #tpu.memory_space<semaphore_mem>>) src(%dma_wait3A_132 : memref<640x64xf32, #tpu.memory_space<hbm>>) dst(%dma_wait3A_131 : memref<640x64xf32, #tpu.memory_space<vmem_shared>>)
    %add3A_133 = arith.constant 0 : i32
    %add3A_134 = arith.addi %mul3A_0, %add3A_133 : i32
    %dma_wait3A_135 = arith.constant 0 : i32
    %dma_wait3A_136 = arith.constant 0 : i32
    %dma_wait3A_137 = arith.constant 0 : i32
    %dma_wait3A_138 = tpu.memref_slice %arg8[%dma_wait3A_135, %dma_wait3A_136, %dma_wait3A_137] : memref<5x80x64xf32, #tpu.memory_space<vmem>> -> memref<1x80x64xf32, #tpu.memory_space<vmem>>
    %dma_wait3A_139 = tpu.memref_squeeze %dma_wait3A_138 : memref<1x80x64xf32, #tpu.memory_space<vmem>> -> memref<80x64xf32, #tpu.memory_space<vmem>>
    %dma_wait3A_140 = arith.constant 0 : i32
    %dma_wait3A_141 = tpu.memref_slice %arg10[%add3A_134, %dma_wait3A_140] : memref<10000x64xf32, #tpu.memory_space<vmem_shared>> -> memref<80x64xf32, #tpu.memory_space<vmem_shared>>
    %dma_wait3A_142 = arith.constant 0 : i32
    %dma_wait3A_143 = tpu.memref_slice %arg10[%add3A_134, %dma_wait3A_142] : memref<10000x64xf32, #tpu.memory_space<vmem_shared>> -> memref<80x64xf32, #tpu.memory_space<vmem_shared>>
    %dma_wait3A_144 = arith.constant 0 : i32
    %dma_wait3A_145 = arith.constant 0 : i32
    %dma_wait3A_146 = tpu.memref_slice %arg8[%dma_wait3A_135, %dma_wait3A_144, %dma_wait3A_145] : memref<5x80x64xf32, #tpu.memory_space<vmem>> -> memref<1x80x64xf32, #tpu.memory_space<vmem>>
    %dma_wait3A_147 = tpu.memref_squeeze %dma_wait3A_146 : memref<1x80x64xf32, #tpu.memory_space<vmem>> -> memref<80x64xf32, #tpu.memory_space<vmem>>
    tpu.wait_dma2 semaphore(%arg16 : memref<!tpu.dma_semaphore, #tpu.memory_space<semaphore_mem>>) src(%dma_wait3A_147 : memref<80x64xf32, #tpu.memory_space<vmem>>) dst(%dma_wait3A_143 : memref<80x64xf32, #tpu.memory_space<vmem_shared>>)
    %add3A_148 = arith.constant 80 : i32
    %add3A_149 = arith.addi %mul3A_0, %add3A_148 : i32
    %dma_wait3A_150 = arith.constant 0 : i32
    %dma_wait3A_151 = arith.constant 0 : i32
    %dma_wait3A_152 = arith.constant 0 : i32
    %dma_wait3A_153 = tpu.memref_slice %arg8[%dma_wait3A_150, %dma_wait3A_151, %dma_wait3A_152] : memref<5x80x64xf32, #tpu.memory_space<vmem>> -> memref<1x80x64xf32, #tpu.memory_space<vmem>>
    %dma_wait3A_154 = tpu.memref_squeeze %dma_wait3A_153 : memref<1x80x64xf32, #tpu.memory_space<vmem>> -> memref<80x64xf32, #tpu.memory_space<vmem>>
    %dma_wait3A_155 = arith.constant 0 : i32
    %dma_wait3A_156 = tpu.memref_slice %arg10[%add3A_149, %dma_wait3A_155] : memref<10000x64xf32, #tpu.memory_space<vmem_shared>> -> memref<80x64xf32, #tpu.memory_space<vmem_shared>>
    %dma_wait3A_157 = arith.constant 0 : i32
    %dma_wait3A_158 = tpu.memref_slice %arg10[%add3A_149, %dma_wait3A_157] : memref<10000x64xf32, #tpu.memory_space<vmem_shared>> -> memref<80x64xf32, #tpu.memory_space<vmem_shared>>
    %dma_wait3A_159 = arith.constant 0 : i32
    %dma_wait3A_160 = arith.constant 0 : i32
    %dma_wait3A_161 = tpu.memref_slice %arg8[%dma_wait3A_150, %dma_wait3A_159, %dma_wait3A_160] : memref<5x80x64xf32, #tpu.memory_space<vmem>> -> memref<1x80x64xf32, #tpu.memory_space<vmem>>
    %dma_wait3A_162 = tpu.memref_squeeze %dma_wait3A_161 : memref<1x80x64xf32, #tpu.memory_space<vmem>> -> memref<80x64xf32, #tpu.memory_space<vmem>>
    tpu.wait_dma2 semaphore(%arg16 : memref<!tpu.dma_semaphore, #tpu.memory_space<semaphore_mem>>) src(%dma_wait3A_162 : memref<80x64xf32, #tpu.memory_space<vmem>>) dst(%dma_wait3A_158 : memref<80x64xf32, #tpu.memory_space<vmem_shared>>)
    %add3A_163 = arith.constant 160 : i32
    %add3A_164 = arith.addi %mul3A_0, %add3A_163 : i32
    %dma_wait3A_165 = arith.constant 0 : i32
    %dma_wait3A_166 = arith.constant 0 : i32
    %dma_wait3A_167 = arith.constant 0 : i32
    %dma_wait3A_168 = tpu.memref_slice %arg8[%dma_wait3A_165, %dma_wait3A_166, %dma_wait3A_167] : memref<5x80x64xf32, #tpu.memory_space<vmem>> -> memref<1x80x64xf32, #tpu.memory_space<vmem>>
    %dma_wait3A_169 = tpu.memref_squeeze %dma_wait3A_168 : memref<1x80x64xf32, #tpu.memory_space<vmem>> -> memref<80x64xf32, #tpu.memory_space<vmem>>
    %dma_wait3A_170 = arith.constant 0 : i32
    %dma_wait3A_171 = tpu.memref_slice %arg10[%add3A_164, %dma_wait3A_170] : memref<10000x64xf32, #tpu.memory_space<vmem_shared>> -> memref<80x64xf32, #tpu.memory_space<vmem_shared>>
    %dma_wait3A_172 = arith.constant 0 : i32
    %dma_wait3A_173 = tpu.memref_slice %arg10[%add3A_164, %dma_wait3A_172] : memref<10000x64xf32, #tpu.memory_space<vmem_shared>> -> memref<80x64xf32, #tpu.memory_space<vmem_shared>>
    %dma_wait3A_174 = arith.constant 0 : i32
    %dma_wait3A_175 = arith.constant 0 : i32
    %dma_wait3A_176 = tpu.memref_slice %arg8[%dma_wait3A_165, %dma_wait3A_174, %dma_wait3A_175] : memref<5x80x64xf32, #tpu.memory_space<vmem>> -> memref<1x80x64xf32, #tpu.memory_space<vmem>>
    %dma_wait3A_177 = tpu.memref_squeeze %dma_wait3A_176 : memref<1x80x64xf32, #tpu.memory_space<vmem>> -> memref<80x64xf32, #tpu.memory_space<vmem>>
    tpu.wait_dma2 semaphore(%arg16 : memref<!tpu.dma_semaphore, #tpu.memory_space<semaphore_mem>>) src(%dma_wait3A_177 : memref<80x64xf32, #tpu.memory_space<vmem>>) dst(%dma_wait3A_173 : memref<80x64xf32, #tpu.memory_space<vmem_shared>>)
    %add3A_178 = arith.constant 240 : i32
    %add3A_179 = arith.addi %mul3A_0, %add3A_178 : i32
    %dma_wait3A_180 = arith.constant 0 : i32
    %dma_wait3A_181 = arith.constant 0 : i32
    %dma_wait3A_182 = arith.constant 0 : i32
    %dma_wait3A_183 = tpu.memref_slice %arg8[%dma_wait3A_180, %dma_wait3A_181, %dma_wait3A_182] : memref<5x80x64xf32, #tpu.memory_space<vmem>> -> memref<1x80x64xf32, #tpu.memory_space<vmem>>
    %dma_wait3A_184 = tpu.memref_squeeze %dma_wait3A_183 : memref<1x80x64xf32, #tpu.memory_space<vmem>> -> memref<80x64xf32, #tpu.memory_space<vmem>>
    %dma_wait3A_185 = arith.constant 0 : i32
    %dma_wait3A_186 = tpu.memref_slice %arg10[%add3A_179, %dma_wait3A_185] : memref<10000x64xf32, #tpu.memory_space<vmem_shared>> -> memref<80x64xf32, #tpu.memory_space<vmem_shared>>
    %dma_wait3A_187 = arith.constant 0 : i32
    %dma_wait3A_188 = tpu.memref_slice %arg10[%add3A_179, %dma_wait3A_187] : memref<10000x64xf32, #tpu.memory_space<vmem_shared>> -> memref<80x64xf32, #tpu.memory_space<vmem_shared>>
    %dma_wait3A_189 = arith.constant 0 : i32
    %dma_wait3A_190 = arith.constant 0 : i32
    %dma_wait3A_191 = tpu.memref_slice %arg8[%dma_wait3A_180, %dma_wait3A_189, %dma_wait3A_190] : memref<5x80x64xf32, #tpu.memory_space<vmem>> -> memref<1x80x64xf32, #tpu.memory_space<vmem>>
    %dma_wait3A_192 = tpu.memref_squeeze %dma_wait3A_191 : memref<1x80x64xf32, #tpu.memory_space<vmem>> -> memref<80x64xf32, #tpu.memory_space<vmem>>
    tpu.wait_dma2 semaphore(%arg16 : memref<!tpu.dma_semaphore, #tpu.memory_space<semaphore_mem>>) src(%dma_wait3A_192 : memref<80x64xf32, #tpu.memory_space<vmem>>) dst(%dma_wait3A_188 : memref<80x64xf32, #tpu.memory_space<vmem_shared>>)
    %add3A_193 = arith.constant 320 : i32
    %add3A_194 = arith.addi %mul3A_0, %add3A_193 : i32
    %dma_wait3A_195 = arith.constant 0 : i32
    %dma_wait3A_196 = arith.constant 0 : i32
    %dma_wait3A_197 = arith.constant 0 : i32
    %dma_wait3A_198 = tpu.memref_slice %arg8[%dma_wait3A_195, %dma_wait3A_196, %dma_wait3A_197] : memref<5x80x64xf32, #tpu.memory_space<vmem>> -> memref<1x80x64xf32, #tpu.memory_space<vmem>>
    %dma_wait3A_199 = tpu.memref_squeeze %dma_wait3A_198 : memref<1x80x64xf32, #tpu.memory_space<vmem>> -> memref<80x64xf32, #tpu.memory_space<vmem>>
    %dma_wait3A_200 = arith.constant 0 : i32
    %dma_wait3A_201 = tpu.memref_slice %arg10[%add3A_194, %dma_wait3A_200] : memref<10000x64xf32, #tpu.memory_space<vmem_shared>> -> memref<80x64xf32, #tpu.memory_space<vmem_shared>>
    %dma_wait3A_202 = arith.constant 0 : i32
    %dma_wait3A_203 = tpu.memref_slice %arg10[%add3A_194, %dma_wait3A_202] : memref<10000x64xf32, #tpu.memory_space<vmem_shared>> -> memref<80x64xf32, #tpu.memory_space<vmem_shared>>
    %dma_wait3A_204 = arith.constant 0 : i32
    %dma_wait3A_205 = arith.constant 0 : i32
    %dma_wait3A_206 = tpu.memref_slice %arg8[%dma_wait3A_195, %dma_wait3A_204, %dma_wait3A_205] : memref<5x80x64xf32, #tpu.memory_space<vmem>> -> memref<1x80x64xf32, #tpu.memory_space<vmem>>
    %dma_wait3A_207 = tpu.memref_squeeze %dma_wait3A_206 : memref<1x80x64xf32, #tpu.memory_space<vmem>> -> memref<80x64xf32, #tpu.memory_space<vmem>>
    tpu.wait_dma2 semaphore(%arg16 : memref<!tpu.dma_semaphore, #tpu.memory_space<semaphore_mem>>) src(%dma_wait3A_207 : memref<80x64xf32, #tpu.memory_space<vmem>>) dst(%dma_wait3A_203 : memref<80x64xf32, #tpu.memory_space<vmem_shared>>)
    %add3A_208 = arith.constant 400 : i32
    %add3A_209 = arith.addi %mul3A_0, %add3A_208 : i32
    %dma_wait3A_210 = arith.constant 0 : i32
    %dma_wait3A_211 = arith.constant 0 : i32
    %dma_wait3A_212 = arith.constant 0 : i32
    %dma_wait3A_213 = tpu.memref_slice %arg8[%dma_wait3A_210, %dma_wait3A_211, %dma_wait3A_212] : memref<5x80x64xf32, #tpu.memory_space<vmem>> -> memref<1x80x64xf32, #tpu.memory_space<vmem>>
    %dma_wait3A_214 = tpu.memref_squeeze %dma_wait3A_213 : memref<1x80x64xf32, #tpu.memory_space<vmem>> -> memref<80x64xf32, #tpu.memory_space<vmem>>
    %dma_wait3A_215 = arith.constant 0 : i32
    %dma_wait3A_216 = tpu.memref_slice %arg10[%add3A_209, %dma_wait3A_215] : memref<10000x64xf32, #tpu.memory_space<vmem_shared>> -> memref<80x64xf32, #tpu.memory_space<vmem_shared>>
    %dma_wait3A_217 = arith.constant 0 : i32
    %dma_wait3A_218 = tpu.memref_slice %arg10[%add3A_209, %dma_wait3A_217] : memref<10000x64xf32, #tpu.memory_space<vmem_shared>> -> memref<80x64xf32, #tpu.memory_space<vmem_shared>>
    %dma_wait3A_219 = arith.constant 0 : i32
    %dma_wait3A_220 = arith.constant 0 : i32
    %dma_wait3A_221 = tpu.memref_slice %arg8[%dma_wait3A_210, %dma_wait3A_219, %dma_wait3A_220] : memref<5x80x64xf32, #tpu.memory_space<vmem>> -> memref<1x80x64xf32, #tpu.memory_space<vmem>>
    %dma_wait3A_222 = tpu.memref_squeeze %dma_wait3A_221 : memref<1x80x64xf32, #tpu.memory_space<vmem>> -> memref<80x64xf32, #tpu.memory_space<vmem>>
    tpu.wait_dma2 semaphore(%arg16 : memref<!tpu.dma_semaphore, #tpu.memory_space<semaphore_mem>>) src(%dma_wait3A_222 : memref<80x64xf32, #tpu.memory_space<vmem>>) dst(%dma_wait3A_218 : memref<80x64xf32, #tpu.memory_space<vmem_shared>>)
    %add3A_223 = arith.constant 480 : i32
    %add3A_224 = arith.addi %mul3A_0, %add3A_223 : i32
    %dma_wait3A_225 = arith.constant 0 : i32
    %dma_wait3A_226 = arith.constant 0 : i32
    %dma_wait3A_227 = arith.constant 0 : i32
    %dma_wait3A_228 = tpu.memref_slice %arg8[%dma_wait3A_225, %dma_wait3A_226, %dma_wait3A_227] : memref<5x80x64xf32, #tpu.memory_space<vmem>> -> memref<1x80x64xf32, #tpu.memory_space<vmem>>
    %dma_wait3A_229 = tpu.memref_squeeze %dma_wait3A_228 : memref<1x80x64xf32, #tpu.memory_space<vmem>> -> memref<80x64xf32, #tpu.memory_space<vmem>>
    %dma_wait3A_230 = arith.constant 0 : i32
    %dma_wait3A_231 = tpu.memref_slice %arg10[%add3A_224, %dma_wait3A_230] : memref<10000x64xf32, #tpu.memory_space<vmem_shared>> -> memref<80x64xf32, #tpu.memory_space<vmem_shared>>
    %dma_wait3A_232 = arith.constant 0 : i32
    %dma_wait3A_233 = tpu.memref_slice %arg10[%add3A_224, %dma_wait3A_232] : memref<10000x64xf32, #tpu.memory_space<vmem_shared>> -> memref<80x64xf32, #tpu.memory_space<vmem_shared>>
    %dma_wait3A_234 = arith.constant 0 : i32
    %dma_wait3A_235 = arith.constant 0 : i32
    %dma_wait3A_236 = tpu.memref_slice %arg8[%dma_wait3A_225, %dma_wait3A_234, %dma_wait3A_235] : memref<5x80x64xf32, #tpu.memory_space<vmem>> -> memref<1x80x64xf32, #tpu.memory_space<vmem>>
    %dma_wait3A_237 = tpu.memref_squeeze %dma_wait3A_236 : memref<1x80x64xf32, #tpu.memory_space<vmem>> -> memref<80x64xf32, #tpu.memory_space<vmem>>
    tpu.wait_dma2 semaphore(%arg16 : memref<!tpu.dma_semaphore, #tpu.memory_space<semaphore_mem>>) src(%dma_wait3A_237 : memref<80x64xf32, #tpu.memory_space<vmem>>) dst(%dma_wait3A_233 : memref<80x64xf32, #tpu.memory_space<vmem_shared>>)
    %add3A_238 = arith.constant 560 : i32
    %add3A_239 = arith.addi %mul3A_0, %add3A_238 : i32
    %dma_wait3A_240 = arith.constant 0 : i32
    %dma_wait3A_241 = arith.constant 0 : i32
    %dma_wait3A_242 = arith.constant 0 : i32
    %dma_wait3A_243 = tpu.memref_slice %arg8[%dma_wait3A_240, %dma_wait3A_241, %dma_wait3A_242] : memref<5x80x64xf32, #tpu.memory_space<vmem>> -> memref<1x80x64xf32, #tpu.memory_space<vmem>>
    %dma_wait3A_244 = tpu.memref_squeeze %dma_wait3A_243 : memref<1x80x64xf32, #tpu.memory_space<vmem>> -> memref<80x64xf32, #tpu.memory_space<vmem>>
    %dma_wait3A_245 = arith.constant 0 : i32
    %dma_wait3A_246 = tpu.memref_slice %arg10[%add3A_239, %dma_wait3A_245] : memref<10000x64xf32, #tpu.memory_space<vmem_shared>> -> memref<80x64xf32, #tpu.memory_space<vmem_shared>>
    %dma_wait3A_247 = arith.constant 0 : i32
    %dma_wait3A_248 = tpu.memref_slice %arg10[%add3A_239, %dma_wait3A_247] : memref<10000x64xf32, #tpu.memory_space<vmem_shared>> -> memref<80x64xf32, #tpu.memory_space<vmem_shared>>
    %dma_wait3A_249 = arith.constant 0 : i32
    %dma_wait3A_250 = arith.constant 0 : i32
    %dma_wait3A_251 = tpu.memref_slice %arg8[%dma_wait3A_240, %dma_wait3A_249, %dma_wait3A_250] : memref<5x80x64xf32, #tpu.memory_space<vmem>> -> memref<1x80x64xf32, #tpu.memory_space<vmem>>
    %dma_wait3A_252 = tpu.memref_squeeze %dma_wait3A_251 : memref<1x80x64xf32, #tpu.memory_space<vmem>> -> memref<80x64xf32, #tpu.memory_space<vmem>>
    tpu.wait_dma2 semaphore(%arg16 : memref<!tpu.dma_semaphore, #tpu.memory_space<semaphore_mem>>) src(%dma_wait3A_252 : memref<80x64xf32, #tpu.memory_space<vmem>>) dst(%dma_wait3A_248 : memref<80x64xf32, #tpu.memory_space<vmem_shared>>)
    %barrier3A = arith.constant 0 : index
    tpu.barrier barrier_id(%barrier3A)
    %mul3A_253 = arith.constant 20000 : i32
    %mul3A_254 = arith.muli %arg1, %mul3A_253 : i32
    %add3A_255 = arith.constant 0 : i32
    %add3A_256 = arith.addi %mul3A_254, %add3A_255 : i32
    "tpu.region"() ({
      %run_scoped3A = tpu.sem_alloc : memref<!tpu.dma_semaphore, #tpu.memory_space<semaphore_mem>>
      %dma_start3A_374 = tpu.memref_slice %arg3[%add3A_256] : memref<320000xi32, #tpu.memory_space<hbm>> -> memref<10000xi32, #tpu.memory_space<hbm>>
      %dma_start3A_375 = tpu.memref_slice %arg3[%add3A_256] : memref<320000xi32, #tpu.memory_space<hbm>> -> memref<10000xi32, #tpu.memory_space<hbm>>
      tpu.enqueue_dma source(%dma_start3A_375 : memref<10000xi32, #tpu.memory_space<hbm>>) target(%arg6 : memref<10000xi32, #tpu.memory_space<vmem>>) target_semaphore(%run_scoped3A : memref<!tpu.dma_semaphore, #tpu.memory_space<semaphore_mem>>)
      %dma_wait3A_376 = tpu.memref_slice %arg3[%add3A_256] : memref<320000xi32, #tpu.memory_space<hbm>> -> memref<10000xi32, #tpu.memory_space<hbm>>
      %dma_wait3A_377 = tpu.memref_slice %arg3[%add3A_256] : memref<320000xi32, #tpu.memory_space<hbm>> -> memref<10000xi32, #tpu.memory_space<hbm>>
      tpu.wait_dma2 semaphore(%run_scoped3A : memref<!tpu.dma_semaphore, #tpu.memory_space<semaphore_mem>>) src(%dma_wait3A_377 : memref<10000xi32, #tpu.memory_space<hbm>>) dst(%arg6 : memref<10000xi32, #tpu.memory_space<vmem>>)
      tpu.yield
    }) : () -> ()
    "tpu.region"() ({
      %run_scoped3A = tpu.sem_alloc : memref<!tpu.dma_semaphore, #tpu.memory_space<semaphore_mem>>
      %dma_start3A_374 = tpu.memref_slice %arg4[%add3A_256] : memref<320000xi32, #tpu.memory_space<hbm>> -> memref<10000xi32, #tpu.memory_space<hbm>>
      %dma_start3A_375 = tpu.memref_slice %arg4[%add3A_256] : memref<320000xi32, #tpu.memory_space<hbm>> -> memref<10000xi32, #tpu.memory_space<hbm>>
      tpu.enqueue_dma source(%dma_start3A_375 : memref<10000xi32, #tpu.memory_space<hbm>>) target(%arg7 : memref<10000xi32, #tpu.memory_space<vmem>>) target_semaphore(%run_scoped3A : memref<!tpu.dma_semaphore, #tpu.memory_space<semaphore_mem>>)
      %dma_wait3A_376 = tpu.memref_slice %arg4[%add3A_256] : memref<320000xi32, #tpu.memory_space<hbm>> -> memref<10000xi32, #tpu.memory_space<hbm>>
      %dma_wait3A_377 = tpu.memref_slice %arg4[%add3A_256] : memref<320000xi32, #tpu.memory_space<hbm>> -> memref<10000xi32, #tpu.memory_space<hbm>>
      tpu.wait_dma2 semaphore(%run_scoped3A : memref<!tpu.dma_semaphore, #tpu.memory_space<semaphore_mem>>) src(%dma_wait3A_377 : memref<10000xi32, #tpu.memory_space<hbm>>) dst(%arg7 : memref<10000xi32, #tpu.memory_space<vmem>>)
      tpu.yield
    }) : () -> ()
    %dma_start3A_257 = arith.constant 0 : i32
    %dma_start3A_258 = arith.constant 0 : i32
    %dma_start3A_259 = arith.constant 0 : i32
    %dma_start3A_260 = tpu.memref_slice %arg8[%dma_start3A_257, %dma_start3A_258, %dma_start3A_259] : memref<5x80x64xf32, #tpu.memory_space<vmem>> -> memref<1x80x64xf32, #tpu.memory_space<vmem>>
    %dma_start3A_261 = tpu.memref_squeeze %dma_start3A_260 : memref<1x80x64xf32, #tpu.memory_space<vmem>> -> memref<80x64xf32, #tpu.memory_space<vmem>>
    %dma_start3A_262 = arith.constant 0 : i32
    %dma_start3A_263 = tpu.memref_slice %arg6[%dma_start3A_262] : memref<10000xi32, #tpu.memory_space<vmem>> -> memref<80xi32, #tpu.memory_space<vmem>>
    %dma_start3A_264 = arith.constant 0 : i32
    %dma_start3A_265 = arith.constant 0 : i32
    %dma_start3A_266 = tpu.memref_slice %arg9[%dma_start3A_264, %dma_start3A_265] : memref<10000x64xf32, #tpu.memory_space<vmem_shared>> -> memref<10000x64xf32, #tpu.memory_space<vmem_shared>>
    tpu.enqueue_indirect_dma source(%dma_start3A_266 : memref<10000x64xf32, #tpu.memory_space<vmem_shared>>) target(%dma_start3A_261 : memref<80x64xf32, #tpu.memory_space<vmem>>) offsets(%dma_start3A_263 : memref<80xi32, #tpu.memory_space<vmem>>) semaphore(%arg11 : memref<!tpu.dma_semaphore, #tpu.memory_space<semaphore_mem>>)
    %dma_start3A_267 = arith.constant 1 : i32
    %dma_start3A_268 = arith.constant 0 : i32
    %dma_start3A_269 = arith.constant 0 : i32
    %dma_start3A_270 = tpu.memref_slice %arg8[%dma_start3A_267, %dma_start3A_268, %dma_start3A_269] : memref<5x80x64xf32, #tpu.memory_space<vmem>> -> memref<1x80x64xf32, #tpu.memory_space<vmem>>
    %dma_start3A_271 = tpu.memref_squeeze %dma_start3A_270 : memref<1x80x64xf32, #tpu.memory_space<vmem>> -> memref<80x64xf32, #tpu.memory_space<vmem>>
    %dma_start3A_272 = arith.constant 80 : i32
    %dma_start3A_273 = tpu.memref_slice %arg6[%dma_start3A_272] : memref<10000xi32, #tpu.memory_space<vmem>> -> memref<80xi32, #tpu.memory_space<vmem>>
    %dma_start3A_274 = arith.constant 0 : i32
    %dma_start3A_275 = arith.constant 0 : i32
    %dma_start3A_276 = tpu.memref_slice %arg9[%dma_start3A_274, %dma_start3A_275] : memref<10000x64xf32, #tpu.memory_space<vmem_shared>> -> memref<10000x64xf32, #tpu.memory_space<vmem_shared>>
    tpu.enqueue_indirect_dma source(%dma_start3A_276 : memref<10000x64xf32, #tpu.memory_space<vmem_shared>>) target(%dma_start3A_271 : memref<80x64xf32, #tpu.memory_space<vmem>>) offsets(%dma_start3A_273 : memref<80xi32, #tpu.memory_space<vmem>>) semaphore(%arg12 : memref<!tpu.dma_semaphore, #tpu.memory_space<semaphore_mem>>)
    %dma_start3A_277 = arith.constant 2 : i32
    %dma_start3A_278 = arith.constant 0 : i32
    %dma_start3A_279 = arith.constant 0 : i32
    %dma_start3A_280 = tpu.memref_slice %arg8[%dma_start3A_277, %dma_start3A_278, %dma_start3A_279] : memref<5x80x64xf32, #tpu.memory_space<vmem>> -> memref<1x80x64xf32, #tpu.memory_space<vmem>>
    %dma_start3A_281 = tpu.memref_squeeze %dma_start3A_280 : memref<1x80x64xf32, #tpu.memory_space<vmem>> -> memref<80x64xf32, #tpu.memory_space<vmem>>
    %dma_start3A_282 = arith.constant 160 : i32
    %dma_start3A_283 = tpu.memref_slice %arg6[%dma_start3A_282] : memref<10000xi32, #tpu.memory_space<vmem>> -> memref<80xi32, #tpu.memory_space<vmem>>
    %dma_start3A_284 = arith.constant 0 : i32
    %dma_start3A_285 = arith.constant 0 : i32
    %dma_start3A_286 = tpu.memref_slice %arg9[%dma_start3A_284, %dma_start3A_285] : memref<10000x64xf32, #tpu.memory_space<vmem_shared>> -> memref<10000x64xf32, #tpu.memory_space<vmem_shared>>
    tpu.enqueue_indirect_dma source(%dma_start3A_286 : memref<10000x64xf32, #tpu.memory_space<vmem_shared>>) target(%dma_start3A_281 : memref<80x64xf32, #tpu.memory_space<vmem>>) offsets(%dma_start3A_283 : memref<80xi32, #tpu.memory_space<vmem>>) semaphore(%arg13 : memref<!tpu.dma_semaphore, #tpu.memory_space<semaphore_mem>>)
    %dma_start3A_287 = arith.constant 3 : i32
    %dma_start3A_288 = arith.constant 0 : i32
    %dma_start3A_289 = arith.constant 0 : i32
    %dma_start3A_290 = tpu.memref_slice %arg8[%dma_start3A_287, %dma_start3A_288, %dma_start3A_289] : memref<5x80x64xf32, #tpu.memory_space<vmem>> -> memref<1x80x64xf32, #tpu.memory_space<vmem>>
    %dma_start3A_291 = tpu.memref_squeeze %dma_start3A_290 : memref<1x80x64xf32, #tpu.memory_space<vmem>> -> memref<80x64xf32, #tpu.memory_space<vmem>>
    %dma_start3A_292 = arith.constant 240 : i32
    %dma_start3A_293 = tpu.memref_slice %arg6[%dma_start3A_292] : memref<10000xi32, #tpu.memory_space<vmem>> -> memref<80xi32, #tpu.memory_space<vmem>>
    %dma_start3A_294 = arith.constant 0 : i32
    %dma_start3A_295 = arith.constant 0 : i32
    %dma_start3A_296 = tpu.memref_slice %arg9[%dma_start3A_294, %dma_start3A_295] : memref<10000x64xf32, #tpu.memory_space<vmem_shared>> -> memref<10000x64xf32, #tpu.memory_space<vmem_shared>>
    tpu.enqueue_indirect_dma source(%dma_start3A_296 : memref<10000x64xf32, #tpu.memory_space<vmem_shared>>) target(%dma_start3A_291 : memref<80x64xf32, #tpu.memory_space<vmem>>) offsets(%dma_start3A_293 : memref<80xi32, #tpu.memory_space<vmem>>) semaphore(%arg14 : memref<!tpu.dma_semaphore, #tpu.memory_space<semaphore_mem>>)
    %dma_start3A_297 = arith.constant 4 : i32
    %dma_start3A_298 = arith.constant 0 : i32
    %dma_start3A_299 = arith.constant 0 : i32
    %dma_start3A_300 = tpu.memref_slice %arg8[%dma_start3A_297, %dma_start3A_298, %dma_start3A_299] : memref<5x80x64xf32, #tpu.memory_space<vmem>> -> memref<1x80x64xf32, #tpu.memory_space<vmem>>
    %dma_start3A_301 = tpu.memref_squeeze %dma_start3A_300 : memref<1x80x64xf32, #tpu.memory_space<vmem>> -> memref<80x64xf32, #tpu.memory_space<vmem>>
    %dma_start3A_302 = arith.constant 320 : i32
    %dma_start3A_303 = tpu.memref_slice %arg6[%dma_start3A_302] : memref<10000xi32, #tpu.memory_space<vmem>> -> memref<80xi32, #tpu.memory_space<vmem>>
    %dma_start3A_304 = arith.constant 0 : i32
    %dma_start3A_305 = arith.constant 0 : i32
    %dma_start3A_306 = tpu.memref_slice %arg9[%dma_start3A_304, %dma_start3A_305] : memref<10000x64xf32, #tpu.memory_space<vmem_shared>> -> memref<10000x64xf32, #tpu.memory_space<vmem_shared>>
    tpu.enqueue_indirect_dma source(%dma_start3A_306 : memref<10000x64xf32, #tpu.memory_space<vmem_shared>>) target(%dma_start3A_301 : memref<80x64xf32, #tpu.memory_space<vmem>>) offsets(%dma_start3A_303 : memref<80xi32, #tpu.memory_space<vmem>>) semaphore(%arg15 : memref<!tpu.dma_semaphore, #tpu.memory_space<semaphore_mem>>)
    %scan3A_307 = arith.constant 0 : i32
    %scan3A_308 = arith.constant 0 : i32
    %scan3A_309 = arith.constant 25 : i32
    %scan3A_310 = arith.addi %scan3A_308, %scan3A_309 : i32
    %scan3A_311 = arith.constant 1 : i32
    scf.for %scan3A_374 = %scan3A_308 to %scan3A_310 step %scan3A_311  : i32 {
      %mul3A_375 = arith.constant 5 : i32
      %mul3A_376 = arith.muli %scan3A_374, %mul3A_375 : i32
      %dma_wait3A_377 = arith.constant 0 : i32
      %dma_wait3A_378 = arith.constant 0 : i32
      %dma_wait3A_379 = arith.constant 0 : i32
      %dma_wait3A_380 = tpu.memref_slice %arg8[%dma_wait3A_377, %dma_wait3A_378, %dma_wait3A_379] : memref<5x80x64xf32, #tpu.memory_space<vmem>> -> memref<1x80x64xf32, #tpu.memory_space<vmem>>
      %dma_wait3A_381 = tpu.memref_squeeze %dma_wait3A_380 : memref<1x80x64xf32, #tpu.memory_space<vmem>> -> memref<80x64xf32, #tpu.memory_space<vmem>>
      %dma_wait3A_382 = arith.constant 0 : i32
      %dma_wait3A_383 = tpu.memref_slice %arg6[%dma_wait3A_382] : memref<10000xi32, #tpu.memory_space<vmem>> -> memref<80xi32, #tpu.memory_space<vmem>>
      %dma_wait3A_384 = arith.constant 0 : i32
      %dma_wait3A_385 = arith.constant 0 : i32
      %dma_wait3A_386 = tpu.memref_slice %arg9[%dma_wait3A_384, %dma_wait3A_385] : memref<10000x64xf32, #tpu.memory_space<vmem_shared>> -> memref<10000x64xf32, #tpu.memory_space<vmem_shared>>
      tpu.wait_indirect_dma semaphore(%arg11 : memref<!tpu.dma_semaphore, #tpu.memory_space<semaphore_mem>>) src(%dma_wait3A_386 : memref<10000x64xf32, #tpu.memory_space<vmem_shared>>) dst(%dma_wait3A_381 : memref<80x64xf32, #tpu.memory_space<vmem>>)
      %add3A_387 = arith.constant 0 : i32
      %add3A_388 = arith.addi %mul3A_376, %add3A_387 : i32
      %mul3A_389 = arith.constant 80 : i32
      %mul3A_390 = arith.muli %add3A_388, %mul3A_389 : i32
      %dma_start3A_391 = arith.constant 0 : i32
      %dma_start3A_392 = arith.constant 0 : i32
      %dma_start3A_393 = arith.constant 0 : i32
      %dma_start3A_394 = tpu.memref_slice %arg8[%dma_start3A_391, %dma_start3A_392, %dma_start3A_393] : memref<5x80x64xf32, #tpu.memory_space<vmem>> -> memref<1x80x64xf32, #tpu.memory_space<vmem>>
      %dma_start3A_395 = tpu.memref_squeeze %dma_start3A_394 : memref<1x80x64xf32, #tpu.memory_space<vmem>> -> memref<80x64xf32, #tpu.memory_space<vmem>>
      %dma_start3A_396 = tpu.memref_slice %arg7[%mul3A_390] : memref<10000xi32, #tpu.memory_space<vmem>> -> memref<80xi32, #tpu.memory_space<vmem>>
      %dma_start3A_397 = arith.constant 0 : i32
      %dma_start3A_398 = arith.constant 0 : i32
      %dma_start3A_399 = tpu.memref_slice %arg10[%dma_start3A_397, %dma_start3A_398] : memref<10000x64xf32, #tpu.memory_space<vmem_shared>> -> memref<10000x64xf32, #tpu.memory_space<vmem_shared>>
      tpu.enqueue_indirect_dma source(%dma_start3A_395 : memref<80x64xf32, #tpu.memory_space<vmem>>) target(%dma_start3A_399 : memref<10000x64xf32, #tpu.memory_space<vmem_shared>>) offsets(%dma_start3A_396 : memref<80xi32, #tpu.memory_space<vmem>>) semaphore(%arg16 : memref<!tpu.dma_semaphore, #tpu.memory_space<semaphore_mem>>) {add = true}
      %dma_wait3A_400 = arith.constant 1 : i32
      %dma_wait3A_401 = arith.constant 0 : i32
      %dma_wait3A_402 = arith.constant 0 : i32
      %dma_wait3A_403 = tpu.memref_slice %arg8[%dma_wait3A_400, %dma_wait3A_401, %dma_wait3A_402] : memref<5x80x64xf32, #tpu.memory_space<vmem>> -> memref<1x80x64xf32, #tpu.memory_space<vmem>>
      %dma_wait3A_404 = tpu.memref_squeeze %dma_wait3A_403 : memref<1x80x64xf32, #tpu.memory_space<vmem>> -> memref<80x64xf32, #tpu.memory_space<vmem>>
      %dma_wait3A_405 = arith.constant 0 : i32
      %dma_wait3A_406 = tpu.memref_slice %arg6[%dma_wait3A_405] : memref<10000xi32, #tpu.memory_space<vmem>> -> memref<80xi32, #tpu.memory_space<vmem>>
      %dma_wait3A_407 = arith.constant 0 : i32
      %dma_wait3A_408 = arith.constant 0 : i32
      %dma_wait3A_409 = tpu.memref_slice %arg9[%dma_wait3A_407, %dma_wait3A_408] : memref<10000x64xf32, #tpu.memory_space<vmem_shared>> -> memref<10000x64xf32, #tpu.memory_space<vmem_shared>>
      tpu.wait_indirect_dma semaphore(%arg12 : memref<!tpu.dma_semaphore, #tpu.memory_space<semaphore_mem>>) src(%dma_wait3A_409 : memref<10000x64xf32, #tpu.memory_space<vmem_shared>>) dst(%dma_wait3A_404 : memref<80x64xf32, #tpu.memory_space<vmem>>)
      %add3A_410 = arith.constant 1 : i32
      %add3A_411 = arith.addi %mul3A_376, %add3A_410 : i32
      %mul3A_412 = arith.constant 80 : i32
      %mul3A_413 = arith.muli %add3A_411, %mul3A_412 : i32
      %dma_start3A_414 = arith.constant 1 : i32
      %dma_start3A_415 = arith.constant 0 : i32
      %dma_start3A_416 = arith.constant 0 : i32
      %dma_start3A_417 = tpu.memref_slice %arg8[%dma_start3A_414, %dma_start3A_415, %dma_start3A_416] : memref<5x80x64xf32, #tpu.memory_space<vmem>> -> memref<1x80x64xf32, #tpu.memory_space<vmem>>
      %dma_start3A_418 = tpu.memref_squeeze %dma_start3A_417 : memref<1x80x64xf32, #tpu.memory_space<vmem>> -> memref<80x64xf32, #tpu.memory_space<vmem>>
      %dma_start3A_419 = tpu.memref_slice %arg7[%mul3A_413] : memref<10000xi32, #tpu.memory_space<vmem>> -> memref<80xi32, #tpu.memory_space<vmem>>
      %dma_start3A_420 = arith.constant 0 : i32
      %dma_start3A_421 = arith.constant 0 : i32
      %dma_start3A_422 = tpu.memref_slice %arg10[%dma_start3A_420, %dma_start3A_421] : memref<10000x64xf32, #tpu.memory_space<vmem_shared>> -> memref<10000x64xf32, #tpu.memory_space<vmem_shared>>
      tpu.enqueue_indirect_dma source(%dma_start3A_418 : memref<80x64xf32, #tpu.memory_space<vmem>>) target(%dma_start3A_422 : memref<10000x64xf32, #tpu.memory_space<vmem_shared>>) offsets(%dma_start3A_419 : memref<80xi32, #tpu.memory_space<vmem>>) semaphore(%arg17 : memref<!tpu.dma_semaphore, #tpu.memory_space<semaphore_mem>>) {add = true}
      %dma_wait3A_423 = arith.constant 2 : i32
      %dma_wait3A_424 = arith.constant 0 : i32
      %dma_wait3A_425 = arith.constant 0 : i32
      %dma_wait3A_426 = tpu.memref_slice %arg8[%dma_wait3A_423, %dma_wait3A_424, %dma_wait3A_425] : memref<5x80x64xf32, #tpu.memory_space<vmem>> -> memref<1x80x64xf32, #tpu.memory_space<vmem>>
      %dma_wait3A_427 = tpu.memref_squeeze %dma_wait3A_426 : memref<1x80x64xf32, #tpu.memory_space<vmem>> -> memref<80x64xf32, #tpu.memory_space<vmem>>
      %dma_wait3A_428 = arith.constant 0 : i32
      %dma_wait3A_429 = tpu.memref_slice %arg6[%dma_wait3A_428] : memref<10000xi32, #tpu.memory_space<vmem>> -> memref<80xi32, #tpu.memory_space<vmem>>
      %dma_wait3A_430 = arith.constant 0 : i32
      %dma_wait3A_431 = arith.constant 0 : i32
      %dma_wait3A_432 = tpu.memref_slice %arg9[%dma_wait3A_430, %dma_wait3A_431] : memref<10000x64xf32, #tpu.memory_space<vmem_shared>> -> memref<10000x64xf32, #tpu.memory_space<vmem_shared>>
      tpu.wait_indirect_dma semaphore(%arg13 : memref<!tpu.dma_semaphore, #tpu.memory_space<semaphore_mem>>) src(%dma_wait3A_432 : memref<10000x64xf32, #tpu.memory_space<vmem_shared>>) dst(%dma_wait3A_427 : memref<80x64xf32, #tpu.memory_space<vmem>>)
      %add3A_433 = arith.constant 2 : i32
      %add3A_434 = arith.addi %mul3A_376, %add3A_433 : i32
      %mul3A_435 = arith.constant 80 : i32
      %mul3A_436 = arith.muli %add3A_434, %mul3A_435 : i32
      %dma_start3A_437 = arith.constant 2 : i32
      %dma_start3A_438 = arith.constant 0 : i32
      %dma_start3A_439 = arith.constant 0 : i32
      %dma_start3A_440 = tpu.memref_slice %arg8[%dma_start3A_437, %dma_start3A_438, %dma_start3A_439] : memref<5x80x64xf32, #tpu.memory_space<vmem>> -> memref<1x80x64xf32, #tpu.memory_space<vmem>>
      %dma_start3A_441 = tpu.memref_squeeze %dma_start3A_440 : memref<1x80x64xf32, #tpu.memory_space<vmem>> -> memref<80x64xf32, #tpu.memory_space<vmem>>
      %dma_start3A_442 = tpu.memref_slice %arg7[%mul3A_436] : memref<10000xi32, #tpu.memory_space<vmem>> -> memref<80xi32, #tpu.memory_space<vmem>>
      %dma_start3A_443 = arith.constant 0 : i32
      %dma_start3A_444 = arith.constant 0 : i32
      %dma_start3A_445 = tpu.memref_slice %arg10[%dma_start3A_443, %dma_start3A_444] : memref<10000x64xf32, #tpu.memory_space<vmem_shared>> -> memref<10000x64xf32, #tpu.memory_space<vmem_shared>>
      tpu.enqueue_indirect_dma source(%dma_start3A_441 : memref<80x64xf32, #tpu.memory_space<vmem>>) target(%dma_start3A_445 : memref<10000x64xf32, #tpu.memory_space<vmem_shared>>) offsets(%dma_start3A_442 : memref<80xi32, #tpu.memory_space<vmem>>) semaphore(%arg18 : memref<!tpu.dma_semaphore, #tpu.memory_space<semaphore_mem>>) {add = true}
      %dma_wait3A_446 = arith.constant 0 : i32
      %dma_wait3A_447 = arith.constant 0 : i32
      %dma_wait3A_448 = arith.constant 0 : i32
      %dma_wait3A_449 = tpu.memref_slice %arg8[%dma_wait3A_446, %dma_wait3A_447, %dma_wait3A_448] : memref<5x80x64xf32, #tpu.memory_space<vmem>> -> memref<1x80x64xf32, #tpu.memory_space<vmem>>
      %dma_wait3A_450 = tpu.memref_squeeze %dma_wait3A_449 : memref<1x80x64xf32, #tpu.memory_space<vmem>> -> memref<80x64xf32, #tpu.memory_space<vmem>>
      %dma_wait3A_451 = arith.constant 0 : i32
      %dma_wait3A_452 = tpu.memref_slice %arg7[%dma_wait3A_451] : memref<10000xi32, #tpu.memory_space<vmem>> -> memref<80xi32, #tpu.memory_space<vmem>>
      %dma_wait3A_453 = arith.constant 0 : i32
      %dma_wait3A_454 = arith.constant 0 : i32
      %dma_wait3A_455 = tpu.memref_slice %arg10[%dma_wait3A_453, %dma_wait3A_454] : memref<10000x64xf32, #tpu.memory_space<vmem_shared>> -> memref<10000x64xf32, #tpu.memory_space<vmem_shared>>
      tpu.wait_indirect_dma semaphore(%arg16 : memref<!tpu.dma_semaphore, #tpu.memory_space<semaphore_mem>>) src(%dma_wait3A_450 : memref<80x64xf32, #tpu.memory_space<vmem>>) dst(%dma_wait3A_455 : memref<10000x64xf32, #tpu.memory_space<vmem_shared>>)
      %add3A_456 = arith.constant 1 : i32
      %add3A_457 = arith.addi %scan3A_374, %add3A_456 : i32
      %lt3A = arith.constant 25 : i32
      %lt3A_458 = arith.cmpi slt, %add3A_457, %lt3A : i32
      %convert_element_type3A = arith.extui %lt3A_458 : i1 to i32
      %cond3A = arith.constant 0 : i32
      %cond3A_459 = arith.cmpi ne, %convert_element_type3A, %cond3A : i32
      scf.if %cond3A_459 {
        %add3A_574 = arith.constant 5 : i32
        %add3A_575 = arith.addi %mul3A_376, %add3A_574 : i32
        %add3A_576 = arith.constant 0 : i32
        %add3A_577 = arith.addi %add3A_575, %add3A_576 : i32
        %mul3A_578 = arith.constant 80 : i32
        %mul3A_579 = arith.muli %add3A_577, %mul3A_578 : i32
        %dma_start3A_580 = arith.constant 0 : i32
        %dma_start3A_581 = arith.constant 0 : i32
        %dma_start3A_582 = arith.constant 0 : i32
        %dma_start3A_583 = tpu.memref_slice %arg8[%dma_start3A_580, %dma_start3A_581, %dma_start3A_582] : memref<5x80x64xf32, #tpu.memory_space<vmem>> -> memref<1x80x64xf32, #tpu.memory_space<vmem>>
        %dma_start3A_584 = tpu.memref_squeeze %dma_start3A_583 : memref<1x80x64xf32, #tpu.memory_space<vmem>> -> memref<80x64xf32, #tpu.memory_space<vmem>>
        %dma_start3A_585 = tpu.memref_slice %arg6[%mul3A_579] : memref<10000xi32, #tpu.memory_space<vmem>> -> memref<80xi32, #tpu.memory_space<vmem>>
        %dma_start3A_586 = arith.constant 0 : i32
        %dma_start3A_587 = arith.constant 0 : i32
        %dma_start3A_588 = tpu.memref_slice %arg9[%dma_start3A_586, %dma_start3A_587] : memref<10000x64xf32, #tpu.memory_space<vmem_shared>> -> memref<10000x64xf32, #tpu.memory_space<vmem_shared>>
        tpu.enqueue_indirect_dma source(%dma_start3A_588 : memref<10000x64xf32, #tpu.memory_space<vmem_shared>>) target(%dma_start3A_584 : memref<80x64xf32, #tpu.memory_space<vmem>>) offsets(%dma_start3A_585 : memref<80xi32, #tpu.memory_space<vmem>>) semaphore(%arg11 : memref<!tpu.dma_semaphore, #tpu.memory_space<semaphore_mem>>)
      } else {
      }
      %dma_wait3A_460 = arith.constant 3 : i32
      %dma_wait3A_461 = arith.constant 0 : i32
      %dma_wait3A_462 = arith.constant 0 : i32
      %dma_wait3A_463 = tpu.memref_slice %arg8[%dma_wait3A_460, %dma_wait3A_461, %dma_wait3A_462] : memref<5x80x64xf32, #tpu.memory_space<vmem>> -> memref<1x80x64xf32, #tpu.memory_space<vmem>>
      %dma_wait3A_464 = tpu.memref_squeeze %dma_wait3A_463 : memref<1x80x64xf32, #tpu.memory_space<vmem>> -> memref<80x64xf32, #tpu.memory_space<vmem>>
      %dma_wait3A_465 = arith.constant 0 : i32
      %dma_wait3A_466 = tpu.memref_slice %arg6[%dma_wait3A_465] : memref<10000xi32, #tpu.memory_space<vmem>> -> memref<80xi32, #tpu.memory_space<vmem>>
      %dma_wait3A_467 = arith.constant 0 : i32
      %dma_wait3A_468 = arith.constant 0 : i32
      %dma_wait3A_469 = tpu.memref_slice %arg9[%dma_wait3A_467, %dma_wait3A_468] : memref<10000x64xf32, #tpu.memory_space<vmem_shared>> -> memref<10000x64xf32, #tpu.memory_space<vmem_shared>>
      tpu.wait_indirect_dma semaphore(%arg14 : memref<!tpu.dma_semaphore, #tpu.memory_space<semaphore_mem>>) src(%dma_wait3A_469 : memref<10000x64xf32, #tpu.memory_space<vmem_shared>>) dst(%dma_wait3A_464 : memref<80x64xf32, #tpu.memory_space<vmem>>)
      %add3A_470 = arith.constant 3 : i32
      %add3A_471 = arith.addi %mul3A_376, %add3A_470 : i32
      %mul3A_472 = arith.constant 80 : i32
      %mul3A_473 = arith.muli %add3A_471, %mul3A_472 : i32
      %dma_start3A_474 = arith.constant 3 : i32
      %dma_start3A_475 = arith.constant 0 : i32
      %dma_start3A_476 = arith.constant 0 : i32
      %dma_start3A_477 = tpu.memref_slice %arg8[%dma_start3A_474, %dma_start3A_475, %dma_start3A_476] : memref<5x80x64xf32, #tpu.memory_space<vmem>> -> memref<1x80x64xf32, #tpu.memory_space<vmem>>
      %dma_start3A_478 = tpu.memref_squeeze %dma_start3A_477 : memref<1x80x64xf32, #tpu.memory_space<vmem>> -> memref<80x64xf32, #tpu.memory_space<vmem>>
      %dma_start3A_479 = tpu.memref_slice %arg7[%mul3A_473] : memref<10000xi32, #tpu.memory_space<vmem>> -> memref<80xi32, #tpu.memory_space<vmem>>
      %dma_start3A_480 = arith.constant 0 : i32
      %dma_start3A_481 = arith.constant 0 : i32
      %dma_start3A_482 = tpu.memref_slice %arg10[%dma_start3A_480, %dma_start3A_481] : memref<10000x64xf32, #tpu.memory_space<vmem_shared>> -> memref<10000x64xf32, #tpu.memory_space<vmem_shared>>
      tpu.enqueue_indirect_dma source(%dma_start3A_478 : memref<80x64xf32, #tpu.memory_space<vmem>>) target(%dma_start3A_482 : memref<10000x64xf32, #tpu.memory_space<vmem_shared>>) offsets(%dma_start3A_479 : memref<80xi32, #tpu.memory_space<vmem>>) semaphore(%arg19 : memref<!tpu.dma_semaphore, #tpu.memory_space<semaphore_mem>>) {add = true}
      %dma_wait3A_483 = arith.constant 1 : i32
      %dma_wait3A_484 = arith.constant 0 : i32
      %dma_wait3A_485 = arith.constant 0 : i32
      %dma_wait3A_486 = tpu.memref_slice %arg8[%dma_wait3A_483, %dma_wait3A_484, %dma_wait3A_485] : memref<5x80x64xf32, #tpu.memory_space<vmem>> -> memref<1x80x64xf32, #tpu.memory_space<vmem>>
      %dma_wait3A_487 = tpu.memref_squeeze %dma_wait3A_486 : memref<1x80x64xf32, #tpu.memory_space<vmem>> -> memref<80x64xf32, #tpu.memory_space<vmem>>
      %dma_wait3A_488 = arith.constant 0 : i32
      %dma_wait3A_489 = tpu.memref_slice %arg7[%dma_wait3A_488] : memref<10000xi32, #tpu.memory_space<vmem>> -> memref<80xi32, #tpu.memory_space<vmem>>
      %dma_wait3A_490 = arith.constant 0 : i32
      %dma_wait3A_491 = arith.constant 0 : i32
      %dma_wait3A_492 = tpu.memref_slice %arg10[%dma_wait3A_490, %dma_wait3A_491] : memref<10000x64xf32, #tpu.memory_space<vmem_shared>> -> memref<10000x64xf32, #tpu.memory_space<vmem_shared>>
      tpu.wait_indirect_dma semaphore(%arg17 : memref<!tpu.dma_semaphore, #tpu.memory_space<semaphore_mem>>) src(%dma_wait3A_487 : memref<80x64xf32, #tpu.memory_space<vmem>>) dst(%dma_wait3A_492 : memref<10000x64xf32, #tpu.memory_space<vmem_shared>>)
      %add3A_493 = arith.constant 1 : i32
      %add3A_494 = arith.addi %scan3A_374, %add3A_493 : i32
      %lt3A_495 = arith.constant 25 : i32
      %lt3A_496 = arith.cmpi slt, %add3A_494, %lt3A_495 : i32
      %convert_element_type3A_497 = arith.extui %lt3A_496 : i1 to i32
      %cond3A_498 = arith.constant 0 : i32
      %cond3A_499 = arith.cmpi ne, %convert_element_type3A_497, %cond3A_498 : i32
      scf.if %cond3A_499 {
        %add3A_574 = arith.constant 5 : i32
        %add3A_575 = arith.addi %mul3A_376, %add3A_574 : i32
        %add3A_576 = arith.constant 1 : i32
        %add3A_577 = arith.addi %add3A_575, %add3A_576 : i32
        %mul3A_578 = arith.constant 80 : i32
        %mul3A_579 = arith.muli %add3A_577, %mul3A_578 : i32
        %dma_start3A_580 = arith.constant 1 : i32
        %dma_start3A_581 = arith.constant 0 : i32
        %dma_start3A_582 = arith.constant 0 : i32
        %dma_start3A_583 = tpu.memref_slice %arg8[%dma_start3A_580, %dma_start3A_581, %dma_start3A_582] : memref<5x80x64xf32, #tpu.memory_space<vmem>> -> memref<1x80x64xf32, #tpu.memory_space<vmem>>
        %dma_start3A_584 = tpu.memref_squeeze %dma_start3A_583 : memref<1x80x64xf32, #tpu.memory_space<vmem>> -> memref<80x64xf32, #tpu.memory_space<vmem>>
        %dma_start3A_585 = tpu.memref_slice %arg6[%mul3A_579] : memref<10000xi32, #tpu.memory_space<vmem>> -> memref<80xi32, #tpu.memory_space<vmem>>
        %dma_start3A_586 = arith.constant 0 : i32
        %dma_start3A_587 = arith.constant 0 : i32
        %dma_start3A_588 = tpu.memref_slice %arg9[%dma_start3A_586, %dma_start3A_587] : memref<10000x64xf32, #tpu.memory_space<vmem_shared>> -> memref<10000x64xf32, #tpu.memory_space<vmem_shared>>
        tpu.enqueue_indirect_dma source(%dma_start3A_588 : memref<10000x64xf32, #tpu.memory_space<vmem_shared>>) target(%dma_start3A_584 : memref<80x64xf32, #tpu.memory_space<vmem>>) offsets(%dma_start3A_585 : memref<80xi32, #tpu.memory_space<vmem>>) semaphore(%arg12 : memref<!tpu.dma_semaphore, #tpu.memory_space<semaphore_mem>>)
      } else {
      }
      %dma_wait3A_500 = arith.constant 4 : i32
      %dma_wait3A_501 = arith.constant 0 : i32
      %dma_wait3A_502 = arith.constant 0 : i32
      %dma_wait3A_503 = tpu.memref_slice %arg8[%dma_wait3A_500, %dma_wait3A_501, %dma_wait3A_502] : memref<5x80x64xf32, #tpu.memory_space<vmem>> -> memref<1x80x64xf32, #tpu.memory_space<vmem>>
      %dma_wait3A_504 = tpu.memref_squeeze %dma_wait3A_503 : memref<1x80x64xf32, #tpu.memory_space<vmem>> -> memref<80x64xf32, #tpu.memory_space<vmem>>
      %dma_wait3A_505 = arith.constant 0 : i32
      %dma_wait3A_506 = tpu.memref_slice %arg6[%dma_wait3A_505] : memref<10000xi32, #tpu.memory_space<vmem>> -> memref<80xi32, #tpu.memory_space<vmem>>
      %dma_wait3A_507 = arith.constant 0 : i32
      %dma_wait3A_508 = arith.constant 0 : i32
      %dma_wait3A_509 = tpu.memref_slice %arg9[%dma_wait3A_507, %dma_wait3A_508] : memref<10000x64xf32, #tpu.memory_space<vmem_shared>> -> memref<10000x64xf32, #tpu.memory_space<vmem_shared>>
      tpu.wait_indirect_dma semaphore(%arg15 : memref<!tpu.dma_semaphore, #tpu.memory_space<semaphore_mem>>) src(%dma_wait3A_509 : memref<10000x64xf32, #tpu.memory_space<vmem_shared>>) dst(%dma_wait3A_504 : memref<80x64xf32, #tpu.memory_space<vmem>>)
      %add3A_510 = arith.constant 4 : i32
      %add3A_511 = arith.addi %mul3A_376, %add3A_510 : i32
      %mul3A_512 = arith.constant 80 : i32
      %mul3A_513 = arith.muli %add3A_511, %mul3A_512 : i32
      %dma_start3A_514 = arith.constant 4 : i32
      %dma_start3A_515 = arith.constant 0 : i32
      %dma_start3A_516 = arith.constant 0 : i32
      %dma_start3A_517 = tpu.memref_slice %arg8[%dma_start3A_514, %dma_start3A_515, %dma_start3A_516] : memref<5x80x64xf32, #tpu.memory_space<vmem>> -> memref<1x80x64xf32, #tpu.memory_space<vmem>>
      %dma_start3A_518 = tpu.memref_squeeze %dma_start3A_517 : memref<1x80x64xf32, #tpu.memory_space<vmem>> -> memref<80x64xf32, #tpu.memory_space<vmem>>
      %dma_start3A_519 = tpu.memref_slice %arg7[%mul3A_513] : memref<10000xi32, #tpu.memory_space<vmem>> -> memref<80xi32, #tpu.memory_space<vmem>>
      %dma_start3A_520 = arith.constant 0 : i32
      %dma_start3A_521 = arith.constant 0 : i32
      %dma_start3A_522 = tpu.memref_slice %arg10[%dma_start3A_520, %dma_start3A_521] : memref<10000x64xf32, #tpu.memory_space<vmem_shared>> -> memref<10000x64xf32, #tpu.memory_space<vmem_shared>>
      tpu.enqueue_indirect_dma source(%dma_start3A_518 : memref<80x64xf32, #tpu.memory_space<vmem>>) target(%dma_start3A_522 : memref<10000x64xf32, #tpu.memory_space<vmem_shared>>) offsets(%dma_start3A_519 : memref<80xi32, #tpu.memory_space<vmem>>) semaphore(%arg20 : memref<!tpu.dma_semaphore, #tpu.memory_space<semaphore_mem>>) {add = true}
      %dma_wait3A_523 = arith.constant 2 : i32
      %dma_wait3A_524 = arith.constant 0 : i32
      %dma_wait3A_525 = arith.constant 0 : i32
      %dma_wait3A_526 = tpu.memref_slice %arg8[%dma_wait3A_523, %dma_wait3A_524, %dma_wait3A_525] : memref<5x80x64xf32, #tpu.memory_space<vmem>> -> memref<1x80x64xf32, #tpu.memory_space<vmem>>
      %dma_wait3A_527 = tpu.memref_squeeze %dma_wait3A_526 : memref<1x80x64xf32, #tpu.memory_space<vmem>> -> memref<80x64xf32, #tpu.memory_space<vmem>>
      %dma_wait3A_528 = arith.constant 0 : i32
      %dma_wait3A_529 = tpu.memref_slice %arg7[%dma_wait3A_528] : memref<10000xi32, #tpu.memory_space<vmem>> -> memref<80xi32, #tpu.memory_space<vmem>>
      %dma_wait3A_530 = arith.constant 0 : i32
      %dma_wait3A_531 = arith.constant 0 : i32
      %dma_wait3A_532 = tpu.memref_slice %arg10[%dma_wait3A_530, %dma_wait3A_531] : memref<10000x64xf32, #tpu.memory_space<vmem_shared>> -> memref<10000x64xf32, #tpu.memory_space<vmem_shared>>
      tpu.wait_indirect_dma semaphore(%arg18 : memref<!tpu.dma_semaphore, #tpu.memory_space<semaphore_mem>>) src(%dma_wait3A_527 : memref<80x64xf32, #tpu.memory_space<vmem>>) dst(%dma_wait3A_532 : memref<10000x64xf32, #tpu.memory_space<vmem_shared>>)
      %add3A_533 = arith.constant 1 : i32
      %add3A_534 = arith.addi %scan3A_374, %add3A_533 : i32
      %lt3A_535 = arith.constant 25 : i32
      %lt3A_536 = arith.cmpi slt, %add3A_534, %lt3A_535 : i32
      %convert_element_type3A_537 = arith.extui %lt3A_536 : i1 to i32
      %cond3A_538 = arith.constant 0 : i32
      %cond3A_539 = arith.cmpi ne, %convert_element_type3A_537, %cond3A_538 : i32
      scf.if %cond3A_539 {
        %add3A_574 = arith.constant 5 : i32
        %add3A_575 = arith.addi %mul3A_376, %add3A_574 : i32
        %add3A_576 = arith.constant 2 : i32
        %add3A_577 = arith.addi %add3A_575, %add3A_576 : i32
        %mul3A_578 = arith.constant 80 : i32
        %mul3A_579 = arith.muli %add3A_577, %mul3A_578 : i32
        %dma_start3A_580 = arith.constant 2 : i32
        %dma_start3A_581 = arith.constant 0 : i32
        %dma_start3A_582 = arith.constant 0 : i32
        %dma_start3A_583 = tpu.memref_slice %arg8[%dma_start3A_580, %dma_start3A_581, %dma_start3A_582] : memref<5x80x64xf32, #tpu.memory_space<vmem>> -> memref<1x80x64xf32, #tpu.memory_space<vmem>>
        %dma_start3A_584 = tpu.memref_squeeze %dma_start3A_583 : memref<1x80x64xf32, #tpu.memory_space<vmem>> -> memref<80x64xf32, #tpu.memory_space<vmem>>
        %dma_start3A_585 = tpu.memref_slice %arg6[%mul3A_579] : memref<10000xi32, #tpu.memory_space<vmem>> -> memref<80xi32, #tpu.memory_space<vmem>>
        %dma_start3A_586 = arith.constant 0 : i32
        %dma_start3A_587 = arith.constant 0 : i32
        %dma_start3A_588 = tpu.memref_slice %arg9[%dma_start3A_586, %dma_start3A_587] : memref<10000x64xf32, #tpu.memory_space<vmem_shared>> -> memref<10000x64xf32, #tpu.memory_space<vmem_shared>>
        tpu.enqueue_indirect_dma source(%dma_start3A_588 : memref<10000x64xf32, #tpu.memory_space<vmem_shared>>) target(%dma_start3A_584 : memref<80x64xf32, #tpu.memory_space<vmem>>) offsets(%dma_start3A_585 : memref<80xi32, #tpu.memory_space<vmem>>) semaphore(%arg13 : memref<!tpu.dma_semaphore, #tpu.memory_space<semaphore_mem>>)
      } else {
      }
      %dma_wait3A_540 = arith.constant 3 : i32
      %dma_wait3A_541 = arith.constant 0 : i32
      %dma_wait3A_542 = arith.constant 0 : i32
      %dma_wait3A_543 = tpu.memref_slice %arg8[%dma_wait3A_540, %dma_wait3A_541, %dma_wait3A_542] : memref<5x80x64xf32, #tpu.memory_space<vmem>> -> memref<1x80x64xf32, #tpu.memory_space<vmem>>
      %dma_wait3A_544 = tpu.memref_squeeze %dma_wait3A_543 : memref<1x80x64xf32, #tpu.memory_space<vmem>> -> memref<80x64xf32, #tpu.memory_space<vmem>>
      %dma_wait3A_545 = arith.constant 0 : i32
      %dma_wait3A_546 = tpu.memref_slice %arg7[%dma_wait3A_545] : memref<10000xi32, #tpu.memory_space<vmem>> -> memref<80xi32, #tpu.memory_space<vmem>>
      %dma_wait3A_547 = arith.constant 0 : i32
      %dma_wait3A_548 = arith.constant 0 : i32
      %dma_wait3A_549 = tpu.memref_slice %arg10[%dma_wait3A_547, %dma_wait3A_548] : memref<10000x64xf32, #tpu.memory_space<vmem_shared>> -> memref<10000x64xf32, #tpu.memory_space<vmem_shared>>
      tpu.wait_indirect_dma semaphore(%arg19 : memref<!tpu.dma_semaphore, #tpu.memory_space<semaphore_mem>>) src(%dma_wait3A_544 : memref<80x64xf32, #tpu.memory_space<vmem>>) dst(%dma_wait3A_549 : memref<10000x64xf32, #tpu.memory_space<vmem_shared>>)
      %add3A_550 = arith.constant 1 : i32
      %add3A_551 = arith.addi %scan3A_374, %add3A_550 : i32
      %lt3A_552 = arith.constant 25 : i32
      %lt3A_553 = arith.cmpi slt, %add3A_551, %lt3A_552 : i32
      %convert_element_type3A_554 = arith.extui %lt3A_553 : i1 to i32
      %cond3A_555 = arith.constant 0 : i32
      %cond3A_556 = arith.cmpi ne, %convert_element_type3A_554, %cond3A_555 : i32
      scf.if %cond3A_556 {
        %add3A_574 = arith.constant 5 : i32
        %add3A_575 = arith.addi %mul3A_376, %add3A_574 : i32
        %add3A_576 = arith.constant 3 : i32
        %add3A_577 = arith.addi %add3A_575, %add3A_576 : i32
        %mul3A_578 = arith.constant 80 : i32
        %mul3A_579 = arith.muli %add3A_577, %mul3A_578 : i32
        %dma_start3A_580 = arith.constant 3 : i32
        %dma_start3A_581 = arith.constant 0 : i32
        %dma_start3A_582 = arith.constant 0 : i32
        %dma_start3A_583 = tpu.memref_slice %arg8[%dma_start3A_580, %dma_start3A_581, %dma_start3A_582] : memref<5x80x64xf32, #tpu.memory_space<vmem>> -> memref<1x80x64xf32, #tpu.memory_space<vmem>>
        %dma_start3A_584 = tpu.memref_squeeze %dma_start3A_583 : memref<1x80x64xf32, #tpu.memory_space<vmem>> -> memref<80x64xf32, #tpu.memory_space<vmem>>
        %dma_start3A_585 = tpu.memref_slice %arg6[%mul3A_579] : memref<10000xi32, #tpu.memory_space<vmem>> -> memref<80xi32, #tpu.memory_space<vmem>>
        %dma_start3A_586 = arith.constant 0 : i32
        %dma_start3A_587 = arith.constant 0 : i32
        %dma_start3A_588 = tpu.memref_slice %arg9[%dma_start3A_586, %dma_start3A_587] : memref<10000x64xf32, #tpu.memory_space<vmem_shared>> -> memref<10000x64xf32, #tpu.memory_space<vmem_shared>>
        tpu.enqueue_indirect_dma source(%dma_start3A_588 : memref<10000x64xf32, #tpu.memory_space<vmem_shared>>) target(%dma_start3A_584 : memref<80x64xf32, #tpu.memory_space<vmem>>) offsets(%dma_start3A_585 : memref<80xi32, #tpu.memory_space<vmem>>) semaphore(%arg14 : memref<!tpu.dma_semaphore, #tpu.memory_space<semaphore_mem>>)
      } else {
      }
      %dma_wait3A_557 = arith.constant 4 : i32
      %dma_wait3A_558 = arith.constant 0 : i32
      %dma_wait3A_559 = arith.constant 0 : i32
      %dma_wait3A_560 = tpu.memref_slice %arg8[%dma_wait3A_557, %dma_wait3A_558, %dma_wait3A_559] : memref<5x80x64xf32, #tpu.memory_space<vmem>> -> memref<1x80x64xf32, #tpu.memory_space<vmem>>
      %dma_wait3A_561 = tpu.memref_squeeze %dma_wait3A_560 : memref<1x80x64xf32, #tpu.memory_space<vmem>> -> memref<80x64xf32, #tpu.memory_space<vmem>>
      %dma_wait3A_562 = arith.constant 0 : i32
      %dma_wait3A_563 = tpu.memref_slice %arg7[%dma_wait3A_562] : memref<10000xi32, #tpu.memory_space<vmem>> -> memref<80xi32, #tpu.memory_space<vmem>>
      %dma_wait3A_564 = arith.constant 0 : i32
      %dma_wait3A_565 = arith.constant 0 : i32
      %dma_wait3A_566 = tpu.memref_slice %arg10[%dma_wait3A_564, %dma_wait3A_565] : memref<10000x64xf32, #tpu.memory_space<vmem_shared>> -> memref<10000x64xf32, #tpu.memory_space<vmem_shared>>
      tpu.wait_indirect_dma semaphore(%arg20 : memref<!tpu.dma_semaphore, #tpu.memory_space<semaphore_mem>>) src(%dma_wait3A_561 : memref<80x64xf32, #tpu.memory_space<vmem>>) dst(%dma_wait3A_566 : memref<10000x64xf32, #tpu.memory_space<vmem_shared>>)
      %add3A_567 = arith.constant 1 : i32
      %add3A_568 = arith.addi %scan3A_374, %add3A_567 : i32
      %lt3A_569 = arith.constant 25 : i32
      %lt3A_570 = arith.cmpi slt, %add3A_568, %lt3A_569 : i32
      %convert_element_type3A_571 = arith.extui %lt3A_570 : i1 to i32
      %cond3A_572 = arith.constant 0 : i32
      %cond3A_573 = arith.cmpi ne, %convert_element_type3A_571, %cond3A_572 : i32
      scf.if %cond3A_573 {
        %add3A_574 = arith.constant 5 : i32
        %add3A_575 = arith.addi %mul3A_376, %add3A_574 : i32
        %add3A_576 = arith.constant 4 : i32
        %add3A_577 = arith.addi %add3A_575, %add3A_576 : i32
        %mul3A_578 = arith.constant 80 : i32
        %mul3A_579 = arith.muli %add3A_577, %mul3A_578 : i32
        %dma_start3A_580 = arith.constant 4 : i32
        %dma_start3A_581 = arith.constant 0 : i32
        %dma_start3A_582 = arith.constant 0 : i32
        %dma_start3A_583 = tpu.memref_slice %arg8[%dma_start3A_580, %dma_start3A_581, %dma_start3A_582] : memref<5x80x64xf32, #tpu.memory_space<vmem>> -> memref<1x80x64xf32, #tpu.memory_space<vmem>>
        %dma_start3A_584 = tpu.memref_squeeze %dma_start3A_583 : memref<1x80x64xf32, #tpu.memory_space<vmem>> -> memref<80x64xf32, #tpu.memory_space<vmem>>
        %dma_start3A_585 = tpu.memref_slice %arg6[%mul3A_579] : memref<10000xi32, #tpu.memory_space<vmem>> -> memref<80xi32, #tpu.memory_space<vmem>>
        %dma_start3A_586 = arith.constant 0 : i32
        %dma_start3A_587 = arith.constant 0 : i32
        %dma_start3A_588 = tpu.memref_slice %arg9[%dma_start3A_586, %dma_start3A_587] : memref<10000x64xf32, #tpu.memory_space<vmem_shared>> -> memref<10000x64xf32, #tpu.memory_space<vmem_shared>>
        tpu.enqueue_indirect_dma source(%dma_start3A_588 : memref<10000x64xf32, #tpu.memory_space<vmem_shared>>) target(%dma_start3A_584 : memref<80x64xf32, #tpu.memory_space<vmem>>) offsets(%dma_start3A_585 : memref<80xi32, #tpu.memory_space<vmem>>) semaphore(%arg15 : memref<!tpu.dma_semaphore, #tpu.memory_space<semaphore_mem>>)
      } else {
      }
    }
    %scan3A_312 = arith.constant 25 : i32
    %mul3A_313 = arith.constant 20000 : i32
    %mul3A_314 = arith.muli %arg1, %mul3A_313 : i32
    %add3A_315 = arith.constant 10000 : i32
    %add3A_316 = arith.addi %mul3A_314, %add3A_315 : i32
    "tpu.region"() ({
      %run_scoped3A = tpu.sem_alloc : memref<!tpu.dma_semaphore, #tpu.memory_space<semaphore_mem>>
      %dma_start3A_374 = tpu.memref_slice %arg3[%add3A_316] : memref<320000xi32, #tpu.memory_space<hbm>> -> memref<10000xi32, #tpu.memory_space<hbm>>
      %dma_start3A_375 = tpu.memref_slice %arg3[%add3A_316] : memref<320000xi32, #tpu.memory_space<hbm>> -> memref<10000xi32, #tpu.memory_space<hbm>>
      tpu.enqueue_dma source(%dma_start3A_375 : memref<10000xi32, #tpu.memory_space<hbm>>) target(%arg6 : memref<10000xi32, #tpu.memory_space<vmem>>) target_semaphore(%run_scoped3A : memref<!tpu.dma_semaphore, #tpu.memory_space<semaphore_mem>>)
      %dma_wait3A_376 = tpu.memref_slice %arg3[%add3A_316] : memref<320000xi32, #tpu.memory_space<hbm>> -> memref<10000xi32, #tpu.memory_space<hbm>>
      %dma_wait3A_377 = tpu.memref_slice %arg3[%add3A_316] : memref<320000xi32, #tpu.memory_space<hbm>> -> memref<10000xi32, #tpu.memory_space<hbm>>
      tpu.wait_dma2 semaphore(%run_scoped3A : memref<!tpu.dma_semaphore, #tpu.memory_space<semaphore_mem>>) src(%dma_wait3A_377 : memref<10000xi32, #tpu.memory_space<hbm>>) dst(%arg6 : memref<10000xi32, #tpu.memory_space<vmem>>)
      tpu.yield
    }) : () -> ()
    "tpu.region"() ({
      %run_scoped3A = tpu.sem_alloc : memref<!tpu.dma_semaphore, #tpu.memory_space<semaphore_mem>>
      %dma_start3A_374 = tpu.memref_slice %arg4[%add3A_316] : memref<320000xi32, #tpu.memory_space<hbm>> -> memref<10000xi32, #tpu.memory_space<hbm>>
      %dma_start3A_375 = tpu.memref_slice %arg4[%add3A_316] : memref<320000xi32, #tpu.memory_space<hbm>> -> memref<10000xi32, #tpu.memory_space<hbm>>
      tpu.enqueue_dma source(%dma_start3A_375 : memref<10000xi32, #tpu.memory_space<hbm>>) target(%arg7 : memref<10000xi32, #tpu.memory_space<vmem>>) target_semaphore(%run_scoped3A : memref<!tpu.dma_semaphore, #tpu.memory_space<semaphore_mem>>)
      %dma_wait3A_376 = tpu.memref_slice %arg4[%add3A_316] : memref<320000xi32, #tpu.memory_space<hbm>> -> memref<10000xi32, #tpu.memory_space<hbm>>
      %dma_wait3A_377 = tpu.memref_slice %arg4[%add3A_316] : memref<320000xi32, #tpu.memory_space<hbm>> -> memref<10000xi32, #tpu.memory_space<hbm>>
      tpu.wait_dma2 semaphore(%run_scoped3A : memref<!tpu.dma_semaphore, #tpu.memory_space<semaphore_mem>>) src(%dma_wait3A_377 : memref<10000xi32, #tpu.memory_space<hbm>>) dst(%arg7 : memref<10000xi32, #tpu.memory_space<vmem>>)
      tpu.yield
    }) : () -> ()
    %dma_start3A_317 = arith.constant 0 : i32
    %dma_start3A_318 = arith.constant 0 : i32
    %dma_start3A_319 = arith.constant 0 : i32
    %dma_start3A_320 = tpu.memref_slice %arg8[%dma_start3A_317, %dma_start3A_318, %dma_start3A_319] : memref<5x80x64xf32, #tpu.memory_space<vmem>> -> memref<1x80x64xf32, #tpu.memory_space<vmem>>
    %dma_start3A_321 = tpu.memref_squeeze %dma_start3A_320 : memref<1x80x64xf32, #tpu.memory_space<vmem>> -> memref<80x64xf32, #tpu.memory_space<vmem>>
    %dma_start3A_322 = arith.constant 0 : i32
    %dma_start3A_323 = tpu.memref_slice %arg6[%dma_start3A_322] : memref<10000xi32, #tpu.memory_space<vmem>> -> memref<80xi32, #tpu.memory_space<vmem>>
    %dma_start3A_324 = arith.constant 0 : i32
    %dma_start3A_325 = arith.constant 0 : i32
    %dma_start3A_326 = tpu.memref_slice %arg9[%dma_start3A_324, %dma_start3A_325] : memref<10000x64xf32, #tpu.memory_space<vmem_shared>> -> memref<10000x64xf32, #tpu.memory_space<vmem_shared>>
    tpu.enqueue_indirect_dma source(%dma_start3A_326 : memref<10000x64xf32, #tpu.memory_space<vmem_shared>>) target(%dma_start3A_321 : memref<80x64xf32, #tpu.memory_space<vmem>>) offsets(%dma_start3A_323 : memref<80xi32, #tpu.memory_space<vmem>>) semaphore(%arg11 : memref<!tpu.dma_semaphore, #tpu.memory_space<semaphore_mem>>)
    %dma_start3A_327 = arith.constant 1 : i32
    %dma_start3A_328 = arith.constant 0 : i32
    %dma_start3A_329 = arith.constant 0 : i32
    %dma_start3A_330 = tpu.memref_slice %arg8[%dma_start3A_327, %dma_start3A_328, %dma_start3A_329] : memref<5x80x64xf32, #tpu.memory_space<vmem>> -> memref<1x80x64xf32, #tpu.memory_space<vmem>>
    %dma_start3A_331 = tpu.memref_squeeze %dma_start3A_330 : memref<1x80x64xf32, #tpu.memory_space<vmem>> -> memref<80x64xf32, #tpu.memory_space<vmem>>
    %dma_start3A_332 = arith.constant 80 : i32
    %dma_start3A_333 = tpu.memref_slice %arg6[%dma_start3A_332] : memref<10000xi32, #tpu.memory_space<vmem>> -> memref<80xi32, #tpu.memory_space<vmem>>
    %dma_start3A_334 = arith.constant 0 : i32
    %dma_start3A_335 = arith.constant 0 : i32
    %dma_start3A_336 = tpu.memref_slice %arg9[%dma_start3A_334, %dma_start3A_335] : memref<10000x64xf32, #tpu.memory_space<vmem_shared>> -> memref<10000x64xf32, #tpu.memory_space<vmem_shared>>
    tpu.enqueue_indirect_dma source(%dma_start3A_336 : memref<10000x64xf32, #tpu.memory_space<vmem_shared>>) target(%dma_start3A_331 : memref<80x64xf32, #tpu.memory_space<vmem>>) offsets(%dma_start3A_333 : memref<80xi32, #tpu.memory_space<vmem>>) semaphore(%arg12 : memref<!tpu.dma_semaphore, #tpu.memory_space<semaphore_mem>>)
    %dma_start3A_337 = arith.constant 2 : i32
    %dma_start3A_338 = arith.constant 0 : i32
    %dma_start3A_339 = arith.constant 0 : i32
    %dma_start3A_340 = tpu.memref_slice %arg8[%dma_start3A_337, %dma_start3A_338, %dma_start3A_339] : memref<5x80x64xf32, #tpu.memory_space<vmem>> -> memref<1x80x64xf32, #tpu.memory_space<vmem>>
    %dma_start3A_341 = tpu.memref_squeeze %dma_start3A_340 : memref<1x80x64xf32, #tpu.memory_space<vmem>> -> memref<80x64xf32, #tpu.memory_space<vmem>>
    %dma_start3A_342 = arith.constant 160 : i32
    %dma_start3A_343 = tpu.memref_slice %arg6[%dma_start3A_342] : memref<10000xi32, #tpu.memory_space<vmem>> -> memref<80xi32, #tpu.memory_space<vmem>>
    %dma_start3A_344 = arith.constant 0 : i32
    %dma_start3A_345 = arith.constant 0 : i32
    %dma_start3A_346 = tpu.memref_slice %arg9[%dma_start3A_344, %dma_start3A_345] : memref<10000x64xf32, #tpu.memory_space<vmem_shared>> -> memref<10000x64xf32, #tpu.memory_space<vmem_shared>>
    tpu.enqueue_indirect_dma source(%dma_start3A_346 : memref<10000x64xf32, #tpu.memory_space<vmem_shared>>) target(%dma_start3A_341 : memref<80x64xf32, #tpu.memory_space<vmem>>) offsets(%dma_start3A_343 : memref<80xi32, #tpu.memory_space<vmem>>) semaphore(%arg13 : memref<!tpu.dma_semaphore, #tpu.memory_space<semaphore_mem>>)
    %dma_start3A_347 = arith.constant 3 : i32
    %dma_start3A_348 = arith.constant 0 : i32
    %dma_start3A_349 = arith.constant 0 : i32
    %dma_start3A_350 = tpu.memref_slice %arg8[%dma_start3A_347, %dma_start3A_348, %dma_start3A_349] : memref<5x80x64xf32, #tpu.memory_space<vmem>> -> memref<1x80x64xf32, #tpu.memory_space<vmem>>
    %dma_start3A_351 = tpu.memref_squeeze %dma_start3A_350 : memref<1x80x64xf32, #tpu.memory_space<vmem>> -> memref<80x64xf32, #tpu.memory_space<vmem>>
    %dma_start3A_352 = arith.constant 240 : i32
    %dma_start3A_353 = tpu.memref_slice %arg6[%dma_start3A_352] : memref<10000xi32, #tpu.memory_space<vmem>> -> memref<80xi32, #tpu.memory_space<vmem>>
    %dma_start3A_354 = arith.constant 0 : i32
    %dma_start3A_355 = arith.constant 0 : i32
    %dma_start3A_356 = tpu.memref_slice %arg9[%dma_start3A_354, %dma_start3A_355] : memref<10000x64xf32, #tpu.memory_space<vmem_shared>> -> memref<10000x64xf32, #tpu.memory_space<vmem_shared>>
    tpu.enqueue_indirect_dma source(%dma_start3A_356 : memref<10000x64xf32, #tpu.memory_space<vmem_shared>>) target(%dma_start3A_351 : memref<80x64xf32, #tpu.memory_space<vmem>>) offsets(%dma_start3A_353 : memref<80xi32, #tpu.memory_space<vmem>>) semaphore(%arg14 : memref<!tpu.dma_semaphore, #tpu.memory_space<semaphore_mem>>)
    %dma_start3A_357 = arith.constant 4 : i32
    %dma_start3A_358 = arith.constant 0 : i32
    %dma_start3A_359 = arith.constant 0 : i32
    %dma_start3A_360 = tpu.memref_slice %arg8[%dma_start3A_357, %dma_start3A_358, %dma_start3A_359] : memref<5x80x64xf32, #tpu.memory_space<vmem>> -> memref<1x80x64xf32, #tpu.memory_space<vmem>>
    %dma_start3A_361 = tpu.memref_squeeze %dma_start3A_360 : memref<1x80x64xf32, #tpu.memory_space<vmem>> -> memref<80x64xf32, #tpu.memory_space<vmem>>
    %dma_start3A_362 = arith.constant 320 : i32
    %dma_start3A_363 = tpu.memref_slice %arg6[%dma_start3A_362] : memref<10000xi32, #tpu.memory_space<vmem>> -> memref<80xi32, #tpu.memory_space<vmem>>
    %dma_start3A_364 = arith.constant 0 : i32
    %dma_start3A_365 = arith.constant 0 : i32
    %dma_start3A_366 = tpu.memref_slice %arg9[%dma_start3A_364, %dma_start3A_365] : memref<10000x64xf32, #tpu.memory_space<vmem_shared>> -> memref<10000x64xf32, #tpu.memory_space<vmem_shared>>
    tpu.enqueue_indirect_dma source(%dma_start3A_366 : memref<10000x64xf32, #tpu.memory_space<vmem_shared>>) target(%dma_start3A_361 : memref<80x64xf32, #tpu.memory_space<vmem>>) offsets(%dma_start3A_363 : memref<80xi32, #tpu.memory_space<vmem>>) semaphore(%arg15 : memref<!tpu.dma_semaphore, #tpu.memory_space<semaphore_mem>>)
    %scan3A_367 = arith.constant 0 : i32
    %scan3A_368 = arith.constant 0 : i32
    %scan3A_369 = arith.constant 25 : i32
    %scan3A_370 = arith.addi %scan3A_368, %scan3A_369 : i32
    %scan3A_371 = arith.constant 1 : i32
    scf.for %scan3A_374 = %scan3A_368 to %scan3A_370 step %scan3A_371  : i32 {
      %mul3A_375 = arith.constant 5 : i32
      %mul3A_376 = arith.muli %scan3A_374, %mul3A_375 : i32
      %dma_wait3A_377 = arith.constant 0 : i32
      %dma_wait3A_378 = arith.constant 0 : i32
      %dma_wait3A_379 = arith.constant 0 : i32
      %dma_wait3A_380 = tpu.memref_slice %arg8[%dma_wait3A_377, %dma_wait3A_378, %dma_wait3A_379] : memref<5x80x64xf32, #tpu.memory_space<vmem>> -> memref<1x80x64xf32, #tpu.memory_space<vmem>>
      %dma_wait3A_381 = tpu.memref_squeeze %dma_wait3A_380 : memref<1x80x64xf32, #tpu.memory_space<vmem>> -> memref<80x64xf32, #tpu.memory_space<vmem>>
      %dma_wait3A_382 = arith.constant 0 : i32
      %dma_wait3A_383 = tpu.memref_slice %arg6[%dma_wait3A_382] : memref<10000xi32, #tpu.memory_space<vmem>> -> memref<80xi32, #tpu.memory_space<vmem>>
      %dma_wait3A_384 = arith.constant 0 : i32
      %dma_wait3A_385 = arith.constant 0 : i32
      %dma_wait3A_386 = tpu.memref_slice %arg9[%dma_wait3A_384, %dma_wait3A_385] : memref<10000x64xf32, #tpu.memory_space<vmem_shared>> -> memref<10000x64xf32, #tpu.memory_space<vmem_shared>>
      tpu.wait_indirect_dma semaphore(%arg11 : memref<!tpu.dma_semaphore, #tpu.memory_space<semaphore_mem>>) src(%dma_wait3A_386 : memref<10000x64xf32, #tpu.memory_space<vmem_shared>>) dst(%dma_wait3A_381 : memref<80x64xf32, #tpu.memory_space<vmem>>)
      %add3A_387 = arith.constant 0 : i32
      %add3A_388 = arith.addi %mul3A_376, %add3A_387 : i32
      %mul3A_389 = arith.constant 80 : i32
      %mul3A_390 = arith.muli %add3A_388, %mul3A_389 : i32
      %dma_start3A_391 = arith.constant 0 : i32
      %dma_start3A_392 = arith.constant 0 : i32
      %dma_start3A_393 = arith.constant 0 : i32
      %dma_start3A_394 = tpu.memref_slice %arg8[%dma_start3A_391, %dma_start3A_392, %dma_start3A_393] : memref<5x80x64xf32, #tpu.memory_space<vmem>> -> memref<1x80x64xf32, #tpu.memory_space<vmem>>
      %dma_start3A_395 = tpu.memref_squeeze %dma_start3A_394 : memref<1x80x64xf32, #tpu.memory_space<vmem>> -> memref<80x64xf32, #tpu.memory_space<vmem>>
      %dma_start3A_396 = tpu.memref_slice %arg7[%mul3A_390] : memref<10000xi32, #tpu.memory_space<vmem>> -> memref<80xi32, #tpu.memory_space<vmem>>
      %dma_start3A_397 = arith.constant 0 : i32
      %dma_start3A_398 = arith.constant 0 : i32
      %dma_start3A_399 = tpu.memref_slice %arg10[%dma_start3A_397, %dma_start3A_398] : memref<10000x64xf32, #tpu.memory_space<vmem_shared>> -> memref<10000x64xf32, #tpu.memory_space<vmem_shared>>
      tpu.enqueue_indirect_dma source(%dma_start3A_395 : memref<80x64xf32, #tpu.memory_space<vmem>>) target(%dma_start3A_399 : memref<10000x64xf32, #tpu.memory_space<vmem_shared>>) offsets(%dma_start3A_396 : memref<80xi32, #tpu.memory_space<vmem>>) semaphore(%arg16 : memref<!tpu.dma_semaphore, #tpu.memory_space<semaphore_mem>>) {add = true}
      %dma_wait3A_400 = arith.constant 1 : i32
      %dma_wait3A_401 = arith.constant 0 : i32
      %dma_wait3A_402 = arith.constant 0 : i32
      %dma_wait3A_403 = tpu.memref_slice %arg8[%dma_wait3A_400, %dma_wait3A_401, %dma_wait3A_402] : memref<5x80x64xf32, #tpu.memory_space<vmem>> -> memref<1x80x64xf32, #tpu.memory_space<vmem>>
      %dma_wait3A_404 = tpu.memref_squeeze %dma_wait3A_403 : memref<1x80x64xf32, #tpu.memory_space<vmem>> -> memref<80x64xf32, #tpu.memory_space<vmem>>
      %dma_wait3A_405 = arith.constant 0 : i32
      %dma_wait3A_406 = tpu.memref_slice %arg6[%dma_wait3A_405] : memref<10000xi32, #tpu.memory_space<vmem>> -> memref<80xi32, #tpu.memory_space<vmem>>
      %dma_wait3A_407 = arith.constant 0 : i32
      %dma_wait3A_408 = arith.constant 0 : i32
      %dma_wait3A_409 = tpu.memref_slice %arg9[%dma_wait3A_407, %dma_wait3A_408] : memref<10000x64xf32, #tpu.memory_space<vmem_shared>> -> memref<10000x64xf32, #tpu.memory_space<vmem_shared>>
      tpu.wait_indirect_dma semaphore(%arg12 : memref<!tpu.dma_semaphore, #tpu.memory_space<semaphore_mem>>) src(%dma_wait3A_409 : memref<10000x64xf32, #tpu.memory_space<vmem_shared>>) dst(%dma_wait3A_404 : memref<80x64xf32, #tpu.memory_space<vmem>>)
      %add3A_410 = arith.constant 1 : i32
      %add3A_411 = arith.addi %mul3A_376, %add3A_410 : i32
      %mul3A_412 = arith.constant 80 : i32
      %mul3A_413 = arith.muli %add3A_411, %mul3A_412 : i32
      %dma_start3A_414 = arith.constant 1 : i32
      %dma_start3A_415 = arith.constant 0 : i32
      %dma_start3A_416 = arith.constant 0 : i32
      %dma_start3A_417 = tpu.memref_slice %arg8[%dma_start3A_414, %dma_start3A_415, %dma_start3A_416] : memref<5x80x64xf32, #tpu.memory_space<vmem>> -> memref<1x80x64xf32, #tpu.memory_space<vmem>>
      %dma_start3A_418 = tpu.memref_squeeze %dma_start3A_417 : memref<1x80x64xf32, #tpu.memory_space<vmem>> -> memref<80x64xf32, #tpu.memory_space<vmem>>
      %dma_start3A_419 = tpu.memref_slice %arg7[%mul3A_413] : memref<10000xi32, #tpu.memory_space<vmem>> -> memref<80xi32, #tpu.memory_space<vmem>>
      %dma_start3A_420 = arith.constant 0 : i32
      %dma_start3A_421 = arith.constant 0 : i32
      %dma_start3A_422 = tpu.memref_slice %arg10[%dma_start3A_420, %dma_start3A_421] : memref<10000x64xf32, #tpu.memory_space<vmem_shared>> -> memref<10000x64xf32, #tpu.memory_space<vmem_shared>>
      tpu.enqueue_indirect_dma source(%dma_start3A_418 : memref<80x64xf32, #tpu.memory_space<vmem>>) target(%dma_start3A_422 : memref<10000x64xf32, #tpu.memory_space<vmem_shared>>) offsets(%dma_start3A_419 : memref<80xi32, #tpu.memory_space<vmem>>) semaphore(%arg17 : memref<!tpu.dma_semaphore, #tpu.memory_space<semaphore_mem>>) {add = true}
      %dma_wait3A_423 = arith.constant 2 : i32
      %dma_wait3A_424 = arith.constant 0 : i32
      %dma_wait3A_425 = arith.constant 0 : i32
      %dma_wait3A_426 = tpu.memref_slice %arg8[%dma_wait3A_423, %dma_wait3A_424, %dma_wait3A_425] : memref<5x80x64xf32, #tpu.memory_space<vmem>> -> memref<1x80x64xf32, #tpu.memory_space<vmem>>
      %dma_wait3A_427 = tpu.memref_squeeze %dma_wait3A_426 : memref<1x80x64xf32, #tpu.memory_space<vmem>> -> memref<80x64xf32, #tpu.memory_space<vmem>>
      %dma_wait3A_428 = arith.constant 0 : i32
      %dma_wait3A_429 = tpu.memref_slice %arg6[%dma_wait3A_428] : memref<10000xi32, #tpu.memory_space<vmem>> -> memref<80xi32, #tpu.memory_space<vmem>>
      %dma_wait3A_430 = arith.constant 0 : i32
      %dma_wait3A_431 = arith.constant 0 : i32
      %dma_wait3A_432 = tpu.memref_slice %arg9[%dma_wait3A_430, %dma_wait3A_431] : memref<10000x64xf32, #tpu.memory_space<vmem_shared>> -> memref<10000x64xf32, #tpu.memory_space<vmem_shared>>
      tpu.wait_indirect_dma semaphore(%arg13 : memref<!tpu.dma_semaphore, #tpu.memory_space<semaphore_mem>>) src(%dma_wait3A_432 : memref<10000x64xf32, #tpu.memory_space<vmem_shared>>) dst(%dma_wait3A_427 : memref<80x64xf32, #tpu.memory_space<vmem>>)
      %add3A_433 = arith.constant 2 : i32
      %add3A_434 = arith.addi %mul3A_376, %add3A_433 : i32
      %mul3A_435 = arith.constant 80 : i32
      %mul3A_436 = arith.muli %add3A_434, %mul3A_435 : i32
      %dma_start3A_437 = arith.constant 2 : i32
      %dma_start3A_438 = arith.constant 0 : i32
      %dma_start3A_439 = arith.constant 0 : i32
      %dma_start3A_440 = tpu.memref_slice %arg8[%dma_start3A_437, %dma_start3A_438, %dma_start3A_439] : memref<5x80x64xf32, #tpu.memory_space<vmem>> -> memref<1x80x64xf32, #tpu.memory_space<vmem>>
      %dma_start3A_441 = tpu.memref_squeeze %dma_start3A_440 : memref<1x80x64xf32, #tpu.memory_space<vmem>> -> memref<80x64xf32, #tpu.memory_space<vmem>>
      %dma_start3A_442 = tpu.memref_slice %arg7[%mul3A_436] : memref<10000xi32, #tpu.memory_space<vmem>> -> memref<80xi32, #tpu.memory_space<vmem>>
      %dma_start3A_443 = arith.constant 0 : i32
      %dma_start3A_444 = arith.constant 0 : i32
      %dma_start3A_445 = tpu.memref_slice %arg10[%dma_start3A_443, %dma_start3A_444] : memref<10000x64xf32, #tpu.memory_space<vmem_shared>> -> memref<10000x64xf32, #tpu.memory_space<vmem_shared>>
      tpu.enqueue_indirect_dma source(%dma_start3A_441 : memref<80x64xf32, #tpu.memory_space<vmem>>) target(%dma_start3A_445 : memref<10000x64xf32, #tpu.memory_space<vmem_shared>>) offsets(%dma_start3A_442 : memref<80xi32, #tpu.memory_space<vmem>>) semaphore(%arg18 : memref<!tpu.dma_semaphore, #tpu.memory_space<semaphore_mem>>) {add = true}
      %dma_wait3A_446 = arith.constant 0 : i32
      %dma_wait3A_447 = arith.constant 0 : i32
      %dma_wait3A_448 = arith.constant 0 : i32
      %dma_wait3A_449 = tpu.memref_slice %arg8[%dma_wait3A_446, %dma_wait3A_447, %dma_wait3A_448] : memref<5x80x64xf32, #tpu.memory_space<vmem>> -> memref<1x80x64xf32, #tpu.memory_space<vmem>>
      %dma_wait3A_450 = tpu.memref_squeeze %dma_wait3A_449 : memref<1x80x64xf32, #tpu.memory_space<vmem>> -> memref<80x64xf32, #tpu.memory_space<vmem>>
      %dma_wait3A_451 = arith.constant 0 : i32
      %dma_wait3A_452 = tpu.memref_slice %arg7[%dma_wait3A_451] : memref<10000xi32, #tpu.memory_space<vmem>> -> memref<80xi32, #tpu.memory_space<vmem>>
      %dma_wait3A_453 = arith.constant 0 : i32
      %dma_wait3A_454 = arith.constant 0 : i32
      %dma_wait3A_455 = tpu.memref_slice %arg10[%dma_wait3A_453, %dma_wait3A_454] : memref<10000x64xf32, #tpu.memory_space<vmem_shared>> -> memref<10000x64xf32, #tpu.memory_space<vmem_shared>>
      tpu.wait_indirect_dma semaphore(%arg16 : memref<!tpu.dma_semaphore, #tpu.memory_space<semaphore_mem>>) src(%dma_wait3A_450 : memref<80x64xf32, #tpu.memory_space<vmem>>) dst(%dma_wait3A_455 : memref<10000x64xf32, #tpu.memory_space<vmem_shared>>)
      %add3A_456 = arith.constant 1 : i32
      %add3A_457 = arith.addi %scan3A_374, %add3A_456 : i32
      %lt3A = arith.constant 25 : i32
      %lt3A_458 = arith.cmpi slt, %add3A_457, %lt3A : i32
      %convert_element_type3A = arith.extui %lt3A_458 : i1 to i32
      %cond3A = arith.constant 0 : i32
      %cond3A_459 = arith.cmpi ne, %convert_element_type3A, %cond3A : i32
      scf.if %cond3A_459 {
        %add3A_574 = arith.constant 5 : i32
        %add3A_575 = arith.addi %mul3A_376, %add3A_574 : i32
        %add3A_576 = arith.constant 0 : i32
        %add3A_577 = arith.addi %add3A_575, %add3A_576 : i32
        %mul3A_578 = arith.constant 80 : i32
        %mul3A_579 = arith.muli %add3A_577, %mul3A_578 : i32
        %dma_start3A_580 = arith.constant 0 : i32
        %dma_start3A_581 = arith.constant 0 : i32
        %dma_start3A_582 = arith.constant 0 : i32
        %dma_start3A_583 = tpu.memref_slice %arg8[%dma_start3A_580, %dma_start3A_581, %dma_start3A_582] : memref<5x80x64xf32, #tpu.memory_space<vmem>> -> memref<1x80x64xf32, #tpu.memory_space<vmem>>
        %dma_start3A_584 = tpu.memref_squeeze %dma_start3A_583 : memref<1x80x64xf32, #tpu.memory_space<vmem>> -> memref<80x64xf32, #tpu.memory_space<vmem>>
        %dma_start3A_585 = tpu.memref_slice %arg6[%mul3A_579] : memref<10000xi32, #tpu.memory_space<vmem>> -> memref<80xi32, #tpu.memory_space<vmem>>
        %dma_start3A_586 = arith.constant 0 : i32
        %dma_start3A_587 = arith.constant 0 : i32
        %dma_start3A_588 = tpu.memref_slice %arg9[%dma_start3A_586, %dma_start3A_587] : memref<10000x64xf32, #tpu.memory_space<vmem_shared>> -> memref<10000x64xf32, #tpu.memory_space<vmem_shared>>
        tpu.enqueue_indirect_dma source(%dma_start3A_588 : memref<10000x64xf32, #tpu.memory_space<vmem_shared>>) target(%dma_start3A_584 : memref<80x64xf32, #tpu.memory_space<vmem>>) offsets(%dma_start3A_585 : memref<80xi32, #tpu.memory_space<vmem>>) semaphore(%arg11 : memref<!tpu.dma_semaphore, #tpu.memory_space<semaphore_mem>>)
      } else {
      }
      %dma_wait3A_460 = arith.constant 3 : i32
      %dma_wait3A_461 = arith.constant 0 : i32
      %dma_wait3A_462 = arith.constant 0 : i32
      %dma_wait3A_463 = tpu.memref_slice %arg8[%dma_wait3A_460, %dma_wait3A_461, %dma_wait3A_462] : memref<5x80x64xf32, #tpu.memory_space<vmem>> -> memref<1x80x64xf32, #tpu.memory_space<vmem>>
      %dma_wait3A_464 = tpu.memref_squeeze %dma_wait3A_463 : memref<1x80x64xf32, #tpu.memory_space<vmem>> -> memref<80x64xf32, #tpu.memory_space<vmem>>
      %dma_wait3A_465 = arith.constant 0 : i32
      %dma_wait3A_466 = tpu.memref_slice %arg6[%dma_wait3A_465] : memref<10000xi32, #tpu.memory_space<vmem>> -> memref<80xi32, #tpu.memory_space<vmem>>
      %dma_wait3A_467 = arith.constant 0 : i32
      %dma_wait3A_468 = arith.constant 0 : i32
      %dma_wait3A_469 = tpu.memref_slice %arg9[%dma_wait3A_467, %dma_wait3A_468] : memref<10000x64xf32, #tpu.memory_space<vmem_shared>> -> memref<10000x64xf32, #tpu.memory_space<vmem_shared>>
      tpu.wait_indirect_dma semaphore(%arg14 : memref<!tpu.dma_semaphore, #tpu.memory_space<semaphore_mem>>) src(%dma_wait3A_469 : memref<10000x64xf32, #tpu.memory_space<vmem_shared>>) dst(%dma_wait3A_464 : memref<80x64xf32, #tpu.memory_space<vmem>>)
      %add3A_470 = arith.constant 3 : i32
      %add3A_471 = arith.addi %mul3A_376, %add3A_470 : i32
      %mul3A_472 = arith.constant 80 : i32
      %mul3A_473 = arith.muli %add3A_471, %mul3A_472 : i32
      %dma_start3A_474 = arith.constant 3 : i32
      %dma_start3A_475 = arith.constant 0 : i32
      %dma_start3A_476 = arith.constant 0 : i32
      %dma_start3A_477 = tpu.memref_slice %arg8[%dma_start3A_474, %dma_start3A_475, %dma_start3A_476] : memref<5x80x64xf32, #tpu.memory_space<vmem>> -> memref<1x80x64xf32, #tpu.memory_space<vmem>>
      %dma_start3A_478 = tpu.memref_squeeze %dma_start3A_477 : memref<1x80x64xf32, #tpu.memory_space<vmem>> -> memref<80x64xf32, #tpu.memory_space<vmem>>
      %dma_start3A_479 = tpu.memref_slice %arg7[%mul3A_473] : memref<10000xi32, #tpu.memory_space<vmem>> -> memref<80xi32, #tpu.memory_space<vmem>>
      %dma_start3A_480 = arith.constant 0 : i32
      %dma_start3A_481 = arith.constant 0 : i32
      %dma_start3A_482 = tpu.memref_slice %arg10[%dma_start3A_480, %dma_start3A_481] : memref<10000x64xf32, #tpu.memory_space<vmem_shared>> -> memref<10000x64xf32, #tpu.memory_space<vmem_shared>>
      tpu.enqueue_indirect_dma source(%dma_start3A_478 : memref<80x64xf32, #tpu.memory_space<vmem>>) target(%dma_start3A_482 : memref<10000x64xf32, #tpu.memory_space<vmem_shared>>) offsets(%dma_start3A_479 : memref<80xi32, #tpu.memory_space<vmem>>) semaphore(%arg19 : memref<!tpu.dma_semaphore, #tpu.memory_space<semaphore_mem>>) {add = true}
      %dma_wait3A_483 = arith.constant 1 : i32
      %dma_wait3A_484 = arith.constant 0 : i32
      %dma_wait3A_485 = arith.constant 0 : i32
      %dma_wait3A_486 = tpu.memref_slice %arg8[%dma_wait3A_483, %dma_wait3A_484, %dma_wait3A_485] : memref<5x80x64xf32, #tpu.memory_space<vmem>> -> memref<1x80x64xf32, #tpu.memory_space<vmem>>
      %dma_wait3A_487 = tpu.memref_squeeze %dma_wait3A_486 : memref<1x80x64xf32, #tpu.memory_space<vmem>> -> memref<80x64xf32, #tpu.memory_space<vmem>>
      %dma_wait3A_488 = arith.constant 0 : i32
      %dma_wait3A_489 = tpu.memref_slice %arg7[%dma_wait3A_488] : memref<10000xi32, #tpu.memory_space<vmem>> -> memref<80xi32, #tpu.memory_space<vmem>>
      %dma_wait3A_490 = arith.constant 0 : i32
      %dma_wait3A_491 = arith.constant 0 : i32
      %dma_wait3A_492 = tpu.memref_slice %arg10[%dma_wait3A_490, %dma_wait3A_491] : memref<10000x64xf32, #tpu.memory_space<vmem_shared>> -> memref<10000x64xf32, #tpu.memory_space<vmem_shared>>
      tpu.wait_indirect_dma semaphore(%arg17 : memref<!tpu.dma_semaphore, #tpu.memory_space<semaphore_mem>>) src(%dma_wait3A_487 : memref<80x64xf32, #tpu.memory_space<vmem>>) dst(%dma_wait3A_492 : memref<10000x64xf32, #tpu.memory_space<vmem_shared>>)
      %add3A_493 = arith.constant 1 : i32
      %add3A_494 = arith.addi %scan3A_374, %add3A_493 : i32
      %lt3A_495 = arith.constant 25 : i32
      %lt3A_496 = arith.cmpi slt, %add3A_494, %lt3A_495 : i32
      %convert_element_type3A_497 = arith.extui %lt3A_496 : i1 to i32
      %cond3A_498 = arith.constant 0 : i32
      %cond3A_499 = arith.cmpi ne, %convert_element_type3A_497, %cond3A_498 : i32
      scf.if %cond3A_499 {
        %add3A_574 = arith.constant 5 : i32
        %add3A_575 = arith.addi %mul3A_376, %add3A_574 : i32
        %add3A_576 = arith.constant 1 : i32
        %add3A_577 = arith.addi %add3A_575, %add3A_576 : i32
        %mul3A_578 = arith.constant 80 : i32
        %mul3A_579 = arith.muli %add3A_577, %mul3A_578 : i32
        %dma_start3A_580 = arith.constant 1 : i32
        %dma_start3A_581 = arith.constant 0 : i32
        %dma_start3A_582 = arith.constant 0 : i32
        %dma_start3A_583 = tpu.memref_slice %arg8[%dma_start3A_580, %dma_start3A_581, %dma_start3A_582] : memref<5x80x64xf32, #tpu.memory_space<vmem>> -> memref<1x80x64xf32, #tpu.memory_space<vmem>>
        %dma_start3A_584 = tpu.memref_squeeze %dma_start3A_583 : memref<1x80x64xf32, #tpu.memory_space<vmem>> -> memref<80x64xf32, #tpu.memory_space<vmem>>
        %dma_start3A_585 = tpu.memref_slice %arg6[%mul3A_579] : memref<10000xi32, #tpu.memory_space<vmem>> -> memref<80xi32, #tpu.memory_space<vmem>>
        %dma_start3A_586 = arith.constant 0 : i32
        %dma_start3A_587 = arith.constant 0 : i32
        %dma_start3A_588 = tpu.memref_slice %arg9[%dma_start3A_586, %dma_start3A_587] : memref<10000x64xf32, #tpu.memory_space<vmem_shared>> -> memref<10000x64xf32, #tpu.memory_space<vmem_shared>>
        tpu.enqueue_indirect_dma source(%dma_start3A_588 : memref<10000x64xf32, #tpu.memory_space<vmem_shared>>) target(%dma_start3A_584 : memref<80x64xf32, #tpu.memory_space<vmem>>) offsets(%dma_start3A_585 : memref<80xi32, #tpu.memory_space<vmem>>) semaphore(%arg12 : memref<!tpu.dma_semaphore, #tpu.memory_space<semaphore_mem>>)
      } else {
      }
      %dma_wait3A_500 = arith.constant 4 : i32
      %dma_wait3A_501 = arith.constant 0 : i32
      %dma_wait3A_502 = arith.constant 0 : i32
      %dma_wait3A_503 = tpu.memref_slice %arg8[%dma_wait3A_500, %dma_wait3A_501, %dma_wait3A_502] : memref<5x80x64xf32, #tpu.memory_space<vmem>> -> memref<1x80x64xf32, #tpu.memory_space<vmem>>
      %dma_wait3A_504 = tpu.memref_squeeze %dma_wait3A_503 : memref<1x80x64xf32, #tpu.memory_space<vmem>> -> memref<80x64xf32, #tpu.memory_space<vmem>>
      %dma_wait3A_505 = arith.constant 0 : i32
      %dma_wait3A_506 = tpu.memref_slice %arg6[%dma_wait3A_505] : memref<10000xi32, #tpu.memory_space<vmem>> -> memref<80xi32, #tpu.memory_space<vmem>>
      %dma_wait3A_507 = arith.constant 0 : i32
      %dma_wait3A_508 = arith.constant 0 : i32
      %dma_wait3A_509 = tpu.memref_slice %arg9[%dma_wait3A_507, %dma_wait3A_508] : memref<10000x64xf32, #tpu.memory_space<vmem_shared>> -> memref<10000x64xf32, #tpu.memory_space<vmem_shared>>
      tpu.wait_indirect_dma semaphore(%arg15 : memref<!tpu.dma_semaphore, #tpu.memory_space<semaphore_mem>>) src(%dma_wait3A_509 : memref<10000x64xf32, #tpu.memory_space<vmem_shared>>) dst(%dma_wait3A_504 : memref<80x64xf32, #tpu.memory_space<vmem>>)
      %add3A_510 = arith.constant 4 : i32
      %add3A_511 = arith.addi %mul3A_376, %add3A_510 : i32
      %mul3A_512 = arith.constant 80 : i32
      %mul3A_513 = arith.muli %add3A_511, %mul3A_512 : i32
      %dma_start3A_514 = arith.constant 4 : i32
      %dma_start3A_515 = arith.constant 0 : i32
      %dma_start3A_516 = arith.constant 0 : i32
      %dma_start3A_517 = tpu.memref_slice %arg8[%dma_start3A_514, %dma_start3A_515, %dma_start3A_516] : memref<5x80x64xf32, #tpu.memory_space<vmem>> -> memref<1x80x64xf32, #tpu.memory_space<vmem>>
      %dma_start3A_518 = tpu.memref_squeeze %dma_start3A_517 : memref<1x80x64xf32, #tpu.memory_space<vmem>> -> memref<80x64xf32, #tpu.memory_space<vmem>>
      %dma_start3A_519 = tpu.memref_slice %arg7[%mul3A_513] : memref<10000xi32, #tpu.memory_space<vmem>> -> memref<80xi32, #tpu.memory_space<vmem>>
      %dma_start3A_520 = arith.constant 0 : i32
      %dma_start3A_521 = arith.constant 0 : i32
      %dma_start3A_522 = tpu.memref_slice %arg10[%dma_start3A_520, %dma_start3A_521] : memref<10000x64xf32, #tpu.memory_space<vmem_shared>> -> memref<10000x64xf32, #tpu.memory_space<vmem_shared>>
      tpu.enqueue_indirect_dma source(%dma_start3A_518 : memref<80x64xf32, #tpu.memory_space<vmem>>) target(%dma_start3A_522 : memref<10000x64xf32, #tpu.memory_space<vmem_shared>>) offsets(%dma_start3A_519 : memref<80xi32, #tpu.memory_space<vmem>>) semaphore(%arg20 : memref<!tpu.dma_semaphore, #tpu.memory_space<semaphore_mem>>) {add = true}
      %dma_wait3A_523 = arith.constant 2 : i32
      %dma_wait3A_524 = arith.constant 0 : i32
      %dma_wait3A_525 = arith.constant 0 : i32
      %dma_wait3A_526 = tpu.memref_slice %arg8[%dma_wait3A_523, %dma_wait3A_524, %dma_wait3A_525] : memref<5x80x64xf32, #tpu.memory_space<vmem>> -> memref<1x80x64xf32, #tpu.memory_space<vmem>>
      %dma_wait3A_527 = tpu.memref_squeeze %dma_wait3A_526 : memref<1x80x64xf32, #tpu.memory_space<vmem>> -> memref<80x64xf32, #tpu.memory_space<vmem>>
      %dma_wait3A_528 = arith.constant 0 : i32
      %dma_wait3A_529 = tpu.memref_slice %arg7[%dma_wait3A_528] : memref<10000xi32, #tpu.memory_space<vmem>> -> memref<80xi32, #tpu.memory_space<vmem>>
      %dma_wait3A_530 = arith.constant 0 : i32
      %dma_wait3A_531 = arith.constant 0 : i32
      %dma_wait3A_532 = tpu.memref_slice %arg10[%dma_wait3A_530, %dma_wait3A_531] : memref<10000x64xf32, #tpu.memory_space<vmem_shared>> -> memref<10000x64xf32, #tpu.memory_space<vmem_shared>>
      tpu.wait_indirect_dma semaphore(%arg18 : memref<!tpu.dma_semaphore, #tpu.memory_space<semaphore_mem>>) src(%dma_wait3A_527 : memref<80x64xf32, #tpu.memory_space<vmem>>) dst(%dma_wait3A_532 : memref<10000x64xf32, #tpu.memory_space<vmem_shared>>)
      %add3A_533 = arith.constant 1 : i32
      %add3A_534 = arith.addi %scan3A_374, %add3A_533 : i32
      %lt3A_535 = arith.constant 25 : i32
      %lt3A_536 = arith.cmpi slt, %add3A_534, %lt3A_535 : i32
      %convert_element_type3A_537 = arith.extui %lt3A_536 : i1 to i32
      %cond3A_538 = arith.constant 0 : i32
      %cond3A_539 = arith.cmpi ne, %convert_element_type3A_537, %cond3A_538 : i32
      scf.if %cond3A_539 {
        %add3A_574 = arith.constant 5 : i32
        %add3A_575 = arith.addi %mul3A_376, %add3A_574 : i32
        %add3A_576 = arith.constant 2 : i32
        %add3A_577 = arith.addi %add3A_575, %add3A_576 : i32
        %mul3A_578 = arith.constant 80 : i32
        %mul3A_579 = arith.muli %add3A_577, %mul3A_578 : i32
        %dma_start3A_580 = arith.constant 2 : i32
        %dma_start3A_581 = arith.constant 0 : i32
        %dma_start3A_582 = arith.constant 0 : i32
        %dma_start3A_583 = tpu.memref_slice %arg8[%dma_start3A_580, %dma_start3A_581, %dma_start3A_582] : memref<5x80x64xf32, #tpu.memory_space<vmem>> -> memref<1x80x64xf32, #tpu.memory_space<vmem>>
        %dma_start3A_584 = tpu.memref_squeeze %dma_start3A_583 : memref<1x80x64xf32, #tpu.memory_space<vmem>> -> memref<80x64xf32, #tpu.memory_space<vmem>>
        %dma_start3A_585 = tpu.memref_slice %arg6[%mul3A_579] : memref<10000xi32, #tpu.memory_space<vmem>> -> memref<80xi32, #tpu.memory_space<vmem>>
        %dma_start3A_586 = arith.constant 0 : i32
        %dma_start3A_587 = arith.constant 0 : i32
        %dma_start3A_588 = tpu.memref_slice %arg9[%dma_start3A_586, %dma_start3A_587] : memref<10000x64xf32, #tpu.memory_space<vmem_shared>> -> memref<10000x64xf32, #tpu.memory_space<vmem_shared>>
        tpu.enqueue_indirect_dma source(%dma_start3A_588 : memref<10000x64xf32, #tpu.memory_space<vmem_shared>>) target(%dma_start3A_584 : memref<80x64xf32, #tpu.memory_space<vmem>>) offsets(%dma_start3A_585 : memref<80xi32, #tpu.memory_space<vmem>>) semaphore(%arg13 : memref<!tpu.dma_semaphore, #tpu.memory_space<semaphore_mem>>)
      } else {
      }
      %dma_wait3A_540 = arith.constant 3 : i32
      %dma_wait3A_541 = arith.constant 0 : i32
      %dma_wait3A_542 = arith.constant 0 : i32
      %dma_wait3A_543 = tpu.memref_slice %arg8[%dma_wait3A_540, %dma_wait3A_541, %dma_wait3A_542] : memref<5x80x64xf32, #tpu.memory_space<vmem>> -> memref<1x80x64xf32, #tpu.memory_space<vmem>>
      %dma_wait3A_544 = tpu.memref_squeeze %dma_wait3A_543 : memref<1x80x64xf32, #tpu.memory_space<vmem>> -> memref<80x64xf32, #tpu.memory_space<vmem>>
      %dma_wait3A_545 = arith.constant 0 : i32
      %dma_wait3A_546 = tpu.memref_slice %arg7[%dma_wait3A_545] : memref<10000xi32, #tpu.memory_space<vmem>> -> memref<80xi32, #tpu.memory_space<vmem>>
      %dma_wait3A_547 = arith.constant 0 : i32
      %dma_wait3A_548 = arith.constant 0 : i32
      %dma_wait3A_549 = tpu.memref_slice %arg10[%dma_wait3A_547, %dma_wait3A_548] : memref<10000x64xf32, #tpu.memory_space<vmem_shared>> -> memref<10000x64xf32, #tpu.memory_space<vmem_shared>>
      tpu.wait_indirect_dma semaphore(%arg19 : memref<!tpu.dma_semaphore, #tpu.memory_space<semaphore_mem>>) src(%dma_wait3A_544 : memref<80x64xf32, #tpu.memory_space<vmem>>) dst(%dma_wait3A_549 : memref<10000x64xf32, #tpu.memory_space<vmem_shared>>)
      %add3A_550 = arith.constant 1 : i32
      %add3A_551 = arith.addi %scan3A_374, %add3A_550 : i32
      %lt3A_552 = arith.constant 25 : i32
      %lt3A_553 = arith.cmpi slt, %add3A_551, %lt3A_552 : i32
      %convert_element_type3A_554 = arith.extui %lt3A_553 : i1 to i32
      %cond3A_555 = arith.constant 0 : i32
      %cond3A_556 = arith.cmpi ne, %convert_element_type3A_554, %cond3A_555 : i32
      scf.if %cond3A_556 {
        %add3A_574 = arith.constant 5 : i32
        %add3A_575 = arith.addi %mul3A_376, %add3A_574 : i32
        %add3A_576 = arith.constant 3 : i32
        %add3A_577 = arith.addi %add3A_575, %add3A_576 : i32
        %mul3A_578 = arith.constant 80 : i32
        %mul3A_579 = arith.muli %add3A_577, %mul3A_578 : i32
        %dma_start3A_580 = arith.constant 3 : i32
        %dma_start3A_581 = arith.constant 0 : i32
        %dma_start3A_582 = arith.constant 0 : i32
        %dma_start3A_583 = tpu.memref_slice %arg8[%dma_start3A_580, %dma_start3A_581, %dma_start3A_582] : memref<5x80x64xf32, #tpu.memory_space<vmem>> -> memref<1x80x64xf32, #tpu.memory_space<vmem>>
        %dma_start3A_584 = tpu.memref_squeeze %dma_start3A_583 : memref<1x80x64xf32, #tpu.memory_space<vmem>> -> memref<80x64xf32, #tpu.memory_space<vmem>>
        %dma_start3A_585 = tpu.memref_slice %arg6[%mul3A_579] : memref<10000xi32, #tpu.memory_space<vmem>> -> memref<80xi32, #tpu.memory_space<vmem>>
        %dma_start3A_586 = arith.constant 0 : i32
        %dma_start3A_587 = arith.constant 0 : i32
        %dma_start3A_588 = tpu.memref_slice %arg9[%dma_start3A_586, %dma_start3A_587] : memref<10000x64xf32, #tpu.memory_space<vmem_shared>> -> memref<10000x64xf32, #tpu.memory_space<vmem_shared>>
        tpu.enqueue_indirect_dma source(%dma_start3A_588 : memref<10000x64xf32, #tpu.memory_space<vmem_shared>>) target(%dma_start3A_584 : memref<80x64xf32, #tpu.memory_space<vmem>>) offsets(%dma_start3A_585 : memref<80xi32, #tpu.memory_space<vmem>>) semaphore(%arg14 : memref<!tpu.dma_semaphore, #tpu.memory_space<semaphore_mem>>)
      } else {
      }
      %dma_wait3A_557 = arith.constant 4 : i32
      %dma_wait3A_558 = arith.constant 0 : i32
      %dma_wait3A_559 = arith.constant 0 : i32
      %dma_wait3A_560 = tpu.memref_slice %arg8[%dma_wait3A_557, %dma_wait3A_558, %dma_wait3A_559] : memref<5x80x64xf32, #tpu.memory_space<vmem>> -> memref<1x80x64xf32, #tpu.memory_space<vmem>>
      %dma_wait3A_561 = tpu.memref_squeeze %dma_wait3A_560 : memref<1x80x64xf32, #tpu.memory_space<vmem>> -> memref<80x64xf32, #tpu.memory_space<vmem>>
      %dma_wait3A_562 = arith.constant 0 : i32
      %dma_wait3A_563 = tpu.memref_slice %arg7[%dma_wait3A_562] : memref<10000xi32, #tpu.memory_space<vmem>> -> memref<80xi32, #tpu.memory_space<vmem>>
      %dma_wait3A_564 = arith.constant 0 : i32
      %dma_wait3A_565 = arith.constant 0 : i32
      %dma_wait3A_566 = tpu.memref_slice %arg10[%dma_wait3A_564, %dma_wait3A_565] : memref<10000x64xf32, #tpu.memory_space<vmem_shared>> -> memref<10000x64xf32, #tpu.memory_space<vmem_shared>>
      tpu.wait_indirect_dma semaphore(%arg20 : memref<!tpu.dma_semaphore, #tpu.memory_space<semaphore_mem>>) src(%dma_wait3A_561 : memref<80x64xf32, #tpu.memory_space<vmem>>) dst(%dma_wait3A_566 : memref<10000x64xf32, #tpu.memory_space<vmem_shared>>)
      %add3A_567 = arith.constant 1 : i32
      %add3A_568 = arith.addi %scan3A_374, %add3A_567 : i32
      %lt3A_569 = arith.constant 25 : i32
      %lt3A_570 = arith.cmpi slt, %add3A_568, %lt3A_569 : i32
      %convert_element_type3A_571 = arith.extui %lt3A_570 : i1 to i32
      %cond3A_572 = arith.constant 0 : i32
      %cond3A_573 = arith.cmpi ne, %convert_element_type3A_571, %cond3A_572 : i32
      scf.if %cond3A_573 {
        %add3A_574 = arith.constant 5 : i32
        %add3A_575 = arith.addi %mul3A_376, %add3A_574 : i32
        %add3A_576 = arith.constant 4 : i32
        %add3A_577 = arith.addi %add3A_575, %add3A_576 : i32
        %mul3A_578 = arith.constant 80 : i32
        %mul3A_579 = arith.muli %add3A_577, %mul3A_578 : i32
        %dma_start3A_580 = arith.constant 4 : i32
        %dma_start3A_581 = arith.constant 0 : i32
        %dma_start3A_582 = arith.constant 0 : i32
        %dma_start3A_583 = tpu.memref_slice %arg8[%dma_start3A_580, %dma_start3A_581, %dma_start3A_582] : memref<5x80x64xf32, #tpu.memory_space<vmem>> -> memref<1x80x64xf32, #tpu.memory_space<vmem>>
        %dma_start3A_584 = tpu.memref_squeeze %dma_start3A_583 : memref<1x80x64xf32, #tpu.memory_space<vmem>> -> memref<80x64xf32, #tpu.memory_space<vmem>>
        %dma_start3A_585 = tpu.memref_slice %arg6[%mul3A_579] : memref<10000xi32, #tpu.memory_space<vmem>> -> memref<80xi32, #tpu.memory_space<vmem>>
        %dma_start3A_586 = arith.constant 0 : i32
        %dma_start3A_587 = arith.constant 0 : i32
        %dma_start3A_588 = tpu.memref_slice %arg9[%dma_start3A_586, %dma_start3A_587] : memref<10000x64xf32, #tpu.memory_space<vmem_shared>> -> memref<10000x64xf32, #tpu.memory_space<vmem_shared>>
        tpu.enqueue_indirect_dma source(%dma_start3A_588 : memref<10000x64xf32, #tpu.memory_space<vmem_shared>>) target(%dma_start3A_584 : memref<80x64xf32, #tpu.memory_space<vmem>>) offsets(%dma_start3A_585 : memref<80xi32, #tpu.memory_space<vmem>>) semaphore(%arg15 : memref<!tpu.dma_semaphore, #tpu.memory_space<semaphore_mem>>)
      } else {
      }
    }
    %scan3A_372 = arith.constant 25 : i32
    %barrier3A_373 = arith.constant 0 : index
    tpu.barrier barrier_id(%barrier3A_373)
    "tpu.region"() ({
      %run_scoped3A = tpu.sem_alloc : memref<!tpu.dma_semaphore, #tpu.memory_space<semaphore_mem>>
      %dma_start3A_374 = arith.constant 0 : i32
      %dma_start3A_375 = arith.constant 0 : i32
      %dma_start3A_376 = tpu.memref_slice %arg5[%arg0, %dma_start3A_374, %dma_start3A_375] : memref<2x10000x64xf32, #tpu.memory_space<hbm>> -> memref<1x10000x64xf32, #tpu.memory_space<hbm>>
      %dma_start3A_377 = tpu.memref_squeeze %dma_start3A_376 : memref<1x10000x64xf32, #tpu.memory_space<hbm>> -> memref<10000x64xf32, #tpu.memory_space<hbm>>
      %dma_start3A_378 = arith.constant 0 : i32
      %dma_start3A_379 = tpu.memref_slice %dma_start3A_377[%mul3A_0, %dma_start3A_378] : memref<10000x64xf32, #tpu.memory_space<hbm>> -> memref<640x64xf32, #tpu.memory_space<hbm>>
      %dma_start3A_380 = arith.constant 0 : i32
      %dma_start3A_381 = tpu.memref_slice %arg10[%mul3A_0, %dma_start3A_380] : memref<10000x64xf32, #tpu.memory_space<vmem_shared>> -> memref<640x64xf32, #tpu.memory_space<vmem_shared>>
      tpu.enqueue_dma source(%dma_start3A_381 : memref<640x64xf32, #tpu.memory_space<vmem_shared>>) target(%dma_start3A_379 : memref<640x64xf32, #tpu.memory_space<hbm>>) target_semaphore(%run_scoped3A : memref<!tpu.dma_semaphore, #tpu.memory_space<semaphore_mem>>)
      %dma_wait3A_382 = arith.constant 0 : i32
      %dma_wait3A_383 = arith.constant 0 : i32
      %dma_wait3A_384 = tpu.memref_slice %arg5[%arg0, %dma_wait3A_382, %dma_wait3A_383] : memref<2x10000x64xf32, #tpu.memory_space<hbm>> -> memref<1x10000x64xf32, #tpu.memory_space<hbm>>
      %dma_wait3A_385 = tpu.memref_squeeze %dma_wait3A_384 : memref<1x10000x64xf32, #tpu.memory_space<hbm>> -> memref<10000x64xf32, #tpu.memory_space<hbm>>
      %dma_wait3A_386 = arith.constant 0 : i32
      %dma_wait3A_387 = tpu.memref_slice %dma_wait3A_385[%mul3A_0, %dma_wait3A_386] : memref<10000x64xf32, #tpu.memory_space<hbm>> -> memref<640x64xf32, #tpu.memory_space<hbm>>
      %dma_wait3A_388 = arith.constant 0 : i32
      %dma_wait3A_389 = tpu.memref_slice %arg10[%mul3A_0, %dma_wait3A_388] : memref<10000x64xf32, #tpu.memory_space<vmem_shared>> -> memref<640x64xf32, #tpu.memory_space<vmem_shared>>
      tpu.wait_dma2 semaphore(%run_scoped3A : memref<!tpu.dma_semaphore, #tpu.memory_space<semaphore_mem>>) src(%dma_wait3A_389 : memref<640x64xf32, #tpu.memory_space<vmem_shared>>) dst(%dma_wait3A_387 : memref<640x64xf32, #tpu.memory_space<hbm>>)
      tpu.yield
    }) : () -> ()
    return
  }
}

module attributes {stable_mosaic.version = 14 : i64} {
  func.func @body(%arg0: i32, %arg1: memref<2x2000x64xf32, #tpu.memory_space<vmem>>, %arg2: memref<2000x128xf32, #tpu.memory_space<vmem>>, %arg3: memref<128x128xf32, #tpu.memory_space<vmem>>, %arg4: memref<128x128xf32, #tpu.memory_space<vmem>>, %arg5: memref<1x128xf32, #tpu.memory_space<vmem>>, %arg6: memref<128x128xf32, #tpu.memory_space<vmem>>, %arg7: memref<1x128xf32, #tpu.memory_space<vmem>>, %arg8: memref<2000x128xf32, #tpu.memory_space<vmem>>) attributes {dimension_semantics = [#tpu.dimension_semantics<arbitrary>], iteration_bounds = array<i64: 5>, scalar_prefetch = 0 : i64, scratch_operands = 0 : i64, tpu.core_type = #tpu.core_type<tc>, window_params = [{transform_indices = @transform_0, window_bounds = array<i64: 2, 2000, 64>}, {transform_indices = @transform_1, window_bounds = array<i64: 2000, 128>}, {pipeline_mode = #tpu.pipeline_mode<synchronous>, transform_indices = @transform_2, window_bounds = array<i64: 128, 128>}, {pipeline_mode = #tpu.pipeline_mode<synchronous>, transform_indices = @transform_3, window_bounds = array<i64: 128, 128>}, {pipeline_mode = #tpu.pipeline_mode<synchronous>, transform_indices = @transform_4, window_bounds = array<i64: 1, 128>}, {pipeline_mode = #tpu.pipeline_mode<synchronous>, transform_indices = @transform_5, window_bounds = array<i64: 128, 128>}, {pipeline_mode = #tpu.pipeline_mode<synchronous>, transform_indices = @transform_6, window_bounds = array<i64: 1, 128>}, {transform_indices = @transform_7, window_bounds = array<i64: 2000, 128>}]} {
    %get3A = arith.constant 0 : index
    %get3A_0 = arith.constant 0 : index
    %get3A_1 = arith.constant 0 : index
    %get3A_2 = vector.load %arg1[%get3A, %get3A_0, %get3A_1] : memref<2x2000x64xf32, #tpu.memory_space<vmem>>, vector<1x2000x64xf32>
    %get3A_3 = vector.shape_cast %get3A_2 : vector<1x2000x64xf32> to vector<2000x64xf32>
    %get3A_4 = arith.constant 1 : index
    %get3A_5 = arith.constant 0 : index
    %get3A_6 = arith.constant 0 : index
    %get3A_7 = vector.load %arg1[%get3A_4, %get3A_5, %get3A_6] : memref<2x2000x64xf32, #tpu.memory_space<vmem>>, vector<1x2000x64xf32>
    %get3A_8 = vector.shape_cast %get3A_7 : vector<1x2000x64xf32> to vector<2000x64xf32>
    %concatenate3A = tpu.concatenate %get3A_3, %get3A_8 in 1 : vector<2000x64xf32>, vector<2000x64xf32> -> vector<2000x128xf32>
    %get3A_9 = arith.constant 0 : index
    %get3A_10 = arith.constant 0 : index
    %get3A_11 = vector.load %arg3[%get3A_9, %get3A_10] : memref<128x128xf32, #tpu.memory_space<vmem>>, vector<128x128xf32>
    %dot_general3A = arith.constant dense<0.000000e+00> : vector<2000x128xf32>
    %dot_general3A_12 = tpu.matmul %concatenate3A, %get3A_11, %dot_general3A {dimension_numbers = #tpu.dot_dimension_numbers<[1], [0], [0], [1], [0, 0, 1, 1], [], []>, transpose_lhs_hint = false} : vector<2000x128xf32>, vector<128x128xf32>, vector<2000x128xf32> -> vector<2000x128xf32>
    %get3A_13 = arith.constant 0 : index
    %get3A_14 = arith.constant 0 : index
    %get3A_15 = vector.load %arg2[%get3A_13, %get3A_14] : memref<2000x128xf32, #tpu.memory_space<vmem>>, vector<2000x128xf32>
    %get3A_16 = arith.constant 0 : index
    %get3A_17 = arith.constant 0 : index
    %get3A_18 = vector.load %arg4[%get3A_16, %get3A_17] : memref<128x128xf32, #tpu.memory_space<vmem>>, vector<128x128xf32>
    %dot_general3A_19 = arith.constant dense<0.000000e+00> : vector<2000x128xf32>
    %dot_general3A_20 = tpu.matmul %get3A_15, %get3A_18, %dot_general3A_19 {dimension_numbers = #tpu.dot_dimension_numbers<[1], [0], [0], [1], [0, 0, 1, 1], [], []>, transpose_lhs_hint = false} : vector<2000x128xf32>, vector<128x128xf32>, vector<2000x128xf32> -> vector<2000x128xf32>
    %add3A = arith.addf %dot_general3A_12, %dot_general3A_20 : vector<2000x128xf32>
    %get3A_21 = arith.constant 0 : index
    %get3A_22 = arith.constant 0 : index
    %get3A_23 = vector.load %arg5[%get3A_21, %get3A_22] : memref<1x128xf32, #tpu.memory_space<vmem>>, vector<1x128xf32>
    %add3A_24 = vector.broadcast %get3A_23 : vector<1x128xf32> to vector<2000x128xf32>
    %add3A_25 = arith.addf %add3A, %add3A_24 : vector<2000x128xf32>
    %max3A = arith.constant 0.000000e+00 : f32
    %max3A_26 = vector.broadcast %max3A : f32 to vector<2000x128xf32>
    %max3A_27 = arith.maximumf %add3A_25, %max3A_26 : vector<2000x128xf32>
    %get3A_28 = arith.constant 0 : index
    %get3A_29 = arith.constant 0 : index
    %get3A_30 = vector.load %arg6[%get3A_28, %get3A_29] : memref<128x128xf32, #tpu.memory_space<vmem>>, vector<128x128xf32>
    %dot_general3A_31 = arith.constant dense<0.000000e+00> : vector<2000x128xf32>
    %dot_general3A_32 = tpu.matmul %max3A_27, %get3A_30, %dot_general3A_31 {dimension_numbers = #tpu.dot_dimension_numbers<[1], [1], [0], [0], [0, 0, 1, 0], [], []>, transpose_lhs_hint = false} : vector<2000x128xf32>, vector<128x128xf32>, vector<2000x128xf32> -> vector<2000x128xf32>
    %get3A_33 = arith.constant 0 : index
    %get3A_34 = arith.constant 0 : index
    %get3A_35 = vector.load %arg7[%get3A_33, %get3A_34] : memref<1x128xf32, #tpu.memory_space<vmem>>, vector<1x128xf32>
    %add3A_36 = vector.broadcast %get3A_35 : vector<1x128xf32> to vector<2000x128xf32>
    %add3A_37 = arith.addf %dot_general3A_32, %add3A_36 : vector<2000x128xf32>
    %swap3A = arith.constant 0 : index
    %swap3A_38 = arith.constant 0 : index
    %swap3A_39 = vector.load %arg8[%swap3A, %swap3A_38] : memref<2000x128xf32, #tpu.memory_space<vmem>>, vector<2000x128xf32>
    tpu.vector_store %arg8[%swap3A, %swap3A_38], %add3A_37 {strides = array<i32>} : memref<2000x128xf32, #tpu.memory_space<vmem>>, vector<2000x128xf32>,
    return
  }
  func.func @transform_0(%arg0: i32) -> (i32, i32, i32) {
    %c0_i32 = arith.constant 0 : i32
    %c0_i32_0 = arith.constant 0 : i32
    %c0_i32_1 = arith.constant 0 : i32
    return %c0_i32, %arg0, %c0_i32_0 : i32, i32, i32
  }
  func.func @transform_1(%arg0: i32) -> (i32, i32) {
    %c0_i32 = arith.constant 0 : i32
    %c0_i32_0 = arith.constant 0 : i32
    return %arg0, %c0_i32 : i32, i32
  }
  func.func @transform_2(%arg0: i32) -> (i32, i32) {
    %c0_i32 = arith.constant 0 : i32
    %c0_i32_0 = arith.constant 0 : i32
    %c0_i32_1 = arith.constant 0 : i32
    return %c0_i32, %c0_i32_0 : i32, i32
  }
  func.func @transform_3(%arg0: i32) -> (i32, i32) {
    %c0_i32 = arith.constant 0 : i32
    %c0_i32_0 = arith.constant 0 : i32
    %c0_i32_1 = arith.constant 0 : i32
    return %c0_i32, %c0_i32_0 : i32, i32
  }
  func.func @transform_4(%arg0: i32) -> (i32, i32) {
    %c0_i32 = arith.constant 0 : i32
    %c0_i32_0 = arith.constant 0 : i32
    %c0_i32_1 = arith.constant 0 : i32
    return %c0_i32, %c0_i32_0 : i32, i32
  }
  func.func @transform_5(%arg0: i32) -> (i32, i32) {
    %c0_i32 = arith.constant 0 : i32
    %c0_i32_0 = arith.constant 0 : i32
    %c0_i32_1 = arith.constant 0 : i32
    return %c0_i32, %c0_i32_0 : i32, i32
  }
  func.func @transform_6(%arg0: i32) -> (i32, i32) {
    %c0_i32 = arith.constant 0 : i32
    %c0_i32_0 = arith.constant 0 : i32
    %c0_i32_1 = arith.constant 0 : i32
    return %c0_i32, %c0_i32_0 : i32, i32
  }
  func.func @transform_7(%arg0: i32) -> (i32, i32) {
    %c0_i32 = arith.constant 0 : i32
    %c0_i32_0 = arith.constant 0 : i32
    return %arg0, %c0_i32 : i32, i32
  }
}

module attributes {stable_mosaic.version = 14 : i64} {
  func.func @body(%arg0: memref<2x320000xi32, #tpu.memory_space<vmem>>, %arg1: memref<2500x128xi32, #tpu.memory_space<vmem>>, %arg2: memref<2500x128xi32, #tpu.memory_space<vmem>>) attributes {dimension_semantics = [], scalar_prefetch = 0 : i64, scratch_operands = 0 : i64, tpu.core_type = #tpu.core_type<tc>} {
    %get3A = arith.constant 0 : index
    %get3A_0 = arith.constant 0 : index
    %get3A_1 = vector.load %arg0[%get3A, %get3A_0] : memref<2x320000xi32, #tpu.memory_space<vmem>>, vector<1x320000xi32>
    %get3A_2 = vector.shape_cast %get3A_1 : vector<1x320000xi32> to vector<320000xi32>
    %reshape3A = vector.shape_cast %get3A_2 : vector<320000xi32> to vector<2500x128xi32>
    %swap3A = arith.constant 0 : index
    %swap3A_3 = arith.constant 0 : index
    %swap3A_4 = vector.load %arg1[%swap3A, %swap3A_3] : memref<2500x128xi32, #tpu.memory_space<vmem>>, vector<2500x128xi32>
    tpu.vector_store %arg1[%swap3A, %swap3A_3], %reshape3A {strides = array<i32>} : memref<2500x128xi32, #tpu.memory_space<vmem>>, vector<2500x128xi32>,
    %get3A_5 = arith.constant 1 : index
    %get3A_6 = arith.constant 0 : index
    %get3A_7 = vector.load %arg0[%get3A_5, %get3A_6] : memref<2x320000xi32, #tpu.memory_space<vmem>>, vector<1x320000xi32>
    %get3A_8 = vector.shape_cast %get3A_7 : vector<1x320000xi32> to vector<320000xi32>
    %reshape3A_9 = vector.shape_cast %get3A_8 : vector<320000xi32> to vector<2500x128xi32>
    %swap3A_10 = arith.constant 0 : index
    %swap3A_11 = arith.constant 0 : index
    %swap3A_12 = vector.load %arg2[%swap3A_10, %swap3A_11] : memref<2500x128xi32, #tpu.memory_space<vmem>>, vector<2500x128xi32>
    tpu.vector_store %arg2[%swap3A_10, %swap3A_11], %reshape3A_9 {strides = array<i32>} : memref<2500x128xi32, #tpu.memory_space<vmem>>, vector<2500x128xi32>,
    return
  }
}

module attributes {stable_mosaic.version = 14 : i64} {
  func.func @body(%arg0: i32, %arg1: memref<2x2000x64xf32, #tpu.memory_space<vmem>>, %arg2: memref<2000x128xf32, #tpu.memory_space<vmem>>, %arg3: memref<128x128xf32, #tpu.memory_space<vmem>>, %arg4: memref<128x128xf32, #tpu.memory_space<vmem>>, %arg5: memref<1x128xf32, #tpu.memory_space<vmem>>, %arg6: memref<2000x128xf32, #tpu.memory_space<vmem>>) attributes {dimension_semantics = [#tpu.dimension_semantics<arbitrary>], iteration_bounds = array<i64: 5>, scalar_prefetch = 0 : i64, scratch_operands = 0 : i64, tpu.core_type = #tpu.core_type<tc>, window_params = [{transform_indices = @transform_0, window_bounds = array<i64: 2, 2000, 64>}, {transform_indices = @transform_1, window_bounds = array<i64: 2000, 128>}, {pipeline_mode = #tpu.pipeline_mode<synchronous>, transform_indices = @transform_2, window_bounds = array<i64: 128, 128>}, {pipeline_mode = #tpu.pipeline_mode<synchronous>, transform_indices = @transform_3, window_bounds = array<i64: 128, 128>}, {pipeline_mode = #tpu.pipeline_mode<synchronous>, transform_indices = @transform_4, window_bounds = array<i64: 1, 128>}, {transform_indices = @transform_5, window_bounds = array<i64: 2000, 128>}]} {
    %get3A = arith.constant 0 : index
    %get3A_0 = arith.constant 0 : index
    %get3A_1 = arith.constant 0 : index
    %get3A_2 = vector.load %arg1[%get3A, %get3A_0, %get3A_1] : memref<2x2000x64xf32, #tpu.memory_space<vmem>>, vector<1x2000x64xf32>
    %get3A_3 = vector.shape_cast %get3A_2 : vector<1x2000x64xf32> to vector<2000x64xf32>
    %get3A_4 = arith.constant 1 : index
    %get3A_5 = arith.constant 0 : index
    %get3A_6 = arith.constant 0 : index
    %get3A_7 = vector.load %arg1[%get3A_4, %get3A_5, %get3A_6] : memref<2x2000x64xf32, #tpu.memory_space<vmem>>, vector<1x2000x64xf32>
    %get3A_8 = vector.shape_cast %get3A_7 : vector<1x2000x64xf32> to vector<2000x64xf32>
    %concatenate3A = tpu.concatenate %get3A_3, %get3A_8 in 1 : vector<2000x64xf32>, vector<2000x64xf32> -> vector<2000x128xf32>
    %get3A_9 = arith.constant 0 : index
    %get3A_10 = arith.constant 0 : index
    %get3A_11 = vector.load %arg3[%get3A_9, %get3A_10] : memref<128x128xf32, #tpu.memory_space<vmem>>, vector<128x128xf32>
    %dot_general3A = arith.constant dense<0.000000e+00> : vector<2000x128xf32>
    %dot_general3A_12 = tpu.matmul %concatenate3A, %get3A_11, %dot_general3A {dimension_numbers = #tpu.dot_dimension_numbers<[1], [0], [0], [1], [0, 0, 1, 1], [], []>, transpose_lhs_hint = false} : vector<2000x128xf32>, vector<128x128xf32>, vector<2000x128xf32> -> vector<2000x128xf32>
    %get3A_13 = arith.constant 0 : index
    %get3A_14 = arith.constant 0 : index
    %get3A_15 = vector.load %arg2[%get3A_13, %get3A_14] : memref<2000x128xf32, #tpu.memory_space<vmem>>, vector<2000x128xf32>
    %get3A_16 = arith.constant 0 : index
    %get3A_17 = arith.constant 0 : index
    %get3A_18 = vector.load %arg4[%get3A_16, %get3A_17] : memref<128x128xf32, #tpu.memory_space<vmem>>, vector<128x128xf32>
    %dot_general3A_19 = arith.constant dense<0.000000e+00> : vector<2000x128xf32>
    %dot_general3A_20 = tpu.matmul %get3A_15, %get3A_18, %dot_general3A_19 {dimension_numbers = #tpu.dot_dimension_numbers<[1], [0], [0], [1], [0, 0, 1, 1], [], []>, transpose_lhs_hint = false} : vector<2000x128xf32>, vector<128x128xf32>, vector<2000x128xf32> -> vector<2000x128xf32>
    %add3A = arith.addf %dot_general3A_12, %dot_general3A_20 : vector<2000x128xf32>
    %get3A_21 = arith.constant 0 : index
    %get3A_22 = arith.constant 0 : index
    %get3A_23 = vector.load %arg5[%get3A_21, %get3A_22] : memref<1x128xf32, #tpu.memory_space<vmem>>, vector<1x128xf32>
    %add3A_24 = vector.broadcast %get3A_23 : vector<1x128xf32> to vector<2000x128xf32>
    %add3A_25 = arith.addf %add3A, %add3A_24 : vector<2000x128xf32>
    %max3A = arith.constant 0.000000e+00 : f32
    %max3A_26 = vector.broadcast %max3A : f32 to vector<2000x128xf32>
    %max3A_27 = arith.maximumf %add3A_25, %max3A_26 : vector<2000x128xf32>
    %swap3A = arith.constant 0 : index
    %swap3A_28 = arith.constant 0 : index
    %swap3A_29 = vector.load %arg6[%swap3A, %swap3A_28] : memref<2000x128xf32, #tpu.memory_space<vmem>>, vector<2000x128xf32>
    tpu.vector_store %arg6[%swap3A, %swap3A_28], %max3A_27 {strides = array<i32>} : memref<2000x128xf32, #tpu.memory_space<vmem>>, vector<2000x128xf32>,
    return
  }
  func.func @transform_0(%arg0: i32) -> (i32, i32, i32) {
    %c0_i32 = arith.constant 0 : i32
    %c0_i32_0 = arith.constant 0 : i32
    %c0_i32_1 = arith.constant 0 : i32
    return %c0_i32, %arg0, %c0_i32_0 : i32, i32, i32
  }
  func.func @transform_1(%arg0: i32) -> (i32, i32) {
    %c0_i32 = arith.constant 0 : i32
    %c0_i32_0 = arith.constant 0 : i32
    return %arg0, %c0_i32 : i32, i32
  }
  func.func @transform_2(%arg0: i32) -> (i32, i32) {
    %c0_i32 = arith.constant 0 : i32
    %c0_i32_0 = arith.constant 0 : i32
    %c0_i32_1 = arith.constant 0 : i32
    return %c0_i32, %c0_i32_0 : i32, i32
  }
  func.func @transform_3(%arg0: i32) -> (i32, i32) {
    %c0_i32 = arith.constant 0 : i32
    %c0_i32_0 = arith.constant 0 : i32
    %c0_i32_1 = arith.constant 0 : i32
    return %c0_i32, %c0_i32_0 : i32, i32
  }
  func.func @transform_4(%arg0: i32) -> (i32, i32) {
    %c0_i32 = arith.constant 0 : i32
    %c0_i32_0 = arith.constant 0 : i32
    %c0_i32_1 = arith.constant 0 : i32
    return %c0_i32, %c0_i32_0 : i32, i32
  }
  func.func @transform_5(%arg0: i32) -> (i32, i32) {
    %c0_i32 = arith.constant 0 : i32
    %c0_i32_0 = arith.constant 0 : i32
    return %arg0, %c0_i32 : i32, i32
  }
}

</mosaic_0001>

<sc_bundles>
// kernel: kernel.10.cloned.1.call-start
scs
__scs_entry_jumppad:
0x0: {  	(pc) =	sbr.rel $0x88, $3  }
0x1: {  	(tag) =	ssettag $0x0;
	lr =	simm.s32 $0x1  }
0x2: {  	[smem:$0x3F97] =	sst lr;
	_ =	strace $0xD0000000  }
0x3: {  	_ = 	snop  }
0x4: {  	_ = 	snop  }
0x5: {  	_ = 	snop  }
0x6: {  	_ = 	snop  }
0x7: {  	_ = 	snop  }
__scs_overlays_trampoline_lowered:
0x8: {  	[smem:$0x3FA6] =	sst s0  }
0x9: {  	[smem:$0x3FA7] =	sst s1  }
0xa: {  	[smem:$0x3FA8] =	sst s2  }
0xb: {  	[smem:$0x3FA9] =	sst s3  }
0xc: {  	[smem:$0x3FAA] =	sst s4  }
0xd: {  	[smem:$0x3FAB] =	sst s5  }
0xe: {  	[smem:$0x3FAC] =	sst s6  }
0xf: {  	[smem:$0x3FAD] =	sst s7  }
0x10: {  	[smem:$0x3FAE] =	sst s8  }
0x11: {  	[smem:$0x3FAF] =	sst s9;
	s0 =	simm.s32 @!p0 $0x0  }
0x12: {  	s1 =	sld [smem:$0x3F95];
	s0 =	simm.s32 @p0 $0x1  }
0x13: {  	[smem:$0x3FB0] =	sst s0;
	s0 =	simm.s32 @!p1 $0x0  }
0x14: {  	s2 =	sld [smem:$0x3F94];
	s0 =	simm.s32 @p1 $0x1  }
0x15: {  	[smem:$0x3FB1] =	sst s0;
	s0 =	simm.s32 @!p2 $0x0  }
0x16: {  	s3 =	sld [smem:$0x3FDB];
	s0 =	simm.s32 @p2 $0x1  }
0x17: {  	s4 =	simm.s32 $0x1BF5;
	[smem:$0x3FB3] =	sst s0  }
0x18: {  	s0 =	sld [smem:$0x3F96];
	_ =	swait.ge [sflag:s4], $0x0  }
0x19: {  	s7 =	sld [smem:$0x3F97]  }
0x1a: {  	s8 =	sadd.s32 $0xFFFFE003, lr  }
0x1b: {  	s9 =	sadd.s32 $0xFFFFFEF7, lr;
	s5 =	simm.s32 $0xFFFFFFFF;
	p2 =	slt.u32 s8, $0xFFFFF086  }
0x1c: {  	p1 =	slt.u32 s9, $0xF7A;
	s5 =	simm.s32 @!p2 $0x0  }
0x1d: {  	s5 =	simm.s32 @p1 $0x1;
	p0 =	seq.s32 s7, s2  }
0x1e: {  	s7 =	smul.u32 @!p0 $0xF7A, s2;
	p2 =	seq.s32 @!p0 s5, $0x0  }
0x1f: {  	s9 =	smul.u32 $0xF7A, s1;
	s8 =	simm.s32 @!p0 $0x1BF5;
	p2 =	por !p2, p0  }
0x20: {  	[sflag:s8] =	ssyncset.s32 @!p0 $0xFFFFF086;
	s6 =	sadd.s32 @!p0 s3, s7;
	s7 =	simm.s32 @!p0 $0x108  }
0x21: {  	s3 =	sadd.s32 s3, s9;
	s6 =	sadd.s32 @!p0 $0x88, s6;
	s7 =	simm.s32 @p2 $0x1082  }
0x22: {  	[simem:s7], [sflag:s8] =	dma.local @!p0 [hbm:s6], $0xF7A  }
0x23: {  	s9 =	sor.u32 $0xD0000000, s2;
	s6 =	simm.s32 $0x108;
	_ =	swait.ge @!p0 [sflag:s8], $0x0  }
0x24: {  	s3 =	sadd.s32 $0x88, s3;
	s6 =	simm.s32 @!p1 $0x1082;
	[sflag:s4] =	ssyncset.s32 $0xFFFFF086  }
0x25: {  	[simem:s6], [sflag:s4] =	dma.local [hbm:s3], $0xF7A  }
0x26: {  	[smem:$0x3F97] =	sst s1;
	(tag) =	ssettag s2;
	_ =	strace s9  }
0x27: {  	s1 =	sld [smem:$0x3FA7]  }
0x28: {  	s2 =	sld [smem:$0x3FA8]  }
0x29: {  	s4 =	sld [smem:$0x3FAA]  }
0x2a: {  	p0 =	seq.s32 s5, $0x0;
	s5 =	sld [smem:$0x3FAB]  }
0x2b: {  	s6 =	sld [smem:$0x3FAC]  }
0x2c: {  	s7 =	sld [smem:$0x3FAD]  }
0x2d: {  	s3 =	simm.s32 $0x108;
	s8 =	sld [smem:$0x3FAE]  }
0x2e: {  	s3 =	simm.s32 @!p0 $0x1082;
	s9 =	sld [smem:$0x3FAF]  }
0x2f: {  	lr =	sadd.s32 s0, s3;
	s0 =	sld [smem:$0x3FA6]  }
0x30: {  	s3 =	sld [smem:$0x3FA9]  }
0x31: {  	[smem:$0x3FB2] =	sst s10  }
0x32: {  	s10 =	sld [smem:$0x3FB0];
	_ =	sdelay $0x3  }
0x33: {  	p0 =	seq.s32 s10, $0x1;
	s10 =	sld [smem:$0x3FB2];
	_ =	sdelay $0x3  }
0x34: {  	[smem:$0x3FB2] =	sst s10  }
0x35: {  	s10 =	sld [smem:$0x3FB1];
	_ =	sdelay $0x3  }
0x36: {  	p1 =	seq.s32 s10, $0x1;
	s10 =	sld [smem:$0x3FB2];
	_ =	sdelay $0x3  }
0x37: {  	[smem:$0x3FB2] =	sst s10  }
0x38: {  	s10 =	sld [smem:$0x3FB3]  }
0x39: {  	_ = 	snop;
	(pc) =	sbr.ind lr, $3  }
0x3a: {  	_ = 	snop  }
0x3b: {  	_ = 	snop  }
0x3c: {  	p2 =	seq.s32 s10, $0x1;
	s10 =	sld [smem:$0x3FB2]  }
0x3d: {  	_ =	shalt  }
0x3e: {  	_ =	shalt  }
0x3f: {  	_ =	shalt  }
0x40: {  	_ =	shalt  }
0x41: {  	_ =	shalt  }
0x42: {  	_ =	shalt  }
0x43: {  	_ =	shalt  }
0x44: {  	_ =	shalt  }
0x45: {  	_ =	shalt  }
0x46: {  	_ =	shalt  }
0x47: {  	_ =	shalt  }
0x48: {  	_ =	shalt  }
0x49: {  	_ =	shalt  }
0x4a: {  	_ =	shalt  }
0x4b: {  	_ =	shalt  }
0x4c: {  	_ =	shalt  }
0x4d: {  	_ =	shalt  }
0x4e: {  	_ =	shalt  }
0x4f: {  	_ =	shalt  }
0x50: {  	_ =	shalt  }
0x51: {  	_ =	shalt  }
0x52: {  	_ =	shalt  }
0x53: {  	_ =	shalt  }
0x54: {  	_ =	shalt  }
0x55: {  	_ =	shalt  }
0x56: {  	_ =	shalt  }
0x57: {  	_ =	shalt  }
0x58: {  	_ =	shalt  }
0x59: {  	_ =	shalt  }
0x5a: {  	_ =	shalt  }
0x5b: {  	_ =	shalt  }
0x5c: {  	_ =	shalt  }
0x5d: {  	_ =	shalt  }
0x5e: {  	_ =	shalt  }
0x5f: {  	_ =	shalt  }
0x60: {  	_ =	shalt  }
0x61: {  	_ =	shalt  }
0x62: {  	_ =	shalt  }
0x63: {  	_ =	shalt  }
0x64: {  	_ =	shalt  }
0x65: {  	_ =	shalt  }
0x66: {  	_ =	shalt  }
0x67: {  	_ =	shalt  }
0x68: {  	_ =	shalt  }
0x69: {  	_ =	shalt  }
0x6a: {  	_ =	shalt  }
0x6b: {  	_ =	shalt  }
0x6c: {  	_ =	shalt  }
0x6d: {  	_ =	shalt  }
0x6e: {  	_ =	shalt  }
0x6f: {  	_ =	shalt  }
0x70: {  	_ =	shalt  }
0x71: {  	_ =	shalt  }
0x72: {  	_ =	shalt  }
0x73: {  	_ =	shalt  }
0x74: {  	_ =	shalt  }
0x75: {  	_ =	shalt  }
0x76: {  	_ =	shalt  }
0x77: {  	_ =	shalt  }
0x78: {  	_ =	shalt  }
0x79: {  	_ =	shalt  }
0x7a: {  	_ =	shalt  }
0x7b: {  	_ =	shalt  }
0x7c: {  	_ =	shalt  }
0x7d: {  	_ =	shalt  }
0x7e: {  	_ =	shalt  }
0x7f: {  	_ =	shalt  }
0x80: {  	_ =	shalt  }
0x81: {  	_ =	shalt  }
0x82: {  	_ =	shalt  }
0x83: {  	_ =	shalt  }
0x84: {  	_ =	shalt  }
0x85: {  	_ =	shalt  }
0x86: {  	_ =	shalt  }
0x87: {  	_ =	shalt  }
.Lfunc_end0:
.L_simem_size_0:
called_computation.1_lowered:
.L_overlay_start_0:
0x88: {  	s2 =	sld [smem:$0x3FD9]  }
0x89: {  	s3 =	sld [smem:$0x3FFE];
	_ =	sdelay $0x1  }
0x8a: {  	s1 =	srdreg.scid  }
0x8b: {  	s0 =	sand.u32 $0x1, s1  }
0x8c: {  	s17 =	sshll.u32 s0, $0xA;
	s2 =	sadd.s32 s3, s2  }
0x8d: {  	s2 =	sadd.s32 s2, s17  }
0x8e: {  	[smem:$0x3FBE] =	sst s2  }
0x8f: {  	_ = 	snop  }
0x90: {  	s2 =	sld [smem:$0x3FD0];
	(tm) =	ssettm $0x1  }
0x91: {  	s18 =	sld [smem:$0x3FFB];
	_ =	sdelay $0x3  }
0x92: {  	_ =	strace s18  }
0x93: {  	s3 =	sld [smem:$0x3FFC];
	_ =	sdelay $0x3  }
0x94: {  	_ =	strace s3  }
0x95: {  	s3 =	sld [smem:$0x3FFD];
	_ =	sdelay $0x3  }
0x96: {  	_ =	strace s3  }
0x97: {  	_ =	strace $0x8FFFFFFF  }
0x98: {  	s19 =	sld [smem:$0x3FDB];
	_ =	sdelay $0x1  }
0x99: {  	s4 =	simm.s32 $_scs_section_size  }
0x9a: {  	s5 =	simm.s32 $_size__tile_overlayer_lowered;
	s6 =	simm.s32 $_tile_overlayer_lowered  }
0x9b: {  	s22 =	simm.s32 $0x1BFF;
	s21 =	sshll.u32 s6, $0x1;
	s3 =	sadd.s32 s4, s19  }
0x9c: {  	s7 =	simm.s32 $0x0;
	s20 =	sshll.u32 s5, $0x1;
	s5 =	sadd.s32 s21, s3  }
0x9d: {  	[timem:s7], [sflag:s22] =	dma.local [hbm:s5], s20  }
0x9e: {  	_ =	swait.ge [sflag:s22], s20  }
0x9f: {  	s4 =	ssub.s32 $0x0, s20;
	[sflag:s22] =	ssyncset.done $0x0  }
0xa0: {  	[sflag:s22] =	ssyncadd.s32 s4;
	_ =	sdelay $0x1  }
0xa1: {  	s23 =	simm.s32 $0x1B8B  }
0xa2: {  	_ =	swait.ge [sflag:s23], $0x1  }
0xa3: {  	[sflag:s23] =	ssyncset.done $0x0  }
0xa4: {  	s25 =	simm.s32 $0x1B8E;
	s24 =	sld [smem:$0x3FFE];
	[sflag:s23] =	ssyncadd.s32 $0xFFFFFFFF  }
0xa5: {  	s26 =	simm.s32 $execute0_lowered;
	[smem:$0x3FD2] =	sst s25  }
0xa6: {  	s5 =	sshll.u32 s26, $0x1;
	_ =	strace $0x80000049;
	[dreg:$0x1] =	wrdreg $0xFFFFFFFF  }
0xa7: {  	s28 =	simm.s32 $_size_execute0_lowered;
	s3 =	sadd.s32 s3, s5;
	[dreg:$0x0] =	wrdreg $0x0  }
0xa8: {  	s5 =	sshll.u32 s28, $0x1;
	[dreg:$0x2] =	wrdreg s3  }
0xa9: {  	[dreg:$0x3] =	wrdreg s5  }
0xaa: {  	[dreg:$0x4] =	wrdreg $0xC0  }
0xab: {  	_ =	task [dreg:s7], $0x5FFFF  }
0xac: {  	[dreg:$0x1] =	wrdreg $0xFFFFFFFF  }
0xad: {  	[dreg:$0x0] =	wrdreg $0x60  }
0xae: {  	[dreg:$0x2] =	wrdreg s2  }
0xaf: {  	[dreg:$0x3] =	wrdreg s24  }
0xb0: {  	[dreg:$0x4] =	wrdreg $0xB2200  }
0xb1: {  	[dreg:$0x5] =	wrdreg $0x14E600  }
0xb2: {  	[dreg:$0x6] =	wrdreg $0x9  }
0xb3: {  	_ =	task.clear_ibuf [dreg:s7], $0x7FFFF;
	_ =	strace $0x90000049  }
0xb4: {  	s29 =	simm.s32 $0x9;
	_ =	strace $0x8000004B  }
0xb5: {  	_ =	swait.ge [sflag:s29], $0x1  }
0xb6: {  	[sflag:s29] =	ssyncadd.s32 $0xFFFFFFFF  }
0xb7: {  	_ =	strace $0x9000004B  }
0xb8: {  	_ =	sfence  }
0xb9: {  	s30 =	sld [smem:$0x0];
	_ =	sdelay $0x2  }
0xba: {  	s31 =	sshll.u32 s1, $0xD;
	s1 =	sshrl.u32 s1, $0x2  }
0xbb: {  	s3 =	sand.u32 $0x4000, s31;
	s1 =	sadd.s32 s1, s30  }
0xbc: {  	s0 =	sor.u32 s3, s0;
	s1 =	sshll.u32 s1, $0x11  }
0xbd: {  	s0 =	sor.u32 s1, s0  }
0xbe: {  	s0 =	sadd.s32 $0x8F2B, s0  }
0xbf: {  	[sflag:s0] =	ssyncadd.remote.s32 $0x1  }
0xc0: {  	_ =	sfence.sel $0xFFFF  }
0xc1: {  	[dreg:$0x0] =	wrdreg $0xFFFFFFFF;
	(pc) =	sbr.abs _section_cstart, $3  }
0xc2: {  	[dreg:$0x1] =	wrdreg $0xFFFFFFFF  }
0xc3: {  	_ =	task.clear_ibuf [dreg:s7], $0x2FFFF;
	_ =	strace $0x9FFFFFFF  }
0xc4: {  	(tm) =	ssettm $0x7FFFFFFF  }
0xc5: {  	_ =	shalt  }
tec
execute0_lowered:
.L_overlay_start_1:
0x0: {  	(tag) =	ssettag $0x1  }
0x1: {  	s0 =	rddreg [dreg:$0x0]  }
0x2: {  	s4 =	rddreg [dreg:$0x1]  }
0x3: {  	s1 =	rddreg [dreg:$0x2]  }
0x4: {  	s2 =	rddreg [dreg:$0x3];
	s3 =	simm.s32 $0x0  }
0x5: {  	s5 =	srdreg.scid;
	s12 =	stileid.u32;
	s28 =	simm.s32 $0x6  }
0x6: {  	s29 =	simm.s32 $0xB;
	s31 =	simm.s32 $0x50;
	s8 =	smul.u32 $0x13800, s12  }
0x7: {  	[smem:$0x7FF] =	sst s3;
	s5 =	sand.u32 $0x1, s5;
	s11 =	smul.u32 $0x9C00, s12  }
0x8: {  	s7 =	sadd.s32 $0xCA00, s4;
	s9 =	sadd.s32 $0x2C00, s4;
	s26 =	smul.u32 $0x27000, s12  }
0x9: {  	s13 =	sshll.u32 s12, $0x6;
	s14 =	smul.u32 $0x4E20, s12;
	s12 =	simm.s32 $0x3  }
0xa: {  	_ =	strace $0x8000004A;
	s6 =	smul.u32 $0x13880, s5;
	s25 =	ssub.s32 $0x2, s5  }
0xb: {  	s5 =	sshll.u32 s5, $0x6;
	[dreg:$0x5] =	wrdreg s13;
	s10 =	sshrl.u32 s25, $0x1  }
0xc: {  	s5 =	sor.u32 s5, s8;
	s30 =	sadd.s32 s11, s1;
	s8 =	sadd.s32 s11, s2  }
0xd: {  	s4 =	sadd.s32 s6, s4;
	s5 =	sshrl.u32 s5, $0x3;
	s30 =	sshrl.u32 s30, $0x3  }
0xe: {  	s6 =	ssub.s32 s25, s10;
	s0 =	sadd.s32 s0, s5;
	[dreg:$0x14] =	wrdreg s30  }
0xf: {  	s5 =	sor.u32 $0x1C01, s13;
	s13 =	sshrl.u32 s26, $0x2;
	[dreg:$0x6] =	wrdreg s0  }
0x10: {  	s26 =	smax.u32 s6, $0x1;
	[dreg:$0x7] =	wrdreg s5;
	s0 =	sadd.s32 s13, s2  }
0x11: {  	s25 =	sshrl.u32 s11, $0x3;
	[dreg:$0x13] =	wrdreg s26;
	s15 =	sadd.s32 $0x1400, s0  }
0x12: {  	s10 =	simm.s32 $0x9E20;
	s16 =	sadd.s32 $0x2800, s0;
	[dreg:$0x8] =	wrdreg s15  }
0x13: {  	s11 =	simm.s32 $0x2;
	s17 =	sadd.s32 $0x3C00, s0;
	[dreg:$0x9] =	wrdreg s16  }
0x14: {  	s24 =	sadd.s32 $0x16800, s4;
	s18 =	sadd.s32 $0x5000, s0;
	[dreg:$0xa] =	wrdreg s17  }
0x15: {  	s5 =	sshrl.u32 s14, $0x3;
	s19 =	sadd.s32 $0x6400, s0;
	[dreg:$0xb] =	wrdreg s18  }
0x16: {  	s26 =	simm.s32 $0x4E20;
	s20 =	sadd.s32 $0x7800, s0;
	[dreg:$0xc] =	wrdreg s19  }
0x17: {  	s13 =	simm.s32 $0x4;
	s0 =	sadd.s32 $0x8C00, s0;
	[dreg:$0xd] =	wrdreg s20  }
0x18: {  	s14 =	simm.s32 $0x7;
	s22 =	sadd.s32 s7, s5;
	[dreg:$0xe] =	wrdreg s0  }
0x19: {  	s21 =	sadd.s32 $0x4E2, s5;
	s5 =	sadd.s32 s9, s5;
	[dreg:$0xf] =	wrdreg s22  }
0x1a: {  	[dreg:$0x10] =	wrdreg s5;
	s23 =	sadd.s32 s7, s21;
	s0 =	sadd.s32 s9, s21  }
0x1b: {  	s22 =	simm.s32 $0x1;
	s7 =	simm.s32 $0x8A20;
	s9 =	simm.s32 $0x140  }
0x1c: {  	s15 =	simm.s32 $0x5;
	s16 =	simm.s32 $0x9;
	s5 =	simm.s32 $0xA  }
0x1d: {  	s17 =	simm.s32 $0x4C90;
	s18 =	simm.s32 $0x4CE0;
	s19 =	simm.s32 $0x4D30  }
0x1e: {  	s20 =	simm.s32 $0x4D80;
	s21 =	simm.s32 $0x4DD0;
	[dreg:$0x11] =	wrdreg s23  }
0x1f: {  	[dreg:$0x12] =	wrdreg s0;
	s23 =	simm.s32 $0x8;
	s0 =	sadd.s32 s25, s24  }
0x20: {  	v0 =	vimm.f32 $0.0e+00;
	s25 =	simm.s32 $0x7620;
	[dreg:$0x15] =	wrdreg s0;
	s0 =	simm.s32 $0x6220  }
.LBB2_1:
0x21: {  	s30 =	simm.s32 $0x100;
	s24 =	simm.s32 $0x0  }
.LBB2_2:
0x22: {  	p0 =	sne.s32 s30, $0x4F00;
	[tilespmem:s24+$0x4E50] =	vst v0;
	s4 =	smov.u32 s30;
	s30 =	sadd.s32 $0x100, s30  }
.Ltmp0:
0x23: {  	[tilespmem:s24+$0x4E40] =	vst v0;
	(pc) =	sbr.rel @p0 .LBB2_2-.Ltmp0, $3  }
0x24: {  	[tilespmem:s24+$0x4E20] =	vst v0  }
0x25: {  	[tilespmem:s24+$0x4E30] =	vst v0;
	_ =	sdelay $0x1  }
0x26: {  	s24 =	sshra.s32 s4, $0x2  }
0x27: {  	[tilespmem:s24+$0x4E50] =	vst v0  }
0x28: {  	[tilespmem:s24+$0x4E40] =	vst v0  }
0x29: {  	[tilespmem:s24+$0x4E20] =	vst v0;
	s4 =	rddreg [dreg:$0x6]  }
0x2a: {  	[tilespmem:s24+$0x4E30] =	vst v0;
	s24 =	rddreg [dreg:$0x7]  }
0x2b: {  	s30 =	rddreg [dreg:$0x14];
	s6 =	simm.s32 $0x10  }
0x2c: {  	[spmem:s30@s23], [sflag:s24] =	dma.strided [hbm:s4@s6], $0x1400, s22, $0x8   }
0x2d: {  	[spmem:s8] =	stream.linear.scatter [tilespmem:s26], [sflag:$0x6], $0x1400, $0x38;
	[tilespmem:$0x1EAA0] =	vst v63  }
0x2e: {  	s4 =	rddreg [dreg:$0x8]  }
0x2f: {  	[spmem:s4] =	stream.linear.scatter [tilespmem:s26], [sflag:$0x6], $0x1400, $0x38;
	[tilespmem:$0x1EAA0] =	vst v63  }
0x30: {  	s6 =	rddreg [dreg:$0x9]  }
0x31: {  	[spmem:s6] =	stream.linear.scatter [tilespmem:s26], [sflag:$0x6], $0x1400, $0x38;
	[tilespmem:$0x1EAA0] =	vst v63  }
0x32: {  	s24 =	rddreg [dreg:$0xa]  }
0x33: {  	[spmem:s24] =	stream.linear.scatter [tilespmem:s26], [sflag:$0x6], $0x1400, $0x38;
	[tilespmem:$0x1EAA0] =	vst v63  }
0x34: {  	s6 =	rddreg [dreg:$0xb]  }
0x35: {  	[spmem:s6] =	stream.linear.scatter [tilespmem:s26], [sflag:$0x6], $0x1400, $0x38;
	[tilespmem:$0x1EAA0] =	vst v63  }
0x36: {  	s24 =	rddreg [dreg:$0xc]  }
0x37: {  	[spmem:s24] =	stream.linear.scatter [tilespmem:s26], [sflag:$0x6], $0x1400, $0x38;
	[tilespmem:$0x1EAA0] =	vst v63  }
0x38: {  	s6 =	rddreg [dreg:$0xd]  }
0x39: {  	[spmem:s6] =	stream.linear.scatter [tilespmem:s26], [sflag:$0x6], $0x1400, $0x38;
	[tilespmem:$0x1EAA0] =	vst v63  }
0x3a: {  	s24 =	rddreg [dreg:$0xe]  }
0x3b: {  	[spmem:s24] =	stream.linear.scatter [tilespmem:s26], [sflag:$0x6], $0x1400, $0x38;
	[tilespmem:$0x1EAA0] =	vst v63  }
0x3c: {  	_ =	swait.ge [sflag:s22], $0x1400  }
0x3d: {  	[sflag:s22] =	ssyncset.done $0x0  }
0x3e: {  	[sflag:s22] =	ssyncadd.s32 $0xFFFFEC00  }
0x3f: {  	_ =	swait.ge [sflag:s28], $0x1400  }
0x40: {  	[sflag:s28] =	ssyncset.done $0x0  }
0x41: {  	[sflag:s28] =	ssyncadd.s32 $0xFFFFEC00  }
0x42: {  	_ =	swait.ge [sflag:s28], $0x1400  }
0x43: {  	[sflag:s28] =	ssyncset.done $0x0  }
0x44: {  	[sflag:s28] =	ssyncadd.s32 $0xFFFFEC00  }
0x45: {  	_ =	swait.ge [sflag:s28], $0x1400  }
0x46: {  	[sflag:s28] =	ssyncset.done $0x0  }
0x47: {  	[sflag:s28] =	ssyncadd.s32 $0xFFFFEC00  }
0x48: {  	_ =	swait.ge [sflag:s28], $0x1400  }
0x49: {  	[sflag:s28] =	ssyncset.done $0x0  }
0x4a: {  	[sflag:s28] =	ssyncadd.s32 $0xFFFFEC00  }
0x4b: {  	_ =	swait.ge [sflag:s28], $0x1400  }
0x4c: {  	[sflag:s28] =	ssyncset.done $0x0  }
0x4d: {  	[sflag:s28] =	ssyncadd.s32 $0xFFFFEC00  }
0x4e: {  	_ =	swait.ge [sflag:s28], $0x1400  }
0x4f: {  	[sflag:s28] =	ssyncset.done $0x0  }
0x50: {  	[sflag:s28] =	ssyncadd.s32 $0xFFFFEC00  }
0x51: {  	_ =	swait.ge [sflag:s28], $0x1400  }
0x52: {  	[sflag:s28] =	ssyncset.done $0x0  }
0x53: {  	[sflag:s28] =	ssyncadd.s32 $0xFFFFEC00  }
0x54: {  	_ =	swait.ge [sflag:s28], $0x1400  }
0x55: {  	[sflag:s28] =	ssyncset.done $0x0  }
0x56: {  	[sflag:s28] =	ssyncadd.s32 $0xFFFFEC00  }
0x57: {  	[bflag:$0x0] =	sbarrier.arrive $0xFFFF  }
0x58: {  	s4 =	simm.s32 $0x0;
	s6 =	rddreg [dreg:$0xf]  }
0x59: {  	[tilespmem:s4], [sflag:$0xB] =	stream.linear.gather [hbm4b:s6+s4], $0x2710, $0x38;
	[tilespmem:$0x1EAA0] =	vst v63  }
0x5a: {  	_ =	swait.ge [sflag:s29], $0x2710  }
0x5b: {  	[sflag:s29] =	ssyncset.done $0x0  }
0x5c: {  	s6 =	simm.s32 $0x2710;
	s24 =	rddreg [dreg:$0x10];
	[sflag:s29] =	ssyncadd.s32 $0xFFFFD8F0  }
0x5d: {  	[tilespmem:s6], [sflag:$0xB] =	stream.linear.gather [hbm4b:s24+s4], $0x2710, $0x38;
	[tilespmem:$0x1EAA0] =	vst v63  }
0x5e: {  	_ =	swait.ge [sflag:s29], $0x2710  }
0x5f: {  	[sflag:s29] =	ssyncset.done $0x0  }
0x60: {  	[sflag:s29] =	ssyncadd.s32 $0xFFFFD8F0  }
0x61: {  	[tilespmem:s26], [sflag:$0x1] =	stream.indirect.gather [spmem:s1], $0x40, s4, s31, $0xb8;
	[tilespmem:$0x1EAA0] =	vst v63  }
0x62: {  	_ = 	snop  }
0x63: {  	[tilespmem:s0], [sflag:$0x2] =	stream.indirect.gather [spmem:s1], $0x40, s31, s31, $0xb8;
	[tilespmem:$0x1EAA0] =	vst v63  }
0x64: {  	s24 =	simm.s32 $0xA0  }
0x65: {  	[tilespmem:s25], [sflag:$0x3] =	stream.indirect.gather [spmem:s1], $0x40, s24, s31, $0xb8;
	[tilespmem:$0x1EAA0] =	vst v63  }
0x66: {  	s24 =	simm.s32 $0xF0  }
0x67: {  	[tilespmem:s7], [sflag:$0x4] =	stream.indirect.gather [spmem:s1], $0x40, s24, s31, $0xb8;
	[tilespmem:$0x1EAA0] =	vst v63  }
0x68: {  	_ = 	snop  }
0x69: {  	[tilespmem:s10], [sflag:$0x5] =	stream.indirect.gather [spmem:s1], $0x40, s9, s31, $0xb8;
	[tilespmem:$0x1EAA0] =	vst v63  }
0x6a: {  	_ =	swait.ge [sflag:s22], $0x1400  }
0x6b: {  	[sflag:s22] =	ssyncset.done $0x0  }
0x6c: {  	s24 =	simm.s32 $0x2710;
	[sflag:s22] =	ssyncadd.s32 $0xFFFFEC00  }
0x6d: {  	[spmem:s2] =	stream.indirect.scatter.add.f32 [tilespmem:s26], [sflag:$0x6], $0x40, s24, s31, $0xb8;
	[tilespmem:$0x1EAA0] =	vst v63  }
0x6e: {  	_ =	swait.ge [sflag:s11], $0x1400  }
0x6f: {  	[sflag:s11] =	ssyncset.done $0x0  }
0x70: {  	s24 =	simm.s32 $0x2760;
	[sflag:s11] =	ssyncadd.s32 $0xFFFFEC00  }
0x71: {  	[spmem:s2] =	stream.indirect.scatter.add.f32 [tilespmem:s0], [sflag:$0x7], $0x40, s24, s31, $0xb8;
	[tilespmem:$0x1EAA0] =	vst v63  }
0x72: {  	_ =	swait.ge [sflag:s12], $0x1400  }
0x73: {  	[sflag:s12] =	ssyncset.done $0x0  }
0x74: {  	s24 =	simm.s32 $0x27B0;
	[sflag:s12] =	ssyncadd.s32 $0xFFFFEC00  }
0x75: {  	[spmem:s2] =	stream.indirect.scatter.add.f32 [tilespmem:s25], [sflag:$0x8], $0x40, s24, s31, $0xb8;
	[tilespmem:$0x1EAA0] =	vst v63  }
0x76: {  	_ =	swait.ge [sflag:s28], $0x1400  }
0x77: {  	[sflag:s28] =	ssyncset.done $0x0  }
0x78: {  	s24 =	simm.s32 $0x190;
	[sflag:s28] =	ssyncadd.s32 $0xFFFFEC00  }
0x79: {  	[tilespmem:s26], [sflag:$0x1] =	stream.indirect.gather [spmem:s1], $0x40, s24, s31, $0xb8;
	[tilespmem:$0x1EAA0] =	vst v63  }
0x7a: {  	_ =	swait.ge [sflag:s13], $0x1400  }
0x7b: {  	[sflag:s13] =	ssyncset.done $0x0  }
0x7c: {  	s24 =	simm.s32 $0x2800;
	[sflag:s13] =	ssyncadd.s32 $0xFFFFEC00  }
0x7d: {  	[spmem:s2] =	stream.indirect.scatter.add.f32 [tilespmem:s7], [sflag:$0x9], $0x40, s24, s31, $0xb8;
	[tilespmem:$0x1EAA0] =	vst v63  }
0x7e: {  	_ =	swait.ge [sflag:s14], $0x1400  }
0x7f: {  	[sflag:s14] =	ssyncset.done $0x0  }
0x80: {  	s24 =	simm.s32 $0x1E0;
	[sflag:s14] =	ssyncadd.s32 $0xFFFFEC00  }
0x81: {  	[tilespmem:s0], [sflag:$0x2] =	stream.indirect.gather [spmem:s1], $0x40, s24, s31, $0xb8;
	[tilespmem:$0x1EAA0] =	vst v63  }
0x82: {  	_ =	swait.ge [sflag:s15], $0x1400  }
0x83: {  	[sflag:s15] =	ssyncset.done $0x0  }
0x84: {  	s24 =	simm.s32 $0x2850;
	[sflag:s15] =	ssyncadd.s32 $0xFFFFEC00  }
0x85: {  	[spmem:s2] =	stream.indirect.scatter.add.f32 [tilespmem:s10], [sflag:$0xA], $0x40, s24, s31, $0xb8;
	[tilespmem:$0x1EAA0] =	vst v63  }
0x86: {  	_ =	swait.ge [sflag:s23], $0x1400  }
0x87: {  	[sflag:s23] =	ssyncset.done $0x0  }
0x88: {  	s24 =	simm.s32 $0x230;
	[sflag:s23] =	ssyncadd.s32 $0xFFFFEC00  }
0x89: {  	[tilespmem:s25], [sflag:$0x3] =	stream.indirect.gather [spmem:s1], $0x40, s24, s31, $0xb8;
	[tilespmem:$0x1EAA0] =	vst v63  }
0x8a: {  	_ =	swait.ge [sflag:s16], $0x1400  }
0x8b: {  	[sflag:s16] =	ssyncset.done $0x0  }
0x8c: {  	s24 =	simm.s32 $0x280;
	[sflag:s16] =	ssyncadd.s32 $0xFFFFEC00  }
0x8d: {  	[tilespmem:s7], [sflag:$0x4] =	stream.indirect.gather [spmem:s1], $0x40, s24, s31, $0xb8;
	[tilespmem:$0x1EAA0] =	vst v63  }
0x8e: {  	_ =	swait.ge [sflag:s5], $0x1400  }
0x8f: {  	[sflag:s5] =	ssyncset.done $0x0  }
0x90: {  	s30 =	simm.s32 $0x640;
	s24 =	simm.s32 $0x2D0;
	[sflag:s5] =	ssyncadd.s32 $0xFFFFEC00  }
.LBB2_4:
0x91: {  	[tilespmem:s10], [sflag:$0x5] =	stream.indirect.gather [spmem:s1], $0x40, s24, s31, $0xb8;
	[tilespmem:$0x1EAA0] =	vst v63  }
0x92: {  	s4 =	smov.u32 s30  }
0x93: {  	p0 =	sne.s32 s30, $0x8FC0;
	s30 =	sadd.s32 $0x640, s30;
	_ =	swait.ge [sflag:s22], $0x1400  }
0x94: {  	s24 =	sshra.s32 s4, $0x2;
	[sflag:s22] =	ssyncset.done $0x0  }
0x95: {  	s4 =	sadd.s32 $0x2710, s24;
	[sflag:s22] =	ssyncadd.s32 $0xFFFFEC00  }
0x96: {  	[spmem:s2] =	stream.indirect.scatter.add.f32 [tilespmem:s26], [sflag:$0x6], $0x40, s4, s31, $0xb8;
	[tilespmem:$0x1EAA0] =	vst v63  }
0x97: {  	_ =	swait.ge [sflag:s11], $0x1400  }
0x98: {  	[sflag:s11] =	ssyncset.done $0x0  }
0x99: {  	s4 =	sadd.s32 $0x2760, s24;
	[sflag:s11] =	ssyncadd.s32 $0xFFFFEC00  }
0x9a: {  	[spmem:s2] =	stream.indirect.scatter.add.f32 [tilespmem:s0], [sflag:$0x7], $0x40, s4, s31, $0xb8;
	[tilespmem:$0x1EAA0] =	vst v63  }
0x9b: {  	_ =	swait.ge [sflag:s12], $0x1400  }
0x9c: {  	[sflag:s12] =	ssyncset.done $0x0  }
0x9d: {  	s4 =	sadd.s32 $0x27B0, s24;
	[sflag:s12] =	ssyncadd.s32 $0xFFFFEC00  }
0x9e: {  	[spmem:s2] =	stream.indirect.scatter.add.f32 [tilespmem:s25], [sflag:$0x8], $0x40, s4, s31, $0xb8;
	[tilespmem:$0x1EAA0] =	vst v63  }
0x9f: {  	_ =	swait.ge [sflag:s28], $0x1400  }
0xa0: {  	[sflag:s28] =	ssyncset.done $0x0  }
0xa1: {  	s4 =	sadd.s32 $0x190, s24;
	[sflag:s28] =	ssyncadd.s32 $0xFFFFEC00  }
0xa2: {  	[tilespmem:s26], [sflag:$0x1] =	stream.indirect.gather [spmem:s1], $0x40, s4, s31, $0xb8;
	[tilespmem:$0x1EAA0] =	vst v63  }
0xa3: {  	_ =	swait.ge [sflag:s13], $0x1400  }
0xa4: {  	[sflag:s13] =	ssyncset.done $0x0  }
0xa5: {  	s4 =	sadd.s32 $0x2800, s24;
	[sflag:s13] =	ssyncadd.s32 $0xFFFFEC00  }
0xa6: {  	[spmem:s2] =	stream.indirect.scatter.add.f32 [tilespmem:s7], [sflag:$0x9], $0x40, s4, s31, $0xb8;
	[tilespmem:$0x1EAA0] =	vst v63  }
0xa7: {  	_ =	swait.ge [sflag:s14], $0x1400  }
0xa8: {  	[sflag:s14] =	ssyncset.done $0x0  }
0xa9: {  	s4 =	sadd.s32 $0x1E0, s24;
	[sflag:s14] =	ssyncadd.s32 $0xFFFFEC00  }
0xaa: {  	[tilespmem:s0], [sflag:$0x2] =	stream.indirect.gather [spmem:s1], $0x40, s4, s31, $0xb8;
	[tilespmem:$0x1EAA0] =	vst v63  }
0xab: {  	_ =	swait.ge [sflag:s15], $0x1400  }
0xac: {  	[sflag:s15] =	ssyncset.done $0x0  }
0xad: {  	s4 =	sadd.s32 $0x2850, s24;
	[sflag:s15] =	ssyncadd.s32 $0xFFFFEC00  }
0xae: {  	[spmem:s2] =	stream.indirect.scatter.add.f32 [tilespmem:s10], [sflag:$0xA], $0x40, s4, s31, $0xb8;
	[tilespmem:$0x1EAA0] =	vst v63  }
0xaf: {  	_ =	swait.ge [sflag:s23], $0x1400  }
0xb0: {  	[sflag:s23] =	ssyncset.done $0x0  }
0xb1: {  	s4 =	sadd.s32 $0x230, s24;
	[sflag:s23] =	ssyncadd.s32 $0xFFFFEC00  }
0xb2: {  	[tilespmem:s25], [sflag:$0x3] =	stream.indirect.gather [spmem:s1], $0x40, s4, s31, $0xb8;
	[tilespmem:$0x1EAA0] =	vst v63  }
0xb3: {  	_ =	swait.ge [sflag:s16], $0x1400  }
0xb4: {  	[sflag:s16] =	ssyncset.done $0x0  }
.Ltmp1:
0xb5: {  	s4 =	sadd.s32 $0x280, s24;
	[sflag:s16] =	ssyncadd.s32 $0xFFFFEC00;
	(pc) =	sbr.rel @p0 .LBB2_4-.Ltmp1, $4  }
0xb6: {  	[tilespmem:s7], [sflag:$0x4] =	stream.indirect.gather [spmem:s1], $0x40, s4, s31, $0xb8;
	[tilespmem:$0x1EAA0] =	vst v63  }
0xb7: {  	_ =	swait.ge [sflag:s5], $0x1400  }
0xb8: {  	[sflag:s5] =	ssyncset.done $0x0  }
0xb9: {  	s24 =	sadd.s32 $0x2D0, s24;
	[sflag:s5] =	ssyncadd.s32 $0xFFFFEC00  }
0xba: {  	[tilespmem:s10], [sflag:$0x5] =	stream.indirect.gather [spmem:s1], $0x40, s24, s31, $0xb8;
	[tilespmem:$0x1EAA0] =	vst v63  }
0xbb: {  	_ =	swait.ge [sflag:s22], $0x1400  }
0xbc: {  	[sflag:s22] =	ssyncset.done $0x0  }
0xbd: {  	[sflag:s22] =	ssyncadd.s32 $0xFFFFEC00  }
0xbe: {  	[spmem:s2] =	stream.indirect.scatter.add.f32 [tilespmem:s26], [sflag:$0x6], $0x40, s17, s31, $0xb8;
	[tilespmem:$0x1EAA0] =	vst v63  }
0xbf: {  	_ =	swait.ge [sflag:s11], $0x1400  }
0xc0: {  	[sflag:s11] =	ssyncset.done $0x0  }
0xc1: {  	[sflag:s11] =	ssyncadd.s32 $0xFFFFEC00  }
0xc2: {  	[spmem:s2] =	stream.indirect.scatter.add.f32 [tilespmem:s0], [sflag:$0x7], $0x40, s18, s31, $0xb8;
	[tilespmem:$0x1EAA0] =	vst v63  }
0xc3: {  	_ =	swait.ge [sflag:s12], $0x1400  }
0xc4: {  	[sflag:s12] =	ssyncset.done $0x0  }
0xc5: {  	[sflag:s12] =	ssyncadd.s32 $0xFFFFEC00  }
0xc6: {  	[spmem:s2] =	stream.indirect.scatter.add.f32 [tilespmem:s25], [sflag:$0x8], $0x40, s19, s31, $0xb8;
	[tilespmem:$0x1EAA0] =	vst v63  }
0xc7: {  	_ =	swait.ge [sflag:s28], $0x1400  }
0xc8: {  	[sflag:s28] =	ssyncset.done $0x0  }
0xc9: {  	[sflag:s28] =	ssyncadd.s32 $0xFFFFEC00  }
0xca: {  	_ =	swait.ge [sflag:s13], $0x1400  }
0xcb: {  	[sflag:s13] =	ssyncset.done $0x0  }
0xcc: {  	[sflag:s13] =	ssyncadd.s32 $0xFFFFEC00  }
0xcd: {  	[spmem:s2] =	stream.indirect.scatter.add.f32 [tilespmem:s7], [sflag:$0x9], $0x40, s20, s31, $0xb8;
	[tilespmem:$0x1EAA0] =	vst v63  }
0xce: {  	_ =	swait.ge [sflag:s14], $0x1400  }
0xcf: {  	[sflag:s14] =	ssyncset.done $0x0  }
0xd0: {  	[sflag:s14] =	ssyncadd.s32 $0xFFFFEC00  }
0xd1: {  	_ =	swait.ge [sflag:s15], $0x1400  }
0xd2: {  	[sflag:s15] =	ssyncset.done $0x0  }
0xd3: {  	[sflag:s15] =	ssyncadd.s32 $0xFFFFEC00  }
0xd4: {  	[spmem:s2] =	stream.indirect.scatter.add.f32 [tilespmem:s10], [sflag:$0xA], $0x40, s21, s31, $0xb8;
	[tilespmem:$0x1EAA0] =	vst v63  }
0xd5: {  	_ =	swait.ge [sflag:s23], $0x1400  }
0xd6: {  	[sflag:s23] =	ssyncset.done $0x0  }
0xd7: {  	[sflag:s23] =	ssyncadd.s32 $0xFFFFEC00  }
0xd8: {  	_ =	swait.ge [sflag:s16], $0x1400  }
0xd9: {  	[sflag:s16] =	ssyncset.done $0x0  }
0xda: {  	[sflag:s16] =	ssyncadd.s32 $0xFFFFEC00  }
0xdb: {  	_ =	swait.ge [sflag:s5], $0x1400  }
0xdc: {  	[sflag:s5] =	ssyncset.done $0x0  }
0xdd: {  	s4 =	simm.s32 $0x0;
	s24 =	rddreg [dreg:$0x11];
	[sflag:s5] =	ssyncadd.s32 $0xFFFFEC00  }
0xde: {  	[tilespmem:s4], [sflag:$0xB] =	stream.linear.gather [hbm4b:s24+s4], $0x2710, $0x38;
	[tilespmem:$0x1EAA0] =	vst v63  }
0xdf: {  	_ =	swait.ge [sflag:s29], $0x2710  }
0xe0: {  	[sflag:s29] =	ssyncset.done $0x0  }
0xe1: {  	s24 =	rddreg [dreg:$0x12];
	[sflag:s29] =	ssyncadd.s32 $0xFFFFD8F0  }
0xe2: {  	[tilespmem:s6], [sflag:$0xB] =	stream.linear.gather [hbm4b:s24+s4], $0x2710, $0x38;
	[tilespmem:$0x1EAA0] =	vst v63  }
0xe3: {  	_ =	swait.ge [sflag:s29], $0x2710  }
0xe4: {  	[sflag:s29] =	ssyncset.done $0x0  }
0xe5: {  	[sflag:s29] =	ssyncadd.s32 $0xFFFFD8F0  }
0xe6: {  	[tilespmem:s26], [sflag:$0x1] =	stream.indirect.gather [spmem:s1], $0x40, s4, s31, $0xb8;
	[tilespmem:$0x1EAA0] =	vst v63  }
0xe7: {  	_ = 	snop  }
0xe8: {  	[tilespmem:s0], [sflag:$0x2] =	stream.indirect.gather [spmem:s1], $0x40, s31, s31, $0xb8;
	[tilespmem:$0x1EAA0] =	vst v63  }
0xe9: {  	s24 =	simm.s32 $0xA0  }
0xea: {  	[tilespmem:s25], [sflag:$0x3] =	stream.indirect.gather [spmem:s1], $0x40, s24, s31, $0xb8;
	[tilespmem:$0x1EAA0] =	vst v63  }
0xeb: {  	s6 =	simm.s32 $0xF0  }
0xec: {  	[tilespmem:s7], [sflag:$0x4] =	stream.indirect.gather [spmem:s1], $0x40, s6, s31, $0xb8;
	[tilespmem:$0x1EAA0] =	vst v63  }
0xed: {  	_ = 	snop  }
0xee: {  	[tilespmem:s10], [sflag:$0x5] =	stream.indirect.gather [spmem:s1], $0x40, s9, s31, $0xb8;
	[tilespmem:$0x1EAA0] =	vst v63  }
0xef: {  	_ =	swait.ge [sflag:s22], $0x1400  }
0xf0: {  	[sflag:s22] =	ssyncset.done $0x0  }
0xf1: {  	s24 =	simm.s32 $0x2710;
	[sflag:s22] =	ssyncadd.s32 $0xFFFFEC00  }
0xf2: {  	[spmem:s2] =	stream.indirect.scatter.add.f32 [tilespmem:s26], [sflag:$0x6], $0x40, s24, s31, $0xb8;
	[tilespmem:$0x1EAA0] =	vst v63  }
0xf3: {  	_ =	swait.ge [sflag:s11], $0x1400  }
0xf4: {  	[sflag:s11] =	ssyncset.done $0x0  }
0xf5: {  	s6 =	simm.s32 $0x2760;
	[sflag:s11] =	ssyncadd.s32 $0xFFFFEC00  }
0xf6: {  	[spmem:s2] =	stream.indirect.scatter.add.f32 [tilespmem:s0], [sflag:$0x7], $0x40, s6, s31, $0xb8;
	[tilespmem:$0x1EAA0] =	vst v63  }
0xf7: {  	_ =	swait.ge [sflag:s12], $0x1400  }
0xf8: {  	[sflag:s12] =	ssyncset.done $0x0  }
0xf9: {  	s24 =	simm.s32 $0x27B0;
	[sflag:s12] =	ssyncadd.s32 $0xFFFFEC00  }
0xfa: {  	[spmem:s2] =	stream.indirect.scatter.add.f32 [tilespmem:s25], [sflag:$0x8], $0x40, s24, s31, $0xb8;
	[tilespmem:$0x1EAA0] =	vst v63  }
0xfb: {  	_ =	swait.ge [sflag:s28], $0x1400  }
0xfc: {  	[sflag:s28] =	ssyncset.done $0x0  }
0xfd: {  	s6 =	simm.s32 $0x190;
	[sflag:s28] =	ssyncadd.s32 $0xFFFFEC00  }
0xfe: {  	[tilespmem:s26], [sflag:$0x1] =	stream.indirect.gather [spmem:s1], $0x40, s6, s31, $0xb8;
	[tilespmem:$0x1EAA0] =	vst v63  }
0xff: {  	_ =	swait.ge [sflag:s13], $0x1400  }
0x100: {  	[sflag:s13] =	ssyncset.done $0x0  }
0x101: {  	s24 =	simm.s32 $0x2800;
	[sflag:s13] =	ssyncadd.s32 $0xFFFFEC00  }
0x102: {  	[spmem:s2] =	stream.indirect.scatter.add.f32 [tilespmem:s7], [sflag:$0x9], $0x40, s24, s31, $0xb8;
	[tilespmem:$0x1EAA0] =	vst v63  }
0x103: {  	_ =	swait.ge [sflag:s14], $0x1400  }
0x104: {  	[sflag:s14] =	ssyncset.done $0x0  }
0x105: {  	s6 =	simm.s32 $0x1E0;
	[sflag:s14] =	ssyncadd.s32 $0xFFFFEC00  }
0x106: {  	[tilespmem:s0], [sflag:$0x2] =	stream.indirect.gather [spmem:s1], $0x40, s6, s31, $0xb8;
	[tilespmem:$0x1EAA0] =	vst v63  }
0x107: {  	_ =	swait.ge [sflag:s15], $0x1400  }
0x108: {  	[sflag:s15] =	ssyncset.done $0x0  }
0x109: {  	s24 =	simm.s32 $0x2850;
	[sflag:s15] =	ssyncadd.s32 $0xFFFFEC00  }
0x10a: {  	[spmem:s2] =	stream.indirect.scatter.add.f32 [tilespmem:s10], [sflag:$0xA], $0x40, s24, s31, $0xb8;
	[tilespmem:$0x1EAA0] =	vst v63  }
0x10b: {  	_ =	swait.ge [sflag:s23], $0x1400  }
0x10c: {  	[sflag:s23] =	ssyncset.done $0x0  }
0x10d: {  	s6 =	simm.s32 $0x230;
	[sflag:s23] =	ssyncadd.s32 $0xFFFFEC00  }
0x10e: {  	[tilespmem:s25], [sflag:$0x3] =	stream.indirect.gather [spmem:s1], $0x40, s6, s31, $0xb8;
	[tilespmem:$0x1EAA0] =	vst v63  }
0x10f: {  	_ =	swait.ge [sflag:s16], $0x1400  }
0x110: {  	[sflag:s16] =	ssyncset.done $0x0  }
0x111: {  	s24 =	simm.s32 $0x280;
	[sflag:s16] =	ssyncadd.s32 $0xFFFFEC00  }
0x112: {  	[tilespmem:s7], [sflag:$0x4] =	stream.indirect.gather [spmem:s1], $0x40, s24, s31, $0xb8;
	[tilespmem:$0x1EAA0] =	vst v63  }
0x113: {  	_ =	swait.ge [sflag:s5], $0x1400  }
0x114: {  	[sflag:s5] =	ssyncset.done $0x0  }
0x115: {  	s30 =	simm.s32 $0x640;
	s24 =	simm.s32 $0x2D0;
	[sflag:s5] =	ssyncadd.s32 $0xFFFFEC00  }
.LBB2_6:
0x116: {  	[tilespmem:s10], [sflag:$0x5] =	stream.indirect.gather [spmem:s1], $0x40, s24, s31, $0xb8;
	[tilespmem:$0x1EAA0] =	vst v63  }
0x117: {  	s4 =	smov.u32 s30  }
0x118: {  	p0 =	sne.s32 s30, $0x8FC0;
	s30 =	sadd.s32 $0x640, s30;
	_ =	swait.ge [sflag:s22], $0x1400  }
0x119: {  	s24 =	sshra.s32 s4, $0x2;
	[sflag:s22] =	ssyncset.done $0x0  }
0x11a: {  	s4 =	sadd.s32 $0x2710, s24;
	[sflag:s22] =	ssyncadd.s32 $0xFFFFEC00  }
0x11b: {  	[spmem:s2] =	stream.indirect.scatter.add.f32 [tilespmem:s26], [sflag:$0x6], $0x40, s4, s31, $0xb8;
	[tilespmem:$0x1EAA0] =	vst v63  }
0x11c: {  	_ =	swait.ge [sflag:s11], $0x1400  }
0x11d: {  	[sflag:s11] =	ssyncset.done $0x0  }
0x11e: {  	s4 =	sadd.s32 $0x2760, s24;
	[sflag:s11] =	ssyncadd.s32 $0xFFFFEC00  }
0x11f: {  	[spmem:s2] =	stream.indirect.scatter.add.f32 [tilespmem:s0], [sflag:$0x7], $0x40, s4, s31, $0xb8;
	[tilespmem:$0x1EAA0] =	vst v63  }
0x120: {  	_ =	swait.ge [sflag:s12], $0x1400  }
0x121: {  	[sflag:s12] =	ssyncset.done $0x0  }
0x122: {  	s4 =	sadd.s32 $0x27B0, s24;
	[sflag:s12] =	ssyncadd.s32 $0xFFFFEC00  }
0x123: {  	[spmem:s2] =	stream.indirect.scatter.add.f32 [tilespmem:s25], [sflag:$0x8], $0x40, s4, s31, $0xb8;
	[tilespmem:$0x1EAA0] =	vst v63  }
0x124: {  	_ =	swait.ge [sflag:s28], $0x1400  }
0x125: {  	[sflag:s28] =	ssyncset.done $0x0  }
0x126: {  	s4 =	sadd.s32 $0x190, s24;
	[sflag:s28] =	ssyncadd.s32 $0xFFFFEC00  }
0x127: {  	[tilespmem:s26], [sflag:$0x1] =	stream.indirect.gather [spmem:s1], $0x40, s4, s31, $0xb8;
	[tilespmem:$0x1EAA0] =	vst v63  }
0x128: {  	_ =	swait.ge [sflag:s13], $0x1400  }
0x129: {  	[sflag:s13] =	ssyncset.done $0x0  }
0x12a: {  	s4 =	sadd.s32 $0x2800, s24;
	[sflag:s13] =	ssyncadd.s32 $0xFFFFEC00  }
0x12b: {  	[spmem:s2] =	stream.indirect.scatter.add.f32 [tilespmem:s7], [sflag:$0x9], $0x40, s4, s31, $0xb8;
	[tilespmem:$0x1EAA0] =	vst v63  }
0x12c: {  	_ =	swait.ge [sflag:s14], $0x1400  }
0x12d: {  	[sflag:s14] =	ssyncset.done $0x0  }
0x12e: {  	s4 =	sadd.s32 $0x1E0, s24;
	[sflag:s14] =	ssyncadd.s32 $0xFFFFEC00  }
0x12f: {  	[tilespmem:s0], [sflag:$0x2] =	stream.indirect.gather [spmem:s1], $0x40, s4, s31, $0xb8;
	[tilespmem:$0x1EAA0] =	vst v63  }
0x130: {  	_ =	swait.ge [sflag:s15], $0x1400  }
0x131: {  	[sflag:s15] =	ssyncset.done $0x0  }
0x132: {  	s4 =	sadd.s32 $0x2850, s24;
	[sflag:s15] =	ssyncadd.s32 $0xFFFFEC00  }
0x133: {  	[spmem:s2] =	stream.indirect.scatter.add.f32 [tilespmem:s10], [sflag:$0xA], $0x40, s4, s31, $0xb8;
	[tilespmem:$0x1EAA0] =	vst v63  }
0x134: {  	_ =	swait.ge [sflag:s23], $0x1400  }
0x135: {  	[sflag:s23] =	ssyncset.done $0x0  }
0x136: {  	s4 =	sadd.s32 $0x230, s24;
	[sflag:s23] =	ssyncadd.s32 $0xFFFFEC00  }
0x137: {  	[tilespmem:s25], [sflag:$0x3] =	stream.indirect.gather [spmem:s1], $0x40, s4, s31, $0xb8;
	[tilespmem:$0x1EAA0] =	vst v63  }
0x138: {  	_ =	swait.ge [sflag:s16], $0x1400  }
0x139: {  	[sflag:s16] =	ssyncset.done $0x0  }
.Ltmp2:
0x13a: {  	s4 =	sadd.s32 $0x280, s24;
	[sflag:s16] =	ssyncadd.s32 $0xFFFFEC00;
	(pc) =	sbr.rel @p0 .LBB2_6-.Ltmp2, $4  }
0x13b: {  	[tilespmem:s7], [sflag:$0x4] =	stream.indirect.gather [spmem:s1], $0x40, s4, s31, $0xb8;
	[tilespmem:$0x1EAA0] =	vst v63  }
0x13c: {  	_ =	swait.ge [sflag:s5], $0x1400  }
0x13d: {  	[sflag:s5] =	ssyncset.done $0x0  }
0x13e: {  	s24 =	sadd.s32 $0x2D0, s24;
	[sflag:s5] =	ssyncadd.s32 $0xFFFFEC00  }
0x13f: {  	[tilespmem:s10], [sflag:$0x5] =	stream.indirect.gather [spmem:s1], $0x40, s24, s31, $0xb8;
	[tilespmem:$0x1EAA0] =	vst v63  }
0x140: {  	_ =	swait.ge [sflag:s22], $0x1400  }
0x141: {  	[sflag:s22] =	ssyncset.done $0x0  }
0x142: {  	[sflag:s22] =	ssyncadd.s32 $0xFFFFEC00  }
0x143: {  	[spmem:s2] =	stream.indirect.scatter.add.f32 [tilespmem:s26], [sflag:$0x6], $0x40, s17, s31, $0xb8;
	[tilespmem:$0x1EAA0] =	vst v63  }
0x144: {  	_ =	swait.ge [sflag:s11], $0x1400  }
0x145: {  	[sflag:s11] =	ssyncset.done $0x0  }
0x146: {  	[sflag:s11] =	ssyncadd.s32 $0xFFFFEC00  }
0x147: {  	[spmem:s2] =	stream.indirect.scatter.add.f32 [tilespmem:s0], [sflag:$0x7], $0x40, s18, s31, $0xb8;
	[tilespmem:$0x1EAA0] =	vst v63  }
0x148: {  	_ =	swait.ge [sflag:s12], $0x1400  }
0x149: {  	[sflag:s12] =	ssyncset.done $0x0  }
0x14a: {  	[sflag:s12] =	ssyncadd.s32 $0xFFFFEC00  }
0x14b: {  	[spmem:s2] =	stream.indirect.scatter.add.f32 [tilespmem:s25], [sflag:$0x8], $0x40, s19, s31, $0xb8;
	[tilespmem:$0x1EAA0] =	vst v63  }
0x14c: {  	_ =	swait.ge [sflag:s28], $0x1400  }
0x14d: {  	[sflag:s28] =	ssyncset.done $0x0  }
0x14e: {  	[sflag:s28] =	ssyncadd.s32 $0xFFFFEC00  }
0x14f: {  	_ =	swait.ge [sflag:s13], $0x1400  }
0x150: {  	[sflag:s13] =	ssyncset.done $0x0  }
0x151: {  	[sflag:s13] =	ssyncadd.s32 $0xFFFFEC00  }
0x152: {  	[spmem:s2] =	stream.indirect.scatter.add.f32 [tilespmem:s7], [sflag:$0x9], $0x40, s20, s31, $0xb8;
	[tilespmem:$0x1EAA0] =	vst v63  }
0x153: {  	_ =	swait.ge [sflag:s14], $0x1400  }
0x154: {  	[sflag:s14] =	ssyncset.done $0x0  }
0x155: {  	[sflag:s14] =	ssyncadd.s32 $0xFFFFEC00  }
0x156: {  	_ =	swait.ge [sflag:s15], $0x1400  }
0x157: {  	[sflag:s15] =	ssyncset.done $0x0  }
0x158: {  	[sflag:s15] =	ssyncadd.s32 $0xFFFFEC00  }
0x159: {  	[spmem:s2] =	stream.indirect.scatter.add.f32 [tilespmem:s10], [sflag:$0xA], $0x40, s21, s31, $0xb8;
	[tilespmem:$0x1EAA0] =	vst v63  }
0x15a: {  	_ =	swait.ge [sflag:s23], $0x1400  }
0x15b: {  	[sflag:s23] =	ssyncset.done $0x0  }
0x15c: {  	[sflag:s23] =	ssyncadd.s32 $0xFFFFEC00  }
0x15d: {  	_ =	swait.ge [sflag:s16], $0x1400  }
0x15e: {  	[sflag:s16] =	ssyncset.done $0x0  }
0x15f: {  	[sflag:s16] =	ssyncadd.s32 $0xFFFFEC00  }
0x160: {  	_ =	swait.ge [sflag:s5], $0x1400  }
0x161: {  	[sflag:s5] =	ssyncset.done $0x0  }
0x162: {  	[sflag:s5] =	ssyncadd.s32 $0xFFFFEC00  }
0x163: {  	[bflag:$0x0] =	sbarrier.arrive $0xFFFF  }
0x164: {  	s4 =	rddreg [dreg:$0x5]  }
0x165: {  	s6 =	sshrl.u32 s8, $0x3;
	s30 =	rddreg [dreg:$0x15];
	s4 =	sor.u32 $0x1C0B, s4  }
0x166: {  	[hbm:s30], [sflag:s4] =	dma.local [spmem:s6], $0x1400  }
0x167: {  	_ =	swait.ge [sflag:s29], $0x1400  }
0x168: {  	s3 =	sadd.s32 $0x1, s3;
	s30 =	rddreg [dreg:$0x13]  }
0x169: {  	p0 =	sne.s32 s3, s30  }
.Ltmp3:
0x16a: {  	_ = 	snop;
	(pc) =	sbr.rel @p0 .LBB2_1-.Ltmp3, $3  }
0x16b: {  	_ =	sdelay $0x1  }
0x16c: {  	[sflag:s29] =	ssyncset.done $0x0  }
0x16d: {  	[sflag:s29] =	ssyncadd.s32 $0xFFFFEC00  }
0x16e: {  	_ =	sfence.sel $0x180000  }
0x16f: {  	[bflag:$0x0] =	sbarrier.arrive $0xFFFF  }
0x170: {  	_ =	strace $0x9000004A  }
0x171: {  	s0 =	stileid.u32;
	[bflag:$0x2] =	sbarrier.arrive $0xFFFF  }
0x172: {  	p0 =	sne.s32 s0, $0x0;
	s0 =	rddreg [dreg:$0x4]  }
0x173: {  	s0 =	sadd.s32 @!p0 $0x100000, s0  }
0x174: {  	[sflag:s0] =	ssyncadd.tile.s32 @!p0 $0x1;
	_ =	shalt  }
.Lfunc_end2:
_tile_overlayer_lowered:
.L_overlay_start_2:
0x175: {  	(tag) =	ssettag $0x2  }
0x176: {  	s0 =	rddreg [dreg:$0x0];
	s2 =	stileid.u32  }
0x177: {  	s1 =	rddreg [dreg:$0x1];
	p0 =	sne.s32 s2, $0x0  }
0x178: {  	s3 =	rddreg [dreg:$0x2];
	[bflag:$0x3] =	sbarrier.arrive $0xFFFF;
	s2 =	simm.s32 @!p0 $0x1C0B  }
0x179: {  	[timem:s3], [sflag:s2] =	dma.local @!p0 [hbm:s0], s1  }
0x17a: {  	s0 =	simm.s32 @!p0 $0xB  }
0x17b: {  	_ =	swait.ge @!p0 [sflag:s0], s1  }
0x17c: {  	s1 =	ssub.s32 @!p0 $0x0, s1;
	[sflag:s0] =	ssyncset.done @!p0 $0x0  }
0x17d: {  	[sflag:s0] =	ssyncadd.s32 @!p0 s1  }
0x17e: {  	[bflag:$0x3] =	sbarrier.arrive $0xFFFF  }
0x17f: {  	_ =	shalt  }

// kernel: kernel.7.cloned.1.call-start
scs
__scs_entry_jumppad:
0x0: {  	(pc) =	sbr.rel $0x88, $3  }
0x1: {  	(tag) =	ssettag $0x0;
	lr =	simm.s32 $0x1  }
0x2: {  	[smem:$0x3F97] =	sst lr;
	_ =	strace $0xD0000000  }
0x3: {  	_ = 	snop  }
0x4: {  	_ = 	snop  }
0x5: {  	_ = 	snop  }
0x6: {  	_ = 	snop  }
0x7: {  	_ = 	snop  }
__scs_overlays_trampoline_lowered:
0x8: {  	[smem:$0x3FA6] =	sst s0  }
0x9: {  	[smem:$0x3FA7] =	sst s1  }
0xa: {  	[smem:$0x3FA8] =	sst s2  }
0xb: {  	[smem:$0x3FA9] =	sst s3  }
0xc: {  	[smem:$0x3FAA] =	sst s4  }
0xd: {  	[smem:$0x3FAB] =	sst s5  }
0xe: {  	[smem:$0x3FAC] =	sst s6  }
0xf: {  	[smem:$0x3FAD] =	sst s7  }
0x10: {  	[smem:$0x3FAE] =	sst s8  }
0x11: {  	[smem:$0x3FAF] =	sst s9;
	s0 =	simm.s32 @!p0 $0x0  }
0x12: {  	s1 =	sld [smem:$0x3F95];
	s0 =	simm.s32 @p0 $0x1  }
0x13: {  	[smem:$0x3FB0] =	sst s0;
	s0 =	simm.s32 @!p1 $0x0  }
0x14: {  	s2 =	sld [smem:$0x3F94];
	s0 =	simm.s32 @p1 $0x1  }
0x15: {  	[smem:$0x3FB1] =	sst s0;
	s0 =	simm.s32 @!p2 $0x0  }
0x16: {  	s3 =	sld [smem:$0x3FDB];
	s0 =	simm.s32 @p2 $0x1  }
0x17: {  	s4 =	simm.s32 $0x1BF5;
	[smem:$0x3FB3] =	sst s0  }
0x18: {  	s0 =	sld [smem:$0x3F96];
	_ =	swait.ge [sflag:s4], $0x0  }
0x19: {  	s7 =	sld [smem:$0x3F97]  }
0x1a: {  	s8 =	sadd.s32 $0xFFFFE003, lr  }
0x1b: {  	s9 =	sadd.s32 $0xFFFFFEF7, lr;
	s5 =	simm.s32 $0xFFFFFFFF;
	p2 =	slt.u32 s8, $0xFFFFF086  }
0x1c: {  	p1 =	slt.u32 s9, $0xF7A;
	s5 =	simm.s32 @!p2 $0x0  }
0x1d: {  	s5 =	simm.s32 @p1 $0x1;
	p0 =	seq.s32 s7, s2  }
0x1e: {  	s7 =	smul.u32 @!p0 $0xF7A, s2;
	p2 =	seq.s32 @!p0 s5, $0x0  }
0x1f: {  	s9 =	smul.u32 $0xF7A, s1;
	s8 =	simm.s32 @!p0 $0x1BF5;
	p2 =	por !p2, p0  }
0x20: {  	[sflag:s8] =	ssyncset.s32 @!p0 $0xFFFFF086;
	s6 =	sadd.s32 @!p0 s3, s7;
	s7 =	simm.s32 @!p0 $0x108  }
0x21: {  	s3 =	sadd.s32 s3, s9;
	s6 =	sadd.s32 @!p0 $0x88, s6;
	s7 =	simm.s32 @p2 $0x1082  }
0x22: {  	[simem:s7], [sflag:s8] =	dma.local @!p0 [hbm:s6], $0xF7A  }
0x23: {  	s9 =	sor.u32 $0xD0000000, s2;
	s6 =	simm.s32 $0x108;
	_ =	swait.ge @!p0 [sflag:s8], $0x0  }
0x24: {  	s3 =	sadd.s32 $0x88, s3;
	s6 =	simm.s32 @!p1 $0x1082;
	[sflag:s4] =	ssyncset.s32 $0xFFFFF086  }
0x25: {  	[simem:s6], [sflag:s4] =	dma.local [hbm:s3], $0xF7A  }
0x26: {  	[smem:$0x3F97] =	sst s1;
	(tag) =	ssettag s2;
	_ =	strace s9  }
0x27: {  	s1 =	sld [smem:$0x3FA7]  }
0x28: {  	s2 =	sld [smem:$0x3FA8]  }
0x29: {  	s4 =	sld [smem:$0x3FAA]  }
0x2a: {  	p0 =	seq.s32 s5, $0x0;
	s5 =	sld [smem:$0x3FAB]  }
0x2b: {  	s6 =	sld [smem:$0x3FAC]  }
0x2c: {  	s7 =	sld [smem:$0x3FAD]  }
0x2d: {  	s3 =	simm.s32 $0x108;
	s8 =	sld [smem:$0x3FAE]  }
0x2e: {  	s3 =	simm.s32 @!p0 $0x1082;
	s9 =	sld [smem:$0x3FAF]  }
0x2f: {  	lr =	sadd.s32 s0, s3;
	s0 =	sld [smem:$0x3FA6]  }
0x30: {  	s3 =	sld [smem:$0x3FA9]  }
0x31: {  	[smem:$0x3FB2] =	sst s10  }
0x32: {  	s10 =	sld [smem:$0x3FB0];
	_ =	sdelay $0x3  }
0x33: {  	p0 =	seq.s32 s10, $0x1;
	s10 =	sld [smem:$0x3FB2];
	_ =	sdelay $0x3  }
0x34: {  	[smem:$0x3FB2] =	sst s10  }
0x35: {  	s10 =	sld [smem:$0x3FB1];
	_ =	sdelay $0x3  }
0x36: {  	p1 =	seq.s32 s10, $0x1;
	s10 =	sld [smem:$0x3FB2];
	_ =	sdelay $0x3  }
0x37: {  	[smem:$0x3FB2] =	sst s10  }
0x38: {  	s10 =	sld [smem:$0x3FB3]  }
0x39: {  	_ = 	snop;
	(pc) =	sbr.ind lr, $3  }
0x3a: {  	_ = 	snop  }
0x3b: {  	_ = 	snop  }
0x3c: {  	p2 =	seq.s32 s10, $0x1;
	s10 =	sld [smem:$0x3FB2]  }
0x3d: {  	_ =	shalt  }
0x3e: {  	_ =	shalt  }
0x3f: {  	_ =	shalt  }
0x40: {  	_ =	shalt  }
0x41: {  	_ =	shalt  }
0x42: {  	_ =	shalt  }
0x43: {  	_ =	shalt  }
0x44: {  	_ =	shalt  }
0x45: {  	_ =	shalt  }
0x46: {  	_ =	shalt  }
0x47: {  	_ =	shalt  }
0x48: {  	_ =	shalt  }
0x49: {  	_ =	shalt  }
0x4a: {  	_ =	shalt  }
0x4b: {  	_ =	shalt  }
0x4c: {  	_ =	shalt  }
0x4d: {  	_ =	shalt  }
0x4e: {  	_ =	shalt  }
0x4f: {  	_ =	shalt  }
0x50: {  	_ =	shalt  }
0x51: {  	_ =	shalt  }
0x52: {  	_ =	shalt  }
0x53: {  	_ =	shalt  }
0x54: {  	_ =	shalt  }
0x55: {  	_ =	shalt  }
0x56: {  	_ =	shalt  }
0x57: {  	_ =	shalt  }
0x58: {  	_ =	shalt  }
0x59: {  	_ =	shalt  }
0x5a: {  	_ =	shalt  }
0x5b: {  	_ =	shalt  }
0x5c: {  	_ =	shalt  }
0x5d: {  	_ =	shalt  }
0x5e: {  	_ =	shalt  }
0x5f: {  	_ =	shalt  }
0x60: {  	_ =	shalt  }
0x61: {  	_ =	shalt  }
0x62: {  	_ =	shalt  }
0x63: {  	_ =	shalt  }
0x64: {  	_ =	shalt  }
0x65: {  	_ =	shalt  }
0x66: {  	_ =	shalt  }
0x67: {  	_ =	shalt  }
0x68: {  	_ =	shalt  }
0x69: {  	_ =	shalt  }
0x6a: {  	_ =	shalt  }
0x6b: {  	_ =	shalt  }
0x6c: {  	_ =	shalt  }
0x6d: {  	_ =	shalt  }
0x6e: {  	_ =	shalt  }
0x6f: {  	_ =	shalt  }
0x70: {  	_ =	shalt  }
0x71: {  	_ =	shalt  }
0x72: {  	_ =	shalt  }
0x73: {  	_ =	shalt  }
0x74: {  	_ =	shalt  }
0x75: {  	_ =	shalt  }
0x76: {  	_ =	shalt  }
0x77: {  	_ =	shalt  }
0x78: {  	_ =	shalt  }
0x79: {  	_ =	shalt  }
0x7a: {  	_ =	shalt  }
0x7b: {  	_ =	shalt  }
0x7c: {  	_ =	shalt  }
0x7d: {  	_ =	shalt  }
0x7e: {  	_ =	shalt  }
0x7f: {  	_ =	shalt  }
0x80: {  	_ =	shalt  }
0x81: {  	_ =	shalt  }
0x82: {  	_ =	shalt  }
0x83: {  	_ =	shalt  }
0x84: {  	_ =	shalt  }
0x85: {  	_ =	shalt  }
0x86: {  	_ =	shalt  }
0x87: {  	_ =	shalt  }
.Lfunc_end0:
.L_simem_size_0:
called_computation_lowered:
.L_overlay_start_0:
0x88: {  	s2 =	sld [smem:$0x3FD9]  }
0x89: {  	s3 =	sld [smem:$0x3FFE];
	_ =	sdelay $0x1  }
0x8a: {  	s1 =	srdreg.scid  }
0x8b: {  	s0 =	sand.u32 $0x1, s1  }
0x8c: {  	s17 =	sshll.u32 s0, $0xA;
	s2 =	sadd.s32 s3, s2  }
0x8d: {  	s2 =	sadd.s32 s2, s17  }
0x8e: {  	[smem:$0x3FBE] =	sst s2  }
0x8f: {  	_ = 	snop  }
0x90: {  	s2 =	sld [smem:$0x3FC9]  }
0x91: {  	s18 =	sld [smem:$0x3FD0];
	(tm) =	ssettm $0x1  }
0x92: {  	s4 =	sld [smem:$0x3FFB];
	_ =	sdelay $0x3  }
0x93: {  	_ =	strace s4  }
0x94: {  	s4 =	sld [smem:$0x3FFC];
	_ =	sdelay $0x3  }
0x95: {  	_ =	strace s4  }
0x96: {  	s4 =	sld [smem:$0x3FFD];
	_ =	sdelay $0x3  }
0x97: {  	_ =	strace s4  }
0x98: {  	_ =	strace $0x8FFFFFFF  }
0x99: {  	s19 =	sld [smem:$0x3FDB];
	_ =	sdelay $0x1  }
0x9a: {  	s5 =	simm.s32 $_scs_section_size  }
0x9b: {  	s6 =	simm.s32 $_size__tile_overlayer_lowered;
	s7 =	simm.s32 $_tile_overlayer_lowered  }
0x9c: {  	s22 =	simm.s32 $0x1BFF;
	s21 =	sshll.u32 s7, $0x1;
	s4 =	sadd.s32 s5, s19  }
0x9d: {  	s8 =	simm.s32 $0x0;
	s20 =	sshll.u32 s6, $0x1;
	s6 =	sadd.s32 s21, s4  }
0x9e: {  	[timem:s8], [sflag:s22] =	dma.local [hbm:s6], s20  }
0x9f: {  	_ =	swait.ge [sflag:s22], s20  }
0xa0: {  	s5 =	ssub.s32 $0x0, s20;
	[sflag:s22] =	ssyncset.done $0x0  }
0xa1: {  	[sflag:s22] =	ssyncadd.s32 s5;
	_ =	sdelay $0x1  }
0xa2: {  	s23 =	simm.s32 $0x1B8B  }
0xa3: {  	_ =	swait.ge [sflag:s23], $0x1  }
0xa4: {  	[sflag:s23] =	ssyncset.done $0x0  }
0xa5: {  	s25 =	simm.s32 $0x1B8E;
	s24 =	sld [smem:$0x3FFE];
	[sflag:s23] =	ssyncadd.s32 $0xFFFFFFFF  }
0xa6: {  	s26 =	simm.s32 $execute0_lowered;
	[smem:$0x3FD2] =	sst s25  }
0xa7: {  	s6 =	sshll.u32 s26, $0x1;
	_ =	strace $0x80000046;
	[dreg:$0x1] =	wrdreg $0xFFFFFFFF  }
0xa8: {  	s28 =	simm.s32 $_size_execute0_lowered;
	s4 =	sadd.s32 s4, s6;
	[dreg:$0x0] =	wrdreg $0x0  }
0xa9: {  	s6 =	sshll.u32 s28, $0x1;
	[dreg:$0x2] =	wrdreg s4  }
0xaa: {  	[dreg:$0x3] =	wrdreg s6  }
0xab: {  	[dreg:$0x4] =	wrdreg $0xC0  }
0xac: {  	_ =	task [dreg:s8], $0x5FFFF  }
0xad: {  	[dreg:$0x1] =	wrdreg $0xFFFFFFFF  }
0xae: {  	[dreg:$0x0] =	wrdreg $0x60  }
0xaf: {  	[dreg:$0x2] =	wrdreg s2  }
0xb0: {  	[dreg:$0x3] =	wrdreg s24  }
0xb1: {  	[dreg:$0x4] =	wrdreg s18  }
0xb2: {  	[dreg:$0x5] =	wrdreg $0xB2200  }
0xb3: {  	[dreg:$0x6] =	wrdreg $0x14E600  }
0xb4: {  	[dreg:$0x7] =	wrdreg $0x9  }
0xb5: {  	_ =	task.clear_ibuf [dreg:s8], $0x8FFFF;
	_ =	strace $0x90000046  }
0xb6: {  	s29 =	simm.s32 $0x9;
	_ =	strace $0x80000048  }
0xb7: {  	_ =	swait.ge [sflag:s29], $0x1  }
0xb8: {  	[sflag:s29] =	ssyncadd.s32 $0xFFFFFFFF  }
0xb9: {  	_ =	strace $0x90000048  }
0xba: {  	_ =	sfence  }
0xbb: {  	s30 =	sld [smem:$0x0];
	_ =	sdelay $0x2  }
0xbc: {  	s31 =	sshll.u32 s1, $0xD;
	s1 =	sshrl.u32 s1, $0x2  }
0xbd: {  	s3 =	sand.u32 $0x4000, s31;
	s1 =	sadd.s32 s1, s30  }
0xbe: {  	s0 =	sor.u32 s3, s0;
	s1 =	sshll.u32 s1, $0x11  }
0xbf: {  	s0 =	sor.u32 s1, s0  }
0xc0: {  	s0 =	sadd.s32 $0x8F2B, s0  }
0xc1: {  	[sflag:s0] =	ssyncadd.remote.s32 $0x1  }
0xc2: {  	_ =	sfence.sel $0xFFFF  }
0xc3: {  	[dreg:$0x0] =	wrdreg $0xFFFFFFFF;
	(pc) =	sbr.abs _section_cstart, $3  }
0xc4: {  	[dreg:$0x1] =	wrdreg $0xFFFFFFFF  }
0xc5: {  	_ =	task.clear_ibuf [dreg:s8], $0x2FFFF;
	_ =	strace $0x9FFFFFFF  }
0xc6: {  	(tm) =	ssettm $0x7FFFFFFF  }
0xc7: {  	_ =	shalt  }
tec
execute0_lowered:
.L_overlay_start_1:
0x0: {  	(tag) =	ssettag $0x1  }
0x1: {  	s0 =	rddreg [dreg:$0x0]  }
0x2: {  	s3 =	rddreg [dreg:$0x1]  }
0x3: {  	s5 =	rddreg [dreg:$0x2]  }
0x4: {  	s1 =	rddreg [dreg:$0x3]  }
0x5: {  	s2 =	rddreg [dreg:$0x4]  }
0x6: {  	s4 =	simm.s32 $0x0;
	s6 =	srdreg.scid;
	s14 =	stileid.u32  }
0x7: {  	s28 =	simm.s32 $0x6;
	s29 =	simm.s32 $0xB;
	s9 =	smul.u32 $0x9C00, s14  }
0x8: {  	s31 =	simm.s32 $0x50;
	[smem:$0x7FF] =	sst s4;
	s10 =	smul.u32 $0x13800, s14  }
0x9: {  	s7 =	sadd.s32 $0xCA00, s3;
	s6 =	sand.u32 $0x1, s6;
	s13 =	smul.u32 $0x27000, s14  }
0xa: {  	s3 =	sadd.s32 $0x2C00, s3;
	s15 =	sshll.u32 s14, $0x6;
	s16 =	smul.u32 $0x4E20, s14  }
0xb: {  	s14 =	simm.s32 $0x7;
	_ =	strace $0x80000047;
	s8 =	ssub.s32 $0x2, s6  }
0xc: {  	s12 =	sshll.u32 s6, $0x6;
	[dreg:$0x6] =	wrdreg s15;
	s6 =	smul.u32 $0x13880, s6  }
0xd: {  	s11 =	sshrl.u32 s8, $0x1;
	s26 =	sor.u32 s12, s10;
	s10 =	sadd.s32 s9, s1  }
0xe: {  	s30 =	sshrl.u32 s13, $0x2;
	s13 =	sor.u32 $0x1C01, s15;
	s25 =	sshrl.u32 s9, $0x3  }
0xf: {  	s11 =	ssub.s32 s8, s11;
	s8 =	sshrl.u32 s26, $0x3;
	[dreg:$0x8] =	wrdreg s13  }
0x10: {  	s15 =	sadd.s32 s30, s2;
	s24 =	sadd.s32 s5, s6;
	s30 =	sshrl.u32 s10, $0x3  }
0x11: {  	s10 =	simm.s32 $0x9E20;
	s0 =	sadd.s32 s0, s8;
	[dreg:$0x15] =	wrdreg s30  }
0x12: {  	s13 =	simm.s32 $0x4;
	s12 =	sadd.s32 $0x1400, s15;
	[dreg:$0x7] =	wrdreg s0  }
0x13: {  	s5 =	simm.s32 $0x9;
	s17 =	sadd.s32 $0x2800, s15;
	[dreg:$0x9] =	wrdreg s12  }
0x14: {  	s8 =	sadd.s32 s9, s2;
	s18 =	sadd.s32 $0x3C00, s15;
	[dreg:$0xa] =	wrdreg s17  }
0x15: {  	s19 =	sadd.s32 $0x5000, s15;
	s20 =	sadd.s32 $0x6400, s15;
	[dreg:$0xb] =	wrdreg s18  }
0x16: {  	s21 =	sadd.s32 $0x7800, s15;
	s26 =	smax.u32 s11, $0x1;
	[dreg:$0xc] =	wrdreg s19  }
0x17: {  	s9 =	simm.s32 $0x140;
	s11 =	simm.s32 $0x2;
	[dreg:$0xd] =	wrdreg s20  }
0x18: {  	[dreg:$0xe] =	wrdreg s21;
	s12 =	sshrl.u32 s16, $0x3;
	s0 =	sadd.s32 $0x8C00, s15  }
0x19: {  	[dreg:$0x14] =	wrdreg s26;
	s26 =	simm.s32 $0x4E20;
	s15 =	simm.s32 $0x5  }
0x1a: {  	s16 =	simm.s32 $0xA;
	s17 =	simm.s32 $0x4C90;
	s18 =	simm.s32 $0x4CE0  }
0x1b: {  	s19 =	simm.s32 $0x4D30;
	[dreg:$0xf] =	wrdreg s0;
	s23 =	sadd.s32 s7, s12  }
0x1c: {  	s22 =	sadd.s32 $0x4E2, s12;
	s12 =	sadd.s32 s3, s12;
	[dreg:$0x10] =	wrdreg s23  }
0x1d: {  	s20 =	simm.s32 $0x4D80;
	s21 =	simm.s32 $0x4DD0;
	[dreg:$0x11] =	wrdreg s12  }
0x1e: {  	s7 =	sadd.s32 s7, s22;
	s0 =	sadd.s32 s3, s22;
	s22 =	simm.s32 $0x1  }
0x1f: {  	s23 =	simm.s32 $0x8;
	s12 =	simm.s32 $0x3;
	[dreg:$0x12] =	wrdreg s7  }
0x20: {  	[dreg:$0x13] =	wrdreg s0;
	s0 =	sadd.s32 s25, s24;
	s25 =	simm.s32 $0x7620  }
0x21: {  	v0 =	vimm.f32 $0.0e+00;
	s7 =	simm.s32 $0x8A20;
	[dreg:$0x16] =	wrdreg s0;
	s0 =	simm.s32 $0x6220  }
.LBB2_1:
0x22: {  	s30 =	simm.s32 $0x100;
	s24 =	simm.s32 $0x0  }
.LBB2_2:
0x23: {  	p0 =	sne.s32 s30, $0x4F00;
	[tilespmem:s24+$0x4E50] =	vst v0;
	s3 =	smov.u32 s30;
	s30 =	sadd.s32 $0x100, s30  }
.Ltmp0:
0x24: {  	[tilespmem:s24+$0x4E40] =	vst v0;
	(pc) =	sbr.rel @p0 .LBB2_2-.Ltmp0, $3  }
0x25: {  	[tilespmem:s24+$0x4E20] =	vst v0  }
0x26: {  	[tilespmem:s24+$0x4E30] =	vst v0;
	_ =	sdelay $0x1  }
0x27: {  	s24 =	sshra.s32 s3, $0x2  }
0x28: {  	[tilespmem:s24+$0x4E50] =	vst v0  }
0x29: {  	[tilespmem:s24+$0x4E40] =	vst v0  }
0x2a: {  	[tilespmem:s24+$0x4E20] =	vst v0;
	s3 =	rddreg [dreg:$0x7]  }
0x2b: {  	[tilespmem:s24+$0x4E30] =	vst v0;
	s24 =	rddreg [dreg:$0x8]  }
0x2c: {  	s30 =	rddreg [dreg:$0x15];
	s6 =	simm.s32 $0x10  }
0x2d: {  	[spmem:s30@s23], [sflag:s24] =	dma.strided [hbm:s3@s6], $0x1400, s22, $0x8   }
0x2e: {  	[spmem:s8] =	stream.linear.scatter [tilespmem:s26], [sflag:$0x6], $0x1400, $0x38;
	[tilespmem:$0x1EAA0] =	vst v63  }
0x2f: {  	s3 =	rddreg [dreg:$0x9]  }
0x30: {  	[spmem:s3] =	stream.linear.scatter [tilespmem:s26], [sflag:$0x6], $0x1400, $0x38;
	[tilespmem:$0x1EAA0] =	vst v63  }
0x31: {  	s6 =	rddreg [dreg:$0xa]  }
0x32: {  	[spmem:s6] =	stream.linear.scatter [tilespmem:s26], [sflag:$0x6], $0x1400, $0x38;
	[tilespmem:$0x1EAA0] =	vst v63  }
0x33: {  	s24 =	rddreg [dreg:$0xb]  }
0x34: {  	[spmem:s24] =	stream.linear.scatter [tilespmem:s26], [sflag:$0x6], $0x1400, $0x38;
	[tilespmem:$0x1EAA0] =	vst v63  }
0x35: {  	s6 =	rddreg [dreg:$0xc]  }
0x36: {  	[spmem:s6] =	stream.linear.scatter [tilespmem:s26], [sflag:$0x6], $0x1400, $0x38;
	[tilespmem:$0x1EAA0] =	vst v63  }
0x37: {  	s24 =	rddreg [dreg:$0xd]  }
0x38: {  	[spmem:s24] =	stream.linear.scatter [tilespmem:s26], [sflag:$0x6], $0x1400, $0x38;
	[tilespmem:$0x1EAA0] =	vst v63  }
0x39: {  	s6 =	rddreg [dreg:$0xe]  }
0x3a: {  	[spmem:s6] =	stream.linear.scatter [tilespmem:s26], [sflag:$0x6], $0x1400, $0x38;
	[tilespmem:$0x1EAA0] =	vst v63  }
0x3b: {  	s24 =	rddreg [dreg:$0xf]  }
0x3c: {  	[spmem:s24] =	stream.linear.scatter [tilespmem:s26], [sflag:$0x6], $0x1400, $0x38;
	[tilespmem:$0x1EAA0] =	vst v63  }
0x3d: {  	_ =	swait.ge [sflag:s22], $0x1400  }
0x3e: {  	[sflag:s22] =	ssyncset.done $0x0  }
0x3f: {  	[sflag:s22] =	ssyncadd.s32 $0xFFFFEC00  }
0x40: {  	_ =	swait.ge [sflag:s28], $0x1400  }
0x41: {  	[sflag:s28] =	ssyncset.done $0x0  }
0x42: {  	[sflag:s28] =	ssyncadd.s32 $0xFFFFEC00  }
0x43: {  	_ =	swait.ge [sflag:s28], $0x1400  }
0x44: {  	[sflag:s28] =	ssyncset.done $0x0  }
0x45: {  	[sflag:s28] =	ssyncadd.s32 $0xFFFFEC00  }
0x46: {  	_ =	swait.ge [sflag:s28], $0x1400  }
0x47: {  	[sflag:s28] =	ssyncset.done $0x0  }
0x48: {  	[sflag:s28] =	ssyncadd.s32 $0xFFFFEC00  }
0x49: {  	_ =	swait.ge [sflag:s28], $0x1400  }
0x4a: {  	[sflag:s28] =	ssyncset.done $0x0  }
0x4b: {  	[sflag:s28] =	ssyncadd.s32 $0xFFFFEC00  }
0x4c: {  	_ =	swait.ge [sflag:s28], $0x1400  }
0x4d: {  	[sflag:s28] =	ssyncset.done $0x0  }
0x4e: {  	[sflag:s28] =	ssyncadd.s32 $0xFFFFEC00  }
0x4f: {  	_ =	swait.ge [sflag:s28], $0x1400  }
0x50: {  	[sflag:s28] =	ssyncset.done $0x0  }
0x51: {  	[sflag:s28] =	ssyncadd.s32 $0xFFFFEC00  }
0x52: {  	_ =	swait.ge [sflag:s28], $0x1400  }
0x53: {  	[sflag:s28] =	ssyncset.done $0x0  }
0x54: {  	[sflag:s28] =	ssyncadd.s32 $0xFFFFEC00  }
0x55: {  	_ =	swait.ge [sflag:s28], $0x1400  }
0x56: {  	[sflag:s28] =	ssyncset.done $0x0  }
0x57: {  	[sflag:s28] =	ssyncadd.s32 $0xFFFFEC00  }
0x58: {  	[bflag:$0x0] =	sbarrier.arrive $0xFFFF  }
0x59: {  	s3 =	simm.s32 $0x0;
	s6 =	rddreg [dreg:$0x10]  }
0x5a: {  	[tilespmem:s3], [sflag:$0xB] =	stream.linear.gather [hbm4b:s6+s3], $0x2710, $0x38;
	[tilespmem:$0x1EAA0] =	vst v63  }
0x5b: {  	_ =	swait.ge [sflag:s29], $0x2710  }
0x5c: {  	[sflag:s29] =	ssyncset.done $0x0  }
0x5d: {  	s6 =	simm.s32 $0x2710;
	s24 =	rddreg [dreg:$0x11];
	[sflag:s29] =	ssyncadd.s32 $0xFFFFD8F0  }
0x5e: {  	[tilespmem:s6], [sflag:$0xB] =	stream.linear.gather [hbm4b:s24+s3], $0x2710, $0x38;
	[tilespmem:$0x1EAA0] =	vst v63  }
0x5f: {  	_ =	swait.ge [sflag:s29], $0x2710  }
0x60: {  	[sflag:s29] =	ssyncset.done $0x0  }
0x61: {  	[sflag:s29] =	ssyncadd.s32 $0xFFFFD8F0  }
0x62: {  	[tilespmem:s26], [sflag:$0x1] =	stream.indirect.gather [spmem:s1], $0x40, s3, s31, $0xb8;
	[tilespmem:$0x1EAA0] =	vst v63  }
0x63: {  	_ = 	snop  }
0x64: {  	[tilespmem:s0], [sflag:$0x2] =	stream.indirect.gather [spmem:s1], $0x40, s31, s31, $0xb8;
	[tilespmem:$0x1EAA0] =	vst v63  }
0x65: {  	s24 =	simm.s32 $0xA0  }
0x66: {  	[tilespmem:s25], [sflag:$0x3] =	stream.indirect.gather [spmem:s1], $0x40, s24, s31, $0xb8;
	[tilespmem:$0x1EAA0] =	vst v63  }
0x67: {  	s24 =	simm.s32 $0xF0  }
0x68: {  	[tilespmem:s7], [sflag:$0x4] =	stream.indirect.gather [spmem:s1], $0x40, s24, s31, $0xb8;
	[tilespmem:$0x1EAA0] =	vst v63  }
0x69: {  	_ = 	snop  }
0x6a: {  	[tilespmem:s10], [sflag:$0x5] =	stream.indirect.gather [spmem:s1], $0x40, s9, s31, $0xb8;
	[tilespmem:$0x1EAA0] =	vst v63  }
0x6b: {  	_ =	swait.ge [sflag:s22], $0x1400  }
0x6c: {  	[sflag:s22] =	ssyncset.done $0x0  }
0x6d: {  	s24 =	simm.s32 $0x2710;
	[sflag:s22] =	ssyncadd.s32 $0xFFFFEC00  }
0x6e: {  	[spmem:s2] =	stream.indirect.scatter.add.f32 [tilespmem:s26], [sflag:$0x6], $0x40, s24, s31, $0xb8;
	[tilespmem:$0x1EAA0] =	vst v63  }
0x6f: {  	_ =	swait.ge [sflag:s11], $0x1400  }
0x70: {  	[sflag:s11] =	ssyncset.done $0x0  }
0x71: {  	s24 =	simm.s32 $0x2760;
	[sflag:s11] =	ssyncadd.s32 $0xFFFFEC00  }
0x72: {  	[spmem:s2] =	stream.indirect.scatter.add.f32 [tilespmem:s0], [sflag:$0x7], $0x40, s24, s31, $0xb8;
	[tilespmem:$0x1EAA0] =	vst v63  }
0x73: {  	_ =	swait.ge [sflag:s12], $0x1400  }
0x74: {  	[sflag:s12] =	ssyncset.done $0x0  }
0x75: {  	s24 =	simm.s32 $0x27B0;
	[sflag:s12] =	ssyncadd.s32 $0xFFFFEC00  }
0x76: {  	[spmem:s2] =	stream.indirect.scatter.add.f32 [tilespmem:s25], [sflag:$0x8], $0x40, s24, s31, $0xb8;
	[tilespmem:$0x1EAA0] =	vst v63  }
0x77: {  	_ =	swait.ge [sflag:s28], $0x1400  }
0x78: {  	[sflag:s28] =	ssyncset.done $0x0  }
0x79: {  	s24 =	simm.s32 $0x190;
	[sflag:s28] =	ssyncadd.s32 $0xFFFFEC00  }
0x7a: {  	[tilespmem:s26], [sflag:$0x1] =	stream.indirect.gather [spmem:s1], $0x40, s24, s31, $0xb8;
	[tilespmem:$0x1EAA0] =	vst v63  }
0x7b: {  	_ =	swait.ge [sflag:s13], $0x1400  }
0x7c: {  	[sflag:s13] =	ssyncset.done $0x0  }
0x7d: {  	s24 =	simm.s32 $0x2800;
	[sflag:s13] =	ssyncadd.s32 $0xFFFFEC00  }
0x7e: {  	[spmem:s2] =	stream.indirect.scatter.add.f32 [tilespmem:s7], [sflag:$0x9], $0x40, s24, s31, $0xb8;
	[tilespmem:$0x1EAA0] =	vst v63  }
0x7f: {  	_ =	swait.ge [sflag:s14], $0x1400  }
0x80: {  	[sflag:s14] =	ssyncset.done $0x0  }
0x81: {  	s24 =	simm.s32 $0x1E0;
	[sflag:s14] =	ssyncadd.s32 $0xFFFFEC00  }
0x82: {  	[tilespmem:s0], [sflag:$0x2] =	stream.indirect.gather [spmem:s1], $0x40, s24, s31, $0xb8;
	[tilespmem:$0x1EAA0] =	vst v63  }
0x83: {  	_ =	swait.ge [sflag:s15], $0x1400  }
0x84: {  	[sflag:s15] =	ssyncset.done $0x0  }
0x85: {  	s24 =	simm.s32 $0x2850;
	[sflag:s15] =	ssyncadd.s32 $0xFFFFEC00  }
0x86: {  	[spmem:s2] =	stream.indirect.scatter.add.f32 [tilespmem:s10], [sflag:$0xA], $0x40, s24, s31, $0xb8;
	[tilespmem:$0x1EAA0] =	vst v63  }
0x87: {  	_ =	swait.ge [sflag:s23], $0x1400  }
0x88: {  	[sflag:s23] =	ssyncset.done $0x0  }
0x89: {  	s24 =	simm.s32 $0x230;
	[sflag:s23] =	ssyncadd.s32 $0xFFFFEC00  }
0x8a: {  	[tilespmem:s25], [sflag:$0x3] =	stream.indirect.gather [spmem:s1], $0x40, s24, s31, $0xb8;
	[tilespmem:$0x1EAA0] =	vst v63  }
0x8b: {  	_ =	swait.ge [sflag:s5], $0x1400  }
0x8c: {  	[sflag:s5] =	ssyncset.done $0x0  }
0x8d: {  	s24 =	simm.s32 $0x280;
	[sflag:s5] =	ssyncadd.s32 $0xFFFFEC00  }
0x8e: {  	[tilespmem:s7], [sflag:$0x4] =	stream.indirect.gather [spmem:s1], $0x40, s24, s31, $0xb8;
	[tilespmem:$0x1EAA0] =	vst v63  }
0x8f: {  	_ =	swait.ge [sflag:s16], $0x1400  }
0x90: {  	[sflag:s16] =	ssyncset.done $0x0  }
0x91: {  	s30 =	simm.s32 $0x640;
	s24 =	simm.s32 $0x2D0;
	[sflag:s16] =	ssyncadd.s32 $0xFFFFEC00  }
.LBB2_4:
0x92: {  	[tilespmem:s10], [sflag:$0x5] =	stream.indirect.gather [spmem:s1], $0x40, s24, s31, $0xb8;
	[tilespmem:$0x1EAA0] =	vst v63  }
0x93: {  	s3 =	smov.u32 s30  }
0x94: {  	p0 =	sne.s32 s30, $0x8FC0;
	s30 =	sadd.s32 $0x640, s30;
	_ =	swait.ge [sflag:s22], $0x1400  }
0x95: {  	s24 =	sshra.s32 s3, $0x2;
	[sflag:s22] =	ssyncset.done $0x0  }
0x96: {  	s3 =	sadd.s32 $0x2710, s24;
	[sflag:s22] =	ssyncadd.s32 $0xFFFFEC00  }
0x97: {  	[spmem:s2] =	stream.indirect.scatter.add.f32 [tilespmem:s26], [sflag:$0x6], $0x40, s3, s31, $0xb8;
	[tilespmem:$0x1EAA0] =	vst v63  }
0x98: {  	_ =	swait.ge [sflag:s11], $0x1400  }
0x99: {  	[sflag:s11] =	ssyncset.done $0x0  }
0x9a: {  	s3 =	sadd.s32 $0x2760, s24;
	[sflag:s11] =	ssyncadd.s32 $0xFFFFEC00  }
0x9b: {  	[spmem:s2] =	stream.indirect.scatter.add.f32 [tilespmem:s0], [sflag:$0x7], $0x40, s3, s31, $0xb8;
	[tilespmem:$0x1EAA0] =	vst v63  }
0x9c: {  	_ =	swait.ge [sflag:s12], $0x1400  }
0x9d: {  	[sflag:s12] =	ssyncset.done $0x0  }
0x9e: {  	s3 =	sadd.s32 $0x27B0, s24;
	[sflag:s12] =	ssyncadd.s32 $0xFFFFEC00  }
0x9f: {  	[spmem:s2] =	stream.indirect.scatter.add.f32 [tilespmem:s25], [sflag:$0x8], $0x40, s3, s31, $0xb8;
	[tilespmem:$0x1EAA0] =	vst v63  }
0xa0: {  	_ =	swait.ge [sflag:s28], $0x1400  }
0xa1: {  	[sflag:s28] =	ssyncset.done $0x0  }
0xa2: {  	s3 =	sadd.s32 $0x190, s24;
	[sflag:s28] =	ssyncadd.s32 $0xFFFFEC00  }
0xa3: {  	[tilespmem:s26], [sflag:$0x1] =	stream.indirect.gather [spmem:s1], $0x40, s3, s31, $0xb8;
	[tilespmem:$0x1EAA0] =	vst v63  }
0xa4: {  	_ =	swait.ge [sflag:s13], $0x1400  }
0xa5: {  	[sflag:s13] =	ssyncset.done $0x0  }
0xa6: {  	s3 =	sadd.s32 $0x2800, s24;
	[sflag:s13] =	ssyncadd.s32 $0xFFFFEC00  }
0xa7: {  	[spmem:s2] =	stream.indirect.scatter.add.f32 [tilespmem:s7], [sflag:$0x9], $0x40, s3, s31, $0xb8;
	[tilespmem:$0x1EAA0] =	vst v63  }
0xa8: {  	_ =	swait.ge [sflag:s14], $0x1400  }
0xa9: {  	[sflag:s14] =	ssyncset.done $0x0  }
0xaa: {  	s3 =	sadd.s32 $0x1E0, s24;
	[sflag:s14] =	ssyncadd.s32 $0xFFFFEC00  }
0xab: {  	[tilespmem:s0], [sflag:$0x2] =	stream.indirect.gather [spmem:s1], $0x40, s3, s31, $0xb8;
	[tilespmem:$0x1EAA0] =	vst v63  }
0xac: {  	_ =	swait.ge [sflag:s15], $0x1400  }
0xad: {  	[sflag:s15] =	ssyncset.done $0x0  }
0xae: {  	s3 =	sadd.s32 $0x2850, s24;
	[sflag:s15] =	ssyncadd.s32 $0xFFFFEC00  }
0xaf: {  	[spmem:s2] =	stream.indirect.scatter.add.f32 [tilespmem:s10], [sflag:$0xA], $0x40, s3, s31, $0xb8;
	[tilespmem:$0x1EAA0] =	vst v63  }
0xb0: {  	_ =	swait.ge [sflag:s23], $0x1400  }
0xb1: {  	[sflag:s23] =	ssyncset.done $0x0  }
0xb2: {  	s3 =	sadd.s32 $0x230, s24;
	[sflag:s23] =	ssyncadd.s32 $0xFFFFEC00  }
0xb3: {  	[tilespmem:s25], [sflag:$0x3] =	stream.indirect.gather [spmem:s1], $0x40, s3, s31, $0xb8;
	[tilespmem:$0x1EAA0] =	vst v63  }
0xb4: {  	_ =	swait.ge [sflag:s5], $0x1400  }
0xb5: {  	[sflag:s5] =	ssyncset.done $0x0  }
.Ltmp1:
0xb6: {  	s3 =	sadd.s32 $0x280, s24;
	[sflag:s5] =	ssyncadd.s32 $0xFFFFEC00;
	(pc) =	sbr.rel @p0 .LBB2_4-.Ltmp1, $4  }
0xb7: {  	[tilespmem:s7], [sflag:$0x4] =	stream.indirect.gather [spmem:s1], $0x40, s3, s31, $0xb8;
	[tilespmem:$0x1EAA0] =	vst v63  }
0xb8: {  	_ =	swait.ge [sflag:s16], $0x1400  }
0xb9: {  	[sflag:s16] =	ssyncset.done $0x0  }
0xba: {  	s24 =	sadd.s32 $0x2D0, s24;
	[sflag:s16] =	ssyncadd.s32 $0xFFFFEC00  }
0xbb: {  	[tilespmem:s10], [sflag:$0x5] =	stream.indirect.gather [spmem:s1], $0x40, s24, s31, $0xb8;
	[tilespmem:$0x1EAA0] =	vst v63  }
0xbc: {  	_ =	swait.ge [sflag:s22], $0x1400  }
0xbd: {  	[sflag:s22] =	ssyncset.done $0x0  }
0xbe: {  	[sflag:s22] =	ssyncadd.s32 $0xFFFFEC00  }
0xbf: {  	[spmem:s2] =	stream.indirect.scatter.add.f32 [tilespmem:s26], [sflag:$0x6], $0x40, s17, s31, $0xb8;
	[tilespmem:$0x1EAA0] =	vst v63  }
0xc0: {  	_ =	swait.ge [sflag:s11], $0x1400  }
0xc1: {  	[sflag:s11] =	ssyncset.done $0x0  }
0xc2: {  	[sflag:s11] =	ssyncadd.s32 $0xFFFFEC00  }
0xc3: {  	[spmem:s2] =	stream.indirect.scatter.add.f32 [tilespmem:s0], [sflag:$0x7], $0x40, s18, s31, $0xb8;
	[tilespmem:$0x1EAA0] =	vst v63  }
0xc4: {  	_ =	swait.ge [sflag:s12], $0x1400  }
0xc5: {  	[sflag:s12] =	ssyncset.done $0x0  }
0xc6: {  	[sflag:s12] =	ssyncadd.s32 $0xFFFFEC00  }
0xc7: {  	[spmem:s2] =	stream.indirect.scatter.add.f32 [tilespmem:s25], [sflag:$0x8], $0x40, s19, s31, $0xb8;
	[tilespmem:$0x1EAA0] =	vst v63  }
0xc8: {  	_ =	swait.ge [sflag:s28], $0x1400  }
0xc9: {  	[sflag:s28] =	ssyncset.done $0x0  }
0xca: {  	[sflag:s28] =	ssyncadd.s32 $0xFFFFEC00  }
0xcb: {  	_ =	swait.ge [sflag:s13], $0x1400  }
0xcc: {  	[sflag:s13] =	ssyncset.done $0x0  }
0xcd: {  	[sflag:s13] =	ssyncadd.s32 $0xFFFFEC00  }
0xce: {  	[spmem:s2] =	stream.indirect.scatter.add.f32 [tilespmem:s7], [sflag:$0x9], $0x40, s20, s31, $0xb8;
	[tilespmem:$0x1EAA0] =	vst v63  }
0xcf: {  	_ =	swait.ge [sflag:s14], $0x1400  }
0xd0: {  	[sflag:s14] =	ssyncset.done $0x0  }
0xd1: {  	[sflag:s14] =	ssyncadd.s32 $0xFFFFEC00  }
0xd2: {  	_ =	swait.ge [sflag:s15], $0x1400  }
0xd3: {  	[sflag:s15] =	ssyncset.done $0x0  }
0xd4: {  	[sflag:s15] =	ssyncadd.s32 $0xFFFFEC00  }
0xd5: {  	[spmem:s2] =	stream.indirect.scatter.add.f32 [tilespmem:s10], [sflag:$0xA], $0x40, s21, s31, $0xb8;
	[tilespmem:$0x1EAA0] =	vst v63  }
0xd6: {  	_ =	swait.ge [sflag:s23], $0x1400  }
0xd7: {  	[sflag:s23] =	ssyncset.done $0x0  }
0xd8: {  	[sflag:s23] =	ssyncadd.s32 $0xFFFFEC00  }
0xd9: {  	_ =	swait.ge [sflag:s5], $0x1400  }
0xda: {  	[sflag:s5] =	ssyncset.done $0x0  }
0xdb: {  	[sflag:s5] =	ssyncadd.s32 $0xFFFFEC00  }
0xdc: {  	_ =	swait.ge [sflag:s16], $0x1400  }
0xdd: {  	[sflag:s16] =	ssyncset.done $0x0  }
0xde: {  	s3 =	simm.s32 $0x0;
	s24 =	rddreg [dreg:$0x12];
	[sflag:s16] =	ssyncadd.s32 $0xFFFFEC00  }
0xdf: {  	[tilespmem:s3], [sflag:$0xB] =	stream.linear.gather [hbm4b:s24+s3], $0x2710, $0x38;
	[tilespmem:$0x1EAA0] =	vst v63  }
0xe0: {  	_ =	swait.ge [sflag:s29], $0x2710  }
0xe1: {  	[sflag:s29] =	ssyncset.done $0x0  }
0xe2: {  	s24 =	rddreg [dreg:$0x13];
	[sflag:s29] =	ssyncadd.s32 $0xFFFFD8F0  }
0xe3: {  	[tilespmem:s6], [sflag:$0xB] =	stream.linear.gather [hbm4b:s24+s3], $0x2710, $0x38;
	[tilespmem:$0x1EAA0] =	vst v63  }
0xe4: {  	_ =	swait.ge [sflag:s29], $0x2710  }
0xe5: {  	[sflag:s29] =	ssyncset.done $0x0  }
0xe6: {  	[sflag:s29] =	ssyncadd.s32 $0xFFFFD8F0  }
0xe7: {  	[tilespmem:s26], [sflag:$0x1] =	stream.indirect.gather [spmem:s1], $0x40, s3, s31, $0xb8;
	[tilespmem:$0x1EAA0] =	vst v63  }
0xe8: {  	_ = 	snop  }
0xe9: {  	[tilespmem:s0], [sflag:$0x2] =	stream.indirect.gather [spmem:s1], $0x40, s31, s31, $0xb8;
	[tilespmem:$0x1EAA0] =	vst v63  }
0xea: {  	s24 =	simm.s32 $0xA0  }
0xeb: {  	[tilespmem:s25], [sflag:$0x3] =	stream.indirect.gather [spmem:s1], $0x40, s24, s31, $0xb8;
	[tilespmem:$0x1EAA0] =	vst v63  }
0xec: {  	s6 =	simm.s32 $0xF0  }
0xed: {  	[tilespmem:s7], [sflag:$0x4] =	stream.indirect.gather [spmem:s1], $0x40, s6, s31, $0xb8;
	[tilespmem:$0x1EAA0] =	vst v63  }
0xee: {  	_ = 	snop  }
0xef: {  	[tilespmem:s10], [sflag:$0x5] =	stream.indirect.gather [spmem:s1], $0x40, s9, s31, $0xb8;
	[tilespmem:$0x1EAA0] =	vst v63  }
0xf0: {  	_ =	swait.ge [sflag:s22], $0x1400  }
0xf1: {  	[sflag:s22] =	ssyncset.done $0x0  }
0xf2: {  	s24 =	simm.s32 $0x2710;
	[sflag:s22] =	ssyncadd.s32 $0xFFFFEC00  }
0xf3: {  	[spmem:s2] =	stream.indirect.scatter.add.f32 [tilespmem:s26], [sflag:$0x6], $0x40, s24, s31, $0xb8;
	[tilespmem:$0x1EAA0] =	vst v63  }
0xf4: {  	_ =	swait.ge [sflag:s11], $0x1400  }
0xf5: {  	[sflag:s11] =	ssyncset.done $0x0  }
0xf6: {  	s6 =	simm.s32 $0x2760;
	[sflag:s11] =	ssyncadd.s32 $0xFFFFEC00  }
0xf7: {  	[spmem:s2] =	stream.indirect.scatter.add.f32 [tilespmem:s0], [sflag:$0x7], $0x40, s6, s31, $0xb8;
	[tilespmem:$0x1EAA0] =	vst v63  }
0xf8: {  	_ =	swait.ge [sflag:s12], $0x1400  }
0xf9: {  	[sflag:s12] =	ssyncset.done $0x0  }
0xfa: {  	s24 =	simm.s32 $0x27B0;
	[sflag:s12] =	ssyncadd.s32 $0xFFFFEC00  }
0xfb: {  	[spmem:s2] =	stream.indirect.scatter.add.f32 [tilespmem:s25], [sflag:$0x8], $0x40, s24, s31, $0xb8;
	[tilespmem:$0x1EAA0] =	vst v63  }
0xfc: {  	_ =	swait.ge [sflag:s28], $0x1400  }
0xfd: {  	[sflag:s28] =	ssyncset.done $0x0  }
0xfe: {  	s6 =	simm.s32 $0x190;
	[sflag:s28] =	ssyncadd.s32 $0xFFFFEC00  }
0xff: {  	[tilespmem:s26], [sflag:$0x1] =	stream.indirect.gather [spmem:s1], $0x40, s6, s31, $0xb8;
	[tilespmem:$0x1EAA0] =	vst v63  }
0x100: {  	_ =	swait.ge [sflag:s13], $0x1400  }
0x101: {  	[sflag:s13] =	ssyncset.done $0x0  }
0x102: {  	s24 =	simm.s32 $0x2800;
	[sflag:s13] =	ssyncadd.s32 $0xFFFFEC00  }
0x103: {  	[spmem:s2] =	stream.indirect.scatter.add.f32 [tilespmem:s7], [sflag:$0x9], $0x40, s24, s31, $0xb8;
	[tilespmem:$0x1EAA0] =	vst v63  }
0x104: {  	_ =	swait.ge [sflag:s14], $0x1400  }
0x105: {  	[sflag:s14] =	ssyncset.done $0x0  }
0x106: {  	s6 =	simm.s32 $0x1E0;
	[sflag:s14] =	ssyncadd.s32 $0xFFFFEC00  }
0x107: {  	[tilespmem:s0], [sflag:$0x2] =	stream.indirect.gather [spmem:s1], $0x40, s6, s31, $0xb8;
	[tilespmem:$0x1EAA0] =	vst v63  }
0x108: {  	_ =	swait.ge [sflag:s15], $0x1400  }
0x109: {  	[sflag:s15] =	ssyncset.done $0x0  }
0x10a: {  	s24 =	simm.s32 $0x2850;
	[sflag:s15] =	ssyncadd.s32 $0xFFFFEC00  }
0x10b: {  	[spmem:s2] =	stream.indirect.scatter.add.f32 [tilespmem:s10], [sflag:$0xA], $0x40, s24, s31, $0xb8;
	[tilespmem:$0x1EAA0] =	vst v63  }
0x10c: {  	_ =	swait.ge [sflag:s23], $0x1400  }
0x10d: {  	[sflag:s23] =	ssyncset.done $0x0  }
0x10e: {  	s6 =	simm.s32 $0x230;
	[sflag:s23] =	ssyncadd.s32 $0xFFFFEC00  }
0x10f: {  	[tilespmem:s25], [sflag:$0x3] =	stream.indirect.gather [spmem:s1], $0x40, s6, s31, $0xb8;
	[tilespmem:$0x1EAA0] =	vst v63  }
0x110: {  	_ =	swait.ge [sflag:s5], $0x1400  }
0x111: {  	[sflag:s5] =	ssyncset.done $0x0  }
0x112: {  	s24 =	simm.s32 $0x280;
	[sflag:s5] =	ssyncadd.s32 $0xFFFFEC00  }
0x113: {  	[tilespmem:s7], [sflag:$0x4] =	stream.indirect.gather [spmem:s1], $0x40, s24, s31, $0xb8;
	[tilespmem:$0x1EAA0] =	vst v63  }
0x114: {  	_ =	swait.ge [sflag:s16], $0x1400  }
0x115: {  	[sflag:s16] =	ssyncset.done $0x0  }
0x116: {  	s30 =	simm.s32 $0x640;
	s24 =	simm.s32 $0x2D0;
	[sflag:s16] =	ssyncadd.s32 $0xFFFFEC00  }
.LBB2_6:
0x117: {  	[tilespmem:s10], [sflag:$0x5] =	stream.indirect.gather [spmem:s1], $0x40, s24, s31, $0xb8;
	[tilespmem:$0x1EAA0] =	vst v63  }
0x118: {  	s3 =	smov.u32 s30  }
0x119: {  	p0 =	sne.s32 s30, $0x8FC0;
	s30 =	sadd.s32 $0x640, s30;
	_ =	swait.ge [sflag:s22], $0x1400  }
0x11a: {  	s24 =	sshra.s32 s3, $0x2;
	[sflag:s22] =	ssyncset.done $0x0  }
0x11b: {  	s3 =	sadd.s32 $0x2710, s24;
	[sflag:s22] =	ssyncadd.s32 $0xFFFFEC00  }
0x11c: {  	[spmem:s2] =	stream.indirect.scatter.add.f32 [tilespmem:s26], [sflag:$0x6], $0x40, s3, s31, $0xb8;
	[tilespmem:$0x1EAA0] =	vst v63  }
0x11d: {  	_ =	swait.ge [sflag:s11], $0x1400  }
0x11e: {  	[sflag:s11] =	ssyncset.done $0x0  }
0x11f: {  	s3 =	sadd.s32 $0x2760, s24;
	[sflag:s11] =	ssyncadd.s32 $0xFFFFEC00  }
0x120: {  	[spmem:s2] =	stream.indirect.scatter.add.f32 [tilespmem:s0], [sflag:$0x7], $0x40, s3, s31, $0xb8;
	[tilespmem:$0x1EAA0] =	vst v63  }
0x121: {  	_ =	swait.ge [sflag:s12], $0x1400  }
0x122: {  	[sflag:s12] =	ssyncset.done $0x0  }
0x123: {  	s3 =	sadd.s32 $0x27B0, s24;
	[sflag:s12] =	ssyncadd.s32 $0xFFFFEC00  }
0x124: {  	[spmem:s2] =	stream.indirect.scatter.add.f32 [tilespmem:s25], [sflag:$0x8], $0x40, s3, s31, $0xb8;
	[tilespmem:$0x1EAA0] =	vst v63  }
0x125: {  	_ =	swait.ge [sflag:s28], $0x1400  }
0x126: {  	[sflag:s28] =	ssyncset.done $0x0  }
0x127: {  	s3 =	sadd.s32 $0x190, s24;
	[sflag:s28] =	ssyncadd.s32 $0xFFFFEC00  }
0x128: {  	[tilespmem:s26], [sflag:$0x1] =	stream.indirect.gather [spmem:s1], $0x40, s3, s31, $0xb8;
	[tilespmem:$0x1EAA0] =	vst v63  }
0x129: {  	_ =	swait.ge [sflag:s13], $0x1400  }
0x12a: {  	[sflag:s13] =	ssyncset.done $0x0  }
0x12b: {  	s3 =	sadd.s32 $0x2800, s24;
	[sflag:s13] =	ssyncadd.s32 $0xFFFFEC00  }
0x12c: {  	[spmem:s2] =	stream.indirect.scatter.add.f32 [tilespmem:s7], [sflag:$0x9], $0x40, s3, s31, $0xb8;
	[tilespmem:$0x1EAA0] =	vst v63  }
0x12d: {  	_ =	swait.ge [sflag:s14], $0x1400  }
0x12e: {  	[sflag:s14] =	ssyncset.done $0x0  }
0x12f: {  	s3 =	sadd.s32 $0x1E0, s24;
	[sflag:s14] =	ssyncadd.s32 $0xFFFFEC00  }
0x130: {  	[tilespmem:s0], [sflag:$0x2] =	stream.indirect.gather [spmem:s1], $0x40, s3, s31, $0xb8;
	[tilespmem:$0x1EAA0] =	vst v63  }
0x131: {  	_ =	swait.ge [sflag:s15], $0x1400  }
0x132: {  	[sflag:s15] =	ssyncset.done $0x0  }
0x133: {  	s3 =	sadd.s32 $0x2850, s24;
	[sflag:s15] =	ssyncadd.s32 $0xFFFFEC00  }
0x134: {  	[spmem:s2] =	stream.indirect.scatter.add.f32 [tilespmem:s10], [sflag:$0xA], $0x40, s3, s31, $0xb8;
	[tilespmem:$0x1EAA0] =	vst v63  }
0x135: {  	_ =	swait.ge [sflag:s23], $0x1400  }
0x136: {  	[sflag:s23] =	ssyncset.done $0x0  }
0x137: {  	s3 =	sadd.s32 $0x230, s24;
	[sflag:s23] =	ssyncadd.s32 $0xFFFFEC00  }
0x138: {  	[tilespmem:s25], [sflag:$0x3] =	stream.indirect.gather [spmem:s1], $0x40, s3, s31, $0xb8;
	[tilespmem:$0x1EAA0] =	vst v63  }
0x139: {  	_ =	swait.ge [sflag:s5], $0x1400  }
0x13a: {  	[sflag:s5] =	ssyncset.done $0x0  }
.Ltmp2:
0x13b: {  	s3 =	sadd.s32 $0x280, s24;
	[sflag:s5] =	ssyncadd.s32 $0xFFFFEC00;
	(pc) =	sbr.rel @p0 .LBB2_6-.Ltmp2, $4  }
0x13c: {  	[tilespmem:s7], [sflag:$0x4] =	stream.indirect.gather [spmem:s1], $0x40, s3, s31, $0xb8;
	[tilespmem:$0x1EAA0] =	vst v63  }
0x13d: {  	_ =	swait.ge [sflag:s16], $0x1400  }
0x13e: {  	[sflag:s16] =	ssyncset.done $0x0  }
0x13f: {  	s24 =	sadd.s32 $0x2D0, s24;
	[sflag:s16] =	ssyncadd.s32 $0xFFFFEC00  }
0x140: {  	[tilespmem:s10], [sflag:$0x5] =	stream.indirect.gather [spmem:s1], $0x40, s24, s31, $0xb8;
	[tilespmem:$0x1EAA0] =	vst v63  }
0x141: {  	_ =	swait.ge [sflag:s22], $0x1400  }
0x142: {  	[sflag:s22] =	ssyncset.done $0x0  }
0x143: {  	[sflag:s22] =	ssyncadd.s32 $0xFFFFEC00  }
0x144: {  	[spmem:s2] =	stream.indirect.scatter.add.f32 [tilespmem:s26], [sflag:$0x6], $0x40, s17, s31, $0xb8;
	[tilespmem:$0x1EAA0] =	vst v63  }
0x145: {  	_ =	swait.ge [sflag:s11], $0x1400  }
0x146: {  	[sflag:s11] =	ssyncset.done $0x0  }
0x147: {  	[sflag:s11] =	ssyncadd.s32 $0xFFFFEC00  }
0x148: {  	[spmem:s2] =	stream.indirect.scatter.add.f32 [tilespmem:s0], [sflag:$0x7], $0x40, s18, s31, $0xb8;
	[tilespmem:$0x1EAA0] =	vst v63  }
0x149: {  	_ =	swait.ge [sflag:s12], $0x1400  }
0x14a: {  	[sflag:s12] =	ssyncset.done $0x0  }
0x14b: {  	[sflag:s12] =	ssyncadd.s32 $0xFFFFEC00  }
0x14c: {  	[spmem:s2] =	stream.indirect.scatter.add.f32 [tilespmem:s25], [sflag:$0x8], $0x40, s19, s31, $0xb8;
	[tilespmem:$0x1EAA0] =	vst v63  }
0x14d: {  	_ =	swait.ge [sflag:s28], $0x1400  }
0x14e: {  	[sflag:s28] =	ssyncset.done $0x0  }
0x14f: {  	[sflag:s28] =	ssyncadd.s32 $0xFFFFEC00  }
0x150: {  	_ =	swait.ge [sflag:s13], $0x1400  }
0x151: {  	[sflag:s13] =	ssyncset.done $0x0  }
0x152: {  	[sflag:s13] =	ssyncadd.s32 $0xFFFFEC00  }
0x153: {  	[spmem:s2] =	stream.indirect.scatter.add.f32 [tilespmem:s7], [sflag:$0x9], $0x40, s20, s31, $0xb8;
	[tilespmem:$0x1EAA0] =	vst v63  }
0x154: {  	_ =	swait.ge [sflag:s14], $0x1400  }
0x155: {  	[sflag:s14] =	ssyncset.done $0x0  }
0x156: {  	[sflag:s14] =	ssyncadd.s32 $0xFFFFEC00  }
0x157: {  	_ =	swait.ge [sflag:s15], $0x1400  }
0x158: {  	[sflag:s15] =	ssyncset.done $0x0  }
0x159: {  	[sflag:s15] =	ssyncadd.s32 $0xFFFFEC00  }
0x15a: {  	[spmem:s2] =	stream.indirect.scatter.add.f32 [tilespmem:s10], [sflag:$0xA], $0x40, s21, s31, $0xb8;
	[tilespmem:$0x1EAA0] =	vst v63  }
0x15b: {  	_ =	swait.ge [sflag:s23], $0x1400  }
0x15c: {  	[sflag:s23] =	ssyncset.done $0x0  }
0x15d: {  	[sflag:s23] =	ssyncadd.s32 $0xFFFFEC00  }
0x15e: {  	_ =	swait.ge [sflag:s5], $0x1400  }
0x15f: {  	[sflag:s5] =	ssyncset.done $0x0  }
0x160: {  	[sflag:s5] =	ssyncadd.s32 $0xFFFFEC00  }
0x161: {  	_ =	swait.ge [sflag:s16], $0x1400  }
0x162: {  	[sflag:s16] =	ssyncset.done $0x0  }
0x163: {  	[sflag:s16] =	ssyncadd.s32 $0xFFFFEC00  }
0x164: {  	[bflag:$0x0] =	sbarrier.arrive $0xFFFF  }
0x165: {  	s3 =	rddreg [dreg:$0x6]  }
0x166: {  	s6 =	sshrl.u32 s8, $0x3;
	s30 =	rddreg [dreg:$0x16];
	s3 =	sor.u32 $0x1C0B, s3  }
0x167: {  	[hbm:s30], [sflag:s3] =	dma.local [spmem:s6], $0x1400  }
0x168: {  	_ =	swait.ge [sflag:s29], $0x1400  }
0x169: {  	s4 =	sadd.s32 $0x1, s4;
	s30 =	rddreg [dreg:$0x14]  }
0x16a: {  	p0 =	sne.s32 s4, s30  }
.Ltmp3:
0x16b: {  	_ = 	snop;
	(pc) =	sbr.rel @p0 .LBB2_1-.Ltmp3, $3  }
0x16c: {  	_ =	sdelay $0x1  }
0x16d: {  	[sflag:s29] =	ssyncset.done $0x0  }
0x16e: {  	[sflag:s29] =	ssyncadd.s32 $0xFFFFEC00  }
0x16f: {  	_ =	sfence.sel $0x180000  }
0x170: {  	[bflag:$0x0] =	sbarrier.arrive $0xFFFF  }
0x171: {  	_ =	strace $0x90000047  }
0x172: {  	s0 =	stileid.u32;
	[bflag:$0x2] =	sbarrier.arrive $0xFFFF  }
0x173: {  	p0 =	sne.s32 s0, $0x0;
	s0 =	rddreg [dreg:$0x5]  }
0x174: {  	s0 =	sadd.s32 @!p0 $0x100000, s0  }
0x175: {  	[sflag:s0] =	ssyncadd.tile.s32 @!p0 $0x1;
	_ =	shalt  }
.Lfunc_end2:
_tile_overlayer_lowered:
.L_overlay_start_2:
0x176: {  	(tag) =	ssettag $0x2  }
0x177: {  	s0 =	rddreg [dreg:$0x0];
	s2 =	stileid.u32  }
0x178: {  	s1 =	rddreg [dreg:$0x1];
	p0 =	sne.s32 s2, $0x0  }
0x179: {  	s3 =	rddreg [dreg:$0x2];
	[bflag:$0x3] =	sbarrier.arrive $0xFFFF;
	s2 =	simm.s32 @!p0 $0x1C0B  }
0x17a: {  	[timem:s3], [sflag:s2] =	dma.local @!p0 [hbm:s0], s1  }
0x17b: {  	s0 =	simm.s32 @!p0 $0xB  }
0x17c: {  	_ =	swait.ge @!p0 [sflag:s0], s1  }
0x17d: {  	s1 =	ssub.s32 @!p0 $0x0, s1;
	[sflag:s0] =	ssyncset.done @!p0 $0x0  }
0x17e: {  	[sflag:s0] =	ssyncadd.s32 @!p0 s1  }
0x17f: {  	[bflag:$0x3] =	sbarrier.arrive $0xFFFF  }
0x180: {  	_ =	shalt  }

</sc_bundles>
